<compile_context>
chip_gen: v7x
topology: tpu7x:2x2x1
jax: 0.10.2.dev20260603
libtpu: 0.0.44.dev20260713+nightly
codegen_flags: <defaults>
</compile_context>

<pallas_src>
import functools

import jax
import jax.numpy as jnp
from jax import lax
from jax.experimental import pallas as pl
from jax.experimental.pallas import tpu as pltpu
from jax.experimental.pallas import tpu_sc as plsc

_POOL = 7
_PP = _POOL * _POOL
_NBOX = 1000
_NPAD = 1024
_C = 256
_LANES = 16
_NTILES = 32
_BPT = _NPAD // _NTILES
_WPB = 216
_SIZES = (256, 128, 64, 32)


def _plan(boxes, image_meta):
    y1 = boxes[0, :, 0]
    x1 = boxes[0, :, 1]
    y2 = boxes[0, :, 2]
    x2 = boxes[0, :, 3]
    h = y2 - y1
    w = x2 - x1
    image_shape = image_meta[0, 4:7]
    image_area = (image_shape[0] * image_shape[1]).astype(jnp.float32)
    roi_level = jnp.log(jnp.sqrt(h * w) / (224.0 / jnp.sqrt(image_area))) / jnp.log(2.0)
    lvl = jnp.minimum(5, jnp.maximum(2, 4 + jnp.round(roi_level).astype(jnp.int32)))

    frac = jnp.arange(_POOL, dtype=jnp.float32)[None, :] / (_POOL - 1)

    def axis_plan(lo, span, H):
        s = lo[:, None] * (H - 1) + frac * (span[:, None] * (H - 1))
        s = lax.optimization_barrier(s)
        f0 = jnp.floor(s)
        lfrac = s - f0
        i0 = jnp.clip(f0.astype(jnp.int32), 0, H - 1)
        i1 = jnp.clip(i0 + 1, 0, H - 1)
        valid = (s >= 0) & (s <= H - 1)
        return i0, i1, lfrac, valid

    def sel(vals, dtype):
        out = vals[0].astype(dtype)
        for k, v in enumerate(vals[1:], start=1):
            out = jnp.where((lvl == 2 + k)[:, None], v.astype(dtype), out)
        return out

    y0s, y1s, lys, vys, x0s, x1s, lxs, vxs, strides = [], [], [], [], [], [], [], [], []
    for H in _SIZES:
        i0, i1, ly, vy = axis_plan(y1, h, H)
        j0, j1, lx, vx = axis_plan(x1, w, H)
        y0s.append(i0); y1s.append(i1); lys.append(ly); vys.append(vy)
        x0s.append(j0); x1s.append(j1); lxs.append(lx); vxs.append(vx)
        strides.append(jnp.full((_NBOX, 1), H, jnp.int32))

    y0 = sel(y0s, jnp.int32); y1i = sel(y1s, jnp.int32)
    x0 = sel(x0s, jnp.int32); x1i = sel(x1s, jnp.int32)
    ly = sel(lys, jnp.float32); lx = sel(lxs, jnp.float32)
    vy = sel(vys, jnp.bool_); vx = sel(vxs, jnp.bool_)
    stride = sel(strides, jnp.int32)[:, 0]

    st = stride[:, None, None]
    tl = (y0[:, :, None] * st + x0[:, None, :]).reshape(_NBOX, _PP)
    tr = (y0[:, :, None] * st + x1i[:, None, :]).reshape(_NBOX, _PP)
    bl = (y1i[:, :, None] * st + x0[:, None, :]).reshape(_NBOX, _PP)
    br = (y1i[:, :, None] * st + x1i[:, None, :]).reshape(_NBOX, _PP)
    idx = jnp.stack([jnp.concatenate([tl, tr], 1), jnp.concatenate([bl, br], 1)], 1)
    idx = jnp.concatenate([idx, jnp.zeros((_NPAD - _NBOX, 2, 2 * _PP), jnp.int32)], 0)

    v = (vy[:, :, None] & vx[:, None, :]).reshape(_NBOX, _PP).astype(jnp.float32)
    ly2 = jnp.broadcast_to(ly[:, :, None], (_NBOX, _POOL, _POOL)).reshape(_NBOX, _PP)
    lx2 = jnp.broadcast_to(lx[:, None, :], (_NBOX, _POOL, _POOL)).reshape(_NBOX, _PP)
    wtl = (1.0 - ly2) * (1.0 - lx2) * v
    wtr = (1.0 - ly2) * lx2 * v
    wbl = ly2 * (1.0 - lx2) * v
    wbr = ly2 * lx2 * v
    wts = jnp.concatenate(
        [wtl, wtr, wbl, wbr, jnp.zeros((_NBOX, _WPB - 4 * _PP), jnp.float32)], 1)
    wts = jnp.concatenate([wts, jnp.zeros((_NPAD - _NBOX, _WPB), jnp.float32)], 0)

    lvls = jnp.concatenate([lvl, jnp.full((_NPAD - _NBOX + 16,), 2, jnp.int32)])
    return (idx.reshape(_NTILES, _BPT, 2, 2 * _PP),
            wts.reshape(_NTILES, _BPT, _WPB), lvls)


def _sc_gather_combine(t2, t3, t4, t5, idx, wts, lvls):
    mesh = plsc.VectorSubcoreMesh(core_axis_name="c", subcore_axis_name="s")

    @functools.partial(
        pl.kernel,
        out_type=jax.ShapeDtypeStruct((_NBOX * _PP, _C), jnp.float32),
        mesh=mesh,
        compiler_params=pltpu.CompilerParams(use_tc_tiling_on_sc=False),
        scratch_types=[
            pltpu.VMEM((_BPT, 2, 2 * _PP), jnp.int32),
            pltpu.VMEM((_BPT, _WPB), jnp.float32),
            pltpu.VMEM((48,), jnp.int32),
            pltpu.VMEM((4 * _PP, _C), jnp.float32),
            pltpu.VMEM((4 * _PP, _C), jnp.float32),
            pltpu.VMEM((_PP, _C), jnp.float32),
            pltpu.SemaphoreType.DMA,
            pltpu.SemaphoreType.DMA,
            pltpu.SemaphoreType.DMA,
            pltpu.SemaphoreType.DMA,
            pltpu.SemaphoreType.DMA,
        ],
    )
    def k(t2_hbm, t3_hbm, t4_hbm, t5_hbm, idx_hbm, wts_hbm, lvl_hbm, out_hbm,
          idx_v, w_v, lv_v, rows0, rows1, out_v, sa0, sb0, sa1, sb1, sem_o):
        ci = lax.axis_index("c")
        si = lax.axis_index("s")
        wid = si * 2 + ci
        base = wid * _BPT
        nb = jnp.minimum(_NBOX - base, _BPT)

        pltpu.sync_copy(idx_hbm.at[wid], idx_v)
        pltpu.sync_copy(wts_hbm.at[wid], w_v)
        pltpu.sync_copy(lvl_hbm.at[pl.ds(base, 48)], lv_v)

        rows = (rows0, rows1)
        sems = ((sa0, sb0), (sa1, sb1))
        half_a = pl.ds(0, 2 * _PP)
        half_b = pl.ds(2 * _PP, 2 * _PP)

        def with_table(g, fn):
            lv = lv_v[pl.ds(g, 16)][0]
            lax.cond(
                lv <= 3,
                lambda: lax.cond(lv == 2, lambda: fn(t2_hbm), lambda: fn(t3_hbm)),
                lambda: lax.cond(lv == 4, lambda: fn(t4_hbm), lambda: fn(t5_hbm)),
            )

        def issue(g, slot):
            buf, (sa, sb) = rows[slot], sems[slot]

            def go(tab):
                pltpu.async_copy(tab.at[idx_v.at[g, 0]], buf.at[half_a], sa)
                pltpu.async_copy(tab.at[idx_v.at[g, 1]], buf.at[half_b], sb)

            with_table(g, go)

        def wait_gather(g, slot):
            buf, (sa, sb) = rows[slot], sems[slot]

            def go(tab):
                pltpu.make_async_copy(tab.at[idx_v.at[g, 0]], buf.at[half_a], sa).wait()
                pltpu.make_async_copy(tab.at[idx_v.at[g, 1]], buf.at[half_b], sb).wait()

            with_table(g, go)

        def store_desc(g):
            n = base + g
            return pltpu.make_async_copy(out_v, out_hbm.at[pl.ds(n * _PP, _PP)], sem_o)

        def compute(g, slot):
            buf = rows[slot]

            def pix(p, carry):
                w0 = w_v[g, pl.ds(p, 16)][0]
                w1 = w_v[g, pl.ds(_PP + p, 16)][0]
                w2 = w_v[g, pl.ds(2 * _PP + p, 16)][0]
                w3 = w_v[g, pl.ds(3 * _PP + p, 16)][0]
                for c in range(_C // _LANES):
                    sl = pl.ds(c * _LANES, _LANES)
                    out_v[p, sl] = (
                        w0 * buf[p, sl]
                        + w1 * buf[_PP + p, sl]
                        + w2 * buf[2 * _PP + p, sl]
                        + w3 * buf[3 * _PP + p, sl]
                    )
                return carry

            lax.fori_loop(0, _PP, pix, 0)

        def step(g, slot):
            @pl.when(g + 1 < nb)
            def _():
                issue(g + 1, 1 - slot)

            @pl.when(g < nb)
            def _():
                wait_gather(g, slot)

                @pl.when(g >= 1)
                def _():
                    store_desc(g - 1).wait()

                compute(g, slot)
                store_desc(g).start()

        issue(0, 0)

        def outer(g2, carry):
            step(2 * g2, 0)
            step(2 * g2 + 1, 1)
            return carry

        lax.fori_loop(0, (nb + 1) // 2, outer, 0)
        store_desc(nb - 1).wait()

    return k(t2, t3, t4, t5, idx, wts, lvls)


def kernel(boxes, image_meta, feature_map_p2, feature_map_p3, feature_map_p4, feature_map_p5):
    idx, wts, lvls = _plan(boxes, image_meta)
    out = _sc_gather_combine(
        feature_map_p2.reshape(-1, _C),
        feature_map_p3.reshape(-1, _C),
        feature_map_p4.reshape(-1, _C),
        feature_map_p5.reshape(-1, _C),
        idx, wts, lvls,
    )
    return out.reshape(1, _NBOX, _POOL, _POOL, _C)

# --- scband reference (transcript-rebuilt; emitter-appended) ---
"""Pipeline reference for scband-pyramid-roialign-18013092840122 (READ-ONLY COPY).

The authoritative reference and input builder live on the scoring server;
editing this copy changes nothing except your own understanding.
"""

import jax, jax.numpy as jnp
import numpy as np

POOL_SHAPE = (7, 7)


def crop_and_resize(image, boxes, box_indices, crop_size):
    # Faithful port of tf.image.crop_and_resize (bilinear, extrapolation_value=0)
    H, W = image.shape[1], image.shape[2]
    ch, cw = crop_size
    y1, x1, y2, x2 = boxes[:, 0], boxes[:, 1], boxes[:, 2], boxes[:, 3]
    ys = y1[:, None] * (H - 1) + (jnp.arange(ch, dtype=image.dtype)[None, :] / (ch - 1)) * ((y2 - y1)[:, None] * (H - 1))
    xs = x1[:, None] * (W - 1) + (jnp.arange(cw, dtype=image.dtype)[None, :] / (cw - 1)) * ((x2 - x1)[:, None] * (W - 1))
    y0f = jnp.floor(ys)
    x0f = jnp.floor(xs)
    ly = ys - y0f
    lx = xs - x0f
    y0 = jnp.clip(y0f.astype(jnp.int32), 0, H - 1)
    y1i = jnp.clip(y0 + 1, 0, H - 1)
    x0 = jnp.clip(x0f.astype(jnp.int32), 0, W - 1)
    x1i = jnp.clip(x0 + 1, 0, W - 1)
    b = box_indices[:, None, None]
    tl = image[b, y0[:, :, None], x0[:, None, :], :]
    tr = image[b, y0[:, :, None], x1i[:, None, :], :]
    bl = image[b, y1i[:, :, None], x0[:, None, :], :]
    br = image[b, y1i[:, :, None], x1i[:, None, :], :]
    top = tl + (tr - tl) * lx[:, None, :, None]
    bot = bl + (br - bl) * lx[:, None, :, None]
    out = top + (bot - top) * ly[:, :, None, None]
    valid_y = ((ys >= 0) & (ys <= H - 1))[:, :, None, None]
    valid_x = ((xs >= 0) & (xs <= W - 1))[:, None, :, None]
    return jnp.where(valid_y & valid_x, out, jnp.zeros((), dtype=image.dtype))


def setup_inputs(seed: int = 0) -> dict:
    key = jax.random.key(seed)
    B, N, C = 1, 1000, 256
    ks = jax.random.split(key, 8)
    cy = jax.random.uniform(ks[0], (B, N, 1), minval=0.1, maxval=0.9)
    cx = jax.random.uniform(ks[1], (B, N, 1), minval=0.1, maxval=0.9)
    bh = jax.random.uniform(ks[2], (B, N, 1), minval=0.02, maxval=0.6)
    bw = jax.random.uniform(ks[3], (B, N, 1), minval=0.02, maxval=0.6)
    y1 = jnp.clip(cy - bh / 2.0, 0.0, 1.0)
    x1 = jnp.clip(cx - bw / 2.0, 0.0, 1.0)
    y2 = jnp.clip(cy + bh / 2.0, 0.0, 1.0)
    x2 = jnp.clip(cx + bw / 2.0, 0.0, 1.0)
    boxes = jnp.concatenate([y1, x1, y2, x2], axis=2).astype(jnp.float32)
    meta = np.zeros((B, 93), dtype=np.float32)
    meta[:, 1:4] = [1024.0, 1024.0, 3.0]
    meta[:, 4:7] = [1024.0, 1024.0, 3.0]
    meta[:, 11] = 1.0
    image_meta = jnp.asarray(meta)
    p2 = jax.random.normal(ks[4], (B, 256, 256, C), dtype=jnp.float32)
    p3 = jax.random.normal(ks[5], (B, 128, 128, C), dtype=jnp.float32)
    p4 = jax.random.normal(ks[6], (B, 64, 64, C), dtype=jnp.float32)
    p5 = jax.random.normal(ks[7], (B, 32, 32, C), dtype=jnp.float32)
    return {"boxes": boxes, "image_meta": image_meta, "feature_map_p2": p2, "feature_map_p3": p3, "feature_map_p4": p4, "feature_map_p5": p5}


def _forward(boxes, image_meta, feature_maps):
    B, N = boxes.shape[0], boxes.shape[1]
    y1, x1, y2, x2 = jnp.split(boxes, 4, axis=2)
    h = y2 - y1
    w = x2 - x1
    image_shape = image_meta[0, 4:7]
    image_area = (image_shape[0] * image_shape[1]).astype(jnp.float32)
    roi_level = jnp.log(jnp.sqrt(h * w) / (224.0 / jnp.sqrt(image_area))) / jnp.log(2.0)
    roi_level = jnp.minimum(5, jnp.maximum(2, 4 + jnp.round(roi_level).astype(jnp.int32)))
    roi_level = jnp.squeeze(roi_level, 2)
    flat_boxes = jax.lax.stop_gradient(boxes.reshape(-1, 4))
    box_indices = jnp.repeat(jnp.arange(B, dtype=jnp.int32), N)
    levels = roi_level.reshape(-1)
    ph, pw = POOL_SHAPE
    C = feature_maps[0].shape[-1]
    pooled = jnp.zeros((B * N, ph, pw, C), dtype=feature_maps[0].dtype)
    for i, level in enumerate(range(2, 6)):
        level_pooled = crop_and_resize(feature_maps[i], flat_boxes, box_indices, POOL_SHAPE)
        mask = (levels == level)[:, None, None, None]
        pooled = jnp.where(mask, level_pooled, pooled)
    # box order is preserved by the masked-select formulation, matching the
    # sort-by-(batch, box)-index reordering in the original TF code.
    return pooled.reshape(B, N, ph, pw, C)


def reference(boxes, image_meta, feature_map_p2, feature_map_p3, feature_map_p4, feature_map_p5):
    return _forward(boxes, image_meta, [feature_map_p2, feature_map_p3, feature_map_p4, feature_map_p5])

if __name__ == "__main__":
    import jax
    _d = setup_inputs()
    print(jax.jit(kernel)(*tuple(_d.values())))

</pallas_src>

<mosaic_0001>
#map = affine_map<(d0, d1) -> (0, 0)>
#map1 = affine_map<(d0, d1) -> (0, 0, 0, 0)>
#map2 = affine_map<(d0, d1) -> (0, 0, 0)>
#map3 = affine_map<(d0, d1) -> (0)>
module attributes {stable_mosaic.version = 14 : i64} {
  func.func @k(%arg0: i32, %arg1: i32, %arg2: memref<65536x256xf32, #tpu.memory_space<hbm>>, %arg3: memref<16384x256xf32, #tpu.memory_space<hbm>>, %arg4: memref<4096x256xf32, #tpu.memory_space<hbm>>, %arg5: memref<1024x256xf32, #tpu.memory_space<hbm>>, %arg6: memref<32x32x2x98xi32, #tpu.memory_space<hbm>>, %arg7: memref<32x32x216xf32, #tpu.memory_space<hbm>>, %arg8: memref<1040xi32, #tpu.memory_space<hbm>>, %arg9: memref<49000x256xf32, #tpu.memory_space<hbm>>, %arg10: memref<32x2x98xi32, #tpu.memory_space<vmem>>, %arg11: memref<32x216xf32, #tpu.memory_space<vmem>>, %arg12: memref<48xi32, #tpu.memory_space<vmem>>, %arg13: memref<196x256xf32, #tpu.memory_space<vmem>>, %arg14: memref<196x256xf32, #tpu.memory_space<vmem>>, %arg15: memref<49x256xf32, #tpu.memory_space<vmem>>, %arg16: memref<!tpu.dma_semaphore, #tpu.memory_space<semaphore_mem>>, %arg17: memref<!tpu.dma_semaphore, #tpu.memory_space<semaphore_mem>>, %arg18: memref<!tpu.dma_semaphore, #tpu.memory_space<semaphore_mem>>, %arg19: memref<!tpu.dma_semaphore, #tpu.memory_space<semaphore_mem>>, %arg20: memref<!tpu.dma_semaphore, #tpu.memory_space<semaphore_mem>>) attributes {dimension_semantics = [#tpu.dimension_semantics<core_parallel>, #tpu.dimension_semantics<subcore_parallel>], iteration_bounds = array<i64: 2, 16>, scalar_prefetch = 0 : i64, scratch_operands = 11 : i64, tpu.core_type = #tpu.core_type<sc_vector_subcore>, window_params = [{transform_indices = #map}, {transform_indices = #map}, {transform_indices = #map}, {transform_indices = #map}, {transform_indices = #map1}, {transform_indices = #map2}, {transform_indices = #map3}, {transform_indices = #map}]} {
    %mul3A = arith.constant 2 : i32
    %mul3A_0 = arith.muli %arg1, %mul3A : i32
    %add3A = arith.addi %mul3A_0, %arg0 : i32
    %mul3A_1 = arith.constant 32 : i32
    %mul3A_2 = arith.muli %add3A, %mul3A_1 : i32
    %sub3A = arith.constant 1000 : i32
    %sub3A_3 = arith.subi %sub3A, %mul3A_2 : i32
    %min3A = arith.constant 32 : i32
    %min3A_4 = arith.minsi %sub3A_3, %min3A : i32
    "tpu.region"() ({
      %run_scoped3A = tpu.sem_alloc : memref<!tpu.dma_semaphore, #tpu.memory_space<semaphore_mem>>
      %dma_start3A = arith.constant 0 : i32
      %dma_start3A_45 = arith.constant 0 : i32
      %dma_start3A_46 = arith.constant 0 : i32
      %dma_start3A_47 = tpu.memref_slice %arg6[%add3A, %dma_start3A, %dma_start3A_45, %dma_start3A_46] : memref<32x32x2x98xi32, #tpu.memory_space<hbm>> -> memref<1x32x2x98xi32, #tpu.memory_space<hbm>>
      %dma_start3A_48 = tpu.memref_squeeze %dma_start3A_47 : memref<1x32x2x98xi32, #tpu.memory_space<hbm>> -> memref<32x2x98xi32, #tpu.memory_space<hbm>>
      %dma_start3A_49 = arith.constant 0 : i32
      %dma_start3A_50 = arith.constant 0 : i32
      %dma_start3A_51 = arith.constant 0 : i32
      %dma_start3A_52 = tpu.memref_slice %arg6[%add3A, %dma_start3A_49, %dma_start3A_50, %dma_start3A_51] : memref<32x32x2x98xi32, #tpu.memory_space<hbm>> -> memref<1x32x2x98xi32, #tpu.memory_space<hbm>>
      %dma_start3A_53 = tpu.memref_squeeze %dma_start3A_52 : memref<1x32x2x98xi32, #tpu.memory_space<hbm>> -> memref<32x2x98xi32, #tpu.memory_space<hbm>>
      tpu.enqueue_dma source(%dma_start3A_53 : memref<32x2x98xi32, #tpu.memory_space<hbm>>) target(%arg10 : memref<32x2x98xi32, #tpu.memory_space<vmem>>) target_semaphore(%run_scoped3A : memref<!tpu.dma_semaphore, #tpu.memory_space<semaphore_mem>>)
      %dma_wait3A_54 = arith.constant 0 : i32
      %dma_wait3A_55 = arith.constant 0 : i32
      %dma_wait3A_56 = arith.constant 0 : i32
      %dma_wait3A_57 = tpu.memref_slice %arg6[%add3A, %dma_wait3A_54, %dma_wait3A_55, %dma_wait3A_56] : memref<32x32x2x98xi32, #tpu.memory_space<hbm>> -> memref<1x32x2x98xi32, #tpu.memory_space<hbm>>
      %dma_wait3A_58 = tpu.memref_squeeze %dma_wait3A_57 : memref<1x32x2x98xi32, #tpu.memory_space<hbm>> -> memref<32x2x98xi32, #tpu.memory_space<hbm>>
      %dma_wait3A_59 = arith.constant 0 : i32
      %dma_wait3A_60 = arith.constant 0 : i32
      %dma_wait3A_61 = arith.constant 0 : i32
      %dma_wait3A_62 = tpu.memref_slice %arg6[%add3A, %dma_wait3A_59, %dma_wait3A_60, %dma_wait3A_61] : memref<32x32x2x98xi32, #tpu.memory_space<hbm>> -> memref<1x32x2x98xi32, #tpu.memory_space<hbm>>
      %dma_wait3A_63 = tpu.memref_squeeze %dma_wait3A_62 : memref<1x32x2x98xi32, #tpu.memory_space<hbm>> -> memref<32x2x98xi32, #tpu.memory_space<hbm>>
      tpu.wait_dma2 semaphore(%run_scoped3A : memref<!tpu.dma_semaphore, #tpu.memory_space<semaphore_mem>>) src(%dma_wait3A_63 : memref<32x2x98xi32, #tpu.memory_space<hbm>>) dst(%arg10 : memref<32x2x98xi32, #tpu.memory_space<vmem>>)
      tpu.yield
    }) : () -> ()
    "tpu.region"() ({
      %run_scoped3A = tpu.sem_alloc : memref<!tpu.dma_semaphore, #tpu.memory_space<semaphore_mem>>
      %dma_start3A = arith.constant 0 : i32
      %dma_start3A_45 = arith.constant 0 : i32
      %dma_start3A_46 = tpu.memref_slice %arg7[%add3A, %dma_start3A, %dma_start3A_45] : memref<32x32x216xf32, #tpu.memory_space<hbm>> -> memref<1x32x216xf32, #tpu.memory_space<hbm>>
      %dma_start3A_47 = tpu.memref_squeeze %dma_start3A_46 : memref<1x32x216xf32, #tpu.memory_space<hbm>> -> memref<32x216xf32, #tpu.memory_space<hbm>>
      %dma_start3A_48 = arith.constant 0 : i32
      %dma_start3A_49 = arith.constant 0 : i32
      %dma_start3A_50 = tpu.memref_slice %arg7[%add3A, %dma_start3A_48, %dma_start3A_49] : memref<32x32x216xf32, #tpu.memory_space<hbm>> -> memref<1x32x216xf32, #tpu.memory_space<hbm>>
      %dma_start3A_51 = tpu.memref_squeeze %dma_start3A_50 : memref<1x32x216xf32, #tpu.memory_space<hbm>> -> memref<32x216xf32, #tpu.memory_space<hbm>>
      tpu.enqueue_dma source(%dma_start3A_51 : memref<32x216xf32, #tpu.memory_space<hbm>>) target(%arg11 : memref<32x216xf32, #tpu.memory_space<vmem>>) target_semaphore(%run_scoped3A : memref<!tpu.dma_semaphore, #tpu.memory_space<semaphore_mem>>)
      %dma_wait3A_52 = arith.constant 0 : i32
      %dma_wait3A_53 = arith.constant 0 : i32
      %dma_wait3A_54 = tpu.memref_slice %arg7[%add3A, %dma_wait3A_52, %dma_wait3A_53] : memref<32x32x216xf32, #tpu.memory_space<hbm>> -> memref<1x32x216xf32, #tpu.memory_space<hbm>>
      %dma_wait3A_55 = tpu.memref_squeeze %dma_wait3A_54 : memref<1x32x216xf32, #tpu.memory_space<hbm>> -> memref<32x216xf32, #tpu.memory_space<hbm>>
      %dma_wait3A_56 = arith.constant 0 : i32
      %dma_wait3A_57 = arith.constant 0 : i32
      %dma_wait3A_58 = tpu.memref_slice %arg7[%add3A, %dma_wait3A_56, %dma_wait3A_57] : memref<32x32x216xf32, #tpu.memory_space<hbm>> -> memref<1x32x216xf32, #tpu.memory_space<hbm>>
      %dma_wait3A_59 = tpu.memref_squeeze %dma_wait3A_58 : memref<1x32x216xf32, #tpu.memory_space<hbm>> -> memref<32x216xf32, #tpu.memory_space<hbm>>
      tpu.wait_dma2 semaphore(%run_scoped3A : memref<!tpu.dma_semaphore, #tpu.memory_space<semaphore_mem>>) src(%dma_wait3A_59 : memref<32x216xf32, #tpu.memory_space<hbm>>) dst(%arg11 : memref<32x216xf32, #tpu.memory_space<vmem>>)
      tpu.yield
    }) : () -> ()
    "tpu.region"() ({
      %run_scoped3A = tpu.sem_alloc : memref<!tpu.dma_semaphore, #tpu.memory_space<semaphore_mem>>
      %dma_start3A = tpu.memref_slice %arg8[%mul3A_2] : memref<1040xi32, #tpu.memory_space<hbm>> -> memref<48xi32, #tpu.memory_space<hbm>>
      %dma_start3A_45 = tpu.memref_slice %arg8[%mul3A_2] : memref<1040xi32, #tpu.memory_space<hbm>> -> memref<48xi32, #tpu.memory_space<hbm>>
      tpu.enqueue_dma source(%dma_start3A_45 : memref<48xi32, #tpu.memory_space<hbm>>) target(%arg12 : memref<48xi32, #tpu.memory_space<vmem>>) target_semaphore(%run_scoped3A : memref<!tpu.dma_semaphore, #tpu.memory_space<semaphore_mem>>)
      %dma_wait3A_46 = tpu.memref_slice %arg8[%mul3A_2] : memref<1040xi32, #tpu.memory_space<hbm>> -> memref<48xi32, #tpu.memory_space<hbm>>
      %dma_wait3A_47 = tpu.memref_slice %arg8[%mul3A_2] : memref<1040xi32, #tpu.memory_space<hbm>> -> memref<48xi32, #tpu.memory_space<hbm>>
      tpu.wait_dma2 semaphore(%run_scoped3A : memref<!tpu.dma_semaphore, #tpu.memory_space<semaphore_mem>>) src(%dma_wait3A_47 : memref<48xi32, #tpu.memory_space<hbm>>) dst(%arg12 : memref<48xi32, #tpu.memory_space<vmem>>)
      tpu.yield
    }) : () -> ()
    %get3A = arith.constant 0 : index
    %get3A_5 = tpu.vector_load %arg12[%get3A] {strides = array<i32>} : memref<48xi32, #tpu.memory_space<vmem>>, vector<16xi32>,
    %get3A_6 = vector.shape_cast %get3A_5 : vector<16xi32> to vector<16xi32>
    %slice3A = vector.extract_strided_slice %get3A_6 {offsets = [0], sizes = [1], strides = [1]} : vector<16xi32> to vector<1xi32>
    %squeeze3A = vector.extract %slice3A[0] : i32 from vector<1xi32>
    %le3A = arith.constant 3 : i32
    %le3A_7 = arith.cmpi sle, %squeeze3A, %le3A : i32
    %convert_element_type3A = arith.extui %le3A_7 : i1 to i32
    %cond3A = arith.constant 0 : i32
    %cond3A_8 = arith.cmpi ne, %convert_element_type3A, %cond3A : i32
    scf.if %cond3A_8 {
      %eq3A = arith.constant 2 : i32
      %eq3A_45 = arith.cmpi eq, %squeeze3A, %eq3A : i32
      %convert_element_type3A_46 = arith.extui %eq3A_45 : i1 to i32
      %cond3A_47 = arith.constant 0 : i32
      %cond3A_48 = arith.cmpi ne, %convert_element_type3A_46, %cond3A_47 : i32
      scf.if %cond3A_48 {
        %dma_start3A = arith.constant 0 : i32
        %dma_start3A_49 = arith.constant 0 : i32
        %dma_start3A_50 = arith.constant 0 : i32
        %dma_start3A_51 = arith.constant 0 : i32
        %dma_start3A_52 = tpu.memref_slice %arg13[%dma_start3A_50, %dma_start3A_51] : memref<196x256xf32, #tpu.memory_space<vmem>> -> memref<98x256xf32, #tpu.memory_space<vmem>>
        %dma_start3A_53 = arith.constant 0 : i32
        %dma_start3A_54 = tpu.memref_slice %arg10[%dma_start3A, %dma_start3A_49, %dma_start3A_53] : memref<32x2x98xi32, #tpu.memory_space<vmem>> -> memref<1x1x98xi32, #tpu.memory_space<vmem>>
        %dma_start3A_55 = tpu.memref_squeeze %dma_start3A_54 : memref<1x1x98xi32, #tpu.memory_space<vmem>> -> memref<98xi32, #tpu.memory_space<vmem>>
        %dma_start3A_56 = arith.constant 0 : i32
        %dma_start3A_57 = arith.constant 0 : i32
        %dma_start3A_58 = tpu.memref_slice %arg2[%dma_start3A_56, %dma_start3A_57] : memref<65536x256xf32, #tpu.memory_space<hbm>> -> memref<65536x256xf32, #tpu.memory_space<hbm>>
        tpu.enqueue_indirect_dma source(%dma_start3A_58 : memref<65536x256xf32, #tpu.memory_space<hbm>>) target(%dma_start3A_52 : memref<98x256xf32, #tpu.memory_space<vmem>>) offsets(%dma_start3A_55 : memref<98xi32, #tpu.memory_space<vmem>>) semaphore(%arg16 : memref<!tpu.dma_semaphore, #tpu.memory_space<semaphore_mem>>)
        %dma_start3A_59 = arith.constant 0 : i32
        %dma_start3A_60 = arith.constant 1 : i32
        %dma_start3A_61 = arith.constant 98 : i32
        %dma_start3A_62 = arith.constant 0 : i32
        %dma_start3A_63 = tpu.memref_slice %arg13[%dma_start3A_61, %dma_start3A_62] : memref<196x256xf32, #tpu.memory_space<vmem>> -> memref<98x256xf32, #tpu.memory_space<vmem>>
        %dma_start3A_64 = arith.constant 0 : i32
        %dma_start3A_65 = tpu.memref_slice %arg10[%dma_start3A_59, %dma_start3A_60, %dma_start3A_64] : memref<32x2x98xi32, #tpu.memory_space<vmem>> -> memref<1x1x98xi32, #tpu.memory_space<vmem>>
        %dma_start3A_66 = tpu.memref_squeeze %dma_start3A_65 : memref<1x1x98xi32, #tpu.memory_space<vmem>> -> memref<98xi32, #tpu.memory_space<vmem>>
        %dma_start3A_67 = arith.constant 0 : i32
        %dma_start3A_68 = arith.constant 0 : i32
        %dma_start3A_69 = tpu.memref_slice %arg2[%dma_start3A_67, %dma_start3A_68] : memref<65536x256xf32, #tpu.memory_space<hbm>> -> memref<65536x256xf32, #tpu.memory_space<hbm>>
        tpu.enqueue_indirect_dma source(%dma_start3A_69 : memref<65536x256xf32, #tpu.memory_space<hbm>>) target(%dma_start3A_63 : memref<98x256xf32, #tpu.memory_space<vmem>>) offsets(%dma_start3A_66 : memref<98xi32, #tpu.memory_space<vmem>>) semaphore(%arg17 : memref<!tpu.dma_semaphore, #tpu.memory_space<semaphore_mem>>)
      } else {
        %dma_start3A = arith.constant 0 : i32
        %dma_start3A_49 = arith.constant 0 : i32
        %dma_start3A_50 = arith.constant 0 : i32
        %dma_start3A_51 = arith.constant 0 : i32
        %dma_start3A_52 = tpu.memref_slice %arg13[%dma_start3A_50, %dma_start3A_51] : memref<196x256xf32, #tpu.memory_space<vmem>> -> memref<98x256xf32, #tpu.memory_space<vmem>>
        %dma_start3A_53 = arith.constant 0 : i32
        %dma_start3A_54 = tpu.memref_slice %arg10[%dma_start3A, %dma_start3A_49, %dma_start3A_53] : memref<32x2x98xi32, #tpu.memory_space<vmem>> -> memref<1x1x98xi32, #tpu.memory_space<vmem>>
        %dma_start3A_55 = tpu.memref_squeeze %dma_start3A_54 : memref<1x1x98xi32, #tpu.memory_space<vmem>> -> memref<98xi32, #tpu.memory_space<vmem>>
        %dma_start3A_56 = arith.constant 0 : i32
        %dma_start3A_57 = arith.constant 0 : i32
        %dma_start3A_58 = tpu.memref_slice %arg3[%dma_start3A_56, %dma_start3A_57] : memref<16384x256xf32, #tpu.memory_space<hbm>> -> memref<16384x256xf32, #tpu.memory_space<hbm>>
        tpu.enqueue_indirect_dma source(%dma_start3A_58 : memref<16384x256xf32, #tpu.memory_space<hbm>>) target(%dma_start3A_52 : memref<98x256xf32, #tpu.memory_space<vmem>>) offsets(%dma_start3A_55 : memref<98xi32, #tpu.memory_space<vmem>>) semaphore(%arg16 : memref<!tpu.dma_semaphore, #tpu.memory_space<semaphore_mem>>)
        %dma_start3A_59 = arith.constant 0 : i32
        %dma_start3A_60 = arith.constant 1 : i32
        %dma_start3A_61 = arith.constant 98 : i32
        %dma_start3A_62 = arith.constant 0 : i32
        %dma_start3A_63 = tpu.memref_slice %arg13[%dma_start3A_61, %dma_start3A_62] : memref<196x256xf32, #tpu.memory_space<vmem>> -> memref<98x256xf32, #tpu.memory_space<vmem>>
        %dma_start3A_64 = arith.constant 0 : i32
        %dma_start3A_65 = tpu.memref_slice %arg10[%dma_start3A_59, %dma_start3A_60, %dma_start3A_64] : memref<32x2x98xi32, #tpu.memory_space<vmem>> -> memref<1x1x98xi32, #tpu.memory_space<vmem>>
        %dma_start3A_66 = tpu.memref_squeeze %dma_start3A_65 : memref<1x1x98xi32, #tpu.memory_space<vmem>> -> memref<98xi32, #tpu.memory_space<vmem>>
        %dma_start3A_67 = arith.constant 0 : i32
        %dma_start3A_68 = arith.constant 0 : i32
        %dma_start3A_69 = tpu.memref_slice %arg3[%dma_start3A_67, %dma_start3A_68] : memref<16384x256xf32, #tpu.memory_space<hbm>> -> memref<16384x256xf32, #tpu.memory_space<hbm>>
        tpu.enqueue_indirect_dma source(%dma_start3A_69 : memref<16384x256xf32, #tpu.memory_space<hbm>>) target(%dma_start3A_63 : memref<98x256xf32, #tpu.memory_space<vmem>>) offsets(%dma_start3A_66 : memref<98xi32, #tpu.memory_space<vmem>>) semaphore(%arg17 : memref<!tpu.dma_semaphore, #tpu.memory_space<semaphore_mem>>)
      }
    } else {
      %eq3A = arith.constant 4 : i32
      %eq3A_45 = arith.cmpi eq, %squeeze3A, %eq3A : i32
      %convert_element_type3A_46 = arith.extui %eq3A_45 : i1 to i32
      %cond3A_47 = arith.constant 0 : i32
      %cond3A_48 = arith.cmpi ne, %convert_element_type3A_46, %cond3A_47 : i32
      scf.if %cond3A_48 {
        %dma_start3A = arith.constant 0 : i32
        %dma_start3A_49 = arith.constant 0 : i32
        %dma_start3A_50 = arith.constant 0 : i32
        %dma_start3A_51 = arith.constant 0 : i32
        %dma_start3A_52 = tpu.memref_slice %arg13[%dma_start3A_50, %dma_start3A_51] : memref<196x256xf32, #tpu.memory_space<vmem>> -> memref<98x256xf32, #tpu.memory_space<vmem>>
        %dma_start3A_53 = arith.constant 0 : i32
        %dma_start3A_54 = tpu.memref_slice %arg10[%dma_start3A, %dma_start3A_49, %dma_start3A_53] : memref<32x2x98xi32, #tpu.memory_space<vmem>> -> memref<1x1x98xi32, #tpu.memory_space<vmem>>
        %dma_start3A_55 = tpu.memref_squeeze %dma_start3A_54 : memref<1x1x98xi32, #tpu.memory_space<vmem>> -> memref<98xi32, #tpu.memory_space<vmem>>
        %dma_start3A_56 = arith.constant 0 : i32
        %dma_start3A_57 = arith.constant 0 : i32
        %dma_start3A_58 = tpu.memref_slice %arg4[%dma_start3A_56, %dma_start3A_57] : memref<4096x256xf32, #tpu.memory_space<hbm>> -> memref<4096x256xf32, #tpu.memory_space<hbm>>
        tpu.enqueue_indirect_dma source(%dma_start3A_58 : memref<4096x256xf32, #tpu.memory_space<hbm>>) target(%dma_start3A_52 : memref<98x256xf32, #tpu.memory_space<vmem>>) offsets(%dma_start3A_55 : memref<98xi32, #tpu.memory_space<vmem>>) semaphore(%arg16 : memref<!tpu.dma_semaphore, #tpu.memory_space<semaphore_mem>>)
        %dma_start3A_59 = arith.constant 0 : i32
        %dma_start3A_60 = arith.constant 1 : i32
        %dma_start3A_61 = arith.constant 98 : i32
        %dma_start3A_62 = arith.constant 0 : i32
        %dma_start3A_63 = tpu.memref_slice %arg13[%dma_start3A_61, %dma_start3A_62] : memref<196x256xf32, #tpu.memory_space<vmem>> -> memref<98x256xf32, #tpu.memory_space<vmem>>
        %dma_start3A_64 = arith.constant 0 : i32
        %dma_start3A_65 = tpu.memref_slice %arg10[%dma_start3A_59, %dma_start3A_60, %dma_start3A_64] : memref<32x2x98xi32, #tpu.memory_space<vmem>> -> memref<1x1x98xi32, #tpu.memory_space<vmem>>
        %dma_start3A_66 = tpu.memref_squeeze %dma_start3A_65 : memref<1x1x98xi32, #tpu.memory_space<vmem>> -> memref<98xi32, #tpu.memory_space<vmem>>
        %dma_start3A_67 = arith.constant 0 : i32
        %dma_start3A_68 = arith.constant 0 : i32
        %dma_start3A_69 = tpu.memref_slice %arg4[%dma_start3A_67, %dma_start3A_68] : memref<4096x256xf32, #tpu.memory_space<hbm>> -> memref<4096x256xf32, #tpu.memory_space<hbm>>
        tpu.enqueue_indirect_dma source(%dma_start3A_69 : memref<4096x256xf32, #tpu.memory_space<hbm>>) target(%dma_start3A_63 : memref<98x256xf32, #tpu.memory_space<vmem>>) offsets(%dma_start3A_66 : memref<98xi32, #tpu.memory_space<vmem>>) semaphore(%arg17 : memref<!tpu.dma_semaphore, #tpu.memory_space<semaphore_mem>>)
      } else {
        %dma_start3A = arith.constant 0 : i32
        %dma_start3A_49 = arith.constant 0 : i32
        %dma_start3A_50 = arith.constant 0 : i32
        %dma_start3A_51 = arith.constant 0 : i32
        %dma_start3A_52 = tpu.memref_slice %arg13[%dma_start3A_50, %dma_start3A_51] : memref<196x256xf32, #tpu.memory_space<vmem>> -> memref<98x256xf32, #tpu.memory_space<vmem>>
        %dma_start3A_53 = arith.constant 0 : i32
        %dma_start3A_54 = tpu.memref_slice %arg10[%dma_start3A, %dma_start3A_49, %dma_start3A_53] : memref<32x2x98xi32, #tpu.memory_space<vmem>> -> memref<1x1x98xi32, #tpu.memory_space<vmem>>
        %dma_start3A_55 = tpu.memref_squeeze %dma_start3A_54 : memref<1x1x98xi32, #tpu.memory_space<vmem>> -> memref<98xi32, #tpu.memory_space<vmem>>
        %dma_start3A_56 = arith.constant 0 : i32
        %dma_start3A_57 = arith.constant 0 : i32
        %dma_start3A_58 = tpu.memref_slice %arg5[%dma_start3A_56, %dma_start3A_57] : memref<1024x256xf32, #tpu.memory_space<hbm>> -> memref<1024x256xf32, #tpu.memory_space<hbm>>
        tpu.enqueue_indirect_dma source(%dma_start3A_58 : memref<1024x256xf32, #tpu.memory_space<hbm>>) target(%dma_start3A_52 : memref<98x256xf32, #tpu.memory_space<vmem>>) offsets(%dma_start3A_55 : memref<98xi32, #tpu.memory_space<vmem>>) semaphore(%arg16 : memref<!tpu.dma_semaphore, #tpu.memory_space<semaphore_mem>>)
        %dma_start3A_59 = arith.constant 0 : i32
        %dma_start3A_60 = arith.constant 1 : i32
        %dma_start3A_61 = arith.constant 98 : i32
        %dma_start3A_62 = arith.constant 0 : i32
        %dma_start3A_63 = tpu.memref_slice %arg13[%dma_start3A_61, %dma_start3A_62] : memref<196x256xf32, #tpu.memory_space<vmem>> -> memref<98x256xf32, #tpu.memory_space<vmem>>
        %dma_start3A_64 = arith.constant 0 : i32
        %dma_start3A_65 = tpu.memref_slice %arg10[%dma_start3A_59, %dma_start3A_60, %dma_start3A_64] : memref<32x2x98xi32, #tpu.memory_space<vmem>> -> memref<1x1x98xi32, #tpu.memory_space<vmem>>
        %dma_start3A_66 = tpu.memref_squeeze %dma_start3A_65 : memref<1x1x98xi32, #tpu.memory_space<vmem>> -> memref<98xi32, #tpu.memory_space<vmem>>
        %dma_start3A_67 = arith.constant 0 : i32
        %dma_start3A_68 = arith.constant 0 : i32
        %dma_start3A_69 = tpu.memref_slice %arg5[%dma_start3A_67, %dma_start3A_68] : memref<1024x256xf32, #tpu.memory_space<hbm>> -> memref<1024x256xf32, #tpu.memory_space<hbm>>
        tpu.enqueue_indirect_dma source(%dma_start3A_69 : memref<1024x256xf32, #tpu.memory_space<hbm>>) target(%dma_start3A_63 : memref<98x256xf32, #tpu.memory_space<vmem>>) offsets(%dma_start3A_66 : memref<98xi32, #tpu.memory_space<vmem>>) semaphore(%arg17 : memref<!tpu.dma_semaphore, #tpu.memory_space<semaphore_mem>>)
      }
    }
    %add3A_9 = arith.constant 1 : i32
    %add3A_10 = arith.addi %min3A_4, %add3A_9 : i32
    %jit3A = arith.constant 2 : i32
    %div3A = arith.divsi %add3A_10, %jit3A : i32
    %sign3A = arith.constant 0 : i32
    %sign3A_11 = arith.cmpi sgt, %add3A_10, %sign3A : i32
    %sign3A_12 = arith.extui %sign3A_11 : i1 to i32
    %sign3A_13 = arith.constant 0 : i32
    %sign3A_14 = arith.cmpi slt, %add3A_10, %sign3A_13 : i32
    %sign3A_15 = arith.extui %sign3A_14 : i1 to i32
    %sign3A_16 = arith.subi %sign3A_12, %sign3A_15 : i32
    %sign3A_17 = arith.constant 0 : i32
    %sign3A_18 = arith.cmpi sgt, %jit3A, %sign3A_17 : i32
    %sign3A_19 = arith.extui %sign3A_18 : i1 to i32
    %sign3A_20 = arith.constant 0 : i32
    %sign3A_21 = arith.cmpi slt, %jit3A, %sign3A_20 : i32
    %sign3A_22 = arith.extui %sign3A_21 : i1 to i32
    %sign3A_23 = arith.subi %sign3A_19, %sign3A_22 : i32
    %ne3A = arith.cmpi ne, %sign3A_16, %sign3A_23 : i32
    %rem3A = arith.remsi %add3A_10, %jit3A : i32
    %ne3A_24 = arith.constant 0 : i32
    %ne3A_25 = arith.cmpi ne, %rem3A, %ne3A_24 : i32
    %and3A = arith.andi %ne3A, %ne3A_25 : i1
    %sub3A_26 = arith.constant 1 : i32
    %sub3A_27 = arith.subi %div3A, %sub3A_26 : i32
    %select_n3A = arith.select %and3A, %sub3A_27, %div3A : i32
    %while3A = arith.constant 0 : i32
    %while3A_28 = arith.constant 0 : i32
    %while3A_29 = arith.subi %select_n3A, %while3A_28 : i32
    %while3A_30 = arith.addi %while3A_28, %while3A_29 : i32
    %while3A_31 = arith.constant 1 : i32
    %while3A_32 = arith.divsi %while3A_29, %while3A_31 : i32
    %while3A_33 = arith.muli %while3A_32, %while3A_31 : i32
    %while3A_34 = arith.addi %while3A_28, %while3A_33 : i32
    %while3A_35 = arith.constant 1 : i32
    scf.for %while3A_45 = %while3A_28 to %while3A_34 step %while3A_35  : i32 {
      %mul3A_46 = arith.constant 2 : i32
      %mul3A_47 = arith.muli %mul3A_46, %while3A_45 : i32
      %add3A_48 = arith.constant 1 : i32
      %add3A_49 = arith.addi %mul3A_47, %add3A_48 : i32
      %lt3A = arith.cmpi slt, %add3A_49, %min3A_4 : i32
      %convert_element_type3A_50 = arith.extui %lt3A : i1 to i32
      %cond3A_51 = arith.constant 0 : i32
      %cond3A_52 = arith.cmpi ne, %convert_element_type3A_50, %cond3A_51 : i32
      scf.if %cond3A_52 {
        %add3A_71 = arith.constant 1 : i32
        %add3A_72 = arith.addi %mul3A_47, %add3A_71 : i32
        %get3A_73 = arith.index_cast %add3A_72 : i32 to index
        %get3A_74 = tpu.vector_load %arg12[%get3A_73] {strides = array<i32>} : memref<48xi32, #tpu.memory_space<vmem>>, vector<16xi32>,
        %get3A_75 = vector.shape_cast %get3A_74 : vector<16xi32> to vector<16xi32>
        %slice3A_76 = vector.extract_strided_slice %get3A_75 {offsets = [0], sizes = [1], strides = [1]} : vector<16xi32> to vector<1xi32>
        %squeeze3A_77 = vector.extract %slice3A_76[0] : i32 from vector<1xi32>
        %le3A_78 = arith.constant 3 : i32
        %le3A_79 = arith.cmpi sle, %squeeze3A_77, %le3A_78 : i32
        %convert_element_type3A_80 = arith.extui %le3A_79 : i1 to i32
        %cond3A_81 = arith.constant 0 : i32
        %cond3A_82 = arith.cmpi ne, %convert_element_type3A_80, %cond3A_81 : i32
        scf.if %cond3A_82 {
          %eq3A = arith.constant 2 : i32
          %eq3A_83 = arith.cmpi eq, %squeeze3A_77, %eq3A : i32
          %convert_element_type3A_84 = arith.extui %eq3A_83 : i1 to i32
          %cond3A_85 = arith.constant 0 : i32
          %cond3A_86 = arith.cmpi ne, %convert_element_type3A_84, %cond3A_85 : i32
          scf.if %cond3A_86 {
            %dma_start3A = arith.constant 0 : i32
            %dma_start3A_87 = arith.constant 0 : i32
            %dma_start3A_88 = arith.constant 0 : i32
            %dma_start3A_89 = tpu.memref_slice %arg14[%dma_start3A_87, %dma_start3A_88] : memref<196x256xf32, #tpu.memory_space<vmem>> -> memref<98x256xf32, #tpu.memory_space<vmem>>
            %dma_start3A_90 = arith.constant 0 : i32
            %dma_start3A_91 = tpu.memref_slice %arg10[%add3A_72, %dma_start3A, %dma_start3A_90] : memref<32x2x98xi32, #tpu.memory_space<vmem>> -> memref<1x1x98xi32, #tpu.memory_space<vmem>>
            %dma_start3A_92 = tpu.memref_squeeze %dma_start3A_91 : memref<1x1x98xi32, #tpu.memory_space<vmem>> -> memref<98xi32, #tpu.memory_space<vmem>>
            %dma_start3A_93 = arith.constant 0 : i32
            %dma_start3A_94 = arith.constant 0 : i32
            %dma_start3A_95 = tpu.memref_slice %arg2[%dma_start3A_93, %dma_start3A_94] : memref<65536x256xf32, #tpu.memory_space<hbm>> -> memref<65536x256xf32, #tpu.memory_space<hbm>>
            tpu.enqueue_indirect_dma source(%dma_start3A_95 : memref<65536x256xf32, #tpu.memory_space<hbm>>) target(%dma_start3A_89 : memref<98x256xf32, #tpu.memory_space<vmem>>) offsets(%dma_start3A_92 : memref<98xi32, #tpu.memory_space<vmem>>) semaphore(%arg18 : memref<!tpu.dma_semaphore, #tpu.memory_space<semaphore_mem>>)
            %dma_start3A_96 = arith.constant 1 : i32
            %dma_start3A_97 = arith.constant 98 : i32
            %dma_start3A_98 = arith.constant 0 : i32
            %dma_start3A_99 = tpu.memref_slice %arg14[%dma_start3A_97, %dma_start3A_98] : memref<196x256xf32, #tpu.memory_space<vmem>> -> memref<98x256xf32, #tpu.memory_space<vmem>>
            %dma_start3A_100 = arith.constant 0 : i32
            %dma_start3A_101 = tpu.memref_slice %arg10[%add3A_72, %dma_start3A_96, %dma_start3A_100] : memref<32x2x98xi32, #tpu.memory_space<vmem>> -> memref<1x1x98xi32, #tpu.memory_space<vmem>>
            %dma_start3A_102 = tpu.memref_squeeze %dma_start3A_101 : memref<1x1x98xi32, #tpu.memory_space<vmem>> -> memref<98xi32, #tpu.memory_space<vmem>>
            %dma_start3A_103 = arith.constant 0 : i32
            %dma_start3A_104 = arith.constant 0 : i32
            %dma_start3A_105 = tpu.memref_slice %arg2[%dma_start3A_103, %dma_start3A_104] : memref<65536x256xf32, #tpu.memory_space<hbm>> -> memref<65536x256xf32, #tpu.memory_space<hbm>>
            tpu.enqueue_indirect_dma source(%dma_start3A_105 : memref<65536x256xf32, #tpu.memory_space<hbm>>) target(%dma_start3A_99 : memref<98x256xf32, #tpu.memory_space<vmem>>) offsets(%dma_start3A_102 : memref<98xi32, #tpu.memory_space<vmem>>) semaphore(%arg19 : memref<!tpu.dma_semaphore, #tpu.memory_space<semaphore_mem>>)
          } else {
            %dma_start3A = arith.constant 0 : i32
            %dma_start3A_87 = arith.constant 0 : i32
            %dma_start3A_88 = arith.constant 0 : i32
            %dma_start3A_89 = tpu.memref_slice %arg14[%dma_start3A_87, %dma_start3A_88] : memref<196x256xf32, #tpu.memory_space<vmem>> -> memref<98x256xf32, #tpu.memory_space<vmem>>
            %dma_start3A_90 = arith.constant 0 : i32
            %dma_start3A_91 = tpu.memref_slice %arg10[%add3A_72, %dma_start3A, %dma_start3A_90] : memref<32x2x98xi32, #tpu.memory_space<vmem>> -> memref<1x1x98xi32, #tpu.memory_space<vmem>>
            %dma_start3A_92 = tpu.memref_squeeze %dma_start3A_91 : memref<1x1x98xi32, #tpu.memory_space<vmem>> -> memref<98xi32, #tpu.memory_space<vmem>>
            %dma_start3A_93 = arith.constant 0 : i32
            %dma_start3A_94 = arith.constant 0 : i32
            %dma_start3A_95 = tpu.memref_slice %arg3[%dma_start3A_93, %dma_start3A_94] : memref<16384x256xf32, #tpu.memory_space<hbm>> -> memref<16384x256xf32, #tpu.memory_space<hbm>>
            tpu.enqueue_indirect_dma source(%dma_start3A_95 : memref<16384x256xf32, #tpu.memory_space<hbm>>) target(%dma_start3A_89 : memref<98x256xf32, #tpu.memory_space<vmem>>) offsets(%dma_start3A_92 : memref<98xi32, #tpu.memory_space<vmem>>) semaphore(%arg18 : memref<!tpu.dma_semaphore, #tpu.memory_space<semaphore_mem>>)
            %dma_start3A_96 = arith.constant 1 : i32
            %dma_start3A_97 = arith.constant 98 : i32
            %dma_start3A_98 = arith.constant 0 : i32
            %dma_start3A_99 = tpu.memref_slice %arg14[%dma_start3A_97, %dma_start3A_98] : memref<196x256xf32, #tpu.memory_space<vmem>> -> memref<98x256xf32, #tpu.memory_space<vmem>>
            %dma_start3A_100 = arith.constant 0 : i32
            %dma_start3A_101 = tpu.memref_slice %arg10[%add3A_72, %dma_start3A_96, %dma_start3A_100] : memref<32x2x98xi32, #tpu.memory_space<vmem>> -> memref<1x1x98xi32, #tpu.memory_space<vmem>>
            %dma_start3A_102 = tpu.memref_squeeze %dma_start3A_101 : memref<1x1x98xi32, #tpu.memory_space<vmem>> -> memref<98xi32, #tpu.memory_space<vmem>>
            %dma_start3A_103 = arith.constant 0 : i32
            %dma_start3A_104 = arith.constant 0 : i32
            %dma_start3A_105 = tpu.memref_slice %arg3[%dma_start3A_103, %dma_start3A_104] : memref<16384x256xf32, #tpu.memory_space<hbm>> -> memref<16384x256xf32, #tpu.memory_space<hbm>>
            tpu.enqueue_indirect_dma source(%dma_start3A_105 : memref<16384x256xf32, #tpu.memory_space<hbm>>) target(%dma_start3A_99 : memref<98x256xf32, #tpu.memory_space<vmem>>) offsets(%dma_start3A_102 : memref<98xi32, #tpu.memory_space<vmem>>) semaphore(%arg19 : memref<!tpu.dma_semaphore, #tpu.memory_space<semaphore_mem>>)
          }
        } else {
          %eq3A = arith.constant 4 : i32
          %eq3A_83 = arith.cmpi eq, %squeeze3A_77, %eq3A : i32
          %convert_element_type3A_84 = arith.extui %eq3A_83 : i1 to i32
          %cond3A_85 = arith.constant 0 : i32
          %cond3A_86 = arith.cmpi ne, %convert_element_type3A_84, %cond3A_85 : i32
          scf.if %cond3A_86 {
            %dma_start3A = arith.constant 0 : i32
            %dma_start3A_87 = arith.constant 0 : i32
            %dma_start3A_88 = arith.constant 0 : i32
            %dma_start3A_89 = tpu.memref_slice %arg14[%dma_start3A_87, %dma_start3A_88] : memref<196x256xf32, #tpu.memory_space<vmem>> -> memref<98x256xf32, #tpu.memory_space<vmem>>
            %dma_start3A_90 = arith.constant 0 : i32
            %dma_start3A_91 = tpu.memref_slice %arg10[%add3A_72, %dma_start3A, %dma_start3A_90] : memref<32x2x98xi32, #tpu.memory_space<vmem>> -> memref<1x1x98xi32, #tpu.memory_space<vmem>>
            %dma_start3A_92 = tpu.memref_squeeze %dma_start3A_91 : memref<1x1x98xi32, #tpu.memory_space<vmem>> -> memref<98xi32, #tpu.memory_space<vmem>>
            %dma_start3A_93 = arith.constant 0 : i32
            %dma_start3A_94 = arith.constant 0 : i32
            %dma_start3A_95 = tpu.memref_slice %arg4[%dma_start3A_93, %dma_start3A_94] : memref<4096x256xf32, #tpu.memory_space<hbm>> -> memref<4096x256xf32, #tpu.memory_space<hbm>>
            tpu.enqueue_indirect_dma source(%dma_start3A_95 : memref<4096x256xf32, #tpu.memory_space<hbm>>) target(%dma_start3A_89 : memref<98x256xf32, #tpu.memory_space<vmem>>) offsets(%dma_start3A_92 : memref<98xi32, #tpu.memory_space<vmem>>) semaphore(%arg18 : memref<!tpu.dma_semaphore, #tpu.memory_space<semaphore_mem>>)
            %dma_start3A_96 = arith.constant 1 : i32
            %dma_start3A_97 = arith.constant 98 : i32
            %dma_start3A_98 = arith.constant 0 : i32
            %dma_start3A_99 = tpu.memref_slice %arg14[%dma_start3A_97, %dma_start3A_98] : memref<196x256xf32, #tpu.memory_space<vmem>> -> memref<98x256xf32, #tpu.memory_space<vmem>>
            %dma_start3A_100 = arith.constant 0 : i32
            %dma_start3A_101 = tpu.memref_slice %arg10[%add3A_72, %dma_start3A_96, %dma_start3A_100] : memref<32x2x98xi32, #tpu.memory_space<vmem>> -> memref<1x1x98xi32, #tpu.memory_space<vmem>>
            %dma_start3A_102 = tpu.memref_squeeze %dma_start3A_101 : memref<1x1x98xi32, #tpu.memory_space<vmem>> -> memref<98xi32, #tpu.memory_space<vmem>>
            %dma_start3A_103 = arith.constant 0 : i32
            %dma_start3A_104 = arith.constant 0 : i32
            %dma_start3A_105 = tpu.memref_slice %arg4[%dma_start3A_103, %dma_start3A_104] : memref<4096x256xf32, #tpu.memory_space<hbm>> -> memref<4096x256xf32, #tpu.memory_space<hbm>>
            tpu.enqueue_indirect_dma source(%dma_start3A_105 : memref<4096x256xf32, #tpu.memory_space<hbm>>) target(%dma_start3A_99 : memref<98x256xf32, #tpu.memory_space<vmem>>) offsets(%dma_start3A_102 : memref<98xi32, #tpu.memory_space<vmem>>) semaphore(%arg19 : memref<!tpu.dma_semaphore, #tpu.memory_space<semaphore_mem>>)
          } else {
            %dma_start3A = arith.constant 0 : i32
            %dma_start3A_87 = arith.constant 0 : i32
            %dma_start3A_88 = arith.constant 0 : i32
            %dma_start3A_89 = tpu.memref_slice %arg14[%dma_start3A_87, %dma_start3A_88] : memref<196x256xf32, #tpu.memory_space<vmem>> -> memref<98x256xf32, #tpu.memory_space<vmem>>
            %dma_start3A_90 = arith.constant 0 : i32
            %dma_start3A_91 = tpu.memref_slice %arg10[%add3A_72, %dma_start3A, %dma_start3A_90] : memref<32x2x98xi32, #tpu.memory_space<vmem>> -> memref<1x1x98xi32, #tpu.memory_space<vmem>>
            %dma_start3A_92 = tpu.memref_squeeze %dma_start3A_91 : memref<1x1x98xi32, #tpu.memory_space<vmem>> -> memref<98xi32, #tpu.memory_space<vmem>>
            %dma_start3A_93 = arith.constant 0 : i32
            %dma_start3A_94 = arith.constant 0 : i32
            %dma_start3A_95 = tpu.memref_slice %arg5[%dma_start3A_93, %dma_start3A_94] : memref<1024x256xf32, #tpu.memory_space<hbm>> -> memref<1024x256xf32, #tpu.memory_space<hbm>>
            tpu.enqueue_indirect_dma source(%dma_start3A_95 : memref<1024x256xf32, #tpu.memory_space<hbm>>) target(%dma_start3A_89 : memref<98x256xf32, #tpu.memory_space<vmem>>) offsets(%dma_start3A_92 : memref<98xi32, #tpu.memory_space<vmem>>) semaphore(%arg18 : memref<!tpu.dma_semaphore, #tpu.memory_space<semaphore_mem>>)
            %dma_start3A_96 = arith.constant 1 : i32
            %dma_start3A_97 = arith.constant 98 : i32
            %dma_start3A_98 = arith.constant 0 : i32
            %dma_start3A_99 = tpu.memref_slice %arg14[%dma_start3A_97, %dma_start3A_98] : memref<196x256xf32, #tpu.memory_space<vmem>> -> memref<98x256xf32, #tpu.memory_space<vmem>>
            %dma_start3A_100 = arith.constant 0 : i32
            %dma_start3A_101 = tpu.memref_slice %arg10[%add3A_72, %dma_start3A_96, %dma_start3A_100] : memref<32x2x98xi32, #tpu.memory_space<vmem>> -> memref<1x1x98xi32, #tpu.memory_space<vmem>>
            %dma_start3A_102 = tpu.memref_squeeze %dma_start3A_101 : memref<1x1x98xi32, #tpu.memory_space<vmem>> -> memref<98xi32, #tpu.memory_space<vmem>>
            %dma_start3A_103 = arith.constant 0 : i32
            %dma_start3A_104 = arith.constant 0 : i32
            %dma_start3A_105 = tpu.memref_slice %arg5[%dma_start3A_103, %dma_start3A_104] : memref<1024x256xf32, #tpu.memory_space<hbm>> -> memref<1024x256xf32, #tpu.memory_space<hbm>>
            tpu.enqueue_indirect_dma source(%dma_start3A_105 : memref<1024x256xf32, #tpu.memory_space<hbm>>) target(%dma_start3A_99 : memref<98x256xf32, #tpu.memory_space<vmem>>) offsets(%dma_start3A_102 : memref<98xi32, #tpu.memory_space<vmem>>) semaphore(%arg19 : memref<!tpu.dma_semaphore, #tpu.memory_space<semaphore_mem>>)
          }
        }
      } else {
      }
      %lt3A_53 = arith.cmpi slt, %mul3A_47, %min3A_4 : i32
      %convert_element_type3A_54 = arith.extui %lt3A_53 : i1 to i32
      %cond3A_55 = arith.constant 0 : i32
      %cond3A_56 = arith.cmpi ne, %convert_element_type3A_54, %cond3A_55 : i32
      scf.if %cond3A_56 {
        %get3A_71 = arith.index_cast %mul3A_47 : i32 to index
        %get3A_72 = tpu.vector_load %arg12[%get3A_71] {strides = array<i32>} : memref<48xi32, #tpu.memory_space<vmem>>, vector<16xi32>,
        %get3A_73 = vector.shape_cast %get3A_72 : vector<16xi32> to vector<16xi32>
        %slice3A_74 = vector.extract_strided_slice %get3A_73 {offsets = [0], sizes = [1], strides = [1]} : vector<16xi32> to vector<1xi32>
        %squeeze3A_75 = vector.extract %slice3A_74[0] : i32 from vector<1xi32>
        %le3A_76 = arith.constant 3 : i32
        %le3A_77 = arith.cmpi sle, %squeeze3A_75, %le3A_76 : i32
        %convert_element_type3A_78 = arith.extui %le3A_77 : i1 to i32
        %cond3A_79 = arith.constant 0 : i32
        %cond3A_80 = arith.cmpi ne, %convert_element_type3A_78, %cond3A_79 : i32
        scf.if %cond3A_80 {
          %eq3A = arith.constant 2 : i32
          %eq3A_96 = arith.cmpi eq, %squeeze3A_75, %eq3A : i32
          %convert_element_type3A_97 = arith.extui %eq3A_96 : i1 to i32
          %cond3A_98 = arith.constant 0 : i32
          %cond3A_99 = arith.cmpi ne, %convert_element_type3A_97, %cond3A_98 : i32
          scf.if %cond3A_99 {
            %dma_wait3A_100 = arith.constant 0 : i32
            %dma_wait3A_101 = arith.constant 0 : i32
            %dma_wait3A_102 = arith.constant 0 : i32
            %dma_wait3A_103 = tpu.memref_slice %arg13[%dma_wait3A_101, %dma_wait3A_102] : memref<196x256xf32, #tpu.memory_space<vmem>> -> memref<98x256xf32, #tpu.memory_space<vmem>>
            %dma_wait3A_104 = arith.constant 0 : i32
            %dma_wait3A_105 = tpu.memref_slice %arg10[%mul3A_47, %dma_wait3A_100, %dma_wait3A_104] : memref<32x2x98xi32, #tpu.memory_space<vmem>> -> memref<1x1x98xi32, #tpu.memory_space<vmem>>
            %dma_wait3A_106 = tpu.memref_squeeze %dma_wait3A_105 : memref<1x1x98xi32, #tpu.memory_space<vmem>> -> memref<98xi32, #tpu.memory_space<vmem>>
            %dma_wait3A_107 = arith.constant 0 : i32
            %dma_wait3A_108 = arith.constant 0 : i32
            %dma_wait3A_109 = tpu.memref_slice %arg2[%dma_wait3A_107, %dma_wait3A_108] : memref<65536x256xf32, #tpu.memory_space<hbm>> -> memref<65536x256xf32, #tpu.memory_space<hbm>>
            tpu.wait_indirect_dma semaphore(%arg16 : memref<!tpu.dma_semaphore, #tpu.memory_space<semaphore_mem>>) src(%dma_wait3A_109 : memref<65536x256xf32, #tpu.memory_space<hbm>>) dst(%dma_wait3A_103 : memref<98x256xf32, #tpu.memory_space<vmem>>)
            %dma_wait3A_110 = arith.constant 1 : i32
            %dma_wait3A_111 = arith.constant 98 : i32
            %dma_wait3A_112 = arith.constant 0 : i32
            %dma_wait3A_113 = tpu.memref_slice %arg13[%dma_wait3A_111, %dma_wait3A_112] : memref<196x256xf32, #tpu.memory_space<vmem>> -> memref<98x256xf32, #tpu.memory_space<vmem>>
            %dma_wait3A_114 = arith.constant 0 : i32
            %dma_wait3A_115 = tpu.memref_slice %arg10[%mul3A_47, %dma_wait3A_110, %dma_wait3A_114] : memref<32x2x98xi32, #tpu.memory_space<vmem>> -> memref<1x1x98xi32, #tpu.memory_space<vmem>>
            %dma_wait3A_116 = tpu.memref_squeeze %dma_wait3A_115 : memref<1x1x98xi32, #tpu.memory_space<vmem>> -> memref<98xi32, #tpu.memory_space<vmem>>
            %dma_wait3A_117 = arith.constant 0 : i32
            %dma_wait3A_118 = arith.constant 0 : i32
            %dma_wait3A_119 = tpu.memref_slice %arg2[%dma_wait3A_117, %dma_wait3A_118] : memref<65536x256xf32, #tpu.memory_space<hbm>> -> memref<65536x256xf32, #tpu.memory_space<hbm>>
            tpu.wait_indirect_dma semaphore(%arg17 : memref<!tpu.dma_semaphore, #tpu.memory_space<semaphore_mem>>) src(%dma_wait3A_119 : memref<65536x256xf32, #tpu.memory_space<hbm>>) dst(%dma_wait3A_113 : memref<98x256xf32, #tpu.memory_space<vmem>>)
          } else {
            %dma_wait3A_100 = arith.constant 0 : i32
            %dma_wait3A_101 = arith.constant 0 : i32
            %dma_wait3A_102 = arith.constant 0 : i32
            %dma_wait3A_103 = tpu.memref_slice %arg13[%dma_wait3A_101, %dma_wait3A_102] : memref<196x256xf32, #tpu.memory_space<vmem>> -> memref<98x256xf32, #tpu.memory_space<vmem>>
            %dma_wait3A_104 = arith.constant 0 : i32
            %dma_wait3A_105 = tpu.memref_slice %arg10[%mul3A_47, %dma_wait3A_100, %dma_wait3A_104] : memref<32x2x98xi32, #tpu.memory_space<vmem>> -> memref<1x1x98xi32, #tpu.memory_space<vmem>>
            %dma_wait3A_106 = tpu.memref_squeeze %dma_wait3A_105 : memref<1x1x98xi32, #tpu.memory_space<vmem>> -> memref<98xi32, #tpu.memory_space<vmem>>
            %dma_wait3A_107 = arith.constant 0 : i32
            %dma_wait3A_108 = arith.constant 0 : i32
            %dma_wait3A_109 = tpu.memref_slice %arg3[%dma_wait3A_107, %dma_wait3A_108] : memref<16384x256xf32, #tpu.memory_space<hbm>> -> memref<16384x256xf32, #tpu.memory_space<hbm>>
            tpu.wait_indirect_dma semaphore(%arg16 : memref<!tpu.dma_semaphore, #tpu.memory_space<semaphore_mem>>) src(%dma_wait3A_109 : memref<16384x256xf32, #tpu.memory_space<hbm>>) dst(%dma_wait3A_103 : memref<98x256xf32, #tpu.memory_space<vmem>>)
            %dma_wait3A_110 = arith.constant 1 : i32
            %dma_wait3A_111 = arith.constant 98 : i32
            %dma_wait3A_112 = arith.constant 0 : i32
            %dma_wait3A_113 = tpu.memref_slice %arg13[%dma_wait3A_111, %dma_wait3A_112] : memref<196x256xf32, #tpu.memory_space<vmem>> -> memref<98x256xf32, #tpu.memory_space<vmem>>
            %dma_wait3A_114 = arith.constant 0 : i32
            %dma_wait3A_115 = tpu.memref_slice %arg10[%mul3A_47, %dma_wait3A_110, %dma_wait3A_114] : memref<32x2x98xi32, #tpu.memory_space<vmem>> -> memref<1x1x98xi32, #tpu.memory_space<vmem>>
            %dma_wait3A_116 = tpu.memref_squeeze %dma_wait3A_115 : memref<1x1x98xi32, #tpu.memory_space<vmem>> -> memref<98xi32, #tpu.memory_space<vmem>>
            %dma_wait3A_117 = arith.constant 0 : i32
            %dma_wait3A_118 = arith.constant 0 : i32
            %dma_wait3A_119 = tpu.memref_slice %arg3[%dma_wait3A_117, %dma_wait3A_118] : memref<16384x256xf32, #tpu.memory_space<hbm>> -> memref<16384x256xf32, #tpu.memory_space<hbm>>
            tpu.wait_indirect_dma semaphore(%arg17 : memref<!tpu.dma_semaphore, #tpu.memory_space<semaphore_mem>>) src(%dma_wait3A_119 : memref<16384x256xf32, #tpu.memory_space<hbm>>) dst(%dma_wait3A_113 : memref<98x256xf32, #tpu.memory_space<vmem>>)
          }
        } else {
          %eq3A = arith.constant 4 : i32
          %eq3A_96 = arith.cmpi eq, %squeeze3A_75, %eq3A : i32
          %convert_element_type3A_97 = arith.extui %eq3A_96 : i1 to i32
          %cond3A_98 = arith.constant 0 : i32
          %cond3A_99 = arith.cmpi ne, %convert_element_type3A_97, %cond3A_98 : i32
          scf.if %cond3A_99 {
            %dma_wait3A_100 = arith.constant 0 : i32
            %dma_wait3A_101 = arith.constant 0 : i32
            %dma_wait3A_102 = arith.constant 0 : i32
            %dma_wait3A_103 = tpu.memref_slice %arg13[%dma_wait3A_101, %dma_wait3A_102] : memref<196x256xf32, #tpu.memory_space<vmem>> -> memref<98x256xf32, #tpu.memory_space<vmem>>
            %dma_wait3A_104 = arith.constant 0 : i32
            %dma_wait3A_105 = tpu.memref_slice %arg10[%mul3A_47, %dma_wait3A_100, %dma_wait3A_104] : memref<32x2x98xi32, #tpu.memory_space<vmem>> -> memref<1x1x98xi32, #tpu.memory_space<vmem>>
            %dma_wait3A_106 = tpu.memref_squeeze %dma_wait3A_105 : memref<1x1x98xi32, #tpu.memory_space<vmem>> -> memref<98xi32, #tpu.memory_space<vmem>>
            %dma_wait3A_107 = arith.constant 0 : i32
            %dma_wait3A_108 = arith.constant 0 : i32
            %dma_wait3A_109 = tpu.memref_slice %arg4[%dma_wait3A_107, %dma_wait3A_108] : memref<4096x256xf32, #tpu.memory_space<hbm>> -> memref<4096x256xf32, #tpu.memory_space<hbm>>
            tpu.wait_indirect_dma semaphore(%arg16 : memref<!tpu.dma_semaphore, #tpu.memory_space<semaphore_mem>>) src(%dma_wait3A_109 : memref<4096x256xf32, #tpu.memory_space<hbm>>) dst(%dma_wait3A_103 : memref<98x256xf32, #tpu.memory_space<vmem>>)
            %dma_wait3A_110 = arith.constant 1 : i32
            %dma_wait3A_111 = arith.constant 98 : i32
            %dma_wait3A_112 = arith.constant 0 : i32
            %dma_wait3A_113 = tpu.memref_slice %arg13[%dma_wait3A_111, %dma_wait3A_112] : memref<196x256xf32, #tpu.memory_space<vmem>> -> memref<98x256xf32, #tpu.memory_space<vmem>>
            %dma_wait3A_114 = arith.constant 0 : i32
            %dma_wait3A_115 = tpu.memref_slice %arg10[%mul3A_47, %dma_wait3A_110, %dma_wait3A_114] : memref<32x2x98xi32, #tpu.memory_space<vmem>> -> memref<1x1x98xi32, #tpu.memory_space<vmem>>
            %dma_wait3A_116 = tpu.memref_squeeze %dma_wait3A_115 : memref<1x1x98xi32, #tpu.memory_space<vmem>> -> memref<98xi32, #tpu.memory_space<vmem>>
            %dma_wait3A_117 = arith.constant 0 : i32
            %dma_wait3A_118 = arith.constant 0 : i32
            %dma_wait3A_119 = tpu.memref_slice %arg4[%dma_wait3A_117, %dma_wait3A_118] : memref<4096x256xf32, #tpu.memory_space<hbm>> -> memref<4096x256xf32, #tpu.memory_space<hbm>>
            tpu.wait_indirect_dma semaphore(%arg17 : memref<!tpu.dma_semaphore, #tpu.memory_space<semaphore_mem>>) src(%dma_wait3A_119 : memref<4096x256xf32, #tpu.memory_space<hbm>>) dst(%dma_wait3A_113 : memref<98x256xf32, #tpu.memory_space<vmem>>)
          } else {
            %dma_wait3A_100 = arith.constant 0 : i32
            %dma_wait3A_101 = arith.constant 0 : i32
            %dma_wait3A_102 = arith.constant 0 : i32
            %dma_wait3A_103 = tpu.memref_slice %arg13[%dma_wait3A_101, %dma_wait3A_102] : memref<196x256xf32, #tpu.memory_space<vmem>> -> memref<98x256xf32, #tpu.memory_space<vmem>>
            %dma_wait3A_104 = arith.constant 0 : i32
            %dma_wait3A_105 = tpu.memref_slice %arg10[%mul3A_47, %dma_wait3A_100, %dma_wait3A_104] : memref<32x2x98xi32, #tpu.memory_space<vmem>> -> memref<1x1x98xi32, #tpu.memory_space<vmem>>
            %dma_wait3A_106 = tpu.memref_squeeze %dma_wait3A_105 : memref<1x1x98xi32, #tpu.memory_space<vmem>> -> memref<98xi32, #tpu.memory_space<vmem>>
            %dma_wait3A_107 = arith.constant 0 : i32
            %dma_wait3A_108 = arith.constant 0 : i32
            %dma_wait3A_109 = tpu.memref_slice %arg5[%dma_wait3A_107, %dma_wait3A_108] : memref<1024x256xf32, #tpu.memory_space<hbm>> -> memref<1024x256xf32, #tpu.memory_space<hbm>>
            tpu.wait_indirect_dma semaphore(%arg16 : memref<!tpu.dma_semaphore, #tpu.memory_space<semaphore_mem>>) src(%dma_wait3A_109 : memref<1024x256xf32, #tpu.memory_space<hbm>>) dst(%dma_wait3A_103 : memref<98x256xf32, #tpu.memory_space<vmem>>)
            %dma_wait3A_110 = arith.constant 1 : i32
            %dma_wait3A_111 = arith.constant 98 : i32
            %dma_wait3A_112 = arith.constant 0 : i32
            %dma_wait3A_113 = tpu.memref_slice %arg13[%dma_wait3A_111, %dma_wait3A_112] : memref<196x256xf32, #tpu.memory_space<vmem>> -> memref<98x256xf32, #tpu.memory_space<vmem>>
            %dma_wait3A_114 = arith.constant 0 : i32
            %dma_wait3A_115 = tpu.memref_slice %arg10[%mul3A_47, %dma_wait3A_110, %dma_wait3A_114] : memref<32x2x98xi32, #tpu.memory_space<vmem>> -> memref<1x1x98xi32, #tpu.memory_space<vmem>>
            %dma_wait3A_116 = tpu.memref_squeeze %dma_wait3A_115 : memref<1x1x98xi32, #tpu.memory_space<vmem>> -> memref<98xi32, #tpu.memory_space<vmem>>
            %dma_wait3A_117 = arith.constant 0 : i32
            %dma_wait3A_118 = arith.constant 0 : i32
            %dma_wait3A_119 = tpu.memref_slice %arg5[%dma_wait3A_117, %dma_wait3A_118] : memref<1024x256xf32, #tpu.memory_space<hbm>> -> memref<1024x256xf32, #tpu.memory_space<hbm>>
            tpu.wait_indirect_dma semaphore(%arg17 : memref<!tpu.dma_semaphore, #tpu.memory_space<semaphore_mem>>) src(%dma_wait3A_119 : memref<1024x256xf32, #tpu.memory_space<hbm>>) dst(%dma_wait3A_113 : memref<98x256xf32, #tpu.memory_space<vmem>>)
          }
        }
        %ge3A = arith.constant 1 : i32
        %ge3A_81 = arith.cmpi sge, %mul3A_47, %ge3A : i32
        %convert_element_type3A_82 = arith.extui %ge3A_81 : i1 to i32
        %cond3A_83 = arith.constant 0 : i32
        %cond3A_84 = arith.cmpi ne, %convert_element_type3A_82, %cond3A_83 : i32
        scf.if %cond3A_84 {
          %sub3A_96 = arith.constant 1 : i32
          %sub3A_97 = arith.subi %mul3A_47, %sub3A_96 : i32
          %add3A_98 = arith.addi %mul3A_2, %sub3A_97 : i32
          %mul3A_99 = arith.constant 49 : i32
          %mul3A_100 = arith.muli %add3A_98, %mul3A_99 : i32
          %dma_wait3A_101 = arith.constant 0 : i32
          %dma_wait3A_102 = tpu.memref_slice %arg9[%mul3A_100, %dma_wait3A_101] : memref<49000x256xf32, #tpu.memory_space<hbm>> -> memref<49x256xf32, #tpu.memory_space<hbm>>
          %dma_wait3A_103 = arith.constant 0 : i32
          %dma_wait3A_104 = tpu.memref_slice %arg9[%mul3A_100, %dma_wait3A_103] : memref<49000x256xf32, #tpu.memory_space<hbm>> -> memref<49x256xf32, #tpu.memory_space<hbm>>
          tpu.wait_dma2 semaphore(%arg20 : memref<!tpu.dma_semaphore, #tpu.memory_space<semaphore_mem>>) src(%arg15 : memref<49x256xf32, #tpu.memory_space<vmem>>) dst(%dma_wait3A_104 : memref<49x256xf32, #tpu.memory_space<hbm>>)
        } else {
        }
        %scan3A = arith.constant 0 : i32
        %scan3A_85 = arith.constant 0 : i32
        %scan3A_86 = arith.constant 49 : i32
        %scan3A_87 = arith.addi %scan3A_85, %scan3A_86 : i32
        %scan3A_88 = arith.constant 1 : i32
        scf.for %scan3A_96 = %scan3A_85 to %scan3A_87 step %scan3A_88  : i32 {
          %get3A_97 = arith.index_cast %mul3A_47 : i32 to index
          %get3A_98 = arith.index_cast %scan3A_96 : i32 to index
          %get3A_99 = tpu.vector_load %arg11[%get3A_97, %get3A_98] {strides = array<i32>} : memref<32x216xf32, #tpu.memory_space<vmem>>, vector<1x16xf32>,
          %get3A_100 = vector.shape_cast %get3A_99 : vector<1x16xf32> to vector<16xf32>
          %slice3A_101 = vector.extract_strided_slice %get3A_100 {offsets = [0], sizes = [1], strides = [1]} : vector<16xf32> to vector<1xf32>
          %squeeze3A_102 = vector.extract %slice3A_101[0] : f32 from vector<1xf32>
          %add3A_103 = arith.constant 49 : i32
          %add3A_104 = arith.addi %add3A_103, %scan3A_96 : i32
          %get3A_105 = arith.index_cast %mul3A_47 : i32 to index
          %get3A_106 = arith.index_cast %add3A_104 : i32 to index
          %get3A_107 = tpu.vector_load %arg11[%get3A_105, %get3A_106] {strides = array<i32>} : memref<32x216xf32, #tpu.memory_space<vmem>>, vector<1x16xf32>,
          %get3A_108 = vector.shape_cast %get3A_107 : vector<1x16xf32> to vector<16xf32>
          %slice3A_109 = vector.extract_strided_slice %get3A_108 {offsets = [0], sizes = [1], strides = [1]} : vector<16xf32> to vector<1xf32>
          %squeeze3A_110 = vector.extract %slice3A_109[0] : f32 from vector<1xf32>
          %add3A_111 = arith.constant 98 : i32
          %add3A_112 = arith.addi %add3A_111, %scan3A_96 : i32
          %get3A_113 = arith.index_cast %mul3A_47 : i32 to index
          %get3A_114 = arith.index_cast %add3A_112 : i32 to index
          %get3A_115 = tpu.vector_load %arg11[%get3A_113, %get3A_114] {strides = array<i32>} : memref<32x216xf32, #tpu.memory_space<vmem>>, vector<1x16xf32>,
          %get3A_116 = vector.shape_cast %get3A_115 : vector<1x16xf32> to vector<16xf32>
          %slice3A_117 = vector.extract_strided_slice %get3A_116 {offsets = [0], sizes = [1], strides = [1]} : vector<16xf32> to vector<1xf32>
          %squeeze3A_118 = vector.extract %slice3A_117[0] : f32 from vector<1xf32>
          %add3A_119 = arith.constant 147 : i32
          %add3A_120 = arith.addi %add3A_119, %scan3A_96 : i32
          %get3A_121 = arith.index_cast %mul3A_47 : i32 to index
          %get3A_122 = arith.index_cast %add3A_120 : i32 to index
          %get3A_123 = tpu.vector_load %arg11[%get3A_121, %get3A_122] {strides = array<i32>} : memref<32x216xf32, #tpu.memory_space<vmem>>, vector<1x16xf32>,
          %get3A_124 = vector.shape_cast %get3A_123 : vector<1x16xf32> to vector<16xf32>
          %slice3A_125 = vector.extract_strided_slice %get3A_124 {offsets = [0], sizes = [1], strides = [1]} : vector<16xf32> to vector<1xf32>
          %squeeze3A_126 = vector.extract %slice3A_125[0] : f32 from vector<1xf32>
          %get3A_127 = arith.index_cast %scan3A_96 : i32 to index
          %get3A_128 = arith.constant 0 : index
          %get3A_129 = tpu.vector_load %arg13[%get3A_127, %get3A_128] {strides = array<i32>} : memref<196x256xf32, #tpu.memory_space<vmem>>, vector<1x16xf32>,
          %get3A_130 = vector.shape_cast %get3A_129 : vector<1x16xf32> to vector<16xf32>
          %mul3A_131 = vector.broadcast %squeeze3A_102 : f32 to vector<16xf32>
          %mul3A_132 = arith.mulf %mul3A_131, %get3A_130 : vector<16xf32>
          %add3A_133 = arith.constant 49 : i32
          %add3A_134 = arith.addi %add3A_133, %scan3A_96 : i32
          %get3A_135 = arith.index_cast %add3A_134 : i32 to index
          %get3A_136 = arith.constant 0 : index
          %get3A_137 = tpu.vector_load %arg13[%get3A_135, %get3A_136] {strides = array<i32>} : memref<196x256xf32, #tpu.memory_space<vmem>>, vector<1x16xf32>,
          %get3A_138 = vector.shape_cast %get3A_137 : vector<1x16xf32> to vector<16xf32>
          %mul3A_139 = vector.broadcast %squeeze3A_110 : f32 to vector<16xf32>
          %mul3A_140 = arith.mulf %mul3A_139, %get3A_138 : vector<16xf32>
          %add3A_141 = arith.addf %mul3A_132, %mul3A_140 : vector<16xf32>
          %add3A_142 = arith.constant 98 : i32
          %add3A_143 = arith.addi %add3A_142, %scan3A_96 : i32
          %get3A_144 = arith.index_cast %add3A_143 : i32 to index
          %get3A_145 = arith.constant 0 : index
          %get3A_146 = tpu.vector_load %arg13[%get3A_144, %get3A_145] {strides = array<i32>} : memref<196x256xf32, #tpu.memory_space<vmem>>, vector<1x16xf32>,
          %get3A_147 = vector.shape_cast %get3A_146 : vector<1x16xf32> to vector<16xf32>
          %mul3A_148 = vector.broadcast %squeeze3A_118 : f32 to vector<16xf32>
          %mul3A_149 = arith.mulf %mul3A_148, %get3A_147 : vector<16xf32>
          %add3A_150 = arith.addf %add3A_141, %mul3A_149 : vector<16xf32>
          %add3A_151 = arith.constant 147 : i32
          %add3A_152 = arith.addi %add3A_151, %scan3A_96 : i32
          %get3A_153 = arith.index_cast %add3A_152 : i32 to index
          %get3A_154 = arith.constant 0 : index
          %get3A_155 = tpu.vector_load %arg13[%get3A_153, %get3A_154] {strides = array<i32>} : memref<196x256xf32, #tpu.memory_space<vmem>>, vector<1x16xf32>,
          %get3A_156 = vector.shape_cast %get3A_155 : vector<1x16xf32> to vector<16xf32>
          %mul3A_157 = vector.broadcast %squeeze3A_126 : f32 to vector<16xf32>
          %mul3A_158 = arith.mulf %mul3A_157, %get3A_156 : vector<16xf32>
          %add3A_159 = arith.addf %add3A_150, %mul3A_158 : vector<16xf32>
          %swap3A = arith.index_cast %scan3A_96 : i32 to index
          %swap3A_160 = arith.constant 0 : index
          %swap3A_161 = tpu.vector_load %arg15[%swap3A, %swap3A_160] {strides = array<i32>} : memref<49x256xf32, #tpu.memory_space<vmem>>, vector<1x16xf32>,
          %swap3A_162 = vector.shape_cast %swap3A_161 : vector<1x16xf32> to vector<16xf32>
          %swap3A_163 = vector.shape_cast %add3A_159 : vector<16xf32> to vector<1x16xf32>
          tpu.vector_store %arg15[%swap3A, %swap3A_160], %swap3A_163 {strides = array<i32>} : memref<49x256xf32, #tpu.memory_space<vmem>>, vector<1x16xf32>,
          %get3A_164 = arith.index_cast %scan3A_96 : i32 to index
          %get3A_165 = arith.constant 16 : index
          %get3A_166 = tpu.vector_load %arg13[%get3A_164, %get3A_165] {strides = array<i32>} : memref<196x256xf32, #tpu.memory_space<vmem>>, vector<1x16xf32>,
          %get3A_167 = vector.shape_cast %get3A_166 : vector<1x16xf32> to vector<16xf32>
          %mul3A_168 = vector.broadcast %squeeze3A_102 : f32 to vector<16xf32>
          %mul3A_169 = arith.mulf %mul3A_168, %get3A_167 : vector<16xf32>
          %add3A_170 = arith.constant 49 : i32
          %add3A_171 = arith.addi %add3A_170, %scan3A_96 : i32
          %get3A_172 = arith.index_cast %add3A_171 : i32 to index
          %get3A_173 = arith.constant 16 : index
          %get3A_174 = tpu.vector_load %arg13[%get3A_172, %get3A_173] {strides = array<i32>} : memref<196x256xf32, #tpu.memory_space<vmem>>, vector<1x16xf32>,
          %get3A_175 = vector.shape_cast %get3A_174 : vector<1x16xf32> to vector<16xf32>
          %mul3A_176 = vector.broadcast %squeeze3A_110 : f32 to vector<16xf32>
          %mul3A_177 = arith.mulf %mul3A_176, %get3A_175 : vector<16xf32>
          %add3A_178 = arith.addf %mul3A_169, %mul3A_177 : vector<16xf32>
          %add3A_179 = arith.constant 98 : i32
          %add3A_180 = arith.addi %add3A_179, %scan3A_96 : i32
          %get3A_181 = arith.index_cast %add3A_180 : i32 to index
          %get3A_182 = arith.constant 16 : index
          %get3A_183 = tpu.vector_load %arg13[%get3A_181, %get3A_182] {strides = array<i32>} : memref<196x256xf32, #tpu.memory_space<vmem>>, vector<1x16xf32>,
          %get3A_184 = vector.shape_cast %get3A_183 : vector<1x16xf32> to vector<16xf32>
          %mul3A_185 = vector.broadcast %squeeze3A_118 : f32 to vector<16xf32>
          %mul3A_186 = arith.mulf %mul3A_185, %get3A_184 : vector<16xf32>
          %add3A_187 = arith.addf %add3A_178, %mul3A_186 : vector<16xf32>
          %add3A_188 = arith.constant 147 : i32
          %add3A_189 = arith.addi %add3A_188, %scan3A_96 : i32
          %get3A_190 = arith.index_cast %add3A_189 : i32 to index
          %get3A_191 = arith.constant 16 : index
          %get3A_192 = tpu.vector_load %arg13[%get3A_190, %get3A_191] {strides = array<i32>} : memref<196x256xf32, #tpu.memory_space<vmem>>, vector<1x16xf32>,
          %get3A_193 = vector.shape_cast %get3A_192 : vector<1x16xf32> to vector<16xf32>
          %mul3A_194 = vector.broadcast %squeeze3A_126 : f32 to vector<16xf32>
          %mul3A_195 = arith.mulf %mul3A_194, %get3A_193 : vector<16xf32>
          %add3A_196 = arith.addf %add3A_187, %mul3A_195 : vector<16xf32>
          %swap3A_197 = arith.index_cast %scan3A_96 : i32 to index
          %swap3A_198 = arith.constant 16 : index
          %swap3A_199 = tpu.vector_load %arg15[%swap3A_197, %swap3A_198] {strides = array<i32>} : memref<49x256xf32, #tpu.memory_space<vmem>>, vector<1x16xf32>,
          %swap3A_200 = vector.shape_cast %swap3A_199 : vector<1x16xf32> to vector<16xf32>
          %swap3A_201 = vector.shape_cast %add3A_196 : vector<16xf32> to vector<1x16xf32>
          tpu.vector_store %arg15[%swap3A_197, %swap3A_198], %swap3A_201 {strides = array<i32>} : memref<49x256xf32, #tpu.memory_space<vmem>>, vector<1x16xf32>,
          %get3A_202 = arith.index_cast %scan3A_96 : i32 to index
          %get3A_203 = arith.constant 32 : index
          %get3A_204 = tpu.vector_load %arg13[%get3A_202, %get3A_203] {strides = array<i32>} : memref<196x256xf32, #tpu.memory_space<vmem>>, vector<1x16xf32>,
          %get3A_205 = vector.shape_cast %get3A_204 : vector<1x16xf32> to vector<16xf32>
          %mul3A_206 = vector.broadcast %squeeze3A_102 : f32 to vector<16xf32>
          %mul3A_207 = arith.mulf %mul3A_206, %get3A_205 : vector<16xf32>
          %add3A_208 = arith.constant 49 : i32
          %add3A_209 = arith.addi %add3A_208, %scan3A_96 : i32
          %get3A_210 = arith.index_cast %add3A_209 : i32 to index
          %get3A_211 = arith.constant 32 : index
          %get3A_212 = tpu.vector_load %arg13[%get3A_210, %get3A_211] {strides = array<i32>} : memref<196x256xf32, #tpu.memory_space<vmem>>, vector<1x16xf32>,
          %get3A_213 = vector.shape_cast %get3A_212 : vector<1x16xf32> to vector<16xf32>
          %mul3A_214 = vector.broadcast %squeeze3A_110 : f32 to vector<16xf32>
          %mul3A_215 = arith.mulf %mul3A_214, %get3A_213 : vector<16xf32>
          %add3A_216 = arith.addf %mul3A_207, %mul3A_215 : vector<16xf32>
          %add3A_217 = arith.constant 98 : i32
          %add3A_218 = arith.addi %add3A_217, %scan3A_96 : i32
          %get3A_219 = arith.index_cast %add3A_218 : i32 to index
          %get3A_220 = arith.constant 32 : index
          %get3A_221 = tpu.vector_load %arg13[%get3A_219, %get3A_220] {strides = array<i32>} : memref<196x256xf32, #tpu.memory_space<vmem>>, vector<1x16xf32>,
          %get3A_222 = vector.shape_cast %get3A_221 : vector<1x16xf32> to vector<16xf32>
          %mul3A_223 = vector.broadcast %squeeze3A_118 : f32 to vector<16xf32>
          %mul3A_224 = arith.mulf %mul3A_223, %get3A_222 : vector<16xf32>
          %add3A_225 = arith.addf %add3A_216, %mul3A_224 : vector<16xf32>
          %add3A_226 = arith.constant 147 : i32
          %add3A_227 = arith.addi %add3A_226, %scan3A_96 : i32
          %get3A_228 = arith.index_cast %add3A_227 : i32 to index
          %get3A_229 = arith.constant 32 : index
          %get3A_230 = tpu.vector_load %arg13[%get3A_228, %get3A_229] {strides = array<i32>} : memref<196x256xf32, #tpu.memory_space<vmem>>, vector<1x16xf32>,
          %get3A_231 = vector.shape_cast %get3A_230 : vector<1x16xf32> to vector<16xf32>
          %mul3A_232 = vector.broadcast %squeeze3A_126 : f32 to vector<16xf32>
          %mul3A_233 = arith.mulf %mul3A_232, %get3A_231 : vector<16xf32>
          %add3A_234 = arith.addf %add3A_225, %mul3A_233 : vector<16xf32>
          %swap3A_235 = arith.index_cast %scan3A_96 : i32 to index
          %swap3A_236 = arith.constant 32 : index
          %swap3A_237 = tpu.vector_load %arg15[%swap3A_235, %swap3A_236] {strides = array<i32>} : memref<49x256xf32, #tpu.memory_space<vmem>>, vector<1x16xf32>,
          %swap3A_238 = vector.shape_cast %swap3A_237 : vector<1x16xf32> to vector<16xf32>
          %swap3A_239 = vector.shape_cast %add3A_234 : vector<16xf32> to vector<1x16xf32>
          tpu.vector_store %arg15[%swap3A_235, %swap3A_236], %swap3A_239 {strides = array<i32>} : memref<49x256xf32, #tpu.memory_space<vmem>>, vector<1x16xf32>,
          %get3A_240 = arith.index_cast %scan3A_96 : i32 to index
          %get3A_241 = arith.constant 48 : index
          %get3A_242 = tpu.vector_load %arg13[%get3A_240, %get3A_241] {strides = array<i32>} : memref<196x256xf32, #tpu.memory_space<vmem>>, vector<1x16xf32>,
          %get3A_243 = vector.shape_cast %get3A_242 : vector<1x16xf32> to vector<16xf32>
          %mul3A_244 = vector.broadcast %squeeze3A_102 : f32 to vector<16xf32>
          %mul3A_245 = arith.mulf %mul3A_244, %get3A_243 : vector<16xf32>
          %add3A_246 = arith.constant 49 : i32
          %add3A_247 = arith.addi %add3A_246, %scan3A_96 : i32
          %get3A_248 = arith.index_cast %add3A_247 : i32 to index
          %get3A_249 = arith.constant 48 : index
          %get3A_250 = tpu.vector_load %arg13[%get3A_248, %get3A_249] {strides = array<i32>} : memref<196x256xf32, #tpu.memory_space<vmem>>, vector<1x16xf32>,
          %get3A_251 = vector.shape_cast %get3A_250 : vector<1x16xf32> to vector<16xf32>
          %mul3A_252 = vector.broadcast %squeeze3A_110 : f32 to vector<16xf32>
          %mul3A_253 = arith.mulf %mul3A_252, %get3A_251 : vector<16xf32>
          %add3A_254 = arith.addf %mul3A_245, %mul3A_253 : vector<16xf32>
          %add3A_255 = arith.constant 98 : i32
          %add3A_256 = arith.addi %add3A_255, %scan3A_96 : i32
          %get3A_257 = arith.index_cast %add3A_256 : i32 to index
          %get3A_258 = arith.constant 48 : index
          %get3A_259 = tpu.vector_load %arg13[%get3A_257, %get3A_258] {strides = array<i32>} : memref<196x256xf32, #tpu.memory_space<vmem>>, vector<1x16xf32>,
          %get3A_260 = vector.shape_cast %get3A_259 : vector<1x16xf32> to vector<16xf32>
          %mul3A_261 = vector.broadcast %squeeze3A_118 : f32 to vector<16xf32>
          %mul3A_262 = arith.mulf %mul3A_261, %get3A_260 : vector<16xf32>
          %add3A_263 = arith.addf %add3A_254, %mul3A_262 : vector<16xf32>
          %add3A_264 = arith.constant 147 : i32
          %add3A_265 = arith.addi %add3A_264, %scan3A_96 : i32
          %get3A_266 = arith.index_cast %add3A_265 : i32 to index
          %get3A_267 = arith.constant 48 : index
          %get3A_268 = tpu.vector_load %arg13[%get3A_266, %get3A_267] {strides = array<i32>} : memref<196x256xf32, #tpu.memory_space<vmem>>, vector<1x16xf32>,
          %get3A_269 = vector.shape_cast %get3A_268 : vector<1x16xf32> to vector<16xf32>
          %mul3A_270 = vector.broadcast %squeeze3A_126 : f32 to vector<16xf32>
          %mul3A_271 = arith.mulf %mul3A_270, %get3A_269 : vector<16xf32>
          %add3A_272 = arith.addf %add3A_263, %mul3A_271 : vector<16xf32>
          %swap3A_273 = arith.index_cast %scan3A_96 : i32 to index
          %swap3A_274 = arith.constant 48 : index
          %swap3A_275 = tpu.vector_load %arg15[%swap3A_273, %swap3A_274] {strides = array<i32>} : memref<49x256xf32, #tpu.memory_space<vmem>>, vector<1x16xf32>,
          %swap3A_276 = vector.shape_cast %swap3A_275 : vector<1x16xf32> to vector<16xf32>
          %swap3A_277 = vector.shape_cast %add3A_272 : vector<16xf32> to vector<1x16xf32>
          tpu.vector_store %arg15[%swap3A_273, %swap3A_274], %swap3A_277 {strides = array<i32>} : memref<49x256xf32, #tpu.memory_space<vmem>>, vector<1x16xf32>,
          %get3A_278 = arith.index_cast %scan3A_96 : i32 to index
          %get3A_279 = arith.constant 64 : index
          %get3A_280 = tpu.vector_load %arg13[%get3A_278, %get3A_279] {strides = array<i32>} : memref<196x256xf32, #tpu.memory_space<vmem>>, vector<1x16xf32>,
          %get3A_281 = vector.shape_cast %get3A_280 : vector<1x16xf32> to vector<16xf32>
          %mul3A_282 = vector.broadcast %squeeze3A_102 : f32 to vector<16xf32>
          %mul3A_283 = arith.mulf %mul3A_282, %get3A_281 : vector<16xf32>
          %add3A_284 = arith.constant 49 : i32
          %add3A_285 = arith.addi %add3A_284, %scan3A_96 : i32
          %get3A_286 = arith.index_cast %add3A_285 : i32 to index
          %get3A_287 = arith.constant 64 : index
          %get3A_288 = tpu.vector_load %arg13[%get3A_286, %get3A_287] {strides = array<i32>} : memref<196x256xf32, #tpu.memory_space<vmem>>, vector<1x16xf32>,
          %get3A_289 = vector.shape_cast %get3A_288 : vector<1x16xf32> to vector<16xf32>
          %mul3A_290 = vector.broadcast %squeeze3A_110 : f32 to vector<16xf32>
          %mul3A_291 = arith.mulf %mul3A_290, %get3A_289 : vector<16xf32>
          %add3A_292 = arith.addf %mul3A_283, %mul3A_291 : vector<16xf32>
          %add3A_293 = arith.constant 98 : i32
          %add3A_294 = arith.addi %add3A_293, %scan3A_96 : i32
          %get3A_295 = arith.index_cast %add3A_294 : i32 to index
          %get3A_296 = arith.constant 64 : index
          %get3A_297 = tpu.vector_load %arg13[%get3A_295, %get3A_296] {strides = array<i32>} : memref<196x256xf32, #tpu.memory_space<vmem>>, vector<1x16xf32>,
          %get3A_298 = vector.shape_cast %get3A_297 : vector<1x16xf32> to vector<16xf32>
          %mul3A_299 = vector.broadcast %squeeze3A_118 : f32 to vector<16xf32>
          %mul3A_300 = arith.mulf %mul3A_299, %get3A_298 : vector<16xf32>
          %add3A_301 = arith.addf %add3A_292, %mul3A_300 : vector<16xf32>
          %add3A_302 = arith.constant 147 : i32
          %add3A_303 = arith.addi %add3A_302, %scan3A_96 : i32
          %get3A_304 = arith.index_cast %add3A_303 : i32 to index
          %get3A_305 = arith.constant 64 : index
          %get3A_306 = tpu.vector_load %arg13[%get3A_304, %get3A_305] {strides = array<i32>} : memref<196x256xf32, #tpu.memory_space<vmem>>, vector<1x16xf32>,
          %get3A_307 = vector.shape_cast %get3A_306 : vector<1x16xf32> to vector<16xf32>
          %mul3A_308 = vector.broadcast %squeeze3A_126 : f32 to vector<16xf32>
          %mul3A_309 = arith.mulf %mul3A_308, %get3A_307 : vector<16xf32>
          %add3A_310 = arith.addf %add3A_301, %mul3A_309 : vector<16xf32>
          %swap3A_311 = arith.index_cast %scan3A_96 : i32 to index
          %swap3A_312 = arith.constant 64 : index
          %swap3A_313 = tpu.vector_load %arg15[%swap3A_311, %swap3A_312] {strides = array<i32>} : memref<49x256xf32, #tpu.memory_space<vmem>>, vector<1x16xf32>,
          %swap3A_314 = vector.shape_cast %swap3A_313 : vector<1x16xf32> to vector<16xf32>
          %swap3A_315 = vector.shape_cast %add3A_310 : vector<16xf32> to vector<1x16xf32>
          tpu.vector_store %arg15[%swap3A_311, %swap3A_312], %swap3A_315 {strides = array<i32>} : memref<49x256xf32, #tpu.memory_space<vmem>>, vector<1x16xf32>,
          %get3A_316 = arith.index_cast %scan3A_96 : i32 to index
          %get3A_317 = arith.constant 80 : index
          %get3A_318 = tpu.vector_load %arg13[%get3A_316, %get3A_317] {strides = array<i32>} : memref<196x256xf32, #tpu.memory_space<vmem>>, vector<1x16xf32>,
          %get3A_319 = vector.shape_cast %get3A_318 : vector<1x16xf32> to vector<16xf32>
          %mul3A_320 = vector.broadcast %squeeze3A_102 : f32 to vector<16xf32>
          %mul3A_321 = arith.mulf %mul3A_320, %get3A_319 : vector<16xf32>
          %add3A_322 = arith.constant 49 : i32
          %add3A_323 = arith.addi %add3A_322, %scan3A_96 : i32
          %get3A_324 = arith.index_cast %add3A_323 : i32 to index
          %get3A_325 = arith.constant 80 : index
          %get3A_326 = tpu.vector_load %arg13[%get3A_324, %get3A_325] {strides = array<i32>} : memref<196x256xf32, #tpu.memory_space<vmem>>, vector<1x16xf32>,
          %get3A_327 = vector.shape_cast %get3A_326 : vector<1x16xf32> to vector<16xf32>
          %mul3A_328 = vector.broadcast %squeeze3A_110 : f32 to vector<16xf32>
          %mul3A_329 = arith.mulf %mul3A_328, %get3A_327 : vector<16xf32>
          %add3A_330 = arith.addf %mul3A_321, %mul3A_329 : vector<16xf32>
          %add3A_331 = arith.constant 98 : i32
          %add3A_332 = arith.addi %add3A_331, %scan3A_96 : i32
          %get3A_333 = arith.index_cast %add3A_332 : i32 to index
          %get3A_334 = arith.constant 80 : index
          %get3A_335 = tpu.vector_load %arg13[%get3A_333, %get3A_334] {strides = array<i32>} : memref<196x256xf32, #tpu.memory_space<vmem>>, vector<1x16xf32>,
          %get3A_336 = vector.shape_cast %get3A_335 : vector<1x16xf32> to vector<16xf32>
          %mul3A_337 = vector.broadcast %squeeze3A_118 : f32 to vector<16xf32>
          %mul3A_338 = arith.mulf %mul3A_337, %get3A_336 : vector<16xf32>
          %add3A_339 = arith.addf %add3A_330, %mul3A_338 : vector<16xf32>
          %add3A_340 = arith.constant 147 : i32
          %add3A_341 = arith.addi %add3A_340, %scan3A_96 : i32
          %get3A_342 = arith.index_cast %add3A_341 : i32 to index
          %get3A_343 = arith.constant 80 : index
          %get3A_344 = tpu.vector_load %arg13[%get3A_342, %get3A_343] {strides = array<i32>} : memref<196x256xf32, #tpu.memory_space<vmem>>, vector<1x16xf32>,
          %get3A_345 = vector.shape_cast %get3A_344 : vector<1x16xf32> to vector<16xf32>
          %mul3A_346 = vector.broadcast %squeeze3A_126 : f32 to vector<16xf32>
          %mul3A_347 = arith.mulf %mul3A_346, %get3A_345 : vector<16xf32>
          %add3A_348 = arith.addf %add3A_339, %mul3A_347 : vector<16xf32>
          %swap3A_349 = arith.index_cast %scan3A_96 : i32 to index
          %swap3A_350 = arith.constant 80 : index
          %swap3A_351 = tpu.vector_load %arg15[%swap3A_349, %swap3A_350] {strides = array<i32>} : memref<49x256xf32, #tpu.memory_space<vmem>>, vector<1x16xf32>,
          %swap3A_352 = vector.shape_cast %swap3A_351 : vector<1x16xf32> to vector<16xf32>
          %swap3A_353 = vector.shape_cast %add3A_348 : vector<16xf32> to vector<1x16xf32>
          tpu.vector_store %arg15[%swap3A_349, %swap3A_350], %swap3A_353 {strides = array<i32>} : memref<49x256xf32, #tpu.memory_space<vmem>>, vector<1x16xf32>,
          %get3A_354 = arith.index_cast %scan3A_96 : i32 to index
          %get3A_355 = arith.constant 96 : index
          %get3A_356 = tpu.vector_load %arg13[%get3A_354, %get3A_355] {strides = array<i32>} : memref<196x256xf32, #tpu.memory_space<vmem>>, vector<1x16xf32>,
          %get3A_357 = vector.shape_cast %get3A_356 : vector<1x16xf32> to vector<16xf32>
          %mul3A_358 = vector.broadcast %squeeze3A_102 : f32 to vector<16xf32>
          %mul3A_359 = arith.mulf %mul3A_358, %get3A_357 : vector<16xf32>
          %add3A_360 = arith.constant 49 : i32
          %add3A_361 = arith.addi %add3A_360, %scan3A_96 : i32
          %get3A_362 = arith.index_cast %add3A_361 : i32 to index
          %get3A_363 = arith.constant 96 : index
          %get3A_364 = tpu.vector_load %arg13[%get3A_362, %get3A_363] {strides = array<i32>} : memref<196x256xf32, #tpu.memory_space<vmem>>, vector<1x16xf32>,
          %get3A_365 = vector.shape_cast %get3A_364 : vector<1x16xf32> to vector<16xf32>
          %mul3A_366 = vector.broadcast %squeeze3A_110 : f32 to vector<16xf32>
          %mul3A_367 = arith.mulf %mul3A_366, %get3A_365 : vector<16xf32>
          %add3A_368 = arith.addf %mul3A_359, %mul3A_367 : vector<16xf32>
          %add3A_369 = arith.constant 98 : i32
          %add3A_370 = arith.addi %add3A_369, %scan3A_96 : i32
          %get3A_371 = arith.index_cast %add3A_370 : i32 to index
          %get3A_372 = arith.constant 96 : index
          %get3A_373 = tpu.vector_load %arg13[%get3A_371, %get3A_372] {strides = array<i32>} : memref<196x256xf32, #tpu.memory_space<vmem>>, vector<1x16xf32>,
          %get3A_374 = vector.shape_cast %get3A_373 : vector<1x16xf32> to vector<16xf32>
          %mul3A_375 = vector.broadcast %squeeze3A_118 : f32 to vector<16xf32>
          %mul3A_376 = arith.mulf %mul3A_375, %get3A_374 : vector<16xf32>
          %add3A_377 = arith.addf %add3A_368, %mul3A_376 : vector<16xf32>
          %add3A_378 = arith.constant 147 : i32
          %add3A_379 = arith.addi %add3A_378, %scan3A_96 : i32
          %get3A_380 = arith.index_cast %add3A_379 : i32 to index
          %get3A_381 = arith.constant 96 : index
          %get3A_382 = tpu.vector_load %arg13[%get3A_380, %get3A_381] {strides = array<i32>} : memref<196x256xf32, #tpu.memory_space<vmem>>, vector<1x16xf32>,
          %get3A_383 = vector.shape_cast %get3A_382 : vector<1x16xf32> to vector<16xf32>
          %mul3A_384 = vector.broadcast %squeeze3A_126 : f32 to vector<16xf32>
          %mul3A_385 = arith.mulf %mul3A_384, %get3A_383 : vector<16xf32>
          %add3A_386 = arith.addf %add3A_377, %mul3A_385 : vector<16xf32>
          %swap3A_387 = arith.index_cast %scan3A_96 : i32 to index
          %swap3A_388 = arith.constant 96 : index
          %swap3A_389 = tpu.vector_load %arg15[%swap3A_387, %swap3A_388] {strides = array<i32>} : memref<49x256xf32, #tpu.memory_space<vmem>>, vector<1x16xf32>,
          %swap3A_390 = vector.shape_cast %swap3A_389 : vector<1x16xf32> to vector<16xf32>
          %swap3A_391 = vector.shape_cast %add3A_386 : vector<16xf32> to vector<1x16xf32>
          tpu.vector_store %arg15[%swap3A_387, %swap3A_388], %swap3A_391 {strides = array<i32>} : memref<49x256xf32, #tpu.memory_space<vmem>>, vector<1x16xf32>,
          %get3A_392 = arith.index_cast %scan3A_96 : i32 to index
          %get3A_393 = arith.constant 112 : index
          %get3A_394 = tpu.vector_load %arg13[%get3A_392, %get3A_393] {strides = array<i32>} : memref<196x256xf32, #tpu.memory_space<vmem>>, vector<1x16xf32>,
          %get3A_395 = vector.shape_cast %get3A_394 : vector<1x16xf32> to vector<16xf32>
          %mul3A_396 = vector.broadcast %squeeze3A_102 : f32 to vector<16xf32>
          %mul3A_397 = arith.mulf %mul3A_396, %get3A_395 : vector<16xf32>
          %add3A_398 = arith.constant 49 : i32
          %add3A_399 = arith.addi %add3A_398, %scan3A_96 : i32
          %get3A_400 = arith.index_cast %add3A_399 : i32 to index
          %get3A_401 = arith.constant 112 : index
          %get3A_402 = tpu.vector_load %arg13[%get3A_400, %get3A_401] {strides = array<i32>} : memref<196x256xf32, #tpu.memory_space<vmem>>, vector<1x16xf32>,
          %get3A_403 = vector.shape_cast %get3A_402 : vector<1x16xf32> to vector<16xf32>
          %mul3A_404 = vector.broadcast %squeeze3A_110 : f32 to vector<16xf32>
          %mul3A_405 = arith.mulf %mul3A_404, %get3A_403 : vector<16xf32>
          %add3A_406 = arith.addf %mul3A_397, %mul3A_405 : vector<16xf32>
          %add3A_407 = arith.constant 98 : i32
          %add3A_408 = arith.addi %add3A_407, %scan3A_96 : i32
          %get3A_409 = arith.index_cast %add3A_408 : i32 to index
          %get3A_410 = arith.constant 112 : index
          %get3A_411 = tpu.vector_load %arg13[%get3A_409, %get3A_410] {strides = array<i32>} : memref<196x256xf32, #tpu.memory_space<vmem>>, vector<1x16xf32>,
          %get3A_412 = vector.shape_cast %get3A_411 : vector<1x16xf32> to vector<16xf32>
          %mul3A_413 = vector.broadcast %squeeze3A_118 : f32 to vector<16xf32>
          %mul3A_414 = arith.mulf %mul3A_413, %get3A_412 : vector<16xf32>
          %add3A_415 = arith.addf %add3A_406, %mul3A_414 : vector<16xf32>
          %add3A_416 = arith.constant 147 : i32
          %add3A_417 = arith.addi %add3A_416, %scan3A_96 : i32
          %get3A_418 = arith.index_cast %add3A_417 : i32 to index
          %get3A_419 = arith.constant 112 : index
          %get3A_420 = tpu.vector_load %arg13[%get3A_418, %get3A_419] {strides = array<i32>} : memref<196x256xf32, #tpu.memory_space<vmem>>, vector<1x16xf32>,
          %get3A_421 = vector.shape_cast %get3A_420 : vector<1x16xf32> to vector<16xf32>
          %mul3A_422 = vector.broadcast %squeeze3A_126 : f32 to vector<16xf32>
          %mul3A_423 = arith.mulf %mul3A_422, %get3A_421 : vector<16xf32>
          %add3A_424 = arith.addf %add3A_415, %mul3A_423 : vector<16xf32>
          %swap3A_425 = arith.index_cast %scan3A_96 : i32 to index
          %swap3A_426 = arith.constant 112 : index
          %swap3A_427 = tpu.vector_load %arg15[%swap3A_425, %swap3A_426] {strides = array<i32>} : memref<49x256xf32, #tpu.memory_space<vmem>>, vector<1x16xf32>,
          %swap3A_428 = vector.shape_cast %swap3A_427 : vector<1x16xf32> to vector<16xf32>
          %swap3A_429 = vector.shape_cast %add3A_424 : vector<16xf32> to vector<1x16xf32>
          tpu.vector_store %arg15[%swap3A_425, %swap3A_426], %swap3A_429 {strides = array<i32>} : memref<49x256xf32, #tpu.memory_space<vmem>>, vector<1x16xf32>,
          %get3A_430 = arith.index_cast %scan3A_96 : i32 to index
          %get3A_431 = arith.constant 128 : index
          %get3A_432 = tpu.vector_load %arg13[%get3A_430, %get3A_431] {strides = array<i32>} : memref<196x256xf32, #tpu.memory_space<vmem>>, vector<1x16xf32>,
          %get3A_433 = vector.shape_cast %get3A_432 : vector<1x16xf32> to vector<16xf32>
          %mul3A_434 = vector.broadcast %squeeze3A_102 : f32 to vector<16xf32>
          %mul3A_435 = arith.mulf %mul3A_434, %get3A_433 : vector<16xf32>
          %add3A_436 = arith.constant 49 : i32
          %add3A_437 = arith.addi %add3A_436, %scan3A_96 : i32
          %get3A_438 = arith.index_cast %add3A_437 : i32 to index
          %get3A_439 = arith.constant 128 : index
          %get3A_440 = tpu.vector_load %arg13[%get3A_438, %get3A_439] {strides = array<i32>} : memref<196x256xf32, #tpu.memory_space<vmem>>, vector<1x16xf32>,
          %get3A_441 = vector.shape_cast %get3A_440 : vector<1x16xf32> to vector<16xf32>
          %mul3A_442 = vector.broadcast %squeeze3A_110 : f32 to vector<16xf32>
          %mul3A_443 = arith.mulf %mul3A_442, %get3A_441 : vector<16xf32>
          %add3A_444 = arith.addf %mul3A_435, %mul3A_443 : vector<16xf32>
          %add3A_445 = arith.constant 98 : i32
          %add3A_446 = arith.addi %add3A_445, %scan3A_96 : i32
          %get3A_447 = arith.index_cast %add3A_446 : i32 to index
          %get3A_448 = arith.constant 128 : index
          %get3A_449 = tpu.vector_load %arg13[%get3A_447, %get3A_448] {strides = array<i32>} : memref<196x256xf32, #tpu.memory_space<vmem>>, vector<1x16xf32>,
          %get3A_450 = vector.shape_cast %get3A_449 : vector<1x16xf32> to vector<16xf32>
          %mul3A_451 = vector.broadcast %squeeze3A_118 : f32 to vector<16xf32>
          %mul3A_452 = arith.mulf %mul3A_451, %get3A_450 : vector<16xf32>
          %add3A_453 = arith.addf %add3A_444, %mul3A_452 : vector<16xf32>
          %add3A_454 = arith.constant 147 : i32
          %add3A_455 = arith.addi %add3A_454, %scan3A_96 : i32
          %get3A_456 = arith.index_cast %add3A_455 : i32 to index
          %get3A_457 = arith.constant 128 : index
          %get3A_458 = tpu.vector_load %arg13[%get3A_456, %get3A_457] {strides = array<i32>} : memref<196x256xf32, #tpu.memory_space<vmem>>, vector<1x16xf32>,
          %get3A_459 = vector.shape_cast %get3A_458 : vector<1x16xf32> to vector<16xf32>
          %mul3A_460 = vector.broadcast %squeeze3A_126 : f32 to vector<16xf32>
          %mul3A_461 = arith.mulf %mul3A_460, %get3A_459 : vector<16xf32>
          %add3A_462 = arith.addf %add3A_453, %mul3A_461 : vector<16xf32>
          %swap3A_463 = arith.index_cast %scan3A_96 : i32 to index
          %swap3A_464 = arith.constant 128 : index
          %swap3A_465 = tpu.vector_load %arg15[%swap3A_463, %swap3A_464] {strides = array<i32>} : memref<49x256xf32, #tpu.memory_space<vmem>>, vector<1x16xf32>,
          %swap3A_466 = vector.shape_cast %swap3A_465 : vector<1x16xf32> to vector<16xf32>
          %swap3A_467 = vector.shape_cast %add3A_462 : vector<16xf32> to vector<1x16xf32>
          tpu.vector_store %arg15[%swap3A_463, %swap3A_464], %swap3A_467 {strides = array<i32>} : memref<49x256xf32, #tpu.memory_space<vmem>>, vector<1x16xf32>,
          %get3A_468 = arith.index_cast %scan3A_96 : i32 to index
          %get3A_469 = arith.constant 144 : index
          %get3A_470 = tpu.vector_load %arg13[%get3A_468, %get3A_469] {strides = array<i32>} : memref<196x256xf32, #tpu.memory_space<vmem>>, vector<1x16xf32>,
          %get3A_471 = vector.shape_cast %get3A_470 : vector<1x16xf32> to vector<16xf32>
          %mul3A_472 = vector.broadcast %squeeze3A_102 : f32 to vector<16xf32>
          %mul3A_473 = arith.mulf %mul3A_472, %get3A_471 : vector<16xf32>
          %add3A_474 = arith.constant 49 : i32
          %add3A_475 = arith.addi %add3A_474, %scan3A_96 : i32
          %get3A_476 = arith.index_cast %add3A_475 : i32 to index
          %get3A_477 = arith.constant 144 : index
          %get3A_478 = tpu.vector_load %arg13[%get3A_476, %get3A_477] {strides = array<i32>} : memref<196x256xf32, #tpu.memory_space<vmem>>, vector<1x16xf32>,
          %get3A_479 = vector.shape_cast %get3A_478 : vector<1x16xf32> to vector<16xf32>
          %mul3A_480 = vector.broadcast %squeeze3A_110 : f32 to vector<16xf32>
          %mul3A_481 = arith.mulf %mul3A_480, %get3A_479 : vector<16xf32>
          %add3A_482 = arith.addf %mul3A_473, %mul3A_481 : vector<16xf32>
          %add3A_483 = arith.constant 98 : i32
          %add3A_484 = arith.addi %add3A_483, %scan3A_96 : i32
          %get3A_485 = arith.index_cast %add3A_484 : i32 to index
          %get3A_486 = arith.constant 144 : index
          %get3A_487 = tpu.vector_load %arg13[%get3A_485, %get3A_486] {strides = array<i32>} : memref<196x256xf32, #tpu.memory_space<vmem>>, vector<1x16xf32>,
          %get3A_488 = vector.shape_cast %get3A_487 : vector<1x16xf32> to vector<16xf32>
          %mul3A_489 = vector.broadcast %squeeze3A_118 : f32 to vector<16xf32>
          %mul3A_490 = arith.mulf %mul3A_489, %get3A_488 : vector<16xf32>
          %add3A_491 = arith.addf %add3A_482, %mul3A_490 : vector<16xf32>
          %add3A_492 = arith.constant 147 : i32
          %add3A_493 = arith.addi %add3A_492, %scan3A_96 : i32
          %get3A_494 = arith.index_cast %add3A_493 : i32 to index
          %get3A_495 = arith.constant 144 : index
          %get3A_496 = tpu.vector_load %arg13[%get3A_494, %get3A_495] {strides = array<i32>} : memref<196x256xf32, #tpu.memory_space<vmem>>, vector<1x16xf32>,
          %get3A_497 = vector.shape_cast %get3A_496 : vector<1x16xf32> to vector<16xf32>
          %mul3A_498 = vector.broadcast %squeeze3A_126 : f32 to vector<16xf32>
          %mul3A_499 = arith.mulf %mul3A_498, %get3A_497 : vector<16xf32>
          %add3A_500 = arith.addf %add3A_491, %mul3A_499 : vector<16xf32>
          %swap3A_501 = arith.index_cast %scan3A_96 : i32 to index
          %swap3A_502 = arith.constant 144 : index
          %swap3A_503 = tpu.vector_load %arg15[%swap3A_501, %swap3A_502] {strides = array<i32>} : memref<49x256xf32, #tpu.memory_space<vmem>>, vector<1x16xf32>,
          %swap3A_504 = vector.shape_cast %swap3A_503 : vector<1x16xf32> to vector<16xf32>
          %swap3A_505 = vector.shape_cast %add3A_500 : vector<16xf32> to vector<1x16xf32>
          tpu.vector_store %arg15[%swap3A_501, %swap3A_502], %swap3A_505 {strides = array<i32>} : memref<49x256xf32, #tpu.memory_space<vmem>>, vector<1x16xf32>,
          %get3A_506 = arith.index_cast %scan3A_96 : i32 to index
          %get3A_507 = arith.constant 160 : index
          %get3A_508 = tpu.vector_load %arg13[%get3A_506, %get3A_507] {strides = array<i32>} : memref<196x256xf32, #tpu.memory_space<vmem>>, vector<1x16xf32>,
          %get3A_509 = vector.shape_cast %get3A_508 : vector<1x16xf32> to vector<16xf32>
          %mul3A_510 = vector.broadcast %squeeze3A_102 : f32 to vector<16xf32>
          %mul3A_511 = arith.mulf %mul3A_510, %get3A_509 : vector<16xf32>
          %add3A_512 = arith.constant 49 : i32
          %add3A_513 = arith.addi %add3A_512, %scan3A_96 : i32
          %get3A_514 = arith.index_cast %add3A_513 : i32 to index
          %get3A_515 = arith.constant 160 : index
          %get3A_516 = tpu.vector_load %arg13[%get3A_514, %get3A_515] {strides = array<i32>} : memref<196x256xf32, #tpu.memory_space<vmem>>, vector<1x16xf32>,
          %get3A_517 = vector.shape_cast %get3A_516 : vector<1x16xf32> to vector<16xf32>
          %mul3A_518 = vector.broadcast %squeeze3A_110 : f32 to vector<16xf32>
          %mul3A_519 = arith.mulf %mul3A_518, %get3A_517 : vector<16xf32>
          %add3A_520 = arith.addf %mul3A_511, %mul3A_519 : vector<16xf32>
          %add3A_521 = arith.constant 98 : i32
          %add3A_522 = arith.addi %add3A_521, %scan3A_96 : i32
          %get3A_523 = arith.index_cast %add3A_522 : i32 to index
          %get3A_524 = arith.constant 160 : index
          %get3A_525 = tpu.vector_load %arg13[%get3A_523, %get3A_524] {strides = array<i32>} : memref<196x256xf32, #tpu.memory_space<vmem>>, vector<1x16xf32>,
          %get3A_526 = vector.shape_cast %get3A_525 : vector<1x16xf32> to vector<16xf32>
          %mul3A_527 = vector.broadcast %squeeze3A_118 : f32 to vector<16xf32>
          %mul3A_528 = arith.mulf %mul3A_527, %get3A_526 : vector<16xf32>
          %add3A_529 = arith.addf %add3A_520, %mul3A_528 : vector<16xf32>
          %add3A_530 = arith.constant 147 : i32
          %add3A_531 = arith.addi %add3A_530, %scan3A_96 : i32
          %get3A_532 = arith.index_cast %add3A_531 : i32 to index
          %get3A_533 = arith.constant 160 : index
          %get3A_534 = tpu.vector_load %arg13[%get3A_532, %get3A_533] {strides = array<i32>} : memref<196x256xf32, #tpu.memory_space<vmem>>, vector<1x16xf32>,
          %get3A_535 = vector.shape_cast %get3A_534 : vector<1x16xf32> to vector<16xf32>
          %mul3A_536 = vector.broadcast %squeeze3A_126 : f32 to vector<16xf32>
          %mul3A_537 = arith.mulf %mul3A_536, %get3A_535 : vector<16xf32>
          %add3A_538 = arith.addf %add3A_529, %mul3A_537 : vector<16xf32>
          %swap3A_539 = arith.index_cast %scan3A_96 : i32 to index
          %swap3A_540 = arith.constant 160 : index
          %swap3A_541 = tpu.vector_load %arg15[%swap3A_539, %swap3A_540] {strides = array<i32>} : memref<49x256xf32, #tpu.memory_space<vmem>>, vector<1x16xf32>,
          %swap3A_542 = vector.shape_cast %swap3A_541 : vector<1x16xf32> to vector<16xf32>
          %swap3A_543 = vector.shape_cast %add3A_538 : vector<16xf32> to vector<1x16xf32>
          tpu.vector_store %arg15[%swap3A_539, %swap3A_540], %swap3A_543 {strides = array<i32>} : memref<49x256xf32, #tpu.memory_space<vmem>>, vector<1x16xf32>,
          %get3A_544 = arith.index_cast %scan3A_96 : i32 to index
          %get3A_545 = arith.constant 176 : index
          %get3A_546 = tpu.vector_load %arg13[%get3A_544, %get3A_545] {strides = array<i32>} : memref<196x256xf32, #tpu.memory_space<vmem>>, vector<1x16xf32>,
          %get3A_547 = vector.shape_cast %get3A_546 : vector<1x16xf32> to vector<16xf32>
          %mul3A_548 = vector.broadcast %squeeze3A_102 : f32 to vector<16xf32>
          %mul3A_549 = arith.mulf %mul3A_548, %get3A_547 : vector<16xf32>
          %add3A_550 = arith.constant 49 : i32
          %add3A_551 = arith.addi %add3A_550, %scan3A_96 : i32
          %get3A_552 = arith.index_cast %add3A_551 : i32 to index
          %get3A_553 = arith.constant 176 : index
          %get3A_554 = tpu.vector_load %arg13[%get3A_552, %get3A_553] {strides = array<i32>} : memref<196x256xf32, #tpu.memory_space<vmem>>, vector<1x16xf32>,
          %get3A_555 = vector.shape_cast %get3A_554 : vector<1x16xf32> to vector<16xf32>
          %mul3A_556 = vector.broadcast %squeeze3A_110 : f32 to vector<16xf32>
          %mul3A_557 = arith.mulf %mul3A_556, %get3A_555 : vector<16xf32>
          %add3A_558 = arith.addf %mul3A_549, %mul3A_557 : vector<16xf32>
          %add3A_559 = arith.constant 98 : i32
          %add3A_560 = arith.addi %add3A_559, %scan3A_96 : i32
          %get3A_561 = arith.index_cast %add3A_560 : i32 to index
          %get3A_562 = arith.constant 176 : index
          %get3A_563 = tpu.vector_load %arg13[%get3A_561, %get3A_562] {strides = array<i32>} : memref<196x256xf32, #tpu.memory_space<vmem>>, vector<1x16xf32>,
          %get3A_564 = vector.shape_cast %get3A_563 : vector<1x16xf32> to vector<16xf32>
          %mul3A_565 = vector.broadcast %squeeze3A_118 : f32 to vector<16xf32>
          %mul3A_566 = arith.mulf %mul3A_565, %get3A_564 : vector<16xf32>
          %add3A_567 = arith.addf %add3A_558, %mul3A_566 : vector<16xf32>
          %add3A_568 = arith.constant 147 : i32
          %add3A_569 = arith.addi %add3A_568, %scan3A_96 : i32
          %get3A_570 = arith.index_cast %add3A_569 : i32 to index
          %get3A_571 = arith.constant 176 : index
          %get3A_572 = tpu.vector_load %arg13[%get3A_570, %get3A_571] {strides = array<i32>} : memref<196x256xf32, #tpu.memory_space<vmem>>, vector<1x16xf32>,
          %get3A_573 = vector.shape_cast %get3A_572 : vector<1x16xf32> to vector<16xf32>
          %mul3A_574 = vector.broadcast %squeeze3A_126 : f32 to vector<16xf32>
          %mul3A_575 = arith.mulf %mul3A_574, %get3A_573 : vector<16xf32>
          %add3A_576 = arith.addf %add3A_567, %mul3A_575 : vector<16xf32>
          %swap3A_577 = arith.index_cast %scan3A_96 : i32 to index
          %swap3A_578 = arith.constant 176 : index
          %swap3A_579 = tpu.vector_load %arg15[%swap3A_577, %swap3A_578] {strides = array<i32>} : memref<49x256xf32, #tpu.memory_space<vmem>>, vector<1x16xf32>,
          %swap3A_580 = vector.shape_cast %swap3A_579 : vector<1x16xf32> to vector<16xf32>
          %swap3A_581 = vector.shape_cast %add3A_576 : vector<16xf32> to vector<1x16xf32>
          tpu.vector_store %arg15[%swap3A_577, %swap3A_578], %swap3A_581 {strides = array<i32>} : memref<49x256xf32, #tpu.memory_space<vmem>>, vector<1x16xf32>,
          %get3A_582 = arith.index_cast %scan3A_96 : i32 to index
          %get3A_583 = arith.constant 192 : index
          %get3A_584 = tpu.vector_load %arg13[%get3A_582, %get3A_583] {strides = array<i32>} : memref<196x256xf32, #tpu.memory_space<vmem>>, vector<1x16xf32>,
          %get3A_585 = vector.shape_cast %get3A_584 : vector<1x16xf32> to vector<16xf32>
          %mul3A_586 = vector.broadcast %squeeze3A_102 : f32 to vector<16xf32>
          %mul3A_587 = arith.mulf %mul3A_586, %get3A_585 : vector<16xf32>
          %add3A_588 = arith.constant 49 : i32
          %add3A_589 = arith.addi %add3A_588, %scan3A_96 : i32
          %get3A_590 = arith.index_cast %add3A_589 : i32 to index
          %get3A_591 = arith.constant 192 : index
          %get3A_592 = tpu.vector_load %arg13[%get3A_590, %get3A_591] {strides = array<i32>} : memref<196x256xf32, #tpu.memory_space<vmem>>, vector<1x16xf32>,
          %get3A_593 = vector.shape_cast %get3A_592 : vector<1x16xf32> to vector<16xf32>
          %mul3A_594 = vector.broadcast %squeeze3A_110 : f32 to vector<16xf32>
          %mul3A_595 = arith.mulf %mul3A_594, %get3A_593 : vector<16xf32>
          %add3A_596 = arith.addf %mul3A_587, %mul3A_595 : vector<16xf32>
          %add3A_597 = arith.constant 98 : i32
          %add3A_598 = arith.addi %add3A_597, %scan3A_96 : i32
          %get3A_599 = arith.index_cast %add3A_598 : i32 to index
          %get3A_600 = arith.constant 192 : index
          %get3A_601 = tpu.vector_load %arg13[%get3A_599, %get3A_600] {strides = array<i32>} : memref<196x256xf32, #tpu.memory_space<vmem>>, vector<1x16xf32>,
          %get3A_602 = vector.shape_cast %get3A_601 : vector<1x16xf32> to vector<16xf32>
          %mul3A_603 = vector.broadcast %squeeze3A_118 : f32 to vector<16xf32>
          %mul3A_604 = arith.mulf %mul3A_603, %get3A_602 : vector<16xf32>
          %add3A_605 = arith.addf %add3A_596, %mul3A_604 : vector<16xf32>
          %add3A_606 = arith.constant 147 : i32
          %add3A_607 = arith.addi %add3A_606, %scan3A_96 : i32
          %get3A_608 = arith.index_cast %add3A_607 : i32 to index
          %get3A_609 = arith.constant 192 : index
          %get3A_610 = tpu.vector_load %arg13[%get3A_608, %get3A_609] {strides = array<i32>} : memref<196x256xf32, #tpu.memory_space<vmem>>, vector<1x16xf32>,
          %get3A_611 = vector.shape_cast %get3A_610 : vector<1x16xf32> to vector<16xf32>
          %mul3A_612 = vector.broadcast %squeeze3A_126 : f32 to vector<16xf32>
          %mul3A_613 = arith.mulf %mul3A_612, %get3A_611 : vector<16xf32>
          %add3A_614 = arith.addf %add3A_605, %mul3A_613 : vector<16xf32>
          %swap3A_615 = arith.index_cast %scan3A_96 : i32 to index
          %swap3A_616 = arith.constant 192 : index
          %swap3A_617 = tpu.vector_load %arg15[%swap3A_615, %swap3A_616] {strides = array<i32>} : memref<49x256xf32, #tpu.memory_space<vmem>>, vector<1x16xf32>,
          %swap3A_618 = vector.shape_cast %swap3A_617 : vector<1x16xf32> to vector<16xf32>
          %swap3A_619 = vector.shape_cast %add3A_614 : vector<16xf32> to vector<1x16xf32>
          tpu.vector_store %arg15[%swap3A_615, %swap3A_616], %swap3A_619 {strides = array<i32>} : memref<49x256xf32, #tpu.memory_space<vmem>>, vector<1x16xf32>,
          %get3A_620 = arith.index_cast %scan3A_96 : i32 to index
          %get3A_621 = arith.constant 208 : index
          %get3A_622 = tpu.vector_load %arg13[%get3A_620, %get3A_621] {strides = array<i32>} : memref<196x256xf32, #tpu.memory_space<vmem>>, vector<1x16xf32>,
          %get3A_623 = vector.shape_cast %get3A_622 : vector<1x16xf32> to vector<16xf32>
          %mul3A_624 = vector.broadcast %squeeze3A_102 : f32 to vector<16xf32>
          %mul3A_625 = arith.mulf %mul3A_624, %get3A_623 : vector<16xf32>
          %add3A_626 = arith.constant 49 : i32
          %add3A_627 = arith.addi %add3A_626, %scan3A_96 : i32
          %get3A_628 = arith.index_cast %add3A_627 : i32 to index
          %get3A_629 = arith.constant 208 : index
          %get3A_630 = tpu.vector_load %arg13[%get3A_628, %get3A_629] {strides = array<i32>} : memref<196x256xf32, #tpu.memory_space<vmem>>, vector<1x16xf32>,
          %get3A_631 = vector.shape_cast %get3A_630 : vector<1x16xf32> to vector<16xf32>
          %mul3A_632 = vector.broadcast %squeeze3A_110 : f32 to vector<16xf32>
          %mul3A_633 = arith.mulf %mul3A_632, %get3A_631 : vector<16xf32>
          %add3A_634 = arith.addf %mul3A_625, %mul3A_633 : vector<16xf32>
          %add3A_635 = arith.constant 98 : i32
          %add3A_636 = arith.addi %add3A_635, %scan3A_96 : i32
          %get3A_637 = arith.index_cast %add3A_636 : i32 to index
          %get3A_638 = arith.constant 208 : index
          %get3A_639 = tpu.vector_load %arg13[%get3A_637, %get3A_638] {strides = array<i32>} : memref<196x256xf32, #tpu.memory_space<vmem>>, vector<1x16xf32>,
          %get3A_640 = vector.shape_cast %get3A_639 : vector<1x16xf32> to vector<16xf32>
          %mul3A_641 = vector.broadcast %squeeze3A_118 : f32 to vector<16xf32>
          %mul3A_642 = arith.mulf %mul3A_641, %get3A_640 : vector<16xf32>
          %add3A_643 = arith.addf %add3A_634, %mul3A_642 : vector<16xf32>
          %add3A_644 = arith.constant 147 : i32
          %add3A_645 = arith.addi %add3A_644, %scan3A_96 : i32
          %get3A_646 = arith.index_cast %add3A_645 : i32 to index
          %get3A_647 = arith.constant 208 : index
          %get3A_648 = tpu.vector_load %arg13[%get3A_646, %get3A_647] {strides = array<i32>} : memref<196x256xf32, #tpu.memory_space<vmem>>, vector<1x16xf32>,
          %get3A_649 = vector.shape_cast %get3A_648 : vector<1x16xf32> to vector<16xf32>
          %mul3A_650 = vector.broadcast %squeeze3A_126 : f32 to vector<16xf32>
          %mul3A_651 = arith.mulf %mul3A_650, %get3A_649 : vector<16xf32>
          %add3A_652 = arith.addf %add3A_643, %mul3A_651 : vector<16xf32>
          %swap3A_653 = arith.index_cast %scan3A_96 : i32 to index
          %swap3A_654 = arith.constant 208 : index
          %swap3A_655 = tpu.vector_load %arg15[%swap3A_653, %swap3A_654] {strides = array<i32>} : memref<49x256xf32, #tpu.memory_space<vmem>>, vector<1x16xf32>,
          %swap3A_656 = vector.shape_cast %swap3A_655 : vector<1x16xf32> to vector<16xf32>
          %swap3A_657 = vector.shape_cast %add3A_652 : vector<16xf32> to vector<1x16xf32>
          tpu.vector_store %arg15[%swap3A_653, %swap3A_654], %swap3A_657 {strides = array<i32>} : memref<49x256xf32, #tpu.memory_space<vmem>>, vector<1x16xf32>,
          %get3A_658 = arith.index_cast %scan3A_96 : i32 to index
          %get3A_659 = arith.constant 224 : index
          %get3A_660 = tpu.vector_load %arg13[%get3A_658, %get3A_659] {strides = array<i32>} : memref<196x256xf32, #tpu.memory_space<vmem>>, vector<1x16xf32>,
          %get3A_661 = vector.shape_cast %get3A_660 : vector<1x16xf32> to vector<16xf32>
          %mul3A_662 = vector.broadcast %squeeze3A_102 : f32 to vector<16xf32>
          %mul3A_663 = arith.mulf %mul3A_662, %get3A_661 : vector<16xf32>
          %add3A_664 = arith.constant 49 : i32
          %add3A_665 = arith.addi %add3A_664, %scan3A_96 : i32
          %get3A_666 = arith.index_cast %add3A_665 : i32 to index
          %get3A_667 = arith.constant 224 : index
          %get3A_668 = tpu.vector_load %arg13[%get3A_666, %get3A_667] {strides = array<i32>} : memref<196x256xf32, #tpu.memory_space<vmem>>, vector<1x16xf32>,
          %get3A_669 = vector.shape_cast %get3A_668 : vector<1x16xf32> to vector<16xf32>
          %mul3A_670 = vector.broadcast %squeeze3A_110 : f32 to vector<16xf32>
          %mul3A_671 = arith.mulf %mul3A_670, %get3A_669 : vector<16xf32>
          %add3A_672 = arith.addf %mul3A_663, %mul3A_671 : vector<16xf32>
          %add3A_673 = arith.constant 98 : i32
          %add3A_674 = arith.addi %add3A_673, %scan3A_96 : i32
          %get3A_675 = arith.index_cast %add3A_674 : i32 to index
          %get3A_676 = arith.constant 224 : index
          %get3A_677 = tpu.vector_load %arg13[%get3A_675, %get3A_676] {strides = array<i32>} : memref<196x256xf32, #tpu.memory_space<vmem>>, vector<1x16xf32>,
          %get3A_678 = vector.shape_cast %get3A_677 : vector<1x16xf32> to vector<16xf32>
          %mul3A_679 = vector.broadcast %squeeze3A_118 : f32 to vector<16xf32>
          %mul3A_680 = arith.mulf %mul3A_679, %get3A_678 : vector<16xf32>
          %add3A_681 = arith.addf %add3A_672, %mul3A_680 : vector<16xf32>
          %add3A_682 = arith.constant 147 : i32
          %add3A_683 = arith.addi %add3A_682, %scan3A_96 : i32
          %get3A_684 = arith.index_cast %add3A_683 : i32 to index
          %get3A_685 = arith.constant 224 : index
          %get3A_686 = tpu.vector_load %arg13[%get3A_684, %get3A_685] {strides = array<i32>} : memref<196x256xf32, #tpu.memory_space<vmem>>, vector<1x16xf32>,
          %get3A_687 = vector.shape_cast %get3A_686 : vector<1x16xf32> to vector<16xf32>
          %mul3A_688 = vector.broadcast %squeeze3A_126 : f32 to vector<16xf32>
          %mul3A_689 = arith.mulf %mul3A_688, %get3A_687 : vector<16xf32>
          %add3A_690 = arith.addf %add3A_681, %mul3A_689 : vector<16xf32>
          %swap3A_691 = arith.index_cast %scan3A_96 : i32 to index
          %swap3A_692 = arith.constant 224 : index
          %swap3A_693 = tpu.vector_load %arg15[%swap3A_691, %swap3A_692] {strides = array<i32>} : memref<49x256xf32, #tpu.memory_space<vmem>>, vector<1x16xf32>,
          %swap3A_694 = vector.shape_cast %swap3A_693 : vector<1x16xf32> to vector<16xf32>
          %swap3A_695 = vector.shape_cast %add3A_690 : vector<16xf32> to vector<1x16xf32>
          tpu.vector_store %arg15[%swap3A_691, %swap3A_692], %swap3A_695 {strides = array<i32>} : memref<49x256xf32, #tpu.memory_space<vmem>>, vector<1x16xf32>,
          %get3A_696 = arith.index_cast %scan3A_96 : i32 to index
          %get3A_697 = arith.constant 240 : index
          %get3A_698 = tpu.vector_load %arg13[%get3A_696, %get3A_697] {strides = array<i32>} : memref<196x256xf32, #tpu.memory_space<vmem>>, vector<1x16xf32>,
          %get3A_699 = vector.shape_cast %get3A_698 : vector<1x16xf32> to vector<16xf32>
          %mul3A_700 = vector.broadcast %squeeze3A_102 : f32 to vector<16xf32>
          %mul3A_701 = arith.mulf %mul3A_700, %get3A_699 : vector<16xf32>
          %add3A_702 = arith.constant 49 : i32
          %add3A_703 = arith.addi %add3A_702, %scan3A_96 : i32
          %get3A_704 = arith.index_cast %add3A_703 : i32 to index
          %get3A_705 = arith.constant 240 : index
          %get3A_706 = tpu.vector_load %arg13[%get3A_704, %get3A_705] {strides = array<i32>} : memref<196x256xf32, #tpu.memory_space<vmem>>, vector<1x16xf32>,
          %get3A_707 = vector.shape_cast %get3A_706 : vector<1x16xf32> to vector<16xf32>
          %mul3A_708 = vector.broadcast %squeeze3A_110 : f32 to vector<16xf32>
          %mul3A_709 = arith.mulf %mul3A_708, %get3A_707 : vector<16xf32>
          %add3A_710 = arith.addf %mul3A_701, %mul3A_709 : vector<16xf32>
          %add3A_711 = arith.constant 98 : i32
          %add3A_712 = arith.addi %add3A_711, %scan3A_96 : i32
          %get3A_713 = arith.index_cast %add3A_712 : i32 to index
          %get3A_714 = arith.constant 240 : index
          %get3A_715 = tpu.vector_load %arg13[%get3A_713, %get3A_714] {strides = array<i32>} : memref<196x256xf32, #tpu.memory_space<vmem>>, vector<1x16xf32>,
          %get3A_716 = vector.shape_cast %get3A_715 : vector<1x16xf32> to vector<16xf32>
          %mul3A_717 = vector.broadcast %squeeze3A_118 : f32 to vector<16xf32>
          %mul3A_718 = arith.mulf %mul3A_717, %get3A_716 : vector<16xf32>
          %add3A_719 = arith.addf %add3A_710, %mul3A_718 : vector<16xf32>
          %add3A_720 = arith.constant 147 : i32
          %add3A_721 = arith.addi %add3A_720, %scan3A_96 : i32
          %get3A_722 = arith.index_cast %add3A_721 : i32 to index
          %get3A_723 = arith.constant 240 : index
          %get3A_724 = tpu.vector_load %arg13[%get3A_722, %get3A_723] {strides = array<i32>} : memref<196x256xf32, #tpu.memory_space<vmem>>, vector<1x16xf32>,
          %get3A_725 = vector.shape_cast %get3A_724 : vector<1x16xf32> to vector<16xf32>
          %mul3A_726 = vector.broadcast %squeeze3A_126 : f32 to vector<16xf32>
          %mul3A_727 = arith.mulf %mul3A_726, %get3A_725 : vector<16xf32>
          %add3A_728 = arith.addf %add3A_719, %mul3A_727 : vector<16xf32>
          %swap3A_729 = arith.index_cast %scan3A_96 : i32 to index
          %swap3A_730 = arith.constant 240 : index
          %swap3A_731 = tpu.vector_load %arg15[%swap3A_729, %swap3A_730] {strides = array<i32>} : memref<49x256xf32, #tpu.memory_space<vmem>>, vector<1x16xf32>,
          %swap3A_732 = vector.shape_cast %swap3A_731 : vector<1x16xf32> to vector<16xf32>
          %swap3A_733 = vector.shape_cast %add3A_728 : vector<16xf32> to vector<1x16xf32>
          tpu.vector_store %arg15[%swap3A_729, %swap3A_730], %swap3A_733 {strides = array<i32>} : memref<49x256xf32, #tpu.memory_space<vmem>>, vector<1x16xf32>,
        }
        %scan3A_89 = arith.constant 49 : i32
        %add3A_90 = arith.addi %mul3A_2, %mul3A_47 : i32
        %mul3A_91 = arith.constant 49 : i32
        %mul3A_92 = arith.muli %add3A_90, %mul3A_91 : i32
        %dma_start3A = arith.constant 0 : i32
        %dma_start3A_93 = tpu.memref_slice %arg9[%mul3A_92, %dma_start3A] : memref<49000x256xf32, #tpu.memory_space<hbm>> -> memref<49x256xf32, #tpu.memory_space<hbm>>
        %dma_start3A_94 = arith.constant 0 : i32
        %dma_start3A_95 = tpu.memref_slice %arg9[%mul3A_92, %dma_start3A_94] : memref<49000x256xf32, #tpu.memory_space<hbm>> -> memref<49x256xf32, #tpu.memory_space<hbm>>
        tpu.enqueue_dma source(%arg15 : memref<49x256xf32, #tpu.memory_space<vmem>>) target(%dma_start3A_95 : memref<49x256xf32, #tpu.memory_space<hbm>>) target_semaphore(%arg20 : memref<!tpu.dma_semaphore, #tpu.memory_space<semaphore_mem>>)
      } else {
      }
      %mul3A_57 = arith.constant 2 : i32
      %mul3A_58 = arith.muli %mul3A_57, %while3A_45 : i32
      %add3A_59 = arith.constant 1 : i32
      %add3A_60 = arith.addi %mul3A_58, %add3A_59 : i32
      %add3A_61 = arith.constant 1 : i32
      %add3A_62 = arith.addi %add3A_60, %add3A_61 : i32
      %lt3A_63 = arith.cmpi slt, %add3A_62, %min3A_4 : i32
      %convert_element_type3A_64 = arith.extui %lt3A_63 : i1 to i32
      %cond3A_65 = arith.constant 0 : i32
      %cond3A_66 = arith.cmpi ne, %convert_element_type3A_64, %cond3A_65 : i32
      scf.if %cond3A_66 {
        %add3A_71 = arith.constant 1 : i32
        %add3A_72 = arith.addi %add3A_60, %add3A_71 : i32
        %get3A_73 = arith.index_cast %add3A_72 : i32 to index
        %get3A_74 = tpu.vector_load %arg12[%get3A_73] {strides = array<i32>} : memref<48xi32, #tpu.memory_space<vmem>>, vector<16xi32>,
        %get3A_75 = vector.shape_cast %get3A_74 : vector<16xi32> to vector<16xi32>
        %slice3A_76 = vector.extract_strided_slice %get3A_75 {offsets = [0], sizes = [1], strides = [1]} : vector<16xi32> to vector<1xi32>
        %squeeze3A_77 = vector.extract %slice3A_76[0] : i32 from vector<1xi32>
        %le3A_78 = arith.constant 3 : i32
        %le3A_79 = arith.cmpi sle, %squeeze3A_77, %le3A_78 : i32
        %convert_element_type3A_80 = arith.extui %le3A_79 : i1 to i32
        %cond3A_81 = arith.constant 0 : i32
        %cond3A_82 = arith.cmpi ne, %convert_element_type3A_80, %cond3A_81 : i32
        scf.if %cond3A_82 {
          %eq3A = arith.constant 2 : i32
          %eq3A_83 = arith.cmpi eq, %squeeze3A_77, %eq3A : i32
          %convert_element_type3A_84 = arith.extui %eq3A_83 : i1 to i32
          %cond3A_85 = arith.constant 0 : i32
          %cond3A_86 = arith.cmpi ne, %convert_element_type3A_84, %cond3A_85 : i32
          scf.if %cond3A_86 {
            %dma_start3A = arith.constant 0 : i32
            %dma_start3A_87 = arith.constant 0 : i32
            %dma_start3A_88 = arith.constant 0 : i32
            %dma_start3A_89 = tpu.memref_slice %arg13[%dma_start3A_87, %dma_start3A_88] : memref<196x256xf32, #tpu.memory_space<vmem>> -> memref<98x256xf32, #tpu.memory_space<vmem>>
            %dma_start3A_90 = arith.constant 0 : i32
            %dma_start3A_91 = tpu.memref_slice %arg10[%add3A_72, %dma_start3A, %dma_start3A_90] : memref<32x2x98xi32, #tpu.memory_space<vmem>> -> memref<1x1x98xi32, #tpu.memory_space<vmem>>
            %dma_start3A_92 = tpu.memref_squeeze %dma_start3A_91 : memref<1x1x98xi32, #tpu.memory_space<vmem>> -> memref<98xi32, #tpu.memory_space<vmem>>
            %dma_start3A_93 = arith.constant 0 : i32
            %dma_start3A_94 = arith.constant 0 : i32
            %dma_start3A_95 = tpu.memref_slice %arg2[%dma_start3A_93, %dma_start3A_94] : memref<65536x256xf32, #tpu.memory_space<hbm>> -> memref<65536x256xf32, #tpu.memory_space<hbm>>
            tpu.enqueue_indirect_dma source(%dma_start3A_95 : memref<65536x256xf32, #tpu.memory_space<hbm>>) target(%dma_start3A_89 : memref<98x256xf32, #tpu.memory_space<vmem>>) offsets(%dma_start3A_92 : memref<98xi32, #tpu.memory_space<vmem>>) semaphore(%arg16 : memref<!tpu.dma_semaphore, #tpu.memory_space<semaphore_mem>>)
            %dma_start3A_96 = arith.constant 1 : i32
            %dma_start3A_97 = arith.constant 98 : i32
            %dma_start3A_98 = arith.constant 0 : i32
            %dma_start3A_99 = tpu.memref_slice %arg13[%dma_start3A_97, %dma_start3A_98] : memref<196x256xf32, #tpu.memory_space<vmem>> -> memref<98x256xf32, #tpu.memory_space<vmem>>
            %dma_start3A_100 = arith.constant 0 : i32
            %dma_start3A_101 = tpu.memref_slice %arg10[%add3A_72, %dma_start3A_96, %dma_start3A_100] : memref<32x2x98xi32, #tpu.memory_space<vmem>> -> memref<1x1x98xi32, #tpu.memory_space<vmem>>
            %dma_start3A_102 = tpu.memref_squeeze %dma_start3A_101 : memref<1x1x98xi32, #tpu.memory_space<vmem>> -> memref<98xi32, #tpu.memory_space<vmem>>
            %dma_start3A_103 = arith.constant 0 : i32
            %dma_start3A_104 = arith.constant 0 : i32
            %dma_start3A_105 = tpu.memref_slice %arg2[%dma_start3A_103, %dma_start3A_104] : memref<65536x256xf32, #tpu.memory_space<hbm>> -> memref<65536x256xf32, #tpu.memory_space<hbm>>
            tpu.enqueue_indirect_dma source(%dma_start3A_105 : memref<65536x256xf32, #tpu.memory_space<hbm>>) target(%dma_start3A_99 : memref<98x256xf32, #tpu.memory_space<vmem>>) offsets(%dma_start3A_102 : memref<98xi32, #tpu.memory_space<vmem>>) semaphore(%arg17 : memref<!tpu.dma_semaphore, #tpu.memory_space<semaphore_mem>>)
          } else {
            %dma_start3A = arith.constant 0 : i32
            %dma_start3A_87 = arith.constant 0 : i32
            %dma_start3A_88 = arith.constant 0 : i32
            %dma_start3A_89 = tpu.memref_slice %arg13[%dma_start3A_87, %dma_start3A_88] : memref<196x256xf32, #tpu.memory_space<vmem>> -> memref<98x256xf32, #tpu.memory_space<vmem>>
            %dma_start3A_90 = arith.constant 0 : i32
            %dma_start3A_91 = tpu.memref_slice %arg10[%add3A_72, %dma_start3A, %dma_start3A_90] : memref<32x2x98xi32, #tpu.memory_space<vmem>> -> memref<1x1x98xi32, #tpu.memory_space<vmem>>
            %dma_start3A_92 = tpu.memref_squeeze %dma_start3A_91 : memref<1x1x98xi32, #tpu.memory_space<vmem>> -> memref<98xi32, #tpu.memory_space<vmem>>
            %dma_start3A_93 = arith.constant 0 : i32
            %dma_start3A_94 = arith.constant 0 : i32
            %dma_start3A_95 = tpu.memref_slice %arg3[%dma_start3A_93, %dma_start3A_94] : memref<16384x256xf32, #tpu.memory_space<hbm>> -> memref<16384x256xf32, #tpu.memory_space<hbm>>
            tpu.enqueue_indirect_dma source(%dma_start3A_95 : memref<16384x256xf32, #tpu.memory_space<hbm>>) target(%dma_start3A_89 : memref<98x256xf32, #tpu.memory_space<vmem>>) offsets(%dma_start3A_92 : memref<98xi32, #tpu.memory_space<vmem>>) semaphore(%arg16 : memref<!tpu.dma_semaphore, #tpu.memory_space<semaphore_mem>>)
            %dma_start3A_96 = arith.constant 1 : i32
            %dma_start3A_97 = arith.constant 98 : i32
            %dma_start3A_98 = arith.constant 0 : i32
            %dma_start3A_99 = tpu.memref_slice %arg13[%dma_start3A_97, %dma_start3A_98] : memref<196x256xf32, #tpu.memory_space<vmem>> -> memref<98x256xf32, #tpu.memory_space<vmem>>
            %dma_start3A_100 = arith.constant 0 : i32
            %dma_start3A_101 = tpu.memref_slice %arg10[%add3A_72, %dma_start3A_96, %dma_start3A_100] : memref<32x2x98xi32, #tpu.memory_space<vmem>> -> memref<1x1x98xi32, #tpu.memory_space<vmem>>
            %dma_start3A_102 = tpu.memref_squeeze %dma_start3A_101 : memref<1x1x98xi32, #tpu.memory_space<vmem>> -> memref<98xi32, #tpu.memory_space<vmem>>
            %dma_start3A_103 = arith.constant 0 : i32
            %dma_start3A_104 = arith.constant 0 : i32
            %dma_start3A_105 = tpu.memref_slice %arg3[%dma_start3A_103, %dma_start3A_104] : memref<16384x256xf32, #tpu.memory_space<hbm>> -> memref<16384x256xf32, #tpu.memory_space<hbm>>
            tpu.enqueue_indirect_dma source(%dma_start3A_105 : memref<16384x256xf32, #tpu.memory_space<hbm>>) target(%dma_start3A_99 : memref<98x256xf32, #tpu.memory_space<vmem>>) offsets(%dma_start3A_102 : memref<98xi32, #tpu.memory_space<vmem>>) semaphore(%arg17 : memref<!tpu.dma_semaphore, #tpu.memory_space<semaphore_mem>>)
          }
        } else {
          %eq3A = arith.constant 4 : i32
          %eq3A_83 = arith.cmpi eq, %squeeze3A_77, %eq3A : i32
          %convert_element_type3A_84 = arith.extui %eq3A_83 : i1 to i32
          %cond3A_85 = arith.constant 0 : i32
          %cond3A_86 = arith.cmpi ne, %convert_element_type3A_84, %cond3A_85 : i32
          scf.if %cond3A_86 {
            %dma_start3A = arith.constant 0 : i32
            %dma_start3A_87 = arith.constant 0 : i32
            %dma_start3A_88 = arith.constant 0 : i32
            %dma_start3A_89 = tpu.memref_slice %arg13[%dma_start3A_87, %dma_start3A_88] : memref<196x256xf32, #tpu.memory_space<vmem>> -> memref<98x256xf32, #tpu.memory_space<vmem>>
            %dma_start3A_90 = arith.constant 0 : i32
            %dma_start3A_91 = tpu.memref_slice %arg10[%add3A_72, %dma_start3A, %dma_start3A_90] : memref<32x2x98xi32, #tpu.memory_space<vmem>> -> memref<1x1x98xi32, #tpu.memory_space<vmem>>
            %dma_start3A_92 = tpu.memref_squeeze %dma_start3A_91 : memref<1x1x98xi32, #tpu.memory_space<vmem>> -> memref<98xi32, #tpu.memory_space<vmem>>
            %dma_start3A_93 = arith.constant 0 : i32
            %dma_start3A_94 = arith.constant 0 : i32
            %dma_start3A_95 = tpu.memref_slice %arg4[%dma_start3A_93, %dma_start3A_94] : memref<4096x256xf32, #tpu.memory_space<hbm>> -> memref<4096x256xf32, #tpu.memory_space<hbm>>
            tpu.enqueue_indirect_dma source(%dma_start3A_95 : memref<4096x256xf32, #tpu.memory_space<hbm>>) target(%dma_start3A_89 : memref<98x256xf32, #tpu.memory_space<vmem>>) offsets(%dma_start3A_92 : memref<98xi32, #tpu.memory_space<vmem>>) semaphore(%arg16 : memref<!tpu.dma_semaphore, #tpu.memory_space<semaphore_mem>>)
            %dma_start3A_96 = arith.constant 1 : i32
            %dma_start3A_97 = arith.constant 98 : i32
            %dma_start3A_98 = arith.constant 0 : i32
            %dma_start3A_99 = tpu.memref_slice %arg13[%dma_start3A_97, %dma_start3A_98] : memref<196x256xf32, #tpu.memory_space<vmem>> -> memref<98x256xf32, #tpu.memory_space<vmem>>
            %dma_start3A_100 = arith.constant 0 : i32
            %dma_start3A_101 = tpu.memref_slice %arg10[%add3A_72, %dma_start3A_96, %dma_start3A_100] : memref<32x2x98xi32, #tpu.memory_space<vmem>> -> memref<1x1x98xi32, #tpu.memory_space<vmem>>
            %dma_start3A_102 = tpu.memref_squeeze %dma_start3A_101 : memref<1x1x98xi32, #tpu.memory_space<vmem>> -> memref<98xi32, #tpu.memory_space<vmem>>
            %dma_start3A_103 = arith.constant 0 : i32
            %dma_start3A_104 = arith.constant 0 : i32
            %dma_start3A_105 = tpu.memref_slice %arg4[%dma_start3A_103, %dma_start3A_104] : memref<4096x256xf32, #tpu.memory_space<hbm>> -> memref<4096x256xf32, #tpu.memory_space<hbm>>
            tpu.enqueue_indirect_dma source(%dma_start3A_105 : memref<4096x256xf32, #tpu.memory_space<hbm>>) target(%dma_start3A_99 : memref<98x256xf32, #tpu.memory_space<vmem>>) offsets(%dma_start3A_102 : memref<98xi32, #tpu.memory_space<vmem>>) semaphore(%arg17 : memref<!tpu.dma_semaphore, #tpu.memory_space<semaphore_mem>>)
          } else {
            %dma_start3A = arith.constant 0 : i32
            %dma_start3A_87 = arith.constant 0 : i32
            %dma_start3A_88 = arith.constant 0 : i32
            %dma_start3A_89 = tpu.memref_slice %arg13[%dma_start3A_87, %dma_start3A_88] : memref<196x256xf32, #tpu.memory_space<vmem>> -> memref<98x256xf32, #tpu.memory_space<vmem>>
            %dma_start3A_90 = arith.constant 0 : i32
            %dma_start3A_91 = tpu.memref_slice %arg10[%add3A_72, %dma_start3A, %dma_start3A_90] : memref<32x2x98xi32, #tpu.memory_space<vmem>> -> memref<1x1x98xi32, #tpu.memory_space<vmem>>
            %dma_start3A_92 = tpu.memref_squeeze %dma_start3A_91 : memref<1x1x98xi32, #tpu.memory_space<vmem>> -> memref<98xi32, #tpu.memory_space<vmem>>
            %dma_start3A_93 = arith.constant 0 : i32
            %dma_start3A_94 = arith.constant 0 : i32
            %dma_start3A_95 = tpu.memref_slice %arg5[%dma_start3A_93, %dma_start3A_94] : memref<1024x256xf32, #tpu.memory_space<hbm>> -> memref<1024x256xf32, #tpu.memory_space<hbm>>
            tpu.enqueue_indirect_dma source(%dma_start3A_95 : memref<1024x256xf32, #tpu.memory_space<hbm>>) target(%dma_start3A_89 : memref<98x256xf32, #tpu.memory_space<vmem>>) offsets(%dma_start3A_92 : memref<98xi32, #tpu.memory_space<vmem>>) semaphore(%arg16 : memref<!tpu.dma_semaphore, #tpu.memory_space<semaphore_mem>>)
            %dma_start3A_96 = arith.constant 1 : i32
            %dma_start3A_97 = arith.constant 98 : i32
            %dma_start3A_98 = arith.constant 0 : i32
            %dma_start3A_99 = tpu.memref_slice %arg13[%dma_start3A_97, %dma_start3A_98] : memref<196x256xf32, #tpu.memory_space<vmem>> -> memref<98x256xf32, #tpu.memory_space<vmem>>
            %dma_start3A_100 = arith.constant 0 : i32
            %dma_start3A_101 = tpu.memref_slice %arg10[%add3A_72, %dma_start3A_96, %dma_start3A_100] : memref<32x2x98xi32, #tpu.memory_space<vmem>> -> memref<1x1x98xi32, #tpu.memory_space<vmem>>
            %dma_start3A_102 = tpu.memref_squeeze %dma_start3A_101 : memref<1x1x98xi32, #tpu.memory_space<vmem>> -> memref<98xi32, #tpu.memory_space<vmem>>
            %dma_start3A_103 = arith.constant 0 : i32
            %dma_start3A_104 = arith.constant 0 : i32
            %dma_start3A_105 = tpu.memref_slice %arg5[%dma_start3A_103, %dma_start3A_104] : memref<1024x256xf32, #tpu.memory_space<hbm>> -> memref<1024x256xf32, #tpu.memory_space<hbm>>
            tpu.enqueue_indirect_dma source(%dma_start3A_105 : memref<1024x256xf32, #tpu.memory_space<hbm>>) target(%dma_start3A_99 : memref<98x256xf32, #tpu.memory_space<vmem>>) offsets(%dma_start3A_102 : memref<98xi32, #tpu.memory_space<vmem>>) semaphore(%arg17 : memref<!tpu.dma_semaphore, #tpu.memory_space<semaphore_mem>>)
          }
        }
      } else {
      }
      %lt3A_67 = arith.cmpi slt, %add3A_60, %min3A_4 : i32
      %convert_element_type3A_68 = arith.extui %lt3A_67 : i1 to i32
      %cond3A_69 = arith.constant 0 : i32
      %cond3A_70 = arith.cmpi ne, %convert_element_type3A_68, %cond3A_69 : i32
      scf.if %cond3A_70 {
        %get3A_71 = arith.index_cast %add3A_60 : i32 to index
        %get3A_72 = tpu.vector_load %arg12[%get3A_71] {strides = array<i32>} : memref<48xi32, #tpu.memory_space<vmem>>, vector<16xi32>,
        %get3A_73 = vector.shape_cast %get3A_72 : vector<16xi32> to vector<16xi32>
        %slice3A_74 = vector.extract_strided_slice %get3A_73 {offsets = [0], sizes = [1], strides = [1]} : vector<16xi32> to vector<1xi32>
        %squeeze3A_75 = vector.extract %slice3A_74[0] : i32 from vector<1xi32>
        %le3A_76 = arith.constant 3 : i32
        %le3A_77 = arith.cmpi sle, %squeeze3A_75, %le3A_76 : i32
        %convert_element_type3A_78 = arith.extui %le3A_77 : i1 to i32
        %cond3A_79 = arith.constant 0 : i32
        %cond3A_80 = arith.cmpi ne, %convert_element_type3A_78, %cond3A_79 : i32
        scf.if %cond3A_80 {
          %eq3A = arith.constant 2 : i32
          %eq3A_96 = arith.cmpi eq, %squeeze3A_75, %eq3A : i32
          %convert_element_type3A_97 = arith.extui %eq3A_96 : i1 to i32
          %cond3A_98 = arith.constant 0 : i32
          %cond3A_99 = arith.cmpi ne, %convert_element_type3A_97, %cond3A_98 : i32
          scf.if %cond3A_99 {
            %dma_wait3A_100 = arith.constant 0 : i32
            %dma_wait3A_101 = arith.constant 0 : i32
            %dma_wait3A_102 = arith.constant 0 : i32
            %dma_wait3A_103 = tpu.memref_slice %arg14[%dma_wait3A_101, %dma_wait3A_102] : memref<196x256xf32, #tpu.memory_space<vmem>> -> memref<98x256xf32, #tpu.memory_space<vmem>>
            %dma_wait3A_104 = arith.constant 0 : i32
            %dma_wait3A_105 = tpu.memref_slice %arg10[%add3A_60, %dma_wait3A_100, %dma_wait3A_104] : memref<32x2x98xi32, #tpu.memory_space<vmem>> -> memref<1x1x98xi32, #tpu.memory_space<vmem>>
            %dma_wait3A_106 = tpu.memref_squeeze %dma_wait3A_105 : memref<1x1x98xi32, #tpu.memory_space<vmem>> -> memref<98xi32, #tpu.memory_space<vmem>>
            %dma_wait3A_107 = arith.constant 0 : i32
            %dma_wait3A_108 = arith.constant 0 : i32
            %dma_wait3A_109 = tpu.memref_slice %arg2[%dma_wait3A_107, %dma_wait3A_108] : memref<65536x256xf32, #tpu.memory_space<hbm>> -> memref<65536x256xf32, #tpu.memory_space<hbm>>
            tpu.wait_indirect_dma semaphore(%arg18 : memref<!tpu.dma_semaphore, #tpu.memory_space<semaphore_mem>>) src(%dma_wait3A_109 : memref<65536x256xf32, #tpu.memory_space<hbm>>) dst(%dma_wait3A_103 : memref<98x256xf32, #tpu.memory_space<vmem>>)
            %dma_wait3A_110 = arith.constant 1 : i32
            %dma_wait3A_111 = arith.constant 98 : i32
            %dma_wait3A_112 = arith.constant 0 : i32
            %dma_wait3A_113 = tpu.memref_slice %arg14[%dma_wait3A_111, %dma_wait3A_112] : memref<196x256xf32, #tpu.memory_space<vmem>> -> memref<98x256xf32, #tpu.memory_space<vmem>>
            %dma_wait3A_114 = arith.constant 0 : i32
            %dma_wait3A_115 = tpu.memref_slice %arg10[%add3A_60, %dma_wait3A_110, %dma_wait3A_114] : memref<32x2x98xi32, #tpu.memory_space<vmem>> -> memref<1x1x98xi32, #tpu.memory_space<vmem>>
            %dma_wait3A_116 = tpu.memref_squeeze %dma_wait3A_115 : memref<1x1x98xi32, #tpu.memory_space<vmem>> -> memref<98xi32, #tpu.memory_space<vmem>>
            %dma_wait3A_117 = arith.constant 0 : i32
            %dma_wait3A_118 = arith.constant 0 : i32
            %dma_wait3A_119 = tpu.memref_slice %arg2[%dma_wait3A_117, %dma_wait3A_118] : memref<65536x256xf32, #tpu.memory_space<hbm>> -> memref<65536x256xf32, #tpu.memory_space<hbm>>
            tpu.wait_indirect_dma semaphore(%arg19 : memref<!tpu.dma_semaphore, #tpu.memory_space<semaphore_mem>>) src(%dma_wait3A_119 : memref<65536x256xf32, #tpu.memory_space<hbm>>) dst(%dma_wait3A_113 : memref<98x256xf32, #tpu.memory_space<vmem>>)
          } else {
            %dma_wait3A_100 = arith.constant 0 : i32
            %dma_wait3A_101 = arith.constant 0 : i32
            %dma_wait3A_102 = arith.constant 0 : i32
            %dma_wait3A_103 = tpu.memref_slice %arg14[%dma_wait3A_101, %dma_wait3A_102] : memref<196x256xf32, #tpu.memory_space<vmem>> -> memref<98x256xf32, #tpu.memory_space<vmem>>
            %dma_wait3A_104 = arith.constant 0 : i32
            %dma_wait3A_105 = tpu.memref_slice %arg10[%add3A_60, %dma_wait3A_100, %dma_wait3A_104] : memref<32x2x98xi32, #tpu.memory_space<vmem>> -> memref<1x1x98xi32, #tpu.memory_space<vmem>>
            %dma_wait3A_106 = tpu.memref_squeeze %dma_wait3A_105 : memref<1x1x98xi32, #tpu.memory_space<vmem>> -> memref<98xi32, #tpu.memory_space<vmem>>
            %dma_wait3A_107 = arith.constant 0 : i32
            %dma_wait3A_108 = arith.constant 0 : i32
            %dma_wait3A_109 = tpu.memref_slice %arg3[%dma_wait3A_107, %dma_wait3A_108] : memref<16384x256xf32, #tpu.memory_space<hbm>> -> memref<16384x256xf32, #tpu.memory_space<hbm>>
            tpu.wait_indirect_dma semaphore(%arg18 : memref<!tpu.dma_semaphore, #tpu.memory_space<semaphore_mem>>) src(%dma_wait3A_109 : memref<16384x256xf32, #tpu.memory_space<hbm>>) dst(%dma_wait3A_103 : memref<98x256xf32, #tpu.memory_space<vmem>>)
            %dma_wait3A_110 = arith.constant 1 : i32
            %dma_wait3A_111 = arith.constant 98 : i32
            %dma_wait3A_112 = arith.constant 0 : i32
            %dma_wait3A_113 = tpu.memref_slice %arg14[%dma_wait3A_111, %dma_wait3A_112] : memref<196x256xf32, #tpu.memory_space<vmem>> -> memref<98x256xf32, #tpu.memory_space<vmem>>
            %dma_wait3A_114 = arith.constant 0 : i32
            %dma_wait3A_115 = tpu.memref_slice %arg10[%add3A_60, %dma_wait3A_110, %dma_wait3A_114] : memref<32x2x98xi32, #tpu.memory_space<vmem>> -> memref<1x1x98xi32, #tpu.memory_space<vmem>>
            %dma_wait3A_116 = tpu.memref_squeeze %dma_wait3A_115 : memref<1x1x98xi32, #tpu.memory_space<vmem>> -> memref<98xi32, #tpu.memory_space<vmem>>
            %dma_wait3A_117 = arith.constant 0 : i32
            %dma_wait3A_118 = arith.constant 0 : i32
            %dma_wait3A_119 = tpu.memref_slice %arg3[%dma_wait3A_117, %dma_wait3A_118] : memref<16384x256xf32, #tpu.memory_space<hbm>> -> memref<16384x256xf32, #tpu.memory_space<hbm>>
            tpu.wait_indirect_dma semaphore(%arg19 : memref<!tpu.dma_semaphore, #tpu.memory_space<semaphore_mem>>) src(%dma_wait3A_119 : memref<16384x256xf32, #tpu.memory_space<hbm>>) dst(%dma_wait3A_113 : memref<98x256xf32, #tpu.memory_space<vmem>>)
          }
        } else {
          %eq3A = arith.constant 4 : i32
          %eq3A_96 = arith.cmpi eq, %squeeze3A_75, %eq3A : i32
          %convert_element_type3A_97 = arith.extui %eq3A_96 : i1 to i32
          %cond3A_98 = arith.constant 0 : i32
          %cond3A_99 = arith.cmpi ne, %convert_element_type3A_97, %cond3A_98 : i32
          scf.if %cond3A_99 {
            %dma_wait3A_100 = arith.constant 0 : i32
            %dma_wait3A_101 = arith.constant 0 : i32
            %dma_wait3A_102 = arith.constant 0 : i32
            %dma_wait3A_103 = tpu.memref_slice %arg14[%dma_wait3A_101, %dma_wait3A_102] : memref<196x256xf32, #tpu.memory_space<vmem>> -> memref<98x256xf32, #tpu.memory_space<vmem>>
            %dma_wait3A_104 = arith.constant 0 : i32
            %dma_wait3A_105 = tpu.memref_slice %arg10[%add3A_60, %dma_wait3A_100, %dma_wait3A_104] : memref<32x2x98xi32, #tpu.memory_space<vmem>> -> memref<1x1x98xi32, #tpu.memory_space<vmem>>
            %dma_wait3A_106 = tpu.memref_squeeze %dma_wait3A_105 : memref<1x1x98xi32, #tpu.memory_space<vmem>> -> memref<98xi32, #tpu.memory_space<vmem>>
            %dma_wait3A_107 = arith.constant 0 : i32
            %dma_wait3A_108 = arith.constant 0 : i32
            %dma_wait3A_109 = tpu.memref_slice %arg4[%dma_wait3A_107, %dma_wait3A_108] : memref<4096x256xf32, #tpu.memory_space<hbm>> -> memref<4096x256xf32, #tpu.memory_space<hbm>>
            tpu.wait_indirect_dma semaphore(%arg18 : memref<!tpu.dma_semaphore, #tpu.memory_space<semaphore_mem>>) src(%dma_wait3A_109 : memref<4096x256xf32, #tpu.memory_space<hbm>>) dst(%dma_wait3A_103 : memref<98x256xf32, #tpu.memory_space<vmem>>)
            %dma_wait3A_110 = arith.constant 1 : i32
            %dma_wait3A_111 = arith.constant 98 : i32
            %dma_wait3A_112 = arith.constant 0 : i32
            %dma_wait3A_113 = tpu.memref_slice %arg14[%dma_wait3A_111, %dma_wait3A_112] : memref<196x256xf32, #tpu.memory_space<vmem>> -> memref<98x256xf32, #tpu.memory_space<vmem>>
            %dma_wait3A_114 = arith.constant 0 : i32
            %dma_wait3A_115 = tpu.memref_slice %arg10[%add3A_60, %dma_wait3A_110, %dma_wait3A_114] : memref<32x2x98xi32, #tpu.memory_space<vmem>> -> memref<1x1x98xi32, #tpu.memory_space<vmem>>
            %dma_wait3A_116 = tpu.memref_squeeze %dma_wait3A_115 : memref<1x1x98xi32, #tpu.memory_space<vmem>> -> memref<98xi32, #tpu.memory_space<vmem>>
            %dma_wait3A_117 = arith.constant 0 : i32
            %dma_wait3A_118 = arith.constant 0 : i32
            %dma_wait3A_119 = tpu.memref_slice %arg4[%dma_wait3A_117, %dma_wait3A_118] : memref<4096x256xf32, #tpu.memory_space<hbm>> -> memref<4096x256xf32, #tpu.memory_space<hbm>>
            tpu.wait_indirect_dma semaphore(%arg19 : memref<!tpu.dma_semaphore, #tpu.memory_space<semaphore_mem>>) src(%dma_wait3A_119 : memref<4096x256xf32, #tpu.memory_space<hbm>>) dst(%dma_wait3A_113 : memref<98x256xf32, #tpu.memory_space<vmem>>)
          } else {
            %dma_wait3A_100 = arith.constant 0 : i32
            %dma_wait3A_101 = arith.constant 0 : i32
            %dma_wait3A_102 = arith.constant 0 : i32
            %dma_wait3A_103 = tpu.memref_slice %arg14[%dma_wait3A_101, %dma_wait3A_102] : memref<196x256xf32, #tpu.memory_space<vmem>> -> memref<98x256xf32, #tpu.memory_space<vmem>>
            %dma_wait3A_104 = arith.constant 0 : i32
            %dma_wait3A_105 = tpu.memref_slice %arg10[%add3A_60, %dma_wait3A_100, %dma_wait3A_104] : memref<32x2x98xi32, #tpu.memory_space<vmem>> -> memref<1x1x98xi32, #tpu.memory_space<vmem>>
            %dma_wait3A_106 = tpu.memref_squeeze %dma_wait3A_105 : memref<1x1x98xi32, #tpu.memory_space<vmem>> -> memref<98xi32, #tpu.memory_space<vmem>>
            %dma_wait3A_107 = arith.constant 0 : i32
            %dma_wait3A_108 = arith.constant 0 : i32
            %dma_wait3A_109 = tpu.memref_slice %arg5[%dma_wait3A_107, %dma_wait3A_108] : memref<1024x256xf32, #tpu.memory_space<hbm>> -> memref<1024x256xf32, #tpu.memory_space<hbm>>
            tpu.wait_indirect_dma semaphore(%arg18 : memref<!tpu.dma_semaphore, #tpu.memory_space<semaphore_mem>>) src(%dma_wait3A_109 : memref<1024x256xf32, #tpu.memory_space<hbm>>) dst(%dma_wait3A_103 : memref<98x256xf32, #tpu.memory_space<vmem>>)
            %dma_wait3A_110 = arith.constant 1 : i32
            %dma_wait3A_111 = arith.constant 98 : i32
            %dma_wait3A_112 = arith.constant 0 : i32
            %dma_wait3A_113 = tpu.memref_slice %arg14[%dma_wait3A_111, %dma_wait3A_112] : memref<196x256xf32, #tpu.memory_space<vmem>> -> memref<98x256xf32, #tpu.memory_space<vmem>>
            %dma_wait3A_114 = arith.constant 0 : i32
            %dma_wait3A_115 = tpu.memref_slice %arg10[%add3A_60, %dma_wait3A_110, %dma_wait3A_114] : memref<32x2x98xi32, #tpu.memory_space<vmem>> -> memref<1x1x98xi32, #tpu.memory_space<vmem>>
            %dma_wait3A_116 = tpu.memref_squeeze %dma_wait3A_115 : memref<1x1x98xi32, #tpu.memory_space<vmem>> -> memref<98xi32, #tpu.memory_space<vmem>>
            %dma_wait3A_117 = arith.constant 0 : i32
            %dma_wait3A_118 = arith.constant 0 : i32
            %dma_wait3A_119 = tpu.memref_slice %arg5[%dma_wait3A_117, %dma_wait3A_118] : memref<1024x256xf32, #tpu.memory_space<hbm>> -> memref<1024x256xf32, #tpu.memory_space<hbm>>
            tpu.wait_indirect_dma semaphore(%arg19 : memref<!tpu.dma_semaphore, #tpu.memory_space<semaphore_mem>>) src(%dma_wait3A_119 : memref<1024x256xf32, #tpu.memory_space<hbm>>) dst(%dma_wait3A_113 : memref<98x256xf32, #tpu.memory_space<vmem>>)
          }
        }
        %ge3A = arith.constant 1 : i32
        %ge3A_81 = arith.cmpi sge, %add3A_60, %ge3A : i32
        %convert_element_type3A_82 = arith.extui %ge3A_81 : i1 to i32
        %cond3A_83 = arith.constant 0 : i32
        %cond3A_84 = arith.cmpi ne, %convert_element_type3A_82, %cond3A_83 : i32
        scf.if %cond3A_84 {
          %sub3A_96 = arith.constant 1 : i32
          %sub3A_97 = arith.subi %add3A_60, %sub3A_96 : i32
          %add3A_98 = arith.addi %mul3A_2, %sub3A_97 : i32
          %mul3A_99 = arith.constant 49 : i32
          %mul3A_100 = arith.muli %add3A_98, %mul3A_99 : i32
          %dma_wait3A_101 = arith.constant 0 : i32
          %dma_wait3A_102 = tpu.memref_slice %arg9[%mul3A_100, %dma_wait3A_101] : memref<49000x256xf32, #tpu.memory_space<hbm>> -> memref<49x256xf32, #tpu.memory_space<hbm>>
          %dma_wait3A_103 = arith.constant 0 : i32
          %dma_wait3A_104 = tpu.memref_slice %arg9[%mul3A_100, %dma_wait3A_103] : memref<49000x256xf32, #tpu.memory_space<hbm>> -> memref<49x256xf32, #tpu.memory_space<hbm>>
          tpu.wait_dma2 semaphore(%arg20 : memref<!tpu.dma_semaphore, #tpu.memory_space<semaphore_mem>>) src(%arg15 : memref<49x256xf32, #tpu.memory_space<vmem>>) dst(%dma_wait3A_104 : memref<49x256xf32, #tpu.memory_space<hbm>>)
        } else {
        }
        %scan3A = arith.constant 0 : i32
        %scan3A_85 = arith.constant 0 : i32
        %scan3A_86 = arith.constant 49 : i32
        %scan3A_87 = arith.addi %scan3A_85, %scan3A_86 : i32
        %scan3A_88 = arith.constant 1 : i32
        scf.for %scan3A_96 = %scan3A_85 to %scan3A_87 step %scan3A_88  : i32 {
          %get3A_97 = arith.index_cast %add3A_60 : i32 to index
          %get3A_98 = arith.index_cast %scan3A_96 : i32 to index
          %get3A_99 = tpu.vector_load %arg11[%get3A_97, %get3A_98] {strides = array<i32>} : memref<32x216xf32, #tpu.memory_space<vmem>>, vector<1x16xf32>,
          %get3A_100 = vector.shape_cast %get3A_99 : vector<1x16xf32> to vector<16xf32>
          %slice3A_101 = vector.extract_strided_slice %get3A_100 {offsets = [0], sizes = [1], strides = [1]} : vector<16xf32> to vector<1xf32>
          %squeeze3A_102 = vector.extract %slice3A_101[0] : f32 from vector<1xf32>
          %add3A_103 = arith.constant 49 : i32
          %add3A_104 = arith.addi %add3A_103, %scan3A_96 : i32
          %get3A_105 = arith.index_cast %add3A_60 : i32 to index
          %get3A_106 = arith.index_cast %add3A_104 : i32 to index
          %get3A_107 = tpu.vector_load %arg11[%get3A_105, %get3A_106] {strides = array<i32>} : memref<32x216xf32, #tpu.memory_space<vmem>>, vector<1x16xf32>,
          %get3A_108 = vector.shape_cast %get3A_107 : vector<1x16xf32> to vector<16xf32>
          %slice3A_109 = vector.extract_strided_slice %get3A_108 {offsets = [0], sizes = [1], strides = [1]} : vector<16xf32> to vector<1xf32>
          %squeeze3A_110 = vector.extract %slice3A_109[0] : f32 from vector<1xf32>
          %add3A_111 = arith.constant 98 : i32
          %add3A_112 = arith.addi %add3A_111, %scan3A_96 : i32
          %get3A_113 = arith.index_cast %add3A_60 : i32 to index
          %get3A_114 = arith.index_cast %add3A_112 : i32 to index
          %get3A_115 = tpu.vector_load %arg11[%get3A_113, %get3A_114] {strides = array<i32>} : memref<32x216xf32, #tpu.memory_space<vmem>>, vector<1x16xf32>,
          %get3A_116 = vector.shape_cast %get3A_115 : vector<1x16xf32> to vector<16xf32>
          %slice3A_117 = vector.extract_strided_slice %get3A_116 {offsets = [0], sizes = [1], strides = [1]} : vector<16xf32> to vector<1xf32>
          %squeeze3A_118 = vector.extract %slice3A_117[0] : f32 from vector<1xf32>
          %add3A_119 = arith.constant 147 : i32
          %add3A_120 = arith.addi %add3A_119, %scan3A_96 : i32
          %get3A_121 = arith.index_cast %add3A_60 : i32 to index
          %get3A_122 = arith.index_cast %add3A_120 : i32 to index
          %get3A_123 = tpu.vector_load %arg11[%get3A_121, %get3A_122] {strides = array<i32>} : memref<32x216xf32, #tpu.memory_space<vmem>>, vector<1x16xf32>,
          %get3A_124 = vector.shape_cast %get3A_123 : vector<1x16xf32> to vector<16xf32>
          %slice3A_125 = vector.extract_strided_slice %get3A_124 {offsets = [0], sizes = [1], strides = [1]} : vector<16xf32> to vector<1xf32>
          %squeeze3A_126 = vector.extract %slice3A_125[0] : f32 from vector<1xf32>
          %get3A_127 = arith.index_cast %scan3A_96 : i32 to index
          %get3A_128 = arith.constant 0 : index
          %get3A_129 = tpu.vector_load %arg14[%get3A_127, %get3A_128] {strides = array<i32>} : memref<196x256xf32, #tpu.memory_space<vmem>>, vector<1x16xf32>,
          %get3A_130 = vector.shape_cast %get3A_129 : vector<1x16xf32> to vector<16xf32>
          %mul3A_131 = vector.broadcast %squeeze3A_102 : f32 to vector<16xf32>
          %mul3A_132 = arith.mulf %mul3A_131, %get3A_130 : vector<16xf32>
          %add3A_133 = arith.constant 49 : i32
          %add3A_134 = arith.addi %add3A_133, %scan3A_96 : i32
          %get3A_135 = arith.index_cast %add3A_134 : i32 to index
          %get3A_136 = arith.constant 0 : index
          %get3A_137 = tpu.vector_load %arg14[%get3A_135, %get3A_136] {strides = array<i32>} : memref<196x256xf32, #tpu.memory_space<vmem>>, vector<1x16xf32>,
          %get3A_138 = vector.shape_cast %get3A_137 : vector<1x16xf32> to vector<16xf32>
          %mul3A_139 = vector.broadcast %squeeze3A_110 : f32 to vector<16xf32>
          %mul3A_140 = arith.mulf %mul3A_139, %get3A_138 : vector<16xf32>
          %add3A_141 = arith.addf %mul3A_132, %mul3A_140 : vector<16xf32>
          %add3A_142 = arith.constant 98 : i32
          %add3A_143 = arith.addi %add3A_142, %scan3A_96 : i32
          %get3A_144 = arith.index_cast %add3A_143 : i32 to index
          %get3A_145 = arith.constant 0 : index
          %get3A_146 = tpu.vector_load %arg14[%get3A_144, %get3A_145] {strides = array<i32>} : memref<196x256xf32, #tpu.memory_space<vmem>>, vector<1x16xf32>,
          %get3A_147 = vector.shape_cast %get3A_146 : vector<1x16xf32> to vector<16xf32>
          %mul3A_148 = vector.broadcast %squeeze3A_118 : f32 to vector<16xf32>
          %mul3A_149 = arith.mulf %mul3A_148, %get3A_147 : vector<16xf32>
          %add3A_150 = arith.addf %add3A_141, %mul3A_149 : vector<16xf32>
          %add3A_151 = arith.constant 147 : i32
          %add3A_152 = arith.addi %add3A_151, %scan3A_96 : i32
          %get3A_153 = arith.index_cast %add3A_152 : i32 to index
          %get3A_154 = arith.constant 0 : index
          %get3A_155 = tpu.vector_load %arg14[%get3A_153, %get3A_154] {strides = array<i32>} : memref<196x256xf32, #tpu.memory_space<vmem>>, vector<1x16xf32>,
          %get3A_156 = vector.shape_cast %get3A_155 : vector<1x16xf32> to vector<16xf32>
          %mul3A_157 = vector.broadcast %squeeze3A_126 : f32 to vector<16xf32>
          %mul3A_158 = arith.mulf %mul3A_157, %get3A_156 : vector<16xf32>
          %add3A_159 = arith.addf %add3A_150, %mul3A_158 : vector<16xf32>
          %swap3A = arith.index_cast %scan3A_96 : i32 to index
          %swap3A_160 = arith.constant 0 : index
          %swap3A_161 = tpu.vector_load %arg15[%swap3A, %swap3A_160] {strides = array<i32>} : memref<49x256xf32, #tpu.memory_space<vmem>>, vector<1x16xf32>,
          %swap3A_162 = vector.shape_cast %swap3A_161 : vector<1x16xf32> to vector<16xf32>
          %swap3A_163 = vector.shape_cast %add3A_159 : vector<16xf32> to vector<1x16xf32>
          tpu.vector_store %arg15[%swap3A, %swap3A_160], %swap3A_163 {strides = array<i32>} : memref<49x256xf32, #tpu.memory_space<vmem>>, vector<1x16xf32>,
          %get3A_164 = arith.index_cast %scan3A_96 : i32 to index
          %get3A_165 = arith.constant 16 : index
          %get3A_166 = tpu.vector_load %arg14[%get3A_164, %get3A_165] {strides = array<i32>} : memref<196x256xf32, #tpu.memory_space<vmem>>, vector<1x16xf32>,
          %get3A_167 = vector.shape_cast %get3A_166 : vector<1x16xf32> to vector<16xf32>
          %mul3A_168 = vector.broadcast %squeeze3A_102 : f32 to vector<16xf32>
          %mul3A_169 = arith.mulf %mul3A_168, %get3A_167 : vector<16xf32>
          %add3A_170 = arith.constant 49 : i32
          %add3A_171 = arith.addi %add3A_170, %scan3A_96 : i32
          %get3A_172 = arith.index_cast %add3A_171 : i32 to index
          %get3A_173 = arith.constant 16 : index
          %get3A_174 = tpu.vector_load %arg14[%get3A_172, %get3A_173] {strides = array<i32>} : memref<196x256xf32, #tpu.memory_space<vmem>>, vector<1x16xf32>,
          %get3A_175 = vector.shape_cast %get3A_174 : vector<1x16xf32> to vector<16xf32>
          %mul3A_176 = vector.broadcast %squeeze3A_110 : f32 to vector<16xf32>
          %mul3A_177 = arith.mulf %mul3A_176, %get3A_175 : vector<16xf32>
          %add3A_178 = arith.addf %mul3A_169, %mul3A_177 : vector<16xf32>
          %add3A_179 = arith.constant 98 : i32
          %add3A_180 = arith.addi %add3A_179, %scan3A_96 : i32
          %get3A_181 = arith.index_cast %add3A_180 : i32 to index
          %get3A_182 = arith.constant 16 : index
          %get3A_183 = tpu.vector_load %arg14[%get3A_181, %get3A_182] {strides = array<i32>} : memref<196x256xf32, #tpu.memory_space<vmem>>, vector<1x16xf32>,
          %get3A_184 = vector.shape_cast %get3A_183 : vector<1x16xf32> to vector<16xf32>
          %mul3A_185 = vector.broadcast %squeeze3A_118 : f32 to vector<16xf32>
          %mul3A_186 = arith.mulf %mul3A_185, %get3A_184 : vector<16xf32>
          %add3A_187 = arith.addf %add3A_178, %mul3A_186 : vector<16xf32>
          %add3A_188 = arith.constant 147 : i32
          %add3A_189 = arith.addi %add3A_188, %scan3A_96 : i32
          %get3A_190 = arith.index_cast %add3A_189 : i32 to index
          %get3A_191 = arith.constant 16 : index
          %get3A_192 = tpu.vector_load %arg14[%get3A_190, %get3A_191] {strides = array<i32>} : memref<196x256xf32, #tpu.memory_space<vmem>>, vector<1x16xf32>,
          %get3A_193 = vector.shape_cast %get3A_192 : vector<1x16xf32> to vector<16xf32>
          %mul3A_194 = vector.broadcast %squeeze3A_126 : f32 to vector<16xf32>
          %mul3A_195 = arith.mulf %mul3A_194, %get3A_193 : vector<16xf32>
          %add3A_196 = arith.addf %add3A_187, %mul3A_195 : vector<16xf32>
          %swap3A_197 = arith.index_cast %scan3A_96 : i32 to index
          %swap3A_198 = arith.constant 16 : index
          %swap3A_199 = tpu.vector_load %arg15[%swap3A_197, %swap3A_198] {strides = array<i32>} : memref<49x256xf32, #tpu.memory_space<vmem>>, vector<1x16xf32>,
          %swap3A_200 = vector.shape_cast %swap3A_199 : vector<1x16xf32> to vector<16xf32>
          %swap3A_201 = vector.shape_cast %add3A_196 : vector<16xf32> to vector<1x16xf32>
          tpu.vector_store %arg15[%swap3A_197, %swap3A_198], %swap3A_201 {strides = array<i32>} : memref<49x256xf32, #tpu.memory_space<vmem>>, vector<1x16xf32>,
          %get3A_202 = arith.index_cast %scan3A_96 : i32 to index
          %get3A_203 = arith.constant 32 : index
          %get3A_204 = tpu.vector_load %arg14[%get3A_202, %get3A_203] {strides = array<i32>} : memref<196x256xf32, #tpu.memory_space<vmem>>, vector<1x16xf32>,
          %get3A_205 = vector.shape_cast %get3A_204 : vector<1x16xf32> to vector<16xf32>
          %mul3A_206 = vector.broadcast %squeeze3A_102 : f32 to vector<16xf32>
          %mul3A_207 = arith.mulf %mul3A_206, %get3A_205 : vector<16xf32>
          %add3A_208 = arith.constant 49 : i32
          %add3A_209 = arith.addi %add3A_208, %scan3A_96 : i32
          %get3A_210 = arith.index_cast %add3A_209 : i32 to index
          %get3A_211 = arith.constant 32 : index
          %get3A_212 = tpu.vector_load %arg14[%get3A_210, %get3A_211] {strides = array<i32>} : memref<196x256xf32, #tpu.memory_space<vmem>>, vector<1x16xf32>,
          %get3A_213 = vector.shape_cast %get3A_212 : vector<1x16xf32> to vector<16xf32>
          %mul3A_214 = vector.broadcast %squeeze3A_110 : f32 to vector<16xf32>
          %mul3A_215 = arith.mulf %mul3A_214, %get3A_213 : vector<16xf32>
          %add3A_216 = arith.addf %mul3A_207, %mul3A_215 : vector<16xf32>
          %add3A_217 = arith.constant 98 : i32
          %add3A_218 = arith.addi %add3A_217, %scan3A_96 : i32
          %get3A_219 = arith.index_cast %add3A_218 : i32 to index
          %get3A_220 = arith.constant 32 : index
          %get3A_221 = tpu.vector_load %arg14[%get3A_219, %get3A_220] {strides = array<i32>} : memref<196x256xf32, #tpu.memory_space<vmem>>, vector<1x16xf32>,
          %get3A_222 = vector.shape_cast %get3A_221 : vector<1x16xf32> to vector<16xf32>
          %mul3A_223 = vector.broadcast %squeeze3A_118 : f32 to vector<16xf32>
          %mul3A_224 = arith.mulf %mul3A_223, %get3A_222 : vector<16xf32>
          %add3A_225 = arith.addf %add3A_216, %mul3A_224 : vector<16xf32>
          %add3A_226 = arith.constant 147 : i32
          %add3A_227 = arith.addi %add3A_226, %scan3A_96 : i32
          %get3A_228 = arith.index_cast %add3A_227 : i32 to index
          %get3A_229 = arith.constant 32 : index
          %get3A_230 = tpu.vector_load %arg14[%get3A_228, %get3A_229] {strides = array<i32>} : memref<196x256xf32, #tpu.memory_space<vmem>>, vector<1x16xf32>,
          %get3A_231 = vector.shape_cast %get3A_230 : vector<1x16xf32> to vector<16xf32>
          %mul3A_232 = vector.broadcast %squeeze3A_126 : f32 to vector<16xf32>
          %mul3A_233 = arith.mulf %mul3A_232, %get3A_231 : vector<16xf32>
          %add3A_234 = arith.addf %add3A_225, %mul3A_233 : vector<16xf32>
          %swap3A_235 = arith.index_cast %scan3A_96 : i32 to index
          %swap3A_236 = arith.constant 32 : index
          %swap3A_237 = tpu.vector_load %arg15[%swap3A_235, %swap3A_236] {strides = array<i32>} : memref<49x256xf32, #tpu.memory_space<vmem>>, vector<1x16xf32>,
          %swap3A_238 = vector.shape_cast %swap3A_237 : vector<1x16xf32> to vector<16xf32>
          %swap3A_239 = vector.shape_cast %add3A_234 : vector<16xf32> to vector<1x16xf32>
          tpu.vector_store %arg15[%swap3A_235, %swap3A_236], %swap3A_239 {strides = array<i32>} : memref<49x256xf32, #tpu.memory_space<vmem>>, vector<1x16xf32>,
          %get3A_240 = arith.index_cast %scan3A_96 : i32 to index
          %get3A_241 = arith.constant 48 : index
          %get3A_242 = tpu.vector_load %arg14[%get3A_240, %get3A_241] {strides = array<i32>} : memref<196x256xf32, #tpu.memory_space<vmem>>, vector<1x16xf32>,
          %get3A_243 = vector.shape_cast %get3A_242 : vector<1x16xf32> to vector<16xf32>
          %mul3A_244 = vector.broadcast %squeeze3A_102 : f32 to vector<16xf32>
          %mul3A_245 = arith.mulf %mul3A_244, %get3A_243 : vector<16xf32>
          %add3A_246 = arith.constant 49 : i32
          %add3A_247 = arith.addi %add3A_246, %scan3A_96 : i32
          %get3A_248 = arith.index_cast %add3A_247 : i32 to index
          %get3A_249 = arith.constant 48 : index
          %get3A_250 = tpu.vector_load %arg14[%get3A_248, %get3A_249] {strides = array<i32>} : memref<196x256xf32, #tpu.memory_space<vmem>>, vector<1x16xf32>,
          %get3A_251 = vector.shape_cast %get3A_250 : vector<1x16xf32> to vector<16xf32>
          %mul3A_252 = vector.broadcast %squeeze3A_110 : f32 to vector<16xf32>
          %mul3A_253 = arith.mulf %mul3A_252, %get3A_251 : vector<16xf32>
          %add3A_254 = arith.addf %mul3A_245, %mul3A_253 : vector<16xf32>
          %add3A_255 = arith.constant 98 : i32
          %add3A_256 = arith.addi %add3A_255, %scan3A_96 : i32
          %get3A_257 = arith.index_cast %add3A_256 : i32 to index
          %get3A_258 = arith.constant 48 : index
          %get3A_259 = tpu.vector_load %arg14[%get3A_257, %get3A_258] {strides = array<i32>} : memref<196x256xf32, #tpu.memory_space<vmem>>, vector<1x16xf32>,
          %get3A_260 = vector.shape_cast %get3A_259 : vector<1x16xf32> to vector<16xf32>
          %mul3A_261 = vector.broadcast %squeeze3A_118 : f32 to vector<16xf32>
          %mul3A_262 = arith.mulf %mul3A_261, %get3A_260 : vector<16xf32>
          %add3A_263 = arith.addf %add3A_254, %mul3A_262 : vector<16xf32>
          %add3A_264 = arith.constant 147 : i32
          %add3A_265 = arith.addi %add3A_264, %scan3A_96 : i32
          %get3A_266 = arith.index_cast %add3A_265 : i32 to index
          %get3A_267 = arith.constant 48 : index
          %get3A_268 = tpu.vector_load %arg14[%get3A_266, %get3A_267] {strides = array<i32>} : memref<196x256xf32, #tpu.memory_space<vmem>>, vector<1x16xf32>,
          %get3A_269 = vector.shape_cast %get3A_268 : vector<1x16xf32> to vector<16xf32>
          %mul3A_270 = vector.broadcast %squeeze3A_126 : f32 to vector<16xf32>
          %mul3A_271 = arith.mulf %mul3A_270, %get3A_269 : vector<16xf32>
          %add3A_272 = arith.addf %add3A_263, %mul3A_271 : vector<16xf32>
          %swap3A_273 = arith.index_cast %scan3A_96 : i32 to index
          %swap3A_274 = arith.constant 48 : index
          %swap3A_275 = tpu.vector_load %arg15[%swap3A_273, %swap3A_274] {strides = array<i32>} : memref<49x256xf32, #tpu.memory_space<vmem>>, vector<1x16xf32>,
          %swap3A_276 = vector.shape_cast %swap3A_275 : vector<1x16xf32> to vector<16xf32>
          %swap3A_277 = vector.shape_cast %add3A_272 : vector<16xf32> to vector<1x16xf32>
          tpu.vector_store %arg15[%swap3A_273, %swap3A_274], %swap3A_277 {strides = array<i32>} : memref<49x256xf32, #tpu.memory_space<vmem>>, vector<1x16xf32>,
          %get3A_278 = arith.index_cast %scan3A_96 : i32 to index
          %get3A_279 = arith.constant 64 : index
          %get3A_280 = tpu.vector_load %arg14[%get3A_278, %get3A_279] {strides = array<i32>} : memref<196x256xf32, #tpu.memory_space<vmem>>, vector<1x16xf32>,
          %get3A_281 = vector.shape_cast %get3A_280 : vector<1x16xf32> to vector<16xf32>
          %mul3A_282 = vector.broadcast %squeeze3A_102 : f32 to vector<16xf32>
          %mul3A_283 = arith.mulf %mul3A_282, %get3A_281 : vector<16xf32>
          %add3A_284 = arith.constant 49 : i32
          %add3A_285 = arith.addi %add3A_284, %scan3A_96 : i32
          %get3A_286 = arith.index_cast %add3A_285 : i32 to index
          %get3A_287 = arith.constant 64 : index
          %get3A_288 = tpu.vector_load %arg14[%get3A_286, %get3A_287] {strides = array<i32>} : memref<196x256xf32, #tpu.memory_space<vmem>>, vector<1x16xf32>,
          %get3A_289 = vector.shape_cast %get3A_288 : vector<1x16xf32> to vector<16xf32>
          %mul3A_290 = vector.broadcast %squeeze3A_110 : f32 to vector<16xf32>
          %mul3A_291 = arith.mulf %mul3A_290, %get3A_289 : vector<16xf32>
          %add3A_292 = arith.addf %mul3A_283, %mul3A_291 : vector<16xf32>
          %add3A_293 = arith.constant 98 : i32
          %add3A_294 = arith.addi %add3A_293, %scan3A_96 : i32
          %get3A_295 = arith.index_cast %add3A_294 : i32 to index
          %get3A_296 = arith.constant 64 : index
          %get3A_297 = tpu.vector_load %arg14[%get3A_295, %get3A_296] {strides = array<i32>} : memref<196x256xf32, #tpu.memory_space<vmem>>, vector<1x16xf32>,
          %get3A_298 = vector.shape_cast %get3A_297 : vector<1x16xf32> to vector<16xf32>
          %mul3A_299 = vector.broadcast %squeeze3A_118 : f32 to vector<16xf32>
          %mul3A_300 = arith.mulf %mul3A_299, %get3A_298 : vector<16xf32>
          %add3A_301 = arith.addf %add3A_292, %mul3A_300 : vector<16xf32>
          %add3A_302 = arith.constant 147 : i32
          %add3A_303 = arith.addi %add3A_302, %scan3A_96 : i32
          %get3A_304 = arith.index_cast %add3A_303 : i32 to index
          %get3A_305 = arith.constant 64 : index
          %get3A_306 = tpu.vector_load %arg14[%get3A_304, %get3A_305] {strides = array<i32>} : memref<196x256xf32, #tpu.memory_space<vmem>>, vector<1x16xf32>,
          %get3A_307 = vector.shape_cast %get3A_306 : vector<1x16xf32> to vector<16xf32>
          %mul3A_308 = vector.broadcast %squeeze3A_126 : f32 to vector<16xf32>
          %mul3A_309 = arith.mulf %mul3A_308, %get3A_307 : vector<16xf32>
          %add3A_310 = arith.addf %add3A_301, %mul3A_309 : vector<16xf32>
          %swap3A_311 = arith.index_cast %scan3A_96 : i32 to index
          %swap3A_312 = arith.constant 64 : index
          %swap3A_313 = tpu.vector_load %arg15[%swap3A_311, %swap3A_312] {strides = array<i32>} : memref<49x256xf32, #tpu.memory_space<vmem>>, vector<1x16xf32>,
          %swap3A_314 = vector.shape_cast %swap3A_313 : vector<1x16xf32> to vector<16xf32>
          %swap3A_315 = vector.shape_cast %add3A_310 : vector<16xf32> to vector<1x16xf32>
          tpu.vector_store %arg15[%swap3A_311, %swap3A_312], %swap3A_315 {strides = array<i32>} : memref<49x256xf32, #tpu.memory_space<vmem>>, vector<1x16xf32>,
          %get3A_316 = arith.index_cast %scan3A_96 : i32 to index
          %get3A_317 = arith.constant 80 : index
          %get3A_318 = tpu.vector_load %arg14[%get3A_316, %get3A_317] {strides = array<i32>} : memref<196x256xf32, #tpu.memory_space<vmem>>, vector<1x16xf32>,
          %get3A_319 = vector.shape_cast %get3A_318 : vector<1x16xf32> to vector<16xf32>
          %mul3A_320 = vector.broadcast %squeeze3A_102 : f32 to vector<16xf32>
          %mul3A_321 = arith.mulf %mul3A_320, %get3A_319 : vector<16xf32>
          %add3A_322 = arith.constant 49 : i32
          %add3A_323 = arith.addi %add3A_322, %scan3A_96 : i32
          %get3A_324 = arith.index_cast %add3A_323 : i32 to index
          %get3A_325 = arith.constant 80 : index
          %get3A_326 = tpu.vector_load %arg14[%get3A_324, %get3A_325] {strides = array<i32>} : memref<196x256xf32, #tpu.memory_space<vmem>>, vector<1x16xf32>,
          %get3A_327 = vector.shape_cast %get3A_326 : vector<1x16xf32> to vector<16xf32>
          %mul3A_328 = vector.broadcast %squeeze3A_110 : f32 to vector<16xf32>
          %mul3A_329 = arith.mulf %mul3A_328, %get3A_327 : vector<16xf32>
          %add3A_330 = arith.addf %mul3A_321, %mul3A_329 : vector<16xf32>
          %add3A_331 = arith.constant 98 : i32
          %add3A_332 = arith.addi %add3A_331, %scan3A_96 : i32
          %get3A_333 = arith.index_cast %add3A_332 : i32 to index
          %get3A_334 = arith.constant 80 : index
          %get3A_335 = tpu.vector_load %arg14[%get3A_333, %get3A_334] {strides = array<i32>} : memref<196x256xf32, #tpu.memory_space<vmem>>, vector<1x16xf32>,
          %get3A_336 = vector.shape_cast %get3A_335 : vector<1x16xf32> to vector<16xf32>
          %mul3A_337 = vector.broadcast %squeeze3A_118 : f32 to vector<16xf32>
          %mul3A_338 = arith.mulf %mul3A_337, %get3A_336 : vector<16xf32>
          %add3A_339 = arith.addf %add3A_330, %mul3A_338 : vector<16xf32>
          %add3A_340 = arith.constant 147 : i32
          %add3A_341 = arith.addi %add3A_340, %scan3A_96 : i32
          %get3A_342 = arith.index_cast %add3A_341 : i32 to index
          %get3A_343 = arith.constant 80 : index
          %get3A_344 = tpu.vector_load %arg14[%get3A_342, %get3A_343] {strides = array<i32>} : memref<196x256xf32, #tpu.memory_space<vmem>>, vector<1x16xf32>,
          %get3A_345 = vector.shape_cast %get3A_344 : vector<1x16xf32> to vector<16xf32>
          %mul3A_346 = vector.broadcast %squeeze3A_126 : f32 to vector<16xf32>
          %mul3A_347 = arith.mulf %mul3A_346, %get3A_345 : vector<16xf32>
          %add3A_348 = arith.addf %add3A_339, %mul3A_347 : vector<16xf32>
          %swap3A_349 = arith.index_cast %scan3A_96 : i32 to index
          %swap3A_350 = arith.constant 80 : index
          %swap3A_351 = tpu.vector_load %arg15[%swap3A_349, %swap3A_350] {strides = array<i32>} : memref<49x256xf32, #tpu.memory_space<vmem>>, vector<1x16xf32>,
          %swap3A_352 = vector.shape_cast %swap3A_351 : vector<1x16xf32> to vector<16xf32>
          %swap3A_353 = vector.shape_cast %add3A_348 : vector<16xf32> to vector<1x16xf32>
          tpu.vector_store %arg15[%swap3A_349, %swap3A_350], %swap3A_353 {strides = array<i32>} : memref<49x256xf32, #tpu.memory_space<vmem>>, vector<1x16xf32>,
          %get3A_354 = arith.index_cast %scan3A_96 : i32 to index
          %get3A_355 = arith.constant 96 : index
          %get3A_356 = tpu.vector_load %arg14[%get3A_354, %get3A_355] {strides = array<i32>} : memref<196x256xf32, #tpu.memory_space<vmem>>, vector<1x16xf32>,
          %get3A_357 = vector.shape_cast %get3A_356 : vector<1x16xf32> to vector<16xf32>
          %mul3A_358 = vector.broadcast %squeeze3A_102 : f32 to vector<16xf32>
          %mul3A_359 = arith.mulf %mul3A_358, %get3A_357 : vector<16xf32>
          %add3A_360 = arith.constant 49 : i32
          %add3A_361 = arith.addi %add3A_360, %scan3A_96 : i32
          %get3A_362 = arith.index_cast %add3A_361 : i32 to index
          %get3A_363 = arith.constant 96 : index
          %get3A_364 = tpu.vector_load %arg14[%get3A_362, %get3A_363] {strides = array<i32>} : memref<196x256xf32, #tpu.memory_space<vmem>>, vector<1x16xf32>,
          %get3A_365 = vector.shape_cast %get3A_364 : vector<1x16xf32> to vector<16xf32>
          %mul3A_366 = vector.broadcast %squeeze3A_110 : f32 to vector<16xf32>
          %mul3A_367 = arith.mulf %mul3A_366, %get3A_365 : vector<16xf32>
          %add3A_368 = arith.addf %mul3A_359, %mul3A_367 : vector<16xf32>
          %add3A_369 = arith.constant 98 : i32
          %add3A_370 = arith.addi %add3A_369, %scan3A_96 : i32
          %get3A_371 = arith.index_cast %add3A_370 : i32 to index
          %get3A_372 = arith.constant 96 : index
          %get3A_373 = tpu.vector_load %arg14[%get3A_371, %get3A_372] {strides = array<i32>} : memref<196x256xf32, #tpu.memory_space<vmem>>, vector<1x16xf32>,
          %get3A_374 = vector.shape_cast %get3A_373 : vector<1x16xf32> to vector<16xf32>
          %mul3A_375 = vector.broadcast %squeeze3A_118 : f32 to vector<16xf32>
          %mul3A_376 = arith.mulf %mul3A_375, %get3A_374 : vector<16xf32>
          %add3A_377 = arith.addf %add3A_368, %mul3A_376 : vector<16xf32>
          %add3A_378 = arith.constant 147 : i32
          %add3A_379 = arith.addi %add3A_378, %scan3A_96 : i32
          %get3A_380 = arith.index_cast %add3A_379 : i32 to index
          %get3A_381 = arith.constant 96 : index
          %get3A_382 = tpu.vector_load %arg14[%get3A_380, %get3A_381] {strides = array<i32>} : memref<196x256xf32, #tpu.memory_space<vmem>>, vector<1x16xf32>,
          %get3A_383 = vector.shape_cast %get3A_382 : vector<1x16xf32> to vector<16xf32>
          %mul3A_384 = vector.broadcast %squeeze3A_126 : f32 to vector<16xf32>
          %mul3A_385 = arith.mulf %mul3A_384, %get3A_383 : vector<16xf32>
          %add3A_386 = arith.addf %add3A_377, %mul3A_385 : vector<16xf32>
          %swap3A_387 = arith.index_cast %scan3A_96 : i32 to index
          %swap3A_388 = arith.constant 96 : index
          %swap3A_389 = tpu.vector_load %arg15[%swap3A_387, %swap3A_388] {strides = array<i32>} : memref<49x256xf32, #tpu.memory_space<vmem>>, vector<1x16xf32>,
          %swap3A_390 = vector.shape_cast %swap3A_389 : vector<1x16xf32> to vector<16xf32>
          %swap3A_391 = vector.shape_cast %add3A_386 : vector<16xf32> to vector<1x16xf32>
          tpu.vector_store %arg15[%swap3A_387, %swap3A_388], %swap3A_391 {strides = array<i32>} : memref<49x256xf32, #tpu.memory_space<vmem>>, vector<1x16xf32>,
          %get3A_392 = arith.index_cast %scan3A_96 : i32 to index
          %get3A_393 = arith.constant 112 : index
          %get3A_394 = tpu.vector_load %arg14[%get3A_392, %get3A_393] {strides = array<i32>} : memref<196x256xf32, #tpu.memory_space<vmem>>, vector<1x16xf32>,
          %get3A_395 = vector.shape_cast %get3A_394 : vector<1x16xf32> to vector<16xf32>
          %mul3A_396 = vector.broadcast %squeeze3A_102 : f32 to vector<16xf32>
          %mul3A_397 = arith.mulf %mul3A_396, %get3A_395 : vector<16xf32>
          %add3A_398 = arith.constant 49 : i32
          %add3A_399 = arith.addi %add3A_398, %scan3A_96 : i32
          %get3A_400 = arith.index_cast %add3A_399 : i32 to index
          %get3A_401 = arith.constant 112 : index
          %get3A_402 = tpu.vector_load %arg14[%get3A_400, %get3A_401] {strides = array<i32>} : memref<196x256xf32, #tpu.memory_space<vmem>>, vector<1x16xf32>,
          %get3A_403 = vector.shape_cast %get3A_402 : vector<1x16xf32> to vector<16xf32>
          %mul3A_404 = vector.broadcast %squeeze3A_110 : f32 to vector<16xf32>
          %mul3A_405 = arith.mulf %mul3A_404, %get3A_403 : vector<16xf32>
          %add3A_406 = arith.addf %mul3A_397, %mul3A_405 : vector<16xf32>
          %add3A_407 = arith.constant 98 : i32
          %add3A_408 = arith.addi %add3A_407, %scan3A_96 : i32
          %get3A_409 = arith.index_cast %add3A_408 : i32 to index
          %get3A_410 = arith.constant 112 : index
          %get3A_411 = tpu.vector_load %arg14[%get3A_409, %get3A_410] {strides = array<i32>} : memref<196x256xf32, #tpu.memory_space<vmem>>, vector<1x16xf32>,
          %get3A_412 = vector.shape_cast %get3A_411 : vector<1x16xf32> to vector<16xf32>
          %mul3A_413 = vector.broadcast %squeeze3A_118 : f32 to vector<16xf32>
          %mul3A_414 = arith.mulf %mul3A_413, %get3A_412 : vector<16xf32>
          %add3A_415 = arith.addf %add3A_406, %mul3A_414 : vector<16xf32>
          %add3A_416 = arith.constant 147 : i32
          %add3A_417 = arith.addi %add3A_416, %scan3A_96 : i32
          %get3A_418 = arith.index_cast %add3A_417 : i32 to index
          %get3A_419 = arith.constant 112 : index
          %get3A_420 = tpu.vector_load %arg14[%get3A_418, %get3A_419] {strides = array<i32>} : memref<196x256xf32, #tpu.memory_space<vmem>>, vector<1x16xf32>,
          %get3A_421 = vector.shape_cast %get3A_420 : vector<1x16xf32> to vector<16xf32>
          %mul3A_422 = vector.broadcast %squeeze3A_126 : f32 to vector<16xf32>
          %mul3A_423 = arith.mulf %mul3A_422, %get3A_421 : vector<16xf32>
          %add3A_424 = arith.addf %add3A_415, %mul3A_423 : vector<16xf32>
          %swap3A_425 = arith.index_cast %scan3A_96 : i32 to index
          %swap3A_426 = arith.constant 112 : index
          %swap3A_427 = tpu.vector_load %arg15[%swap3A_425, %swap3A_426] {strides = array<i32>} : memref<49x256xf32, #tpu.memory_space<vmem>>, vector<1x16xf32>,
          %swap3A_428 = vector.shape_cast %swap3A_427 : vector<1x16xf32> to vector<16xf32>
          %swap3A_429 = vector.shape_cast %add3A_424 : vector<16xf32> to vector<1x16xf32>
          tpu.vector_store %arg15[%swap3A_425, %swap3A_426], %swap3A_429 {strides = array<i32>} : memref<49x256xf32, #tpu.memory_space<vmem>>, vector<1x16xf32>,
          %get3A_430 = arith.index_cast %scan3A_96 : i32 to index
          %get3A_431 = arith.constant 128 : index
          %get3A_432 = tpu.vector_load %arg14[%get3A_430, %get3A_431] {strides = array<i32>} : memref<196x256xf32, #tpu.memory_space<vmem>>, vector<1x16xf32>,
          %get3A_433 = vector.shape_cast %get3A_432 : vector<1x16xf32> to vector<16xf32>
          %mul3A_434 = vector.broadcast %squeeze3A_102 : f32 to vector<16xf32>
          %mul3A_435 = arith.mulf %mul3A_434, %get3A_433 : vector<16xf32>
          %add3A_436 = arith.constant 49 : i32
          %add3A_437 = arith.addi %add3A_436, %scan3A_96 : i32
          %get3A_438 = arith.index_cast %add3A_437 : i32 to index
          %get3A_439 = arith.constant 128 : index
          %get3A_440 = tpu.vector_load %arg14[%get3A_438, %get3A_439] {strides = array<i32>} : memref<196x256xf32, #tpu.memory_space<vmem>>, vector<1x16xf32>,
          %get3A_441 = vector.shape_cast %get3A_440 : vector<1x16xf32> to vector<16xf32>
          %mul3A_442 = vector.broadcast %squeeze3A_110 : f32 to vector<16xf32>
          %mul3A_443 = arith.mulf %mul3A_442, %get3A_441 : vector<16xf32>
          %add3A_444 = arith.addf %mul3A_435, %mul3A_443 : vector<16xf32>
          %add3A_445 = arith.constant 98 : i32
          %add3A_446 = arith.addi %add3A_445, %scan3A_96 : i32
          %get3A_447 = arith.index_cast %add3A_446 : i32 to index
          %get3A_448 = arith.constant 128 : index
          %get3A_449 = tpu.vector_load %arg14[%get3A_447, %get3A_448] {strides = array<i32>} : memref<196x256xf32, #tpu.memory_space<vmem>>, vector<1x16xf32>,
          %get3A_450 = vector.shape_cast %get3A_449 : vector<1x16xf32> to vector<16xf32>
          %mul3A_451 = vector.broadcast %squeeze3A_118 : f32 to vector<16xf32>
          %mul3A_452 = arith.mulf %mul3A_451, %get3A_450 : vector<16xf32>
          %add3A_453 = arith.addf %add3A_444, %mul3A_452 : vector<16xf32>
          %add3A_454 = arith.constant 147 : i32
          %add3A_455 = arith.addi %add3A_454, %scan3A_96 : i32
          %get3A_456 = arith.index_cast %add3A_455 : i32 to index
          %get3A_457 = arith.constant 128 : index
          %get3A_458 = tpu.vector_load %arg14[%get3A_456, %get3A_457] {strides = array<i32>} : memref<196x256xf32, #tpu.memory_space<vmem>>, vector<1x16xf32>,
          %get3A_459 = vector.shape_cast %get3A_458 : vector<1x16xf32> to vector<16xf32>
          %mul3A_460 = vector.broadcast %squeeze3A_126 : f32 to vector<16xf32>
          %mul3A_461 = arith.mulf %mul3A_460, %get3A_459 : vector<16xf32>
          %add3A_462 = arith.addf %add3A_453, %mul3A_461 : vector<16xf32>
          %swap3A_463 = arith.index_cast %scan3A_96 : i32 to index
          %swap3A_464 = arith.constant 128 : index
          %swap3A_465 = tpu.vector_load %arg15[%swap3A_463, %swap3A_464] {strides = array<i32>} : memref<49x256xf32, #tpu.memory_space<vmem>>, vector<1x16xf32>,
          %swap3A_466 = vector.shape_cast %swap3A_465 : vector<1x16xf32> to vector<16xf32>
          %swap3A_467 = vector.shape_cast %add3A_462 : vector<16xf32> to vector<1x16xf32>
          tpu.vector_store %arg15[%swap3A_463, %swap3A_464], %swap3A_467 {strides = array<i32>} : memref<49x256xf32, #tpu.memory_space<vmem>>, vector<1x16xf32>,
          %get3A_468 = arith.index_cast %scan3A_96 : i32 to index
          %get3A_469 = arith.constant 144 : index
          %get3A_470 = tpu.vector_load %arg14[%get3A_468, %get3A_469] {strides = array<i32>} : memref<196x256xf32, #tpu.memory_space<vmem>>, vector<1x16xf32>,
          %get3A_471 = vector.shape_cast %get3A_470 : vector<1x16xf32> to vector<16xf32>
          %mul3A_472 = vector.broadcast %squeeze3A_102 : f32 to vector<16xf32>
          %mul3A_473 = arith.mulf %mul3A_472, %get3A_471 : vector<16xf32>
          %add3A_474 = arith.constant 49 : i32
          %add3A_475 = arith.addi %add3A_474, %scan3A_96 : i32
          %get3A_476 = arith.index_cast %add3A_475 : i32 to index
          %get3A_477 = arith.constant 144 : index
          %get3A_478 = tpu.vector_load %arg14[%get3A_476, %get3A_477] {strides = array<i32>} : memref<196x256xf32, #tpu.memory_space<vmem>>, vector<1x16xf32>,
          %get3A_479 = vector.shape_cast %get3A_478 : vector<1x16xf32> to vector<16xf32>
          %mul3A_480 = vector.broadcast %squeeze3A_110 : f32 to vector<16xf32>
          %mul3A_481 = arith.mulf %mul3A_480, %get3A_479 : vector<16xf32>
          %add3A_482 = arith.addf %mul3A_473, %mul3A_481 : vector<16xf32>
          %add3A_483 = arith.constant 98 : i32
          %add3A_484 = arith.addi %add3A_483, %scan3A_96 : i32
          %get3A_485 = arith.index_cast %add3A_484 : i32 to index
          %get3A_486 = arith.constant 144 : index
          %get3A_487 = tpu.vector_load %arg14[%get3A_485, %get3A_486] {strides = array<i32>} : memref<196x256xf32, #tpu.memory_space<vmem>>, vector<1x16xf32>,
          %get3A_488 = vector.shape_cast %get3A_487 : vector<1x16xf32> to vector<16xf32>
          %mul3A_489 = vector.broadcast %squeeze3A_118 : f32 to vector<16xf32>
          %mul3A_490 = arith.mulf %mul3A_489, %get3A_488 : vector<16xf32>
          %add3A_491 = arith.addf %add3A_482, %mul3A_490 : vector<16xf32>
          %add3A_492 = arith.constant 147 : i32
          %add3A_493 = arith.addi %add3A_492, %scan3A_96 : i32
          %get3A_494 = arith.index_cast %add3A_493 : i32 to index
          %get3A_495 = arith.constant 144 : index
          %get3A_496 = tpu.vector_load %arg14[%get3A_494, %get3A_495] {strides = array<i32>} : memref<196x256xf32, #tpu.memory_space<vmem>>, vector<1x16xf32>,
          %get3A_497 = vector.shape_cast %get3A_496 : vector<1x16xf32> to vector<16xf32>
          %mul3A_498 = vector.broadcast %squeeze3A_126 : f32 to vector<16xf32>
          %mul3A_499 = arith.mulf %mul3A_498, %get3A_497 : vector<16xf32>
          %add3A_500 = arith.addf %add3A_491, %mul3A_499 : vector<16xf32>
          %swap3A_501 = arith.index_cast %scan3A_96 : i32 to index
          %swap3A_502 = arith.constant 144 : index
          %swap3A_503 = tpu.vector_load %arg15[%swap3A_501, %swap3A_502] {strides = array<i32>} : memref<49x256xf32, #tpu.memory_space<vmem>>, vector<1x16xf32>,
          %swap3A_504 = vector.shape_cast %swap3A_503 : vector<1x16xf32> to vector<16xf32>
          %swap3A_505 = vector.shape_cast %add3A_500 : vector<16xf32> to vector<1x16xf32>
          tpu.vector_store %arg15[%swap3A_501, %swap3A_502], %swap3A_505 {strides = array<i32>} : memref<49x256xf32, #tpu.memory_space<vmem>>, vector<1x16xf32>,
          %get3A_506 = arith.index_cast %scan3A_96 : i32 to index
          %get3A_507 = arith.constant 160 : index
          %get3A_508 = tpu.vector_load %arg14[%get3A_506, %get3A_507] {strides = array<i32>} : memref<196x256xf32, #tpu.memory_space<vmem>>, vector<1x16xf32>,
          %get3A_509 = vector.shape_cast %get3A_508 : vector<1x16xf32> to vector<16xf32>
          %mul3A_510 = vector.broadcast %squeeze3A_102 : f32 to vector<16xf32>
          %mul3A_511 = arith.mulf %mul3A_510, %get3A_509 : vector<16xf32>
          %add3A_512 = arith.constant 49 : i32
          %add3A_513 = arith.addi %add3A_512, %scan3A_96 : i32
          %get3A_514 = arith.index_cast %add3A_513 : i32 to index
          %get3A_515 = arith.constant 160 : index
          %get3A_516 = tpu.vector_load %arg14[%get3A_514, %get3A_515] {strides = array<i32>} : memref<196x256xf32, #tpu.memory_space<vmem>>, vector<1x16xf32>,
          %get3A_517 = vector.shape_cast %get3A_516 : vector<1x16xf32> to vector<16xf32>
          %mul3A_518 = vector.broadcast %squeeze3A_110 : f32 to vector<16xf32>
          %mul3A_519 = arith.mulf %mul3A_518, %get3A_517 : vector<16xf32>
          %add3A_520 = arith.addf %mul3A_511, %mul3A_519 : vector<16xf32>
          %add3A_521 = arith.constant 98 : i32
          %add3A_522 = arith.addi %add3A_521, %scan3A_96 : i32
          %get3A_523 = arith.index_cast %add3A_522 : i32 to index
          %get3A_524 = arith.constant 160 : index
          %get3A_525 = tpu.vector_load %arg14[%get3A_523, %get3A_524] {strides = array<i32>} : memref<196x256xf32, #tpu.memory_space<vmem>>, vector<1x16xf32>,
          %get3A_526 = vector.shape_cast %get3A_525 : vector<1x16xf32> to vector<16xf32>
          %mul3A_527 = vector.broadcast %squeeze3A_118 : f32 to vector<16xf32>
          %mul3A_528 = arith.mulf %mul3A_527, %get3A_526 : vector<16xf32>
          %add3A_529 = arith.addf %add3A_520, %mul3A_528 : vector<16xf32>
          %add3A_530 = arith.constant 147 : i32
          %add3A_531 = arith.addi %add3A_530, %scan3A_96 : i32
          %get3A_532 = arith.index_cast %add3A_531 : i32 to index
          %get3A_533 = arith.constant 160 : index
          %get3A_534 = tpu.vector_load %arg14[%get3A_532, %get3A_533] {strides = array<i32>} : memref<196x256xf32, #tpu.memory_space<vmem>>, vector<1x16xf32>,
          %get3A_535 = vector.shape_cast %get3A_534 : vector<1x16xf32> to vector<16xf32>
          %mul3A_536 = vector.broadcast %squeeze3A_126 : f32 to vector<16xf32>
          %mul3A_537 = arith.mulf %mul3A_536, %get3A_535 : vector<16xf32>
          %add3A_538 = arith.addf %add3A_529, %mul3A_537 : vector<16xf32>
          %swap3A_539 = arith.index_cast %scan3A_96 : i32 to index
          %swap3A_540 = arith.constant 160 : index
          %swap3A_541 = tpu.vector_load %arg15[%swap3A_539, %swap3A_540] {strides = array<i32>} : memref<49x256xf32, #tpu.memory_space<vmem>>, vector<1x16xf32>,
          %swap3A_542 = vector.shape_cast %swap3A_541 : vector<1x16xf32> to vector<16xf32>
          %swap3A_543 = vector.shape_cast %add3A_538 : vector<16xf32> to vector<1x16xf32>
          tpu.vector_store %arg15[%swap3A_539, %swap3A_540], %swap3A_543 {strides = array<i32>} : memref<49x256xf32, #tpu.memory_space<vmem>>, vector<1x16xf32>,
          %get3A_544 = arith.index_cast %scan3A_96 : i32 to index
          %get3A_545 = arith.constant 176 : index
          %get3A_546 = tpu.vector_load %arg14[%get3A_544, %get3A_545] {strides = array<i32>} : memref<196x256xf32, #tpu.memory_space<vmem>>, vector<1x16xf32>,
          %get3A_547 = vector.shape_cast %get3A_546 : vector<1x16xf32> to vector<16xf32>
          %mul3A_548 = vector.broadcast %squeeze3A_102 : f32 to vector<16xf32>
          %mul3A_549 = arith.mulf %mul3A_548, %get3A_547 : vector<16xf32>
          %add3A_550 = arith.constant 49 : i32
          %add3A_551 = arith.addi %add3A_550, %scan3A_96 : i32
          %get3A_552 = arith.index_cast %add3A_551 : i32 to index
          %get3A_553 = arith.constant 176 : index
          %get3A_554 = tpu.vector_load %arg14[%get3A_552, %get3A_553] {strides = array<i32>} : memref<196x256xf32, #tpu.memory_space<vmem>>, vector<1x16xf32>,
          %get3A_555 = vector.shape_cast %get3A_554 : vector<1x16xf32> to vector<16xf32>
          %mul3A_556 = vector.broadcast %squeeze3A_110 : f32 to vector<16xf32>
          %mul3A_557 = arith.mulf %mul3A_556, %get3A_555 : vector<16xf32>
          %add3A_558 = arith.addf %mul3A_549, %mul3A_557 : vector<16xf32>
          %add3A_559 = arith.constant 98 : i32
          %add3A_560 = arith.addi %add3A_559, %scan3A_96 : i32
          %get3A_561 = arith.index_cast %add3A_560 : i32 to index
          %get3A_562 = arith.constant 176 : index
          %get3A_563 = tpu.vector_load %arg14[%get3A_561, %get3A_562] {strides = array<i32>} : memref<196x256xf32, #tpu.memory_space<vmem>>, vector<1x16xf32>,
          %get3A_564 = vector.shape_cast %get3A_563 : vector<1x16xf32> to vector<16xf32>
          %mul3A_565 = vector.broadcast %squeeze3A_118 : f32 to vector<16xf32>
          %mul3A_566 = arith.mulf %mul3A_565, %get3A_564 : vector<16xf32>
          %add3A_567 = arith.addf %add3A_558, %mul3A_566 : vector<16xf32>
          %add3A_568 = arith.constant 147 : i32
          %add3A_569 = arith.addi %add3A_568, %scan3A_96 : i32
          %get3A_570 = arith.index_cast %add3A_569 : i32 to index
          %get3A_571 = arith.constant 176 : index
          %get3A_572 = tpu.vector_load %arg14[%get3A_570, %get3A_571] {strides = array<i32>} : memref<196x256xf32, #tpu.memory_space<vmem>>, vector<1x16xf32>,
          %get3A_573 = vector.shape_cast %get3A_572 : vector<1x16xf32> to vector<16xf32>
          %mul3A_574 = vector.broadcast %squeeze3A_126 : f32 to vector<16xf32>
          %mul3A_575 = arith.mulf %mul3A_574, %get3A_573 : vector<16xf32>
          %add3A_576 = arith.addf %add3A_567, %mul3A_575 : vector<16xf32>
          %swap3A_577 = arith.index_cast %scan3A_96 : i32 to index
          %swap3A_578 = arith.constant 176 : index
          %swap3A_579 = tpu.vector_load %arg15[%swap3A_577, %swap3A_578] {strides = array<i32>} : memref<49x256xf32, #tpu.memory_space<vmem>>, vector<1x16xf32>,
          %swap3A_580 = vector.shape_cast %swap3A_579 : vector<1x16xf32> to vector<16xf32>
          %swap3A_581 = vector.shape_cast %add3A_576 : vector<16xf32> to vector<1x16xf32>
          tpu.vector_store %arg15[%swap3A_577, %swap3A_578], %swap3A_581 {strides = array<i32>} : memref<49x256xf32, #tpu.memory_space<vmem>>, vector<1x16xf32>,
          %get3A_582 = arith.index_cast %scan3A_96 : i32 to index
          %get3A_583 = arith.constant 192 : index
          %get3A_584 = tpu.vector_load %arg14[%get3A_582, %get3A_583] {strides = array<i32>} : memref<196x256xf32, #tpu.memory_space<vmem>>, vector<1x16xf32>,
          %get3A_585 = vector.shape_cast %get3A_584 : vector<1x16xf32> to vector<16xf32>
          %mul3A_586 = vector.broadcast %squeeze3A_102 : f32 to vector<16xf32>
          %mul3A_587 = arith.mulf %mul3A_586, %get3A_585 : vector<16xf32>
          %add3A_588 = arith.constant 49 : i32
          %add3A_589 = arith.addi %add3A_588, %scan3A_96 : i32
          %get3A_590 = arith.index_cast %add3A_589 : i32 to index
          %get3A_591 = arith.constant 192 : index
          %get3A_592 = tpu.vector_load %arg14[%get3A_590, %get3A_591] {strides = array<i32>} : memref<196x256xf32, #tpu.memory_space<vmem>>, vector<1x16xf32>,
          %get3A_593 = vector.shape_cast %get3A_592 : vector<1x16xf32> to vector<16xf32>
          %mul3A_594 = vector.broadcast %squeeze3A_110 : f32 to vector<16xf32>
          %mul3A_595 = arith.mulf %mul3A_594, %get3A_593 : vector<16xf32>
          %add3A_596 = arith.addf %mul3A_587, %mul3A_595 : vector<16xf32>
          %add3A_597 = arith.constant 98 : i32
          %add3A_598 = arith.addi %add3A_597, %scan3A_96 : i32
          %get3A_599 = arith.index_cast %add3A_598 : i32 to index
          %get3A_600 = arith.constant 192 : index
          %get3A_601 = tpu.vector_load %arg14[%get3A_599, %get3A_600] {strides = array<i32>} : memref<196x256xf32, #tpu.memory_space<vmem>>, vector<1x16xf32>,
          %get3A_602 = vector.shape_cast %get3A_601 : vector<1x16xf32> to vector<16xf32>
          %mul3A_603 = vector.broadcast %squeeze3A_118 : f32 to vector<16xf32>
          %mul3A_604 = arith.mulf %mul3A_603, %get3A_602 : vector<16xf32>
          %add3A_605 = arith.addf %add3A_596, %mul3A_604 : vector<16xf32>
          %add3A_606 = arith.constant 147 : i32
          %add3A_607 = arith.addi %add3A_606, %scan3A_96 : i32
          %get3A_608 = arith.index_cast %add3A_607 : i32 to index
          %get3A_609 = arith.constant 192 : index
          %get3A_610 = tpu.vector_load %arg14[%get3A_608, %get3A_609] {strides = array<i32>} : memref<196x256xf32, #tpu.memory_space<vmem>>, vector<1x16xf32>,
          %get3A_611 = vector.shape_cast %get3A_610 : vector<1x16xf32> to vector<16xf32>
          %mul3A_612 = vector.broadcast %squeeze3A_126 : f32 to vector<16xf32>
          %mul3A_613 = arith.mulf %mul3A_612, %get3A_611 : vector<16xf32>
          %add3A_614 = arith.addf %add3A_605, %mul3A_613 : vector<16xf32>
          %swap3A_615 = arith.index_cast %scan3A_96 : i32 to index
          %swap3A_616 = arith.constant 192 : index
          %swap3A_617 = tpu.vector_load %arg15[%swap3A_615, %swap3A_616] {strides = array<i32>} : memref<49x256xf32, #tpu.memory_space<vmem>>, vector<1x16xf32>,
          %swap3A_618 = vector.shape_cast %swap3A_617 : vector<1x16xf32> to vector<16xf32>
          %swap3A_619 = vector.shape_cast %add3A_614 : vector<16xf32> to vector<1x16xf32>
          tpu.vector_store %arg15[%swap3A_615, %swap3A_616], %swap3A_619 {strides = array<i32>} : memref<49x256xf32, #tpu.memory_space<vmem>>, vector<1x16xf32>,
          %get3A_620 = arith.index_cast %scan3A_96 : i32 to index
          %get3A_621 = arith.constant 208 : index
          %get3A_622 = tpu.vector_load %arg14[%get3A_620, %get3A_621] {strides = array<i32>} : memref<196x256xf32, #tpu.memory_space<vmem>>, vector<1x16xf32>,
          %get3A_623 = vector.shape_cast %get3A_622 : vector<1x16xf32> to vector<16xf32>
          %mul3A_624 = vector.broadcast %squeeze3A_102 : f32 to vector<16xf32>
          %mul3A_625 = arith.mulf %mul3A_624, %get3A_623 : vector<16xf32>
          %add3A_626 = arith.constant 49 : i32
          %add3A_627 = arith.addi %add3A_626, %scan3A_96 : i32
          %get3A_628 = arith.index_cast %add3A_627 : i32 to index
          %get3A_629 = arith.constant 208 : index
          %get3A_630 = tpu.vector_load %arg14[%get3A_628, %get3A_629] {strides = array<i32>} : memref<196x256xf32, #tpu.memory_space<vmem>>, vector<1x16xf32>,
          %get3A_631 = vector.shape_cast %get3A_630 : vector<1x16xf32> to vector<16xf32>
          %mul3A_632 = vector.broadcast %squeeze3A_110 : f32 to vector<16xf32>
          %mul3A_633 = arith.mulf %mul3A_632, %get3A_631 : vector<16xf32>
          %add3A_634 = arith.addf %mul3A_625, %mul3A_633 : vector<16xf32>
          %add3A_635 = arith.constant 98 : i32
          %add3A_636 = arith.addi %add3A_635, %scan3A_96 : i32
          %get3A_637 = arith.index_cast %add3A_636 : i32 to index
          %get3A_638 = arith.constant 208 : index
          %get3A_639 = tpu.vector_load %arg14[%get3A_637, %get3A_638] {strides = array<i32>} : memref<196x256xf32, #tpu.memory_space<vmem>>, vector<1x16xf32>,
          %get3A_640 = vector.shape_cast %get3A_639 : vector<1x16xf32> to vector<16xf32>
          %mul3A_641 = vector.broadcast %squeeze3A_118 : f32 to vector<16xf32>
          %mul3A_642 = arith.mulf %mul3A_641, %get3A_640 : vector<16xf32>
          %add3A_643 = arith.addf %add3A_634, %mul3A_642 : vector<16xf32>
          %add3A_644 = arith.constant 147 : i32
          %add3A_645 = arith.addi %add3A_644, %scan3A_96 : i32
          %get3A_646 = arith.index_cast %add3A_645 : i32 to index
          %get3A_647 = arith.constant 208 : index
          %get3A_648 = tpu.vector_load %arg14[%get3A_646, %get3A_647] {strides = array<i32>} : memref<196x256xf32, #tpu.memory_space<vmem>>, vector<1x16xf32>,
          %get3A_649 = vector.shape_cast %get3A_648 : vector<1x16xf32> to vector<16xf32>
          %mul3A_650 = vector.broadcast %squeeze3A_126 : f32 to vector<16xf32>
          %mul3A_651 = arith.mulf %mul3A_650, %get3A_649 : vector<16xf32>
          %add3A_652 = arith.addf %add3A_643, %mul3A_651 : vector<16xf32>
          %swap3A_653 = arith.index_cast %scan3A_96 : i32 to index
          %swap3A_654 = arith.constant 208 : index
          %swap3A_655 = tpu.vector_load %arg15[%swap3A_653, %swap3A_654] {strides = array<i32>} : memref<49x256xf32, #tpu.memory_space<vmem>>, vector<1x16xf32>,
          %swap3A_656 = vector.shape_cast %swap3A_655 : vector<1x16xf32> to vector<16xf32>
          %swap3A_657 = vector.shape_cast %add3A_652 : vector<16xf32> to vector<1x16xf32>
          tpu.vector_store %arg15[%swap3A_653, %swap3A_654], %swap3A_657 {strides = array<i32>} : memref<49x256xf32, #tpu.memory_space<vmem>>, vector<1x16xf32>,
          %get3A_658 = arith.index_cast %scan3A_96 : i32 to index
          %get3A_659 = arith.constant 224 : index
          %get3A_660 = tpu.vector_load %arg14[%get3A_658, %get3A_659] {strides = array<i32>} : memref<196x256xf32, #tpu.memory_space<vmem>>, vector<1x16xf32>,
          %get3A_661 = vector.shape_cast %get3A_660 : vector<1x16xf32> to vector<16xf32>
          %mul3A_662 = vector.broadcast %squeeze3A_102 : f32 to vector<16xf32>
          %mul3A_663 = arith.mulf %mul3A_662, %get3A_661 : vector<16xf32>
          %add3A_664 = arith.constant 49 : i32
          %add3A_665 = arith.addi %add3A_664, %scan3A_96 : i32
          %get3A_666 = arith.index_cast %add3A_665 : i32 to index
          %get3A_667 = arith.constant 224 : index
          %get3A_668 = tpu.vector_load %arg14[%get3A_666, %get3A_667] {strides = array<i32>} : memref<196x256xf32, #tpu.memory_space<vmem>>, vector<1x16xf32>,
          %get3A_669 = vector.shape_cast %get3A_668 : vector<1x16xf32> to vector<16xf32>
          %mul3A_670 = vector.broadcast %squeeze3A_110 : f32 to vector<16xf32>
          %mul3A_671 = arith.mulf %mul3A_670, %get3A_669 : vector<16xf32>
          %add3A_672 = arith.addf %mul3A_663, %mul3A_671 : vector<16xf32>
          %add3A_673 = arith.constant 98 : i32
          %add3A_674 = arith.addi %add3A_673, %scan3A_96 : i32
          %get3A_675 = arith.index_cast %add3A_674 : i32 to index
          %get3A_676 = arith.constant 224 : index
          %get3A_677 = tpu.vector_load %arg14[%get3A_675, %get3A_676] {strides = array<i32>} : memref<196x256xf32, #tpu.memory_space<vmem>>, vector<1x16xf32>,
          %get3A_678 = vector.shape_cast %get3A_677 : vector<1x16xf32> to vector<16xf32>
          %mul3A_679 = vector.broadcast %squeeze3A_118 : f32 to vector<16xf32>
          %mul3A_680 = arith.mulf %mul3A_679, %get3A_678 : vector<16xf32>
          %add3A_681 = arith.addf %add3A_672, %mul3A_680 : vector<16xf32>
          %add3A_682 = arith.constant 147 : i32
          %add3A_683 = arith.addi %add3A_682, %scan3A_96 : i32
          %get3A_684 = arith.index_cast %add3A_683 : i32 to index
          %get3A_685 = arith.constant 224 : index
          %get3A_686 = tpu.vector_load %arg14[%get3A_684, %get3A_685] {strides = array<i32>} : memref<196x256xf32, #tpu.memory_space<vmem>>, vector<1x16xf32>,
          %get3A_687 = vector.shape_cast %get3A_686 : vector<1x16xf32> to vector<16xf32>
          %mul3A_688 = vector.broadcast %squeeze3A_126 : f32 to vector<16xf32>
          %mul3A_689 = arith.mulf %mul3A_688, %get3A_687 : vector<16xf32>
          %add3A_690 = arith.addf %add3A_681, %mul3A_689 : vector<16xf32>
          %swap3A_691 = arith.index_cast %scan3A_96 : i32 to index
          %swap3A_692 = arith.constant 224 : index
          %swap3A_693 = tpu.vector_load %arg15[%swap3A_691, %swap3A_692] {strides = array<i32>} : memref<49x256xf32, #tpu.memory_space<vmem>>, vector<1x16xf32>,
          %swap3A_694 = vector.shape_cast %swap3A_693 : vector<1x16xf32> to vector<16xf32>
          %swap3A_695 = vector.shape_cast %add3A_690 : vector<16xf32> to vector<1x16xf32>
          tpu.vector_store %arg15[%swap3A_691, %swap3A_692], %swap3A_695 {strides = array<i32>} : memref<49x256xf32, #tpu.memory_space<vmem>>, vector<1x16xf32>,
          %get3A_696 = arith.index_cast %scan3A_96 : i32 to index
          %get3A_697 = arith.constant 240 : index
          %get3A_698 = tpu.vector_load %arg14[%get3A_696, %get3A_697] {strides = array<i32>} : memref<196x256xf32, #tpu.memory_space<vmem>>, vector<1x16xf32>,
          %get3A_699 = vector.shape_cast %get3A_698 : vector<1x16xf32> to vector<16xf32>
          %mul3A_700 = vector.broadcast %squeeze3A_102 : f32 to vector<16xf32>
          %mul3A_701 = arith.mulf %mul3A_700, %get3A_699 : vector<16xf32>
          %add3A_702 = arith.constant 49 : i32
          %add3A_703 = arith.addi %add3A_702, %scan3A_96 : i32
          %get3A_704 = arith.index_cast %add3A_703 : i32 to index
          %get3A_705 = arith.constant 240 : index
          %get3A_706 = tpu.vector_load %arg14[%get3A_704, %get3A_705] {strides = array<i32>} : memref<196x256xf32, #tpu.memory_space<vmem>>, vector<1x16xf32>,
          %get3A_707 = vector.shape_cast %get3A_706 : vector<1x16xf32> to vector<16xf32>
          %mul3A_708 = vector.broadcast %squeeze3A_110 : f32 to vector<16xf32>
          %mul3A_709 = arith.mulf %mul3A_708, %get3A_707 : vector<16xf32>
          %add3A_710 = arith.addf %mul3A_701, %mul3A_709 : vector<16xf32>
          %add3A_711 = arith.constant 98 : i32
          %add3A_712 = arith.addi %add3A_711, %scan3A_96 : i32
          %get3A_713 = arith.index_cast %add3A_712 : i32 to index
          %get3A_714 = arith.constant 240 : index
          %get3A_715 = tpu.vector_load %arg14[%get3A_713, %get3A_714] {strides = array<i32>} : memref<196x256xf32, #tpu.memory_space<vmem>>, vector<1x16xf32>,
          %get3A_716 = vector.shape_cast %get3A_715 : vector<1x16xf32> to vector<16xf32>
          %mul3A_717 = vector.broadcast %squeeze3A_118 : f32 to vector<16xf32>
          %mul3A_718 = arith.mulf %mul3A_717, %get3A_716 : vector<16xf32>
          %add3A_719 = arith.addf %add3A_710, %mul3A_718 : vector<16xf32>
          %add3A_720 = arith.constant 147 : i32
          %add3A_721 = arith.addi %add3A_720, %scan3A_96 : i32
          %get3A_722 = arith.index_cast %add3A_721 : i32 to index
          %get3A_723 = arith.constant 240 : index
          %get3A_724 = tpu.vector_load %arg14[%get3A_722, %get3A_723] {strides = array<i32>} : memref<196x256xf32, #tpu.memory_space<vmem>>, vector<1x16xf32>,
          %get3A_725 = vector.shape_cast %get3A_724 : vector<1x16xf32> to vector<16xf32>
          %mul3A_726 = vector.broadcast %squeeze3A_126 : f32 to vector<16xf32>
          %mul3A_727 = arith.mulf %mul3A_726, %get3A_725 : vector<16xf32>
          %add3A_728 = arith.addf %add3A_719, %mul3A_727 : vector<16xf32>
          %swap3A_729 = arith.index_cast %scan3A_96 : i32 to index
          %swap3A_730 = arith.constant 240 : index
          %swap3A_731 = tpu.vector_load %arg15[%swap3A_729, %swap3A_730] {strides = array<i32>} : memref<49x256xf32, #tpu.memory_space<vmem>>, vector<1x16xf32>,
          %swap3A_732 = vector.shape_cast %swap3A_731 : vector<1x16xf32> to vector<16xf32>
          %swap3A_733 = vector.shape_cast %add3A_728 : vector<16xf32> to vector<1x16xf32>
          tpu.vector_store %arg15[%swap3A_729, %swap3A_730], %swap3A_733 {strides = array<i32>} : memref<49x256xf32, #tpu.memory_space<vmem>>, vector<1x16xf32>,
        }
        %scan3A_89 = arith.constant 49 : i32
        %add3A_90 = arith.addi %mul3A_2, %add3A_60 : i32
        %mul3A_91 = arith.constant 49 : i32
        %mul3A_92 = arith.muli %add3A_90, %mul3A_91 : i32
        %dma_start3A = arith.constant 0 : i32
        %dma_start3A_93 = tpu.memref_slice %arg9[%mul3A_92, %dma_start3A] : memref<49000x256xf32, #tpu.memory_space<hbm>> -> memref<49x256xf32, #tpu.memory_space<hbm>>
        %dma_start3A_94 = arith.constant 0 : i32
        %dma_start3A_95 = tpu.memref_slice %arg9[%mul3A_92, %dma_start3A_94] : memref<49000x256xf32, #tpu.memory_space<hbm>> -> memref<49x256xf32, #tpu.memory_space<hbm>>
        tpu.enqueue_dma source(%arg15 : memref<49x256xf32, #tpu.memory_space<vmem>>) target(%dma_start3A_95 : memref<49x256xf32, #tpu.memory_space<hbm>>) target_semaphore(%arg20 : memref<!tpu.dma_semaphore, #tpu.memory_space<semaphore_mem>>)
      } else {
      }
    }
    %while3A_36 = arith.constant 1 : i32
    scf.for %while3A_45 = %while3A_34 to %while3A_30 step %while3A_36  : i32 {
      %mul3A_46 = arith.constant 2 : i32
      %mul3A_47 = arith.muli %mul3A_46, %while3A_45 : i32
      %add3A_48 = arith.constant 1 : i32
      %add3A_49 = arith.addi %mul3A_47, %add3A_48 : i32
      %lt3A = arith.cmpi slt, %add3A_49, %min3A_4 : i32
      %convert_element_type3A_50 = arith.extui %lt3A : i1 to i32
      %cond3A_51 = arith.constant 0 : i32
      %cond3A_52 = arith.cmpi ne, %convert_element_type3A_50, %cond3A_51 : i32
      scf.if %cond3A_52 {
        %add3A_71 = arith.constant 1 : i32
        %add3A_72 = arith.addi %mul3A_47, %add3A_71 : i32
        %get3A_73 = arith.index_cast %add3A_72 : i32 to index
        %get3A_74 = tpu.vector_load %arg12[%get3A_73] {strides = array<i32>} : memref<48xi32, #tpu.memory_space<vmem>>, vector<16xi32>,
        %get3A_75 = vector.shape_cast %get3A_74 : vector<16xi32> to vector<16xi32>
        %slice3A_76 = vector.extract_strided_slice %get3A_75 {offsets = [0], sizes = [1], strides = [1]} : vector<16xi32> to vector<1xi32>
        %squeeze3A_77 = vector.extract %slice3A_76[0] : i32 from vector<1xi32>
        %le3A_78 = arith.constant 3 : i32
        %le3A_79 = arith.cmpi sle, %squeeze3A_77, %le3A_78 : i32
        %convert_element_type3A_80 = arith.extui %le3A_79 : i1 to i32
        %cond3A_81 = arith.constant 0 : i32
        %cond3A_82 = arith.cmpi ne, %convert_element_type3A_80, %cond3A_81 : i32
        scf.if %cond3A_82 {
          %eq3A = arith.constant 2 : i32
          %eq3A_83 = arith.cmpi eq, %squeeze3A_77, %eq3A : i32
          %convert_element_type3A_84 = arith.extui %eq3A_83 : i1 to i32
          %cond3A_85 = arith.constant 0 : i32
          %cond3A_86 = arith.cmpi ne, %convert_element_type3A_84, %cond3A_85 : i32
          scf.if %cond3A_86 {
            %dma_start3A = arith.constant 0 : i32
            %dma_start3A_87 = arith.constant 0 : i32
            %dma_start3A_88 = arith.constant 0 : i32
            %dma_start3A_89 = tpu.memref_slice %arg14[%dma_start3A_87, %dma_start3A_88] : memref<196x256xf32, #tpu.memory_space<vmem>> -> memref<98x256xf32, #tpu.memory_space<vmem>>
            %dma_start3A_90 = arith.constant 0 : i32
            %dma_start3A_91 = tpu.memref_slice %arg10[%add3A_72, %dma_start3A, %dma_start3A_90] : memref<32x2x98xi32, #tpu.memory_space<vmem>> -> memref<1x1x98xi32, #tpu.memory_space<vmem>>
            %dma_start3A_92 = tpu.memref_squeeze %dma_start3A_91 : memref<1x1x98xi32, #tpu.memory_space<vmem>> -> memref<98xi32, #tpu.memory_space<vmem>>
            %dma_start3A_93 = arith.constant 0 : i32
            %dma_start3A_94 = arith.constant 0 : i32
            %dma_start3A_95 = tpu.memref_slice %arg2[%dma_start3A_93, %dma_start3A_94] : memref<65536x256xf32, #tpu.memory_space<hbm>> -> memref<65536x256xf32, #tpu.memory_space<hbm>>
            tpu.enqueue_indirect_dma source(%dma_start3A_95 : memref<65536x256xf32, #tpu.memory_space<hbm>>) target(%dma_start3A_89 : memref<98x256xf32, #tpu.memory_space<vmem>>) offsets(%dma_start3A_92 : memref<98xi32, #tpu.memory_space<vmem>>) semaphore(%arg18 : memref<!tpu.dma_semaphore, #tpu.memory_space<semaphore_mem>>)
            %dma_start3A_96 = arith.constant 1 : i32
            %dma_start3A_97 = arith.constant 98 : i32
            %dma_start3A_98 = arith.constant 0 : i32
            %dma_start3A_99 = tpu.memref_slice %arg14[%dma_start3A_97, %dma_start3A_98] : memref<196x256xf32, #tpu.memory_space<vmem>> -> memref<98x256xf32, #tpu.memory_space<vmem>>
            %dma_start3A_100 = arith.constant 0 : i32
            %dma_start3A_101 = tpu.memref_slice %arg10[%add3A_72, %dma_start3A_96, %dma_start3A_100] : memref<32x2x98xi32, #tpu.memory_space<vmem>> -> memref<1x1x98xi32, #tpu.memory_space<vmem>>
            %dma_start3A_102 = tpu.memref_squeeze %dma_start3A_101 : memref<1x1x98xi32, #tpu.memory_space<vmem>> -> memref<98xi32, #tpu.memory_space<vmem>>
            %dma_start3A_103 = arith.constant 0 : i32
            %dma_start3A_104 = arith.constant 0 : i32
            %dma_start3A_105 = tpu.memref_slice %arg2[%dma_start3A_103, %dma_start3A_104] : memref<65536x256xf32, #tpu.memory_space<hbm>> -> memref<65536x256xf32, #tpu.memory_space<hbm>>
            tpu.enqueue_indirect_dma source(%dma_start3A_105 : memref<65536x256xf32, #tpu.memory_space<hbm>>) target(%dma_start3A_99 : memref<98x256xf32, #tpu.memory_space<vmem>>) offsets(%dma_start3A_102 : memref<98xi32, #tpu.memory_space<vmem>>) semaphore(%arg19 : memref<!tpu.dma_semaphore, #tpu.memory_space<semaphore_mem>>)
          } else {
            %dma_start3A = arith.constant 0 : i32
            %dma_start3A_87 = arith.constant 0 : i32
            %dma_start3A_88 = arith.constant 0 : i32
            %dma_start3A_89 = tpu.memref_slice %arg14[%dma_start3A_87, %dma_start3A_88] : memref<196x256xf32, #tpu.memory_space<vmem>> -> memref<98x256xf32, #tpu.memory_space<vmem>>
            %dma_start3A_90 = arith.constant 0 : i32
            %dma_start3A_91 = tpu.memref_slice %arg10[%add3A_72, %dma_start3A, %dma_start3A_90] : memref<32x2x98xi32, #tpu.memory_space<vmem>> -> memref<1x1x98xi32, #tpu.memory_space<vmem>>
            %dma_start3A_92 = tpu.memref_squeeze %dma_start3A_91 : memref<1x1x98xi32, #tpu.memory_space<vmem>> -> memref<98xi32, #tpu.memory_space<vmem>>
            %dma_start3A_93 = arith.constant 0 : i32
            %dma_start3A_94 = arith.constant 0 : i32
            %dma_start3A_95 = tpu.memref_slice %arg3[%dma_start3A_93, %dma_start3A_94] : memref<16384x256xf32, #tpu.memory_space<hbm>> -> memref<16384x256xf32, #tpu.memory_space<hbm>>
            tpu.enqueue_indirect_dma source(%dma_start3A_95 : memref<16384x256xf32, #tpu.memory_space<hbm>>) target(%dma_start3A_89 : memref<98x256xf32, #tpu.memory_space<vmem>>) offsets(%dma_start3A_92 : memref<98xi32, #tpu.memory_space<vmem>>) semaphore(%arg18 : memref<!tpu.dma_semaphore, #tpu.memory_space<semaphore_mem>>)
            %dma_start3A_96 = arith.constant 1 : i32
            %dma_start3A_97 = arith.constant 98 : i32
            %dma_start3A_98 = arith.constant 0 : i32
            %dma_start3A_99 = tpu.memref_slice %arg14[%dma_start3A_97, %dma_start3A_98] : memref<196x256xf32, #tpu.memory_space<vmem>> -> memref<98x256xf32, #tpu.memory_space<vmem>>
            %dma_start3A_100 = arith.constant 0 : i32
            %dma_start3A_101 = tpu.memref_slice %arg10[%add3A_72, %dma_start3A_96, %dma_start3A_100] : memref<32x2x98xi32, #tpu.memory_space<vmem>> -> memref<1x1x98xi32, #tpu.memory_space<vmem>>
            %dma_start3A_102 = tpu.memref_squeeze %dma_start3A_101 : memref<1x1x98xi32, #tpu.memory_space<vmem>> -> memref<98xi32, #tpu.memory_space<vmem>>
            %dma_start3A_103 = arith.constant 0 : i32
            %dma_start3A_104 = arith.constant 0 : i32
            %dma_start3A_105 = tpu.memref_slice %arg3[%dma_start3A_103, %dma_start3A_104] : memref<16384x256xf32, #tpu.memory_space<hbm>> -> memref<16384x256xf32, #tpu.memory_space<hbm>>
            tpu.enqueue_indirect_dma source(%dma_start3A_105 : memref<16384x256xf32, #tpu.memory_space<hbm>>) target(%dma_start3A_99 : memref<98x256xf32, #tpu.memory_space<vmem>>) offsets(%dma_start3A_102 : memref<98xi32, #tpu.memory_space<vmem>>) semaphore(%arg19 : memref<!tpu.dma_semaphore, #tpu.memory_space<semaphore_mem>>)
          }
        } else {
          %eq3A = arith.constant 4 : i32
          %eq3A_83 = arith.cmpi eq, %squeeze3A_77, %eq3A : i32
          %convert_element_type3A_84 = arith.extui %eq3A_83 : i1 to i32
          %cond3A_85 = arith.constant 0 : i32
          %cond3A_86 = arith.cmpi ne, %convert_element_type3A_84, %cond3A_85 : i32
          scf.if %cond3A_86 {
            %dma_start3A = arith.constant 0 : i32
            %dma_start3A_87 = arith.constant 0 : i32
            %dma_start3A_88 = arith.constant 0 : i32
            %dma_start3A_89 = tpu.memref_slice %arg14[%dma_start3A_87, %dma_start3A_88] : memref<196x256xf32, #tpu.memory_space<vmem>> -> memref<98x256xf32, #tpu.memory_space<vmem>>
            %dma_start3A_90 = arith.constant 0 : i32
            %dma_start3A_91 = tpu.memref_slice %arg10[%add3A_72, %dma_start3A, %dma_start3A_90] : memref<32x2x98xi32, #tpu.memory_space<vmem>> -> memref<1x1x98xi32, #tpu.memory_space<vmem>>
            %dma_start3A_92 = tpu.memref_squeeze %dma_start3A_91 : memref<1x1x98xi32, #tpu.memory_space<vmem>> -> memref<98xi32, #tpu.memory_space<vmem>>
            %dma_start3A_93 = arith.constant 0 : i32
            %dma_start3A_94 = arith.constant 0 : i32
            %dma_start3A_95 = tpu.memref_slice %arg4[%dma_start3A_93, %dma_start3A_94] : memref<4096x256xf32, #tpu.memory_space<hbm>> -> memref<4096x256xf32, #tpu.memory_space<hbm>>
            tpu.enqueue_indirect_dma source(%dma_start3A_95 : memref<4096x256xf32, #tpu.memory_space<hbm>>) target(%dma_start3A_89 : memref<98x256xf32, #tpu.memory_space<vmem>>) offsets(%dma_start3A_92 : memref<98xi32, #tpu.memory_space<vmem>>) semaphore(%arg18 : memref<!tpu.dma_semaphore, #tpu.memory_space<semaphore_mem>>)
            %dma_start3A_96 = arith.constant 1 : i32
            %dma_start3A_97 = arith.constant 98 : i32
            %dma_start3A_98 = arith.constant 0 : i32
            %dma_start3A_99 = tpu.memref_slice %arg14[%dma_start3A_97, %dma_start3A_98] : memref<196x256xf32, #tpu.memory_space<vmem>> -> memref<98x256xf32, #tpu.memory_space<vmem>>
            %dma_start3A_100 = arith.constant 0 : i32
            %dma_start3A_101 = tpu.memref_slice %arg10[%add3A_72, %dma_start3A_96, %dma_start3A_100] : memref<32x2x98xi32, #tpu.memory_space<vmem>> -> memref<1x1x98xi32, #tpu.memory_space<vmem>>
            %dma_start3A_102 = tpu.memref_squeeze %dma_start3A_101 : memref<1x1x98xi32, #tpu.memory_space<vmem>> -> memref<98xi32, #tpu.memory_space<vmem>>
            %dma_start3A_103 = arith.constant 0 : i32
            %dma_start3A_104 = arith.constant 0 : i32
            %dma_start3A_105 = tpu.memref_slice %arg4[%dma_start3A_103, %dma_start3A_104] : memref<4096x256xf32, #tpu.memory_space<hbm>> -> memref<4096x256xf32, #tpu.memory_space<hbm>>
            tpu.enqueue_indirect_dma source(%dma_start3A_105 : memref<4096x256xf32, #tpu.memory_space<hbm>>) target(%dma_start3A_99 : memref<98x256xf32, #tpu.memory_space<vmem>>) offsets(%dma_start3A_102 : memref<98xi32, #tpu.memory_space<vmem>>) semaphore(%arg19 : memref<!tpu.dma_semaphore, #tpu.memory_space<semaphore_mem>>)
          } else {
            %dma_start3A = arith.constant 0 : i32
            %dma_start3A_87 = arith.constant 0 : i32
            %dma_start3A_88 = arith.constant 0 : i32
            %dma_start3A_89 = tpu.memref_slice %arg14[%dma_start3A_87, %dma_start3A_88] : memref<196x256xf32, #tpu.memory_space<vmem>> -> memref<98x256xf32, #tpu.memory_space<vmem>>
            %dma_start3A_90 = arith.constant 0 : i32
            %dma_start3A_91 = tpu.memref_slice %arg10[%add3A_72, %dma_start3A, %dma_start3A_90] : memref<32x2x98xi32, #tpu.memory_space<vmem>> -> memref<1x1x98xi32, #tpu.memory_space<vmem>>
            %dma_start3A_92 = tpu.memref_squeeze %dma_start3A_91 : memref<1x1x98xi32, #tpu.memory_space<vmem>> -> memref<98xi32, #tpu.memory_space<vmem>>
            %dma_start3A_93 = arith.constant 0 : i32
            %dma_start3A_94 = arith.constant 0 : i32
            %dma_start3A_95 = tpu.memref_slice %arg5[%dma_start3A_93, %dma_start3A_94] : memref<1024x256xf32, #tpu.memory_space<hbm>> -> memref<1024x256xf32, #tpu.memory_space<hbm>>
            tpu.enqueue_indirect_dma source(%dma_start3A_95 : memref<1024x256xf32, #tpu.memory_space<hbm>>) target(%dma_start3A_89 : memref<98x256xf32, #tpu.memory_space<vmem>>) offsets(%dma_start3A_92 : memref<98xi32, #tpu.memory_space<vmem>>) semaphore(%arg18 : memref<!tpu.dma_semaphore, #tpu.memory_space<semaphore_mem>>)
            %dma_start3A_96 = arith.constant 1 : i32
            %dma_start3A_97 = arith.constant 98 : i32
            %dma_start3A_98 = arith.constant 0 : i32
            %dma_start3A_99 = tpu.memref_slice %arg14[%dma_start3A_97, %dma_start3A_98] : memref<196x256xf32, #tpu.memory_space<vmem>> -> memref<98x256xf32, #tpu.memory_space<vmem>>
            %dma_start3A_100 = arith.constant 0 : i32
            %dma_start3A_101 = tpu.memref_slice %arg10[%add3A_72, %dma_start3A_96, %dma_start3A_100] : memref<32x2x98xi32, #tpu.memory_space<vmem>> -> memref<1x1x98xi32, #tpu.memory_space<vmem>>
            %dma_start3A_102 = tpu.memref_squeeze %dma_start3A_101 : memref<1x1x98xi32, #tpu.memory_space<vmem>> -> memref<98xi32, #tpu.memory_space<vmem>>
            %dma_start3A_103 = arith.constant 0 : i32
            %dma_start3A_104 = arith.constant 0 : i32
            %dma_start3A_105 = tpu.memref_slice %arg5[%dma_start3A_103, %dma_start3A_104] : memref<1024x256xf32, #tpu.memory_space<hbm>> -> memref<1024x256xf32, #tpu.memory_space<hbm>>
            tpu.enqueue_indirect_dma source(%dma_start3A_105 : memref<1024x256xf32, #tpu.memory_space<hbm>>) target(%dma_start3A_99 : memref<98x256xf32, #tpu.memory_space<vmem>>) offsets(%dma_start3A_102 : memref<98xi32, #tpu.memory_space<vmem>>) semaphore(%arg19 : memref<!tpu.dma_semaphore, #tpu.memory_space<semaphore_mem>>)
          }
        }
      } else {
      }
      %lt3A_53 = arith.cmpi slt, %mul3A_47, %min3A_4 : i32
      %convert_element_type3A_54 = arith.extui %lt3A_53 : i1 to i32
      %cond3A_55 = arith.constant 0 : i32
      %cond3A_56 = arith.cmpi ne, %convert_element_type3A_54, %cond3A_55 : i32
      scf.if %cond3A_56 {
        %get3A_71 = arith.index_cast %mul3A_47 : i32 to index
        %get3A_72 = tpu.vector_load %arg12[%get3A_71] {strides = array<i32>} : memref<48xi32, #tpu.memory_space<vmem>>, vector<16xi32>,
        %get3A_73 = vector.shape_cast %get3A_72 : vector<16xi32> to vector<16xi32>
        %slice3A_74 = vector.extract_strided_slice %get3A_73 {offsets = [0], sizes = [1], strides = [1]} : vector<16xi32> to vector<1xi32>
        %squeeze3A_75 = vector.extract %slice3A_74[0] : i32 from vector<1xi32>
        %le3A_76 = arith.constant 3 : i32
        %le3A_77 = arith.cmpi sle, %squeeze3A_75, %le3A_76 : i32
        %convert_element_type3A_78 = arith.extui %le3A_77 : i1 to i32
        %cond3A_79 = arith.constant 0 : i32
        %cond3A_80 = arith.cmpi ne, %convert_element_type3A_78, %cond3A_79 : i32
        scf.if %cond3A_80 {
          %eq3A = arith.constant 2 : i32
          %eq3A_96 = arith.cmpi eq, %squeeze3A_75, %eq3A : i32
          %convert_element_type3A_97 = arith.extui %eq3A_96 : i1 to i32
          %cond3A_98 = arith.constant 0 : i32
          %cond3A_99 = arith.cmpi ne, %convert_element_type3A_97, %cond3A_98 : i32
          scf.if %cond3A_99 {
            %dma_wait3A_100 = arith.constant 0 : i32
            %dma_wait3A_101 = arith.constant 0 : i32
            %dma_wait3A_102 = arith.constant 0 : i32
            %dma_wait3A_103 = tpu.memref_slice %arg13[%dma_wait3A_101, %dma_wait3A_102] : memref<196x256xf32, #tpu.memory_space<vmem>> -> memref<98x256xf32, #tpu.memory_space<vmem>>
            %dma_wait3A_104 = arith.constant 0 : i32
            %dma_wait3A_105 = tpu.memref_slice %arg10[%mul3A_47, %dma_wait3A_100, %dma_wait3A_104] : memref<32x2x98xi32, #tpu.memory_space<vmem>> -> memref<1x1x98xi32, #tpu.memory_space<vmem>>
            %dma_wait3A_106 = tpu.memref_squeeze %dma_wait3A_105 : memref<1x1x98xi32, #tpu.memory_space<vmem>> -> memref<98xi32, #tpu.memory_space<vmem>>
            %dma_wait3A_107 = arith.constant 0 : i32
            %dma_wait3A_108 = arith.constant 0 : i32
            %dma_wait3A_109 = tpu.memref_slice %arg2[%dma_wait3A_107, %dma_wait3A_108] : memref<65536x256xf32, #tpu.memory_space<hbm>> -> memref<65536x256xf32, #tpu.memory_space<hbm>>
            tpu.wait_indirect_dma semaphore(%arg16 : memref<!tpu.dma_semaphore, #tpu.memory_space<semaphore_mem>>) src(%dma_wait3A_109 : memref<65536x256xf32, #tpu.memory_space<hbm>>) dst(%dma_wait3A_103 : memref<98x256xf32, #tpu.memory_space<vmem>>)
            %dma_wait3A_110 = arith.constant 1 : i32
            %dma_wait3A_111 = arith.constant 98 : i32
            %dma_wait3A_112 = arith.constant 0 : i32
            %dma_wait3A_113 = tpu.memref_slice %arg13[%dma_wait3A_111, %dma_wait3A_112] : memref<196x256xf32, #tpu.memory_space<vmem>> -> memref<98x256xf32, #tpu.memory_space<vmem>>
            %dma_wait3A_114 = arith.constant 0 : i32
            %dma_wait3A_115 = tpu.memref_slice %arg10[%mul3A_47, %dma_wait3A_110, %dma_wait3A_114] : memref<32x2x98xi32, #tpu.memory_space<vmem>> -> memref<1x1x98xi32, #tpu.memory_space<vmem>>
            %dma_wait3A_116 = tpu.memref_squeeze %dma_wait3A_115 : memref<1x1x98xi32, #tpu.memory_space<vmem>> -> memref<98xi32, #tpu.memory_space<vmem>>
            %dma_wait3A_117 = arith.constant 0 : i32
            %dma_wait3A_118 = arith.constant 0 : i32
            %dma_wait3A_119 = tpu.memref_slice %arg2[%dma_wait3A_117, %dma_wait3A_118] : memref<65536x256xf32, #tpu.memory_space<hbm>> -> memref<65536x256xf32, #tpu.memory_space<hbm>>
            tpu.wait_indirect_dma semaphore(%arg17 : memref<!tpu.dma_semaphore, #tpu.memory_space<semaphore_mem>>) src(%dma_wait3A_119 : memref<65536x256xf32, #tpu.memory_space<hbm>>) dst(%dma_wait3A_113 : memref<98x256xf32, #tpu.memory_space<vmem>>)
          } else {
            %dma_wait3A_100 = arith.constant 0 : i32
            %dma_wait3A_101 = arith.constant 0 : i32
            %dma_wait3A_102 = arith.constant 0 : i32
            %dma_wait3A_103 = tpu.memref_slice %arg13[%dma_wait3A_101, %dma_wait3A_102] : memref<196x256xf32, #tpu.memory_space<vmem>> -> memref<98x256xf32, #tpu.memory_space<vmem>>
            %dma_wait3A_104 = arith.constant 0 : i32
            %dma_wait3A_105 = tpu.memref_slice %arg10[%mul3A_47, %dma_wait3A_100, %dma_wait3A_104] : memref<32x2x98xi32, #tpu.memory_space<vmem>> -> memref<1x1x98xi32, #tpu.memory_space<vmem>>
            %dma_wait3A_106 = tpu.memref_squeeze %dma_wait3A_105 : memref<1x1x98xi32, #tpu.memory_space<vmem>> -> memref<98xi32, #tpu.memory_space<vmem>>
            %dma_wait3A_107 = arith.constant 0 : i32
            %dma_wait3A_108 = arith.constant 0 : i32
            %dma_wait3A_109 = tpu.memref_slice %arg3[%dma_wait3A_107, %dma_wait3A_108] : memref<16384x256xf32, #tpu.memory_space<hbm>> -> memref<16384x256xf32, #tpu.memory_space<hbm>>
            tpu.wait_indirect_dma semaphore(%arg16 : memref<!tpu.dma_semaphore, #tpu.memory_space<semaphore_mem>>) src(%dma_wait3A_109 : memref<16384x256xf32, #tpu.memory_space<hbm>>) dst(%dma_wait3A_103 : memref<98x256xf32, #tpu.memory_space<vmem>>)
            %dma_wait3A_110 = arith.constant 1 : i32
            %dma_wait3A_111 = arith.constant 98 : i32
            %dma_wait3A_112 = arith.constant 0 : i32
            %dma_wait3A_113 = tpu.memref_slice %arg13[%dma_wait3A_111, %dma_wait3A_112] : memref<196x256xf32, #tpu.memory_space<vmem>> -> memref<98x256xf32, #tpu.memory_space<vmem>>
            %dma_wait3A_114 = arith.constant 0 : i32
            %dma_wait3A_115 = tpu.memref_slice %arg10[%mul3A_47, %dma_wait3A_110, %dma_wait3A_114] : memref<32x2x98xi32, #tpu.memory_space<vmem>> -> memref<1x1x98xi32, #tpu.memory_space<vmem>>
            %dma_wait3A_116 = tpu.memref_squeeze %dma_wait3A_115 : memref<1x1x98xi32, #tpu.memory_space<vmem>> -> memref<98xi32, #tpu.memory_space<vmem>>
            %dma_wait3A_117 = arith.constant 0 : i32
            %dma_wait3A_118 = arith.constant 0 : i32
            %dma_wait3A_119 = tpu.memref_slice %arg3[%dma_wait3A_117, %dma_wait3A_118] : memref<16384x256xf32, #tpu.memory_space<hbm>> -> memref<16384x256xf32, #tpu.memory_space<hbm>>
            tpu.wait_indirect_dma semaphore(%arg17 : memref<!tpu.dma_semaphore, #tpu.memory_space<semaphore_mem>>) src(%dma_wait3A_119 : memref<16384x256xf32, #tpu.memory_space<hbm>>) dst(%dma_wait3A_113 : memref<98x256xf32, #tpu.memory_space<vmem>>)
          }
        } else {
          %eq3A = arith.constant 4 : i32
          %eq3A_96 = arith.cmpi eq, %squeeze3A_75, %eq3A : i32
          %convert_element_type3A_97 = arith.extui %eq3A_96 : i1 to i32
          %cond3A_98 = arith.constant 0 : i32
          %cond3A_99 = arith.cmpi ne, %convert_element_type3A_97, %cond3A_98 : i32
          scf.if %cond3A_99 {
            %dma_wait3A_100 = arith.constant 0 : i32
            %dma_wait3A_101 = arith.constant 0 : i32
            %dma_wait3A_102 = arith.constant 0 : i32
            %dma_wait3A_103 = tpu.memref_slice %arg13[%dma_wait3A_101, %dma_wait3A_102] : memref<196x256xf32, #tpu.memory_space<vmem>> -> memref<98x256xf32, #tpu.memory_space<vmem>>
            %dma_wait3A_104 = arith.constant 0 : i32
            %dma_wait3A_105 = tpu.memref_slice %arg10[%mul3A_47, %dma_wait3A_100, %dma_wait3A_104] : memref<32x2x98xi32, #tpu.memory_space<vmem>> -> memref<1x1x98xi32, #tpu.memory_space<vmem>>
            %dma_wait3A_106 = tpu.memref_squeeze %dma_wait3A_105 : memref<1x1x98xi32, #tpu.memory_space<vmem>> -> memref<98xi32, #tpu.memory_space<vmem>>
            %dma_wait3A_107 = arith.constant 0 : i32
            %dma_wait3A_108 = arith.constant 0 : i32
            %dma_wait3A_109 = tpu.memref_slice %arg4[%dma_wait3A_107, %dma_wait3A_108] : memref<4096x256xf32, #tpu.memory_space<hbm>> -> memref<4096x256xf32, #tpu.memory_space<hbm>>
            tpu.wait_indirect_dma semaphore(%arg16 : memref<!tpu.dma_semaphore, #tpu.memory_space<semaphore_mem>>) src(%dma_wait3A_109 : memref<4096x256xf32, #tpu.memory_space<hbm>>) dst(%dma_wait3A_103 : memref<98x256xf32, #tpu.memory_space<vmem>>)
            %dma_wait3A_110 = arith.constant 1 : i32
            %dma_wait3A_111 = arith.constant 98 : i32
            %dma_wait3A_112 = arith.constant 0 : i32
            %dma_wait3A_113 = tpu.memref_slice %arg13[%dma_wait3A_111, %dma_wait3A_112] : memref<196x256xf32, #tpu.memory_space<vmem>> -> memref<98x256xf32, #tpu.memory_space<vmem>>
            %dma_wait3A_114 = arith.constant 0 : i32
            %dma_wait3A_115 = tpu.memref_slice %arg10[%mul3A_47, %dma_wait3A_110, %dma_wait3A_114] : memref<32x2x98xi32, #tpu.memory_space<vmem>> -> memref<1x1x98xi32, #tpu.memory_space<vmem>>
            %dma_wait3A_116 = tpu.memref_squeeze %dma_wait3A_115 : memref<1x1x98xi32, #tpu.memory_space<vmem>> -> memref<98xi32, #tpu.memory_space<vmem>>
            %dma_wait3A_117 = arith.constant 0 : i32
            %dma_wait3A_118 = arith.constant 0 : i32
            %dma_wait3A_119 = tpu.memref_slice %arg4[%dma_wait3A_117, %dma_wait3A_118] : memref<4096x256xf32, #tpu.memory_space<hbm>> -> memref<4096x256xf32, #tpu.memory_space<hbm>>
            tpu.wait_indirect_dma semaphore(%arg17 : memref<!tpu.dma_semaphore, #tpu.memory_space<semaphore_mem>>) src(%dma_wait3A_119 : memref<4096x256xf32, #tpu.memory_space<hbm>>) dst(%dma_wait3A_113 : memref<98x256xf32, #tpu.memory_space<vmem>>)
          } else {
            %dma_wait3A_100 = arith.constant 0 : i32
            %dma_wait3A_101 = arith.constant 0 : i32
            %dma_wait3A_102 = arith.constant 0 : i32
            %dma_wait3A_103 = tpu.memref_slice %arg13[%dma_wait3A_101, %dma_wait3A_102] : memref<196x256xf32, #tpu.memory_space<vmem>> -> memref<98x256xf32, #tpu.memory_space<vmem>>
            %dma_wait3A_104 = arith.constant 0 : i32
            %dma_wait3A_105 = tpu.memref_slice %arg10[%mul3A_47, %dma_wait3A_100, %dma_wait3A_104] : memref<32x2x98xi32, #tpu.memory_space<vmem>> -> memref<1x1x98xi32, #tpu.memory_space<vmem>>
            %dma_wait3A_106 = tpu.memref_squeeze %dma_wait3A_105 : memref<1x1x98xi32, #tpu.memory_space<vmem>> -> memref<98xi32, #tpu.memory_space<vmem>>
            %dma_wait3A_107 = arith.constant 0 : i32
            %dma_wait3A_108 = arith.constant 0 : i32
            %dma_wait3A_109 = tpu.memref_slice %arg5[%dma_wait3A_107, %dma_wait3A_108] : memref<1024x256xf32, #tpu.memory_space<hbm>> -> memref<1024x256xf32, #tpu.memory_space<hbm>>
            tpu.wait_indirect_dma semaphore(%arg16 : memref<!tpu.dma_semaphore, #tpu.memory_space<semaphore_mem>>) src(%dma_wait3A_109 : memref<1024x256xf32, #tpu.memory_space<hbm>>) dst(%dma_wait3A_103 : memref<98x256xf32, #tpu.memory_space<vmem>>)
            %dma_wait3A_110 = arith.constant 1 : i32
            %dma_wait3A_111 = arith.constant 98 : i32
            %dma_wait3A_112 = arith.constant 0 : i32
            %dma_wait3A_113 = tpu.memref_slice %arg13[%dma_wait3A_111, %dma_wait3A_112] : memref<196x256xf32, #tpu.memory_space<vmem>> -> memref<98x256xf32, #tpu.memory_space<vmem>>
            %dma_wait3A_114 = arith.constant 0 : i32
            %dma_wait3A_115 = tpu.memref_slice %arg10[%mul3A_47, %dma_wait3A_110, %dma_wait3A_114] : memref<32x2x98xi32, #tpu.memory_space<vmem>> -> memref<1x1x98xi32, #tpu.memory_space<vmem>>
            %dma_wait3A_116 = tpu.memref_squeeze %dma_wait3A_115 : memref<1x1x98xi32, #tpu.memory_space<vmem>> -> memref<98xi32, #tpu.memory_space<vmem>>
            %dma_wait3A_117 = arith.constant 0 : i32
            %dma_wait3A_118 = arith.constant 0 : i32
            %dma_wait3A_119 = tpu.memref_slice %arg5[%dma_wait3A_117, %dma_wait3A_118] : memref<1024x256xf32, #tpu.memory_space<hbm>> -> memref<1024x256xf32, #tpu.memory_space<hbm>>
            tpu.wait_indirect_dma semaphore(%arg17 : memref<!tpu.dma_semaphore, #tpu.memory_space<semaphore_mem>>) src(%dma_wait3A_119 : memref<1024x256xf32, #tpu.memory_space<hbm>>) dst(%dma_wait3A_113 : memref<98x256xf32, #tpu.memory_space<vmem>>)
          }
        }
        %ge3A = arith.constant 1 : i32
        %ge3A_81 = arith.cmpi sge, %mul3A_47, %ge3A : i32
        %convert_element_type3A_82 = arith.extui %ge3A_81 : i1 to i32
        %cond3A_83 = arith.constant 0 : i32
        %cond3A_84 = arith.cmpi ne, %convert_element_type3A_82, %cond3A_83 : i32
        scf.if %cond3A_84 {
          %sub3A_96 = arith.constant 1 : i32
          %sub3A_97 = arith.subi %mul3A_47, %sub3A_96 : i32
          %add3A_98 = arith.addi %mul3A_2, %sub3A_97 : i32
          %mul3A_99 = arith.constant 49 : i32
          %mul3A_100 = arith.muli %add3A_98, %mul3A_99 : i32
          %dma_wait3A_101 = arith.constant 0 : i32
          %dma_wait3A_102 = tpu.memref_slice %arg9[%mul3A_100, %dma_wait3A_101] : memref<49000x256xf32, #tpu.memory_space<hbm>> -> memref<49x256xf32, #tpu.memory_space<hbm>>
          %dma_wait3A_103 = arith.constant 0 : i32
          %dma_wait3A_104 = tpu.memref_slice %arg9[%mul3A_100, %dma_wait3A_103] : memref<49000x256xf32, #tpu.memory_space<hbm>> -> memref<49x256xf32, #tpu.memory_space<hbm>>
          tpu.wait_dma2 semaphore(%arg20 : memref<!tpu.dma_semaphore, #tpu.memory_space<semaphore_mem>>) src(%arg15 : memref<49x256xf32, #tpu.memory_space<vmem>>) dst(%dma_wait3A_104 : memref<49x256xf32, #tpu.memory_space<hbm>>)
        } else {
        }
        %scan3A = arith.constant 0 : i32
        %scan3A_85 = arith.constant 0 : i32
        %scan3A_86 = arith.constant 49 : i32
        %scan3A_87 = arith.addi %scan3A_85, %scan3A_86 : i32
        %scan3A_88 = arith.constant 1 : i32
        scf.for %scan3A_96 = %scan3A_85 to %scan3A_87 step %scan3A_88  : i32 {
          %get3A_97 = arith.index_cast %mul3A_47 : i32 to index
          %get3A_98 = arith.index_cast %scan3A_96 : i32 to index
          %get3A_99 = tpu.vector_load %arg11[%get3A_97, %get3A_98] {strides = array<i32>} : memref<32x216xf32, #tpu.memory_space<vmem>>, vector<1x16xf32>,
          %get3A_100 = vector.shape_cast %get3A_99 : vector<1x16xf32> to vector<16xf32>
          %slice3A_101 = vector.extract_strided_slice %get3A_100 {offsets = [0], sizes = [1], strides = [1]} : vector<16xf32> to vector<1xf32>
          %squeeze3A_102 = vector.extract %slice3A_101[0] : f32 from vector<1xf32>
          %add3A_103 = arith.constant 49 : i32
          %add3A_104 = arith.addi %add3A_103, %scan3A_96 : i32
          %get3A_105 = arith.index_cast %mul3A_47 : i32 to index
          %get3A_106 = arith.index_cast %add3A_104 : i32 to index
          %get3A_107 = tpu.vector_load %arg11[%get3A_105, %get3A_106] {strides = array<i32>} : memref<32x216xf32, #tpu.memory_space<vmem>>, vector<1x16xf32>,
          %get3A_108 = vector.shape_cast %get3A_107 : vector<1x16xf32> to vector<16xf32>
          %slice3A_109 = vector.extract_strided_slice %get3A_108 {offsets = [0], sizes = [1], strides = [1]} : vector<16xf32> to vector<1xf32>
          %squeeze3A_110 = vector.extract %slice3A_109[0] : f32 from vector<1xf32>
          %add3A_111 = arith.constant 98 : i32
          %add3A_112 = arith.addi %add3A_111, %scan3A_96 : i32
          %get3A_113 = arith.index_cast %mul3A_47 : i32 to index
          %get3A_114 = arith.index_cast %add3A_112 : i32 to index
          %get3A_115 = tpu.vector_load %arg11[%get3A_113, %get3A_114] {strides = array<i32>} : memref<32x216xf32, #tpu.memory_space<vmem>>, vector<1x16xf32>,
          %get3A_116 = vector.shape_cast %get3A_115 : vector<1x16xf32> to vector<16xf32>
          %slice3A_117 = vector.extract_strided_slice %get3A_116 {offsets = [0], sizes = [1], strides = [1]} : vector<16xf32> to vector<1xf32>
          %squeeze3A_118 = vector.extract %slice3A_117[0] : f32 from vector<1xf32>
          %add3A_119 = arith.constant 147 : i32
          %add3A_120 = arith.addi %add3A_119, %scan3A_96 : i32
          %get3A_121 = arith.index_cast %mul3A_47 : i32 to index
          %get3A_122 = arith.index_cast %add3A_120 : i32 to index
          %get3A_123 = tpu.vector_load %arg11[%get3A_121, %get3A_122] {strides = array<i32>} : memref<32x216xf32, #tpu.memory_space<vmem>>, vector<1x16xf32>,
          %get3A_124 = vector.shape_cast %get3A_123 : vector<1x16xf32> to vector<16xf32>
          %slice3A_125 = vector.extract_strided_slice %get3A_124 {offsets = [0], sizes = [1], strides = [1]} : vector<16xf32> to vector<1xf32>
          %squeeze3A_126 = vector.extract %slice3A_125[0] : f32 from vector<1xf32>
          %get3A_127 = arith.index_cast %scan3A_96 : i32 to index
          %get3A_128 = arith.constant 0 : index
          %get3A_129 = tpu.vector_load %arg13[%get3A_127, %get3A_128] {strides = array<i32>} : memref<196x256xf32, #tpu.memory_space<vmem>>, vector<1x16xf32>,
          %get3A_130 = vector.shape_cast %get3A_129 : vector<1x16xf32> to vector<16xf32>
          %mul3A_131 = vector.broadcast %squeeze3A_102 : f32 to vector<16xf32>
          %mul3A_132 = arith.mulf %mul3A_131, %get3A_130 : vector<16xf32>
          %add3A_133 = arith.constant 49 : i32
          %add3A_134 = arith.addi %add3A_133, %scan3A_96 : i32
          %get3A_135 = arith.index_cast %add3A_134 : i32 to index
          %get3A_136 = arith.constant 0 : index
          %get3A_137 = tpu.vector_load %arg13[%get3A_135, %get3A_136] {strides = array<i32>} : memref<196x256xf32, #tpu.memory_space<vmem>>, vector<1x16xf32>,
          %get3A_138 = vector.shape_cast %get3A_137 : vector<1x16xf32> to vector<16xf32>
          %mul3A_139 = vector.broadcast %squeeze3A_110 : f32 to vector<16xf32>
          %mul3A_140 = arith.mulf %mul3A_139, %get3A_138 : vector<16xf32>
          %add3A_141 = arith.addf %mul3A_132, %mul3A_140 : vector<16xf32>
          %add3A_142 = arith.constant 98 : i32
          %add3A_143 = arith.addi %add3A_142, %scan3A_96 : i32
          %get3A_144 = arith.index_cast %add3A_143 : i32 to index
          %get3A_145 = arith.constant 0 : index
          %get3A_146 = tpu.vector_load %arg13[%get3A_144, %get3A_145] {strides = array<i32>} : memref<196x256xf32, #tpu.memory_space<vmem>>, vector<1x16xf32>,
          %get3A_147 = vector.shape_cast %get3A_146 : vector<1x16xf32> to vector<16xf32>
          %mul3A_148 = vector.broadcast %squeeze3A_118 : f32 to vector<16xf32>
          %mul3A_149 = arith.mulf %mul3A_148, %get3A_147 : vector<16xf32>
          %add3A_150 = arith.addf %add3A_141, %mul3A_149 : vector<16xf32>
          %add3A_151 = arith.constant 147 : i32
          %add3A_152 = arith.addi %add3A_151, %scan3A_96 : i32
          %get3A_153 = arith.index_cast %add3A_152 : i32 to index
          %get3A_154 = arith.constant 0 : index
          %get3A_155 = tpu.vector_load %arg13[%get3A_153, %get3A_154] {strides = array<i32>} : memref<196x256xf32, #tpu.memory_space<vmem>>, vector<1x16xf32>,
          %get3A_156 = vector.shape_cast %get3A_155 : vector<1x16xf32> to vector<16xf32>
          %mul3A_157 = vector.broadcast %squeeze3A_126 : f32 to vector<16xf32>
          %mul3A_158 = arith.mulf %mul3A_157, %get3A_156 : vector<16xf32>
          %add3A_159 = arith.addf %add3A_150, %mul3A_158 : vector<16xf32>
          %swap3A = arith.index_cast %scan3A_96 : i32 to index
          %swap3A_160 = arith.constant 0 : index
          %swap3A_161 = tpu.vector_load %arg15[%swap3A, %swap3A_160] {strides = array<i32>} : memref<49x256xf32, #tpu.memory_space<vmem>>, vector<1x16xf32>,
          %swap3A_162 = vector.shape_cast %swap3A_161 : vector<1x16xf32> to vector<16xf32>
          %swap3A_163 = vector.shape_cast %add3A_159 : vector<16xf32> to vector<1x16xf32>
          tpu.vector_store %arg15[%swap3A, %swap3A_160], %swap3A_163 {strides = array<i32>} : memref<49x256xf32, #tpu.memory_space<vmem>>, vector<1x16xf32>,
          %get3A_164 = arith.index_cast %scan3A_96 : i32 to index
          %get3A_165 = arith.constant 16 : index
          %get3A_166 = tpu.vector_load %arg13[%get3A_164, %get3A_165] {strides = array<i32>} : memref<196x256xf32, #tpu.memory_space<vmem>>, vector<1x16xf32>,
          %get3A_167 = vector.shape_cast %get3A_166 : vector<1x16xf32> to vector<16xf32>
          %mul3A_168 = vector.broadcast %squeeze3A_102 : f32 to vector<16xf32>
          %mul3A_169 = arith.mulf %mul3A_168, %get3A_167 : vector<16xf32>
          %add3A_170 = arith.constant 49 : i32
          %add3A_171 = arith.addi %add3A_170, %scan3A_96 : i32
          %get3A_172 = arith.index_cast %add3A_171 : i32 to index
          %get3A_173 = arith.constant 16 : index
          %get3A_174 = tpu.vector_load %arg13[%get3A_172, %get3A_173] {strides = array<i32>} : memref<196x256xf32, #tpu.memory_space<vmem>>, vector<1x16xf32>,
          %get3A_175 = vector.shape_cast %get3A_174 : vector<1x16xf32> to vector<16xf32>
          %mul3A_176 = vector.broadcast %squeeze3A_110 : f32 to vector<16xf32>
          %mul3A_177 = arith.mulf %mul3A_176, %get3A_175 : vector<16xf32>
          %add3A_178 = arith.addf %mul3A_169, %mul3A_177 : vector<16xf32>
          %add3A_179 = arith.constant 98 : i32
          %add3A_180 = arith.addi %add3A_179, %scan3A_96 : i32
          %get3A_181 = arith.index_cast %add3A_180 : i32 to index
          %get3A_182 = arith.constant 16 : index
          %get3A_183 = tpu.vector_load %arg13[%get3A_181, %get3A_182] {strides = array<i32>} : memref<196x256xf32, #tpu.memory_space<vmem>>, vector<1x16xf32>,
          %get3A_184 = vector.shape_cast %get3A_183 : vector<1x16xf32> to vector<16xf32>
          %mul3A_185 = vector.broadcast %squeeze3A_118 : f32 to vector<16xf32>
          %mul3A_186 = arith.mulf %mul3A_185, %get3A_184 : vector<16xf32>
          %add3A_187 = arith.addf %add3A_178, %mul3A_186 : vector<16xf32>
          %add3A_188 = arith.constant 147 : i32
          %add3A_189 = arith.addi %add3A_188, %scan3A_96 : i32
          %get3A_190 = arith.index_cast %add3A_189 : i32 to index
          %get3A_191 = arith.constant 16 : index
          %get3A_192 = tpu.vector_load %arg13[%get3A_190, %get3A_191] {strides = array<i32>} : memref<196x256xf32, #tpu.memory_space<vmem>>, vector<1x16xf32>,
          %get3A_193 = vector.shape_cast %get3A_192 : vector<1x16xf32> to vector<16xf32>
          %mul3A_194 = vector.broadcast %squeeze3A_126 : f32 to vector<16xf32>
          %mul3A_195 = arith.mulf %mul3A_194, %get3A_193 : vector<16xf32>
          %add3A_196 = arith.addf %add3A_187, %mul3A_195 : vector<16xf32>
          %swap3A_197 = arith.index_cast %scan3A_96 : i32 to index
          %swap3A_198 = arith.constant 16 : index
          %swap3A_199 = tpu.vector_load %arg15[%swap3A_197, %swap3A_198] {strides = array<i32>} : memref<49x256xf32, #tpu.memory_space<vmem>>, vector<1x16xf32>,
          %swap3A_200 = vector.shape_cast %swap3A_199 : vector<1x16xf32> to vector<16xf32>
          %swap3A_201 = vector.shape_cast %add3A_196 : vector<16xf32> to vector<1x16xf32>
          tpu.vector_store %arg15[%swap3A_197, %swap3A_198], %swap3A_201 {strides = array<i32>} : memref<49x256xf32, #tpu.memory_space<vmem>>, vector<1x16xf32>,
          %get3A_202 = arith.index_cast %scan3A_96 : i32 to index
          %get3A_203 = arith.constant 32 : index
          %get3A_204 = tpu.vector_load %arg13[%get3A_202, %get3A_203] {strides = array<i32>} : memref<196x256xf32, #tpu.memory_space<vmem>>, vector<1x16xf32>,
          %get3A_205 = vector.shape_cast %get3A_204 : vector<1x16xf32> to vector<16xf32>
          %mul3A_206 = vector.broadcast %squeeze3A_102 : f32 to vector<16xf32>
          %mul3A_207 = arith.mulf %mul3A_206, %get3A_205 : vector<16xf32>
          %add3A_208 = arith.constant 49 : i32
          %add3A_209 = arith.addi %add3A_208, %scan3A_96 : i32
          %get3A_210 = arith.index_cast %add3A_209 : i32 to index
          %get3A_211 = arith.constant 32 : index
          %get3A_212 = tpu.vector_load %arg13[%get3A_210, %get3A_211] {strides = array<i32>} : memref<196x256xf32, #tpu.memory_space<vmem>>, vector<1x16xf32>,
          %get3A_213 = vector.shape_cast %get3A_212 : vector<1x16xf32> to vector<16xf32>
          %mul3A_214 = vector.broadcast %squeeze3A_110 : f32 to vector<16xf32>
          %mul3A_215 = arith.mulf %mul3A_214, %get3A_213 : vector<16xf32>
          %add3A_216 = arith.addf %mul3A_207, %mul3A_215 : vector<16xf32>
          %add3A_217 = arith.constant 98 : i32
          %add3A_218 = arith.addi %add3A_217, %scan3A_96 : i32
          %get3A_219 = arith.index_cast %add3A_218 : i32 to index
          %get3A_220 = arith.constant 32 : index
          %get3A_221 = tpu.vector_load %arg13[%get3A_219, %get3A_220] {strides = array<i32>} : memref<196x256xf32, #tpu.memory_space<vmem>>, vector<1x16xf32>,
          %get3A_222 = vector.shape_cast %get3A_221 : vector<1x16xf32> to vector<16xf32>
          %mul3A_223 = vector.broadcast %squeeze3A_118 : f32 to vector<16xf32>
          %mul3A_224 = arith.mulf %mul3A_223, %get3A_222 : vector<16xf32>
          %add3A_225 = arith.addf %add3A_216, %mul3A_224 : vector<16xf32>
          %add3A_226 = arith.constant 147 : i32
          %add3A_227 = arith.addi %add3A_226, %scan3A_96 : i32
          %get3A_228 = arith.index_cast %add3A_227 : i32 to index
          %get3A_229 = arith.constant 32 : index
          %get3A_230 = tpu.vector_load %arg13[%get3A_228, %get3A_229] {strides = array<i32>} : memref<196x256xf32, #tpu.memory_space<vmem>>, vector<1x16xf32>,
          %get3A_231 = vector.shape_cast %get3A_230 : vector<1x16xf32> to vector<16xf32>
          %mul3A_232 = vector.broadcast %squeeze3A_126 : f32 to vector<16xf32>
          %mul3A_233 = arith.mulf %mul3A_232, %get3A_231 : vector<16xf32>
          %add3A_234 = arith.addf %add3A_225, %mul3A_233 : vector<16xf32>
          %swap3A_235 = arith.index_cast %scan3A_96 : i32 to index
          %swap3A_236 = arith.constant 32 : index
          %swap3A_237 = tpu.vector_load %arg15[%swap3A_235, %swap3A_236] {strides = array<i32>} : memref<49x256xf32, #tpu.memory_space<vmem>>, vector<1x16xf32>,
          %swap3A_238 = vector.shape_cast %swap3A_237 : vector<1x16xf32> to vector<16xf32>
          %swap3A_239 = vector.shape_cast %add3A_234 : vector<16xf32> to vector<1x16xf32>
          tpu.vector_store %arg15[%swap3A_235, %swap3A_236], %swap3A_239 {strides = array<i32>} : memref<49x256xf32, #tpu.memory_space<vmem>>, vector<1x16xf32>,
          %get3A_240 = arith.index_cast %scan3A_96 : i32 to index
          %get3A_241 = arith.constant 48 : index
          %get3A_242 = tpu.vector_load %arg13[%get3A_240, %get3A_241] {strides = array<i32>} : memref<196x256xf32, #tpu.memory_space<vmem>>, vector<1x16xf32>,
          %get3A_243 = vector.shape_cast %get3A_242 : vector<1x16xf32> to vector<16xf32>
          %mul3A_244 = vector.broadcast %squeeze3A_102 : f32 to vector<16xf32>
          %mul3A_245 = arith.mulf %mul3A_244, %get3A_243 : vector<16xf32>
          %add3A_246 = arith.constant 49 : i32
          %add3A_247 = arith.addi %add3A_246, %scan3A_96 : i32
          %get3A_248 = arith.index_cast %add3A_247 : i32 to index
          %get3A_249 = arith.constant 48 : index
          %get3A_250 = tpu.vector_load %arg13[%get3A_248, %get3A_249] {strides = array<i32>} : memref<196x256xf32, #tpu.memory_space<vmem>>, vector<1x16xf32>,
          %get3A_251 = vector.shape_cast %get3A_250 : vector<1x16xf32> to vector<16xf32>
          %mul3A_252 = vector.broadcast %squeeze3A_110 : f32 to vector<16xf32>
          %mul3A_253 = arith.mulf %mul3A_252, %get3A_251 : vector<16xf32>
          %add3A_254 = arith.addf %mul3A_245, %mul3A_253 : vector<16xf32>
          %add3A_255 = arith.constant 98 : i32
          %add3A_256 = arith.addi %add3A_255, %scan3A_96 : i32
          %get3A_257 = arith.index_cast %add3A_256 : i32 to index
          %get3A_258 = arith.constant 48 : index
          %get3A_259 = tpu.vector_load %arg13[%get3A_257, %get3A_258] {strides = array<i32>} : memref<196x256xf32, #tpu.memory_space<vmem>>, vector<1x16xf32>,
          %get3A_260 = vector.shape_cast %get3A_259 : vector<1x16xf32> to vector<16xf32>
          %mul3A_261 = vector.broadcast %squeeze3A_118 : f32 to vector<16xf32>
          %mul3A_262 = arith.mulf %mul3A_261, %get3A_260 : vector<16xf32>
          %add3A_263 = arith.addf %add3A_254, %mul3A_262 : vector<16xf32>
          %add3A_264 = arith.constant 147 : i32
          %add3A_265 = arith.addi %add3A_264, %scan3A_96 : i32
          %get3A_266 = arith.index_cast %add3A_265 : i32 to index
          %get3A_267 = arith.constant 48 : index
          %get3A_268 = tpu.vector_load %arg13[%get3A_266, %get3A_267] {strides = array<i32>} : memref<196x256xf32, #tpu.memory_space<vmem>>, vector<1x16xf32>,
          %get3A_269 = vector.shape_cast %get3A_268 : vector<1x16xf32> to vector<16xf32>
          %mul3A_270 = vector.broadcast %squeeze3A_126 : f32 to vector<16xf32>
          %mul3A_271 = arith.mulf %mul3A_270, %get3A_269 : vector<16xf32>
          %add3A_272 = arith.addf %add3A_263, %mul3A_271 : vector<16xf32>
          %swap3A_273 = arith.index_cast %scan3A_96 : i32 to index
          %swap3A_274 = arith.constant 48 : index
          %swap3A_275 = tpu.vector_load %arg15[%swap3A_273, %swap3A_274] {strides = array<i32>} : memref<49x256xf32, #tpu.memory_space<vmem>>, vector<1x16xf32>,
          %swap3A_276 = vector.shape_cast %swap3A_275 : vector<1x16xf32> to vector<16xf32>
          %swap3A_277 = vector.shape_cast %add3A_272 : vector<16xf32> to vector<1x16xf32>
          tpu.vector_store %arg15[%swap3A_273, %swap3A_274], %swap3A_277 {strides = array<i32>} : memref<49x256xf32, #tpu.memory_space<vmem>>, vector<1x16xf32>,
          %get3A_278 = arith.index_cast %scan3A_96 : i32 to index
          %get3A_279 = arith.constant 64 : index
          %get3A_280 = tpu.vector_load %arg13[%get3A_278, %get3A_279] {strides = array<i32>} : memref<196x256xf32, #tpu.memory_space<vmem>>, vector<1x16xf32>,
          %get3A_281 = vector.shape_cast %get3A_280 : vector<1x16xf32> to vector<16xf32>
          %mul3A_282 = vector.broadcast %squeeze3A_102 : f32 to vector<16xf32>
          %mul3A_283 = arith.mulf %mul3A_282, %get3A_281 : vector<16xf32>
          %add3A_284 = arith.constant 49 : i32
          %add3A_285 = arith.addi %add3A_284, %scan3A_96 : i32
          %get3A_286 = arith.index_cast %add3A_285 : i32 to index
          %get3A_287 = arith.constant 64 : index
          %get3A_288 = tpu.vector_load %arg13[%get3A_286, %get3A_287] {strides = array<i32>} : memref<196x256xf32, #tpu.memory_space<vmem>>, vector<1x16xf32>,
          %get3A_289 = vector.shape_cast %get3A_288 : vector<1x16xf32> to vector<16xf32>
          %mul3A_290 = vector.broadcast %squeeze3A_110 : f32 to vector<16xf32>
          %mul3A_291 = arith.mulf %mul3A_290, %get3A_289 : vector<16xf32>
          %add3A_292 = arith.addf %mul3A_283, %mul3A_291 : vector<16xf32>
          %add3A_293 = arith.constant 98 : i32
          %add3A_294 = arith.addi %add3A_293, %scan3A_96 : i32
          %get3A_295 = arith.index_cast %add3A_294 : i32 to index
          %get3A_296 = arith.constant 64 : index
          %get3A_297 = tpu.vector_load %arg13[%get3A_295, %get3A_296] {strides = array<i32>} : memref<196x256xf32, #tpu.memory_space<vmem>>, vector<1x16xf32>,
          %get3A_298 = vector.shape_cast %get3A_297 : vector<1x16xf32> to vector<16xf32>
          %mul3A_299 = vector.broadcast %squeeze3A_118 : f32 to vector<16xf32>
          %mul3A_300 = arith.mulf %mul3A_299, %get3A_298 : vector<16xf32>
          %add3A_301 = arith.addf %add3A_292, %mul3A_300 : vector<16xf32>
          %add3A_302 = arith.constant 147 : i32
          %add3A_303 = arith.addi %add3A_302, %scan3A_96 : i32
          %get3A_304 = arith.index_cast %add3A_303 : i32 to index
          %get3A_305 = arith.constant 64 : index
          %get3A_306 = tpu.vector_load %arg13[%get3A_304, %get3A_305] {strides = array<i32>} : memref<196x256xf32, #tpu.memory_space<vmem>>, vector<1x16xf32>,
          %get3A_307 = vector.shape_cast %get3A_306 : vector<1x16xf32> to vector<16xf32>
          %mul3A_308 = vector.broadcast %squeeze3A_126 : f32 to vector<16xf32>
          %mul3A_309 = arith.mulf %mul3A_308, %get3A_307 : vector<16xf32>
          %add3A_310 = arith.addf %add3A_301, %mul3A_309 : vector<16xf32>
          %swap3A_311 = arith.index_cast %scan3A_96 : i32 to index
          %swap3A_312 = arith.constant 64 : index
          %swap3A_313 = tpu.vector_load %arg15[%swap3A_311, %swap3A_312] {strides = array<i32>} : memref<49x256xf32, #tpu.memory_space<vmem>>, vector<1x16xf32>,
          %swap3A_314 = vector.shape_cast %swap3A_313 : vector<1x16xf32> to vector<16xf32>
          %swap3A_315 = vector.shape_cast %add3A_310 : vector<16xf32> to vector<1x16xf32>
          tpu.vector_store %arg15[%swap3A_311, %swap3A_312], %swap3A_315 {strides = array<i32>} : memref<49x256xf32, #tpu.memory_space<vmem>>, vector<1x16xf32>,
          %get3A_316 = arith.index_cast %scan3A_96 : i32 to index
          %get3A_317 = arith.constant 80 : index
          %get3A_318 = tpu.vector_load %arg13[%get3A_316, %get3A_317] {strides = array<i32>} : memref<196x256xf32, #tpu.memory_space<vmem>>, vector<1x16xf32>,
          %get3A_319 = vector.shape_cast %get3A_318 : vector<1x16xf32> to vector<16xf32>
          %mul3A_320 = vector.broadcast %squeeze3A_102 : f32 to vector<16xf32>
          %mul3A_321 = arith.mulf %mul3A_320, %get3A_319 : vector<16xf32>
          %add3A_322 = arith.constant 49 : i32
          %add3A_323 = arith.addi %add3A_322, %scan3A_96 : i32
          %get3A_324 = arith.index_cast %add3A_323 : i32 to index
          %get3A_325 = arith.constant 80 : index
          %get3A_326 = tpu.vector_load %arg13[%get3A_324, %get3A_325] {strides = array<i32>} : memref<196x256xf32, #tpu.memory_space<vmem>>, vector<1x16xf32>,
          %get3A_327 = vector.shape_cast %get3A_326 : vector<1x16xf32> to vector<16xf32>
          %mul3A_328 = vector.broadcast %squeeze3A_110 : f32 to vector<16xf32>
          %mul3A_329 = arith.mulf %mul3A_328, %get3A_327 : vector<16xf32>
          %add3A_330 = arith.addf %mul3A_321, %mul3A_329 : vector<16xf32>
          %add3A_331 = arith.constant 98 : i32
          %add3A_332 = arith.addi %add3A_331, %scan3A_96 : i32
          %get3A_333 = arith.index_cast %add3A_332 : i32 to index
          %get3A_334 = arith.constant 80 : index
          %get3A_335 = tpu.vector_load %arg13[%get3A_333, %get3A_334] {strides = array<i32>} : memref<196x256xf32, #tpu.memory_space<vmem>>, vector<1x16xf32>,
          %get3A_336 = vector.shape_cast %get3A_335 : vector<1x16xf32> to vector<16xf32>
          %mul3A_337 = vector.broadcast %squeeze3A_118 : f32 to vector<16xf32>
          %mul3A_338 = arith.mulf %mul3A_337, %get3A_336 : vector<16xf32>
          %add3A_339 = arith.addf %add3A_330, %mul3A_338 : vector<16xf32>
          %add3A_340 = arith.constant 147 : i32
          %add3A_341 = arith.addi %add3A_340, %scan3A_96 : i32
          %get3A_342 = arith.index_cast %add3A_341 : i32 to index
          %get3A_343 = arith.constant 80 : index
          %get3A_344 = tpu.vector_load %arg13[%get3A_342, %get3A_343] {strides = array<i32>} : memref<196x256xf32, #tpu.memory_space<vmem>>, vector<1x16xf32>,
          %get3A_345 = vector.shape_cast %get3A_344 : vector<1x16xf32> to vector<16xf32>
          %mul3A_346 = vector.broadcast %squeeze3A_126 : f32 to vector<16xf32>
          %mul3A_347 = arith.mulf %mul3A_346, %get3A_345 : vector<16xf32>
          %add3A_348 = arith.addf %add3A_339, %mul3A_347 : vector<16xf32>
          %swap3A_349 = arith.index_cast %scan3A_96 : i32 to index
          %swap3A_350 = arith.constant 80 : index
          %swap3A_351 = tpu.vector_load %arg15[%swap3A_349, %swap3A_350] {strides = array<i32>} : memref<49x256xf32, #tpu.memory_space<vmem>>, vector<1x16xf32>,
          %swap3A_352 = vector.shape_cast %swap3A_351 : vector<1x16xf32> to vector<16xf32>
          %swap3A_353 = vector.shape_cast %add3A_348 : vector<16xf32> to vector<1x16xf32>
          tpu.vector_store %arg15[%swap3A_349, %swap3A_350], %swap3A_353 {strides = array<i32>} : memref<49x256xf32, #tpu.memory_space<vmem>>, vector<1x16xf32>,
          %get3A_354 = arith.index_cast %scan3A_96 : i32 to index
          %get3A_355 = arith.constant 96 : index
          %get3A_356 = tpu.vector_load %arg13[%get3A_354, %get3A_355] {strides = array<i32>} : memref<196x256xf32, #tpu.memory_space<vmem>>, vector<1x16xf32>,
          %get3A_357 = vector.shape_cast %get3A_356 : vector<1x16xf32> to vector<16xf32>
          %mul3A_358 = vector.broadcast %squeeze3A_102 : f32 to vector<16xf32>
          %mul3A_359 = arith.mulf %mul3A_358, %get3A_357 : vector<16xf32>
          %add3A_360 = arith.constant 49 : i32
          %add3A_361 = arith.addi %add3A_360, %scan3A_96 : i32
          %get3A_362 = arith.index_cast %add3A_361 : i32 to index
          %get3A_363 = arith.constant 96 : index
          %get3A_364 = tpu.vector_load %arg13[%get3A_362, %get3A_363] {strides = array<i32>} : memref<196x256xf32, #tpu.memory_space<vmem>>, vector<1x16xf32>,
          %get3A_365 = vector.shape_cast %get3A_364 : vector<1x16xf32> to vector<16xf32>
          %mul3A_366 = vector.broadcast %squeeze3A_110 : f32 to vector<16xf32>
          %mul3A_367 = arith.mulf %mul3A_366, %get3A_365 : vector<16xf32>
          %add3A_368 = arith.addf %mul3A_359, %mul3A_367 : vector<16xf32>
          %add3A_369 = arith.constant 98 : i32
          %add3A_370 = arith.addi %add3A_369, %scan3A_96 : i32
          %get3A_371 = arith.index_cast %add3A_370 : i32 to index
          %get3A_372 = arith.constant 96 : index
          %get3A_373 = tpu.vector_load %arg13[%get3A_371, %get3A_372] {strides = array<i32>} : memref<196x256xf32, #tpu.memory_space<vmem>>, vector<1x16xf32>,
          %get3A_374 = vector.shape_cast %get3A_373 : vector<1x16xf32> to vector<16xf32>
          %mul3A_375 = vector.broadcast %squeeze3A_118 : f32 to vector<16xf32>
          %mul3A_376 = arith.mulf %mul3A_375, %get3A_374 : vector<16xf32>
          %add3A_377 = arith.addf %add3A_368, %mul3A_376 : vector<16xf32>
          %add3A_378 = arith.constant 147 : i32
          %add3A_379 = arith.addi %add3A_378, %scan3A_96 : i32
          %get3A_380 = arith.index_cast %add3A_379 : i32 to index
          %get3A_381 = arith.constant 96 : index
          %get3A_382 = tpu.vector_load %arg13[%get3A_380, %get3A_381] {strides = array<i32>} : memref<196x256xf32, #tpu.memory_space<vmem>>, vector<1x16xf32>,
          %get3A_383 = vector.shape_cast %get3A_382 : vector<1x16xf32> to vector<16xf32>
          %mul3A_384 = vector.broadcast %squeeze3A_126 : f32 to vector<16xf32>
          %mul3A_385 = arith.mulf %mul3A_384, %get3A_383 : vector<16xf32>
          %add3A_386 = arith.addf %add3A_377, %mul3A_385 : vector<16xf32>
          %swap3A_387 = arith.index_cast %scan3A_96 : i32 to index
          %swap3A_388 = arith.constant 96 : index
          %swap3A_389 = tpu.vector_load %arg15[%swap3A_387, %swap3A_388] {strides = array<i32>} : memref<49x256xf32, #tpu.memory_space<vmem>>, vector<1x16xf32>,
          %swap3A_390 = vector.shape_cast %swap3A_389 : vector<1x16xf32> to vector<16xf32>
          %swap3A_391 = vector.shape_cast %add3A_386 : vector<16xf32> to vector<1x16xf32>
          tpu.vector_store %arg15[%swap3A_387, %swap3A_388], %swap3A_391 {strides = array<i32>} : memref<49x256xf32, #tpu.memory_space<vmem>>, vector<1x16xf32>,
          %get3A_392 = arith.index_cast %scan3A_96 : i32 to index
          %get3A_393 = arith.constant 112 : index
          %get3A_394 = tpu.vector_load %arg13[%get3A_392, %get3A_393] {strides = array<i32>} : memref<196x256xf32, #tpu.memory_space<vmem>>, vector<1x16xf32>,
          %get3A_395 = vector.shape_cast %get3A_394 : vector<1x16xf32> to vector<16xf32>
          %mul3A_396 = vector.broadcast %squeeze3A_102 : f32 to vector<16xf32>
          %mul3A_397 = arith.mulf %mul3A_396, %get3A_395 : vector<16xf32>
          %add3A_398 = arith.constant 49 : i32
          %add3A_399 = arith.addi %add3A_398, %scan3A_96 : i32
          %get3A_400 = arith.index_cast %add3A_399 : i32 to index
          %get3A_401 = arith.constant 112 : index
          %get3A_402 = tpu.vector_load %arg13[%get3A_400, %get3A_401] {strides = array<i32>} : memref<196x256xf32, #tpu.memory_space<vmem>>, vector<1x16xf32>,
          %get3A_403 = vector.shape_cast %get3A_402 : vector<1x16xf32> to vector<16xf32>
          %mul3A_404 = vector.broadcast %squeeze3A_110 : f32 to vector<16xf32>
          %mul3A_405 = arith.mulf %mul3A_404, %get3A_403 : vector<16xf32>
          %add3A_406 = arith.addf %mul3A_397, %mul3A_405 : vector<16xf32>
          %add3A_407 = arith.constant 98 : i32
          %add3A_408 = arith.addi %add3A_407, %scan3A_96 : i32
          %get3A_409 = arith.index_cast %add3A_408 : i32 to index
          %get3A_410 = arith.constant 112 : index
          %get3A_411 = tpu.vector_load %arg13[%get3A_409, %get3A_410] {strides = array<i32>} : memref<196x256xf32, #tpu.memory_space<vmem>>, vector<1x16xf32>,
          %get3A_412 = vector.shape_cast %get3A_411 : vector<1x16xf32> to vector<16xf32>
          %mul3A_413 = vector.broadcast %squeeze3A_118 : f32 to vector<16xf32>
          %mul3A_414 = arith.mulf %mul3A_413, %get3A_412 : vector<16xf32>
          %add3A_415 = arith.addf %add3A_406, %mul3A_414 : vector<16xf32>
          %add3A_416 = arith.constant 147 : i32
          %add3A_417 = arith.addi %add3A_416, %scan3A_96 : i32
          %get3A_418 = arith.index_cast %add3A_417 : i32 to index
          %get3A_419 = arith.constant 112 : index
          %get3A_420 = tpu.vector_load %arg13[%get3A_418, %get3A_419] {strides = array<i32>} : memref<196x256xf32, #tpu.memory_space<vmem>>, vector<1x16xf32>,
          %get3A_421 = vector.shape_cast %get3A_420 : vector<1x16xf32> to vector<16xf32>
          %mul3A_422 = vector.broadcast %squeeze3A_126 : f32 to vector<16xf32>
          %mul3A_423 = arith.mulf %mul3A_422, %get3A_421 : vector<16xf32>
          %add3A_424 = arith.addf %add3A_415, %mul3A_423 : vector<16xf32>
          %swap3A_425 = arith.index_cast %scan3A_96 : i32 to index
          %swap3A_426 = arith.constant 112 : index
          %swap3A_427 = tpu.vector_load %arg15[%swap3A_425, %swap3A_426] {strides = array<i32>} : memref<49x256xf32, #tpu.memory_space<vmem>>, vector<1x16xf32>,
          %swap3A_428 = vector.shape_cast %swap3A_427 : vector<1x16xf32> to vector<16xf32>
          %swap3A_429 = vector.shape_cast %add3A_424 : vector<16xf32> to vector<1x16xf32>
          tpu.vector_store %arg15[%swap3A_425, %swap3A_426], %swap3A_429 {strides = array<i32>} : memref<49x256xf32, #tpu.memory_space<vmem>>, vector<1x16xf32>,
          %get3A_430 = arith.index_cast %scan3A_96 : i32 to index
          %get3A_431 = arith.constant 128 : index
          %get3A_432 = tpu.vector_load %arg13[%get3A_430, %get3A_431] {strides = array<i32>} : memref<196x256xf32, #tpu.memory_space<vmem>>, vector<1x16xf32>,
          %get3A_433 = vector.shape_cast %get3A_432 : vector<1x16xf32> to vector<16xf32>
          %mul3A_434 = vector.broadcast %squeeze3A_102 : f32 to vector<16xf32>
          %mul3A_435 = arith.mulf %mul3A_434, %get3A_433 : vector<16xf32>
          %add3A_436 = arith.constant 49 : i32
          %add3A_437 = arith.addi %add3A_436, %scan3A_96 : i32
          %get3A_438 = arith.index_cast %add3A_437 : i32 to index
          %get3A_439 = arith.constant 128 : index
          %get3A_440 = tpu.vector_load %arg13[%get3A_438, %get3A_439] {strides = array<i32>} : memref<196x256xf32, #tpu.memory_space<vmem>>, vector<1x16xf32>,
          %get3A_441 = vector.shape_cast %get3A_440 : vector<1x16xf32> to vector<16xf32>
          %mul3A_442 = vector.broadcast %squeeze3A_110 : f32 to vector<16xf32>
          %mul3A_443 = arith.mulf %mul3A_442, %get3A_441 : vector<16xf32>
          %add3A_444 = arith.addf %mul3A_435, %mul3A_443 : vector<16xf32>
          %add3A_445 = arith.constant 98 : i32
          %add3A_446 = arith.addi %add3A_445, %scan3A_96 : i32
          %get3A_447 = arith.index_cast %add3A_446 : i32 to index
          %get3A_448 = arith.constant 128 : index
          %get3A_449 = tpu.vector_load %arg13[%get3A_447, %get3A_448] {strides = array<i32>} : memref<196x256xf32, #tpu.memory_space<vmem>>, vector<1x16xf32>,
          %get3A_450 = vector.shape_cast %get3A_449 : vector<1x16xf32> to vector<16xf32>
          %mul3A_451 = vector.broadcast %squeeze3A_118 : f32 to vector<16xf32>
          %mul3A_452 = arith.mulf %mul3A_451, %get3A_450 : vector<16xf32>
          %add3A_453 = arith.addf %add3A_444, %mul3A_452 : vector<16xf32>
          %add3A_454 = arith.constant 147 : i32
          %add3A_455 = arith.addi %add3A_454, %scan3A_96 : i32
          %get3A_456 = arith.index_cast %add3A_455 : i32 to index
          %get3A_457 = arith.constant 128 : index
          %get3A_458 = tpu.vector_load %arg13[%get3A_456, %get3A_457] {strides = array<i32>} : memref<196x256xf32, #tpu.memory_space<vmem>>, vector<1x16xf32>,
          %get3A_459 = vector.shape_cast %get3A_458 : vector<1x16xf32> to vector<16xf32>
          %mul3A_460 = vector.broadcast %squeeze3A_126 : f32 to vector<16xf32>
          %mul3A_461 = arith.mulf %mul3A_460, %get3A_459 : vector<16xf32>
          %add3A_462 = arith.addf %add3A_453, %mul3A_461 : vector<16xf32>
          %swap3A_463 = arith.index_cast %scan3A_96 : i32 to index
          %swap3A_464 = arith.constant 128 : index
          %swap3A_465 = tpu.vector_load %arg15[%swap3A_463, %swap3A_464] {strides = array<i32>} : memref<49x256xf32, #tpu.memory_space<vmem>>, vector<1x16xf32>,
          %swap3A_466 = vector.shape_cast %swap3A_465 : vector<1x16xf32> to vector<16xf32>
          %swap3A_467 = vector.shape_cast %add3A_462 : vector<16xf32> to vector<1x16xf32>
          tpu.vector_store %arg15[%swap3A_463, %swap3A_464], %swap3A_467 {strides = array<i32>} : memref<49x256xf32, #tpu.memory_space<vmem>>, vector<1x16xf32>,
          %get3A_468 = arith.index_cast %scan3A_96 : i32 to index
          %get3A_469 = arith.constant 144 : index
          %get3A_470 = tpu.vector_load %arg13[%get3A_468, %get3A_469] {strides = array<i32>} : memref<196x256xf32, #tpu.memory_space<vmem>>, vector<1x16xf32>,
          %get3A_471 = vector.shape_cast %get3A_470 : vector<1x16xf32> to vector<16xf32>
          %mul3A_472 = vector.broadcast %squeeze3A_102 : f32 to vector<16xf32>
          %mul3A_473 = arith.mulf %mul3A_472, %get3A_471 : vector<16xf32>
          %add3A_474 = arith.constant 49 : i32
          %add3A_475 = arith.addi %add3A_474, %scan3A_96 : i32
          %get3A_476 = arith.index_cast %add3A_475 : i32 to index
          %get3A_477 = arith.constant 144 : index
          %get3A_478 = tpu.vector_load %arg13[%get3A_476, %get3A_477] {strides = array<i32>} : memref<196x256xf32, #tpu.memory_space<vmem>>, vector<1x16xf32>,
          %get3A_479 = vector.shape_cast %get3A_478 : vector<1x16xf32> to vector<16xf32>
          %mul3A_480 = vector.broadcast %squeeze3A_110 : f32 to vector<16xf32>
          %mul3A_481 = arith.mulf %mul3A_480, %get3A_479 : vector<16xf32>
          %add3A_482 = arith.addf %mul3A_473, %mul3A_481 : vector<16xf32>
          %add3A_483 = arith.constant 98 : i32
          %add3A_484 = arith.addi %add3A_483, %scan3A_96 : i32
          %get3A_485 = arith.index_cast %add3A_484 : i32 to index
          %get3A_486 = arith.constant 144 : index
          %get3A_487 = tpu.vector_load %arg13[%get3A_485, %get3A_486] {strides = array<i32>} : memref<196x256xf32, #tpu.memory_space<vmem>>, vector<1x16xf32>,
          %get3A_488 = vector.shape_cast %get3A_487 : vector<1x16xf32> to vector<16xf32>
          %mul3A_489 = vector.broadcast %squeeze3A_118 : f32 to vector<16xf32>
          %mul3A_490 = arith.mulf %mul3A_489, %get3A_488 : vector<16xf32>
          %add3A_491 = arith.addf %add3A_482, %mul3A_490 : vector<16xf32>
          %add3A_492 = arith.constant 147 : i32
          %add3A_493 = arith.addi %add3A_492, %scan3A_96 : i32
          %get3A_494 = arith.index_cast %add3A_493 : i32 to index
          %get3A_495 = arith.constant 144 : index
          %get3A_496 = tpu.vector_load %arg13[%get3A_494, %get3A_495] {strides = array<i32>} : memref<196x256xf32, #tpu.memory_space<vmem>>, vector<1x16xf32>,
          %get3A_497 = vector.shape_cast %get3A_496 : vector<1x16xf32> to vector<16xf32>
          %mul3A_498 = vector.broadcast %squeeze3A_126 : f32 to vector<16xf32>
          %mul3A_499 = arith.mulf %mul3A_498, %get3A_497 : vector<16xf32>
          %add3A_500 = arith.addf %add3A_491, %mul3A_499 : vector<16xf32>
          %swap3A_501 = arith.index_cast %scan3A_96 : i32 to index
          %swap3A_502 = arith.constant 144 : index
          %swap3A_503 = tpu.vector_load %arg15[%swap3A_501, %swap3A_502] {strides = array<i32>} : memref<49x256xf32, #tpu.memory_space<vmem>>, vector<1x16xf32>,
          %swap3A_504 = vector.shape_cast %swap3A_503 : vector<1x16xf32> to vector<16xf32>
          %swap3A_505 = vector.shape_cast %add3A_500 : vector<16xf32> to vector<1x16xf32>
          tpu.vector_store %arg15[%swap3A_501, %swap3A_502], %swap3A_505 {strides = array<i32>} : memref<49x256xf32, #tpu.memory_space<vmem>>, vector<1x16xf32>,
          %get3A_506 = arith.index_cast %scan3A_96 : i32 to index
          %get3A_507 = arith.constant 160 : index
          %get3A_508 = tpu.vector_load %arg13[%get3A_506, %get3A_507] {strides = array<i32>} : memref<196x256xf32, #tpu.memory_space<vmem>>, vector<1x16xf32>,
          %get3A_509 = vector.shape_cast %get3A_508 : vector<1x16xf32> to vector<16xf32>
          %mul3A_510 = vector.broadcast %squeeze3A_102 : f32 to vector<16xf32>
          %mul3A_511 = arith.mulf %mul3A_510, %get3A_509 : vector<16xf32>
          %add3A_512 = arith.constant 49 : i32
          %add3A_513 = arith.addi %add3A_512, %scan3A_96 : i32
          %get3A_514 = arith.index_cast %add3A_513 : i32 to index
          %get3A_515 = arith.constant 160 : index
          %get3A_516 = tpu.vector_load %arg13[%get3A_514, %get3A_515] {strides = array<i32>} : memref<196x256xf32, #tpu.memory_space<vmem>>, vector<1x16xf32>,
          %get3A_517 = vector.shape_cast %get3A_516 : vector<1x16xf32> to vector<16xf32>
          %mul3A_518 = vector.broadcast %squeeze3A_110 : f32 to vector<16xf32>
          %mul3A_519 = arith.mulf %mul3A_518, %get3A_517 : vector<16xf32>
          %add3A_520 = arith.addf %mul3A_511, %mul3A_519 : vector<16xf32>
          %add3A_521 = arith.constant 98 : i32
          %add3A_522 = arith.addi %add3A_521, %scan3A_96 : i32
          %get3A_523 = arith.index_cast %add3A_522 : i32 to index
          %get3A_524 = arith.constant 160 : index
          %get3A_525 = tpu.vector_load %arg13[%get3A_523, %get3A_524] {strides = array<i32>} : memref<196x256xf32, #tpu.memory_space<vmem>>, vector<1x16xf32>,
          %get3A_526 = vector.shape_cast %get3A_525 : vector<1x16xf32> to vector<16xf32>
          %mul3A_527 = vector.broadcast %squeeze3A_118 : f32 to vector<16xf32>
          %mul3A_528 = arith.mulf %mul3A_527, %get3A_526 : vector<16xf32>
          %add3A_529 = arith.addf %add3A_520, %mul3A_528 : vector<16xf32>
          %add3A_530 = arith.constant 147 : i32
          %add3A_531 = arith.addi %add3A_530, %scan3A_96 : i32
          %get3A_532 = arith.index_cast %add3A_531 : i32 to index
          %get3A_533 = arith.constant 160 : index
          %get3A_534 = tpu.vector_load %arg13[%get3A_532, %get3A_533] {strides = array<i32>} : memref<196x256xf32, #tpu.memory_space<vmem>>, vector<1x16xf32>,
          %get3A_535 = vector.shape_cast %get3A_534 : vector<1x16xf32> to vector<16xf32>
          %mul3A_536 = vector.broadcast %squeeze3A_126 : f32 to vector<16xf32>
          %mul3A_537 = arith.mulf %mul3A_536, %get3A_535 : vector<16xf32>
          %add3A_538 = arith.addf %add3A_529, %mul3A_537 : vector<16xf32>
          %swap3A_539 = arith.index_cast %scan3A_96 : i32 to index
          %swap3A_540 = arith.constant 160 : index
          %swap3A_541 = tpu.vector_load %arg15[%swap3A_539, %swap3A_540] {strides = array<i32>} : memref<49x256xf32, #tpu.memory_space<vmem>>, vector<1x16xf32>,
          %swap3A_542 = vector.shape_cast %swap3A_541 : vector<1x16xf32> to vector<16xf32>
          %swap3A_543 = vector.shape_cast %add3A_538 : vector<16xf32> to vector<1x16xf32>
          tpu.vector_store %arg15[%swap3A_539, %swap3A_540], %swap3A_543 {strides = array<i32>} : memref<49x256xf32, #tpu.memory_space<vmem>>, vector<1x16xf32>,
          %get3A_544 = arith.index_cast %scan3A_96 : i32 to index
          %get3A_545 = arith.constant 176 : index
          %get3A_546 = tpu.vector_load %arg13[%get3A_544, %get3A_545] {strides = array<i32>} : memref<196x256xf32, #tpu.memory_space<vmem>>, vector<1x16xf32>,
          %get3A_547 = vector.shape_cast %get3A_546 : vector<1x16xf32> to vector<16xf32>
          %mul3A_548 = vector.broadcast %squeeze3A_102 : f32 to vector<16xf32>
          %mul3A_549 = arith.mulf %mul3A_548, %get3A_547 : vector<16xf32>
          %add3A_550 = arith.constant 49 : i32
          %add3A_551 = arith.addi %add3A_550, %scan3A_96 : i32
          %get3A_552 = arith.index_cast %add3A_551 : i32 to index
          %get3A_553 = arith.constant 176 : index
          %get3A_554 = tpu.vector_load %arg13[%get3A_552, %get3A_553] {strides = array<i32>} : memref<196x256xf32, #tpu.memory_space<vmem>>, vector<1x16xf32>,
          %get3A_555 = vector.shape_cast %get3A_554 : vector<1x16xf32> to vector<16xf32>
          %mul3A_556 = vector.broadcast %squeeze3A_110 : f32 to vector<16xf32>
          %mul3A_557 = arith.mulf %mul3A_556, %get3A_555 : vector<16xf32>
          %add3A_558 = arith.addf %mul3A_549, %mul3A_557 : vector<16xf32>
          %add3A_559 = arith.constant 98 : i32
          %add3A_560 = arith.addi %add3A_559, %scan3A_96 : i32
          %get3A_561 = arith.index_cast %add3A_560 : i32 to index
          %get3A_562 = arith.constant 176 : index
          %get3A_563 = tpu.vector_load %arg13[%get3A_561, %get3A_562] {strides = array<i32>} : memref<196x256xf32, #tpu.memory_space<vmem>>, vector<1x16xf32>,
          %get3A_564 = vector.shape_cast %get3A_563 : vector<1x16xf32> to vector<16xf32>
          %mul3A_565 = vector.broadcast %squeeze3A_118 : f32 to vector<16xf32>
          %mul3A_566 = arith.mulf %mul3A_565, %get3A_564 : vector<16xf32>
          %add3A_567 = arith.addf %add3A_558, %mul3A_566 : vector<16xf32>
          %add3A_568 = arith.constant 147 : i32
          %add3A_569 = arith.addi %add3A_568, %scan3A_96 : i32
          %get3A_570 = arith.index_cast %add3A_569 : i32 to index
          %get3A_571 = arith.constant 176 : index
          %get3A_572 = tpu.vector_load %arg13[%get3A_570, %get3A_571] {strides = array<i32>} : memref<196x256xf32, #tpu.memory_space<vmem>>, vector<1x16xf32>,
          %get3A_573 = vector.shape_cast %get3A_572 : vector<1x16xf32> to vector<16xf32>
          %mul3A_574 = vector.broadcast %squeeze3A_126 : f32 to vector<16xf32>
          %mul3A_575 = arith.mulf %mul3A_574, %get3A_573 : vector<16xf32>
          %add3A_576 = arith.addf %add3A_567, %mul3A_575 : vector<16xf32>
          %swap3A_577 = arith.index_cast %scan3A_96 : i32 to index
          %swap3A_578 = arith.constant 176 : index
          %swap3A_579 = tpu.vector_load %arg15[%swap3A_577, %swap3A_578] {strides = array<i32>} : memref<49x256xf32, #tpu.memory_space<vmem>>, vector<1x16xf32>,
          %swap3A_580 = vector.shape_cast %swap3A_579 : vector<1x16xf32> to vector<16xf32>
          %swap3A_581 = vector.shape_cast %add3A_576 : vector<16xf32> to vector<1x16xf32>
          tpu.vector_store %arg15[%swap3A_577, %swap3A_578], %swap3A_581 {strides = array<i32>} : memref<49x256xf32, #tpu.memory_space<vmem>>, vector<1x16xf32>,
          %get3A_582 = arith.index_cast %scan3A_96 : i32 to index
          %get3A_583 = arith.constant 192 : index
          %get3A_584 = tpu.vector_load %arg13[%get3A_582, %get3A_583] {strides = array<i32>} : memref<196x256xf32, #tpu.memory_space<vmem>>, vector<1x16xf32>,
          %get3A_585 = vector.shape_cast %get3A_584 : vector<1x16xf32> to vector<16xf32>
          %mul3A_586 = vector.broadcast %squeeze3A_102 : f32 to vector<16xf32>
          %mul3A_587 = arith.mulf %mul3A_586, %get3A_585 : vector<16xf32>
          %add3A_588 = arith.constant 49 : i32
          %add3A_589 = arith.addi %add3A_588, %scan3A_96 : i32
          %get3A_590 = arith.index_cast %add3A_589 : i32 to index
          %get3A_591 = arith.constant 192 : index
          %get3A_592 = tpu.vector_load %arg13[%get3A_590, %get3A_591] {strides = array<i32>} : memref<196x256xf32, #tpu.memory_space<vmem>>, vector<1x16xf32>,
          %get3A_593 = vector.shape_cast %get3A_592 : vector<1x16xf32> to vector<16xf32>
          %mul3A_594 = vector.broadcast %squeeze3A_110 : f32 to vector<16xf32>
          %mul3A_595 = arith.mulf %mul3A_594, %get3A_593 : vector<16xf32>
          %add3A_596 = arith.addf %mul3A_587, %mul3A_595 : vector<16xf32>
          %add3A_597 = arith.constant 98 : i32
          %add3A_598 = arith.addi %add3A_597, %scan3A_96 : i32
          %get3A_599 = arith.index_cast %add3A_598 : i32 to index
          %get3A_600 = arith.constant 192 : index
          %get3A_601 = tpu.vector_load %arg13[%get3A_599, %get3A_600] {strides = array<i32>} : memref<196x256xf32, #tpu.memory_space<vmem>>, vector<1x16xf32>,
          %get3A_602 = vector.shape_cast %get3A_601 : vector<1x16xf32> to vector<16xf32>
          %mul3A_603 = vector.broadcast %squeeze3A_118 : f32 to vector<16xf32>
          %mul3A_604 = arith.mulf %mul3A_603, %get3A_602 : vector<16xf32>
          %add3A_605 = arith.addf %add3A_596, %mul3A_604 : vector<16xf32>
          %add3A_606 = arith.constant 147 : i32
          %add3A_607 = arith.addi %add3A_606, %scan3A_96 : i32
          %get3A_608 = arith.index_cast %add3A_607 : i32 to index
          %get3A_609 = arith.constant 192 : index
          %get3A_610 = tpu.vector_load %arg13[%get3A_608, %get3A_609] {strides = array<i32>} : memref<196x256xf32, #tpu.memory_space<vmem>>, vector<1x16xf32>,
          %get3A_611 = vector.shape_cast %get3A_610 : vector<1x16xf32> to vector<16xf32>
          %mul3A_612 = vector.broadcast %squeeze3A_126 : f32 to vector<16xf32>
          %mul3A_613 = arith.mulf %mul3A_612, %get3A_611 : vector<16xf32>
          %add3A_614 = arith.addf %add3A_605, %mul3A_613 : vector<16xf32>
          %swap3A_615 = arith.index_cast %scan3A_96 : i32 to index
          %swap3A_616 = arith.constant 192 : index
          %swap3A_617 = tpu.vector_load %arg15[%swap3A_615, %swap3A_616] {strides = array<i32>} : memref<49x256xf32, #tpu.memory_space<vmem>>, vector<1x16xf32>,
          %swap3A_618 = vector.shape_cast %swap3A_617 : vector<1x16xf32> to vector<16xf32>
          %swap3A_619 = vector.shape_cast %add3A_614 : vector<16xf32> to vector<1x16xf32>
          tpu.vector_store %arg15[%swap3A_615, %swap3A_616], %swap3A_619 {strides = array<i32>} : memref<49x256xf32, #tpu.memory_space<vmem>>, vector<1x16xf32>,
          %get3A_620 = arith.index_cast %scan3A_96 : i32 to index
          %get3A_621 = arith.constant 208 : index
          %get3A_622 = tpu.vector_load %arg13[%get3A_620, %get3A_621] {strides = array<i32>} : memref<196x256xf32, #tpu.memory_space<vmem>>, vector<1x16xf32>,
          %get3A_623 = vector.shape_cast %get3A_622 : vector<1x16xf32> to vector<16xf32>
          %mul3A_624 = vector.broadcast %squeeze3A_102 : f32 to vector<16xf32>
          %mul3A_625 = arith.mulf %mul3A_624, %get3A_623 : vector<16xf32>
          %add3A_626 = arith.constant 49 : i32
          %add3A_627 = arith.addi %add3A_626, %scan3A_96 : i32
          %get3A_628 = arith.index_cast %add3A_627 : i32 to index
          %get3A_629 = arith.constant 208 : index
          %get3A_630 = tpu.vector_load %arg13[%get3A_628, %get3A_629] {strides = array<i32>} : memref<196x256xf32, #tpu.memory_space<vmem>>, vector<1x16xf32>,
          %get3A_631 = vector.shape_cast %get3A_630 : vector<1x16xf32> to vector<16xf32>
          %mul3A_632 = vector.broadcast %squeeze3A_110 : f32 to vector<16xf32>
          %mul3A_633 = arith.mulf %mul3A_632, %get3A_631 : vector<16xf32>
          %add3A_634 = arith.addf %mul3A_625, %mul3A_633 : vector<16xf32>
          %add3A_635 = arith.constant 98 : i32
          %add3A_636 = arith.addi %add3A_635, %scan3A_96 : i32
          %get3A_637 = arith.index_cast %add3A_636 : i32 to index
          %get3A_638 = arith.constant 208 : index
          %get3A_639 = tpu.vector_load %arg13[%get3A_637, %get3A_638] {strides = array<i32>} : memref<196x256xf32, #tpu.memory_space<vmem>>, vector<1x16xf32>,
          %get3A_640 = vector.shape_cast %get3A_639 : vector<1x16xf32> to vector<16xf32>
          %mul3A_641 = vector.broadcast %squeeze3A_118 : f32 to vector<16xf32>
          %mul3A_642 = arith.mulf %mul3A_641, %get3A_640 : vector<16xf32>
          %add3A_643 = arith.addf %add3A_634, %mul3A_642 : vector<16xf32>
          %add3A_644 = arith.constant 147 : i32
          %add3A_645 = arith.addi %add3A_644, %scan3A_96 : i32
          %get3A_646 = arith.index_cast %add3A_645 : i32 to index
          %get3A_647 = arith.constant 208 : index
          %get3A_648 = tpu.vector_load %arg13[%get3A_646, %get3A_647] {strides = array<i32>} : memref<196x256xf32, #tpu.memory_space<vmem>>, vector<1x16xf32>,
          %get3A_649 = vector.shape_cast %get3A_648 : vector<1x16xf32> to vector<16xf32>
          %mul3A_650 = vector.broadcast %squeeze3A_126 : f32 to vector<16xf32>
          %mul3A_651 = arith.mulf %mul3A_650, %get3A_649 : vector<16xf32>
          %add3A_652 = arith.addf %add3A_643, %mul3A_651 : vector<16xf32>
          %swap3A_653 = arith.index_cast %scan3A_96 : i32 to index
          %swap3A_654 = arith.constant 208 : index
          %swap3A_655 = tpu.vector_load %arg15[%swap3A_653, %swap3A_654] {strides = array<i32>} : memref<49x256xf32, #tpu.memory_space<vmem>>, vector<1x16xf32>,
          %swap3A_656 = vector.shape_cast %swap3A_655 : vector<1x16xf32> to vector<16xf32>
          %swap3A_657 = vector.shape_cast %add3A_652 : vector<16xf32> to vector<1x16xf32>
          tpu.vector_store %arg15[%swap3A_653, %swap3A_654], %swap3A_657 {strides = array<i32>} : memref<49x256xf32, #tpu.memory_space<vmem>>, vector<1x16xf32>,
          %get3A_658 = arith.index_cast %scan3A_96 : i32 to index
          %get3A_659 = arith.constant 224 : index
          %get3A_660 = tpu.vector_load %arg13[%get3A_658, %get3A_659] {strides = array<i32>} : memref<196x256xf32, #tpu.memory_space<vmem>>, vector<1x16xf32>,
          %get3A_661 = vector.shape_cast %get3A_660 : vector<1x16xf32> to vector<16xf32>
          %mul3A_662 = vector.broadcast %squeeze3A_102 : f32 to vector<16xf32>
          %mul3A_663 = arith.mulf %mul3A_662, %get3A_661 : vector<16xf32>
          %add3A_664 = arith.constant 49 : i32
          %add3A_665 = arith.addi %add3A_664, %scan3A_96 : i32
          %get3A_666 = arith.index_cast %add3A_665 : i32 to index
          %get3A_667 = arith.constant 224 : index
          %get3A_668 = tpu.vector_load %arg13[%get3A_666, %get3A_667] {strides = array<i32>} : memref<196x256xf32, #tpu.memory_space<vmem>>, vector<1x16xf32>,
          %get3A_669 = vector.shape_cast %get3A_668 : vector<1x16xf32> to vector<16xf32>
          %mul3A_670 = vector.broadcast %squeeze3A_110 : f32 to vector<16xf32>
          %mul3A_671 = arith.mulf %mul3A_670, %get3A_669 : vector<16xf32>
          %add3A_672 = arith.addf %mul3A_663, %mul3A_671 : vector<16xf32>
          %add3A_673 = arith.constant 98 : i32
          %add3A_674 = arith.addi %add3A_673, %scan3A_96 : i32
          %get3A_675 = arith.index_cast %add3A_674 : i32 to index
          %get3A_676 = arith.constant 224 : index
          %get3A_677 = tpu.vector_load %arg13[%get3A_675, %get3A_676] {strides = array<i32>} : memref<196x256xf32, #tpu.memory_space<vmem>>, vector<1x16xf32>,
          %get3A_678 = vector.shape_cast %get3A_677 : vector<1x16xf32> to vector<16xf32>
          %mul3A_679 = vector.broadcast %squeeze3A_118 : f32 to vector<16xf32>
          %mul3A_680 = arith.mulf %mul3A_679, %get3A_678 : vector<16xf32>
          %add3A_681 = arith.addf %add3A_672, %mul3A_680 : vector<16xf32>
          %add3A_682 = arith.constant 147 : i32
          %add3A_683 = arith.addi %add3A_682, %scan3A_96 : i32
          %get3A_684 = arith.index_cast %add3A_683 : i32 to index
          %get3A_685 = arith.constant 224 : index
          %get3A_686 = tpu.vector_load %arg13[%get3A_684, %get3A_685] {strides = array<i32>} : memref<196x256xf32, #tpu.memory_space<vmem>>, vector<1x16xf32>,
          %get3A_687 = vector.shape_cast %get3A_686 : vector<1x16xf32> to vector<16xf32>
          %mul3A_688 = vector.broadcast %squeeze3A_126 : f32 to vector<16xf32>
          %mul3A_689 = arith.mulf %mul3A_688, %get3A_687 : vector<16xf32>
          %add3A_690 = arith.addf %add3A_681, %mul3A_689 : vector<16xf32>
          %swap3A_691 = arith.index_cast %scan3A_96 : i32 to index
          %swap3A_692 = arith.constant 224 : index
          %swap3A_693 = tpu.vector_load %arg15[%swap3A_691, %swap3A_692] {strides = array<i32>} : memref<49x256xf32, #tpu.memory_space<vmem>>, vector<1x16xf32>,
          %swap3A_694 = vector.shape_cast %swap3A_693 : vector<1x16xf32> to vector<16xf32>
          %swap3A_695 = vector.shape_cast %add3A_690 : vector<16xf32> to vector<1x16xf32>
          tpu.vector_store %arg15[%swap3A_691, %swap3A_692], %swap3A_695 {strides = array<i32>} : memref<49x256xf32, #tpu.memory_space<vmem>>, vector<1x16xf32>,
          %get3A_696 = arith.index_cast %scan3A_96 : i32 to index
          %get3A_697 = arith.constant 240 : index
          %get3A_698 = tpu.vector_load %arg13[%get3A_696, %get3A_697] {strides = array<i32>} : memref<196x256xf32, #tpu.memory_space<vmem>>, vector<1x16xf32>,
          %get3A_699 = vector.shape_cast %get3A_698 : vector<1x16xf32> to vector<16xf32>
          %mul3A_700 = vector.broadcast %squeeze3A_102 : f32 to vector<16xf32>
          %mul3A_701 = arith.mulf %mul3A_700, %get3A_699 : vector<16xf32>
          %add3A_702 = arith.constant 49 : i32
          %add3A_703 = arith.addi %add3A_702, %scan3A_96 : i32
          %get3A_704 = arith.index_cast %add3A_703 : i32 to index
          %get3A_705 = arith.constant 240 : index
          %get3A_706 = tpu.vector_load %arg13[%get3A_704, %get3A_705] {strides = array<i32>} : memref<196x256xf32, #tpu.memory_space<vmem>>, vector<1x16xf32>,
          %get3A_707 = vector.shape_cast %get3A_706 : vector<1x16xf32> to vector<16xf32>
          %mul3A_708 = vector.broadcast %squeeze3A_110 : f32 to vector<16xf32>
          %mul3A_709 = arith.mulf %mul3A_708, %get3A_707 : vector<16xf32>
          %add3A_710 = arith.addf %mul3A_701, %mul3A_709 : vector<16xf32>
          %add3A_711 = arith.constant 98 : i32
          %add3A_712 = arith.addi %add3A_711, %scan3A_96 : i32
          %get3A_713 = arith.index_cast %add3A_712 : i32 to index
          %get3A_714 = arith.constant 240 : index
          %get3A_715 = tpu.vector_load %arg13[%get3A_713, %get3A_714] {strides = array<i32>} : memref<196x256xf32, #tpu.memory_space<vmem>>, vector<1x16xf32>,
          %get3A_716 = vector.shape_cast %get3A_715 : vector<1x16xf32> to vector<16xf32>
          %mul3A_717 = vector.broadcast %squeeze3A_118 : f32 to vector<16xf32>
          %mul3A_718 = arith.mulf %mul3A_717, %get3A_716 : vector<16xf32>
          %add3A_719 = arith.addf %add3A_710, %mul3A_718 : vector<16xf32>
          %add3A_720 = arith.constant 147 : i32
          %add3A_721 = arith.addi %add3A_720, %scan3A_96 : i32
          %get3A_722 = arith.index_cast %add3A_721 : i32 to index
          %get3A_723 = arith.constant 240 : index
          %get3A_724 = tpu.vector_load %arg13[%get3A_722, %get3A_723] {strides = array<i32>} : memref<196x256xf32, #tpu.memory_space<vmem>>, vector<1x16xf32>,
          %get3A_725 = vector.shape_cast %get3A_724 : vector<1x16xf32> to vector<16xf32>
          %mul3A_726 = vector.broadcast %squeeze3A_126 : f32 to vector<16xf32>
          %mul3A_727 = arith.mulf %mul3A_726, %get3A_725 : vector<16xf32>
          %add3A_728 = arith.addf %add3A_719, %mul3A_727 : vector<16xf32>
          %swap3A_729 = arith.index_cast %scan3A_96 : i32 to index
          %swap3A_730 = arith.constant 240 : index
          %swap3A_731 = tpu.vector_load %arg15[%swap3A_729, %swap3A_730] {strides = array<i32>} : memref<49x256xf32, #tpu.memory_space<vmem>>, vector<1x16xf32>,
          %swap3A_732 = vector.shape_cast %swap3A_731 : vector<1x16xf32> to vector<16xf32>
          %swap3A_733 = vector.shape_cast %add3A_728 : vector<16xf32> to vector<1x16xf32>
          tpu.vector_store %arg15[%swap3A_729, %swap3A_730], %swap3A_733 {strides = array<i32>} : memref<49x256xf32, #tpu.memory_space<vmem>>, vector<1x16xf32>,
        }
        %scan3A_89 = arith.constant 49 : i32
        %add3A_90 = arith.addi %mul3A_2, %mul3A_47 : i32
        %mul3A_91 = arith.constant 49 : i32
        %mul3A_92 = arith.muli %add3A_90, %mul3A_91 : i32
        %dma_start3A = arith.constant 0 : i32
        %dma_start3A_93 = tpu.memref_slice %arg9[%mul3A_92, %dma_start3A] : memref<49000x256xf32, #tpu.memory_space<hbm>> -> memref<49x256xf32, #tpu.memory_space<hbm>>
        %dma_start3A_94 = arith.constant 0 : i32
        %dma_start3A_95 = tpu.memref_slice %arg9[%mul3A_92, %dma_start3A_94] : memref<49000x256xf32, #tpu.memory_space<hbm>> -> memref<49x256xf32, #tpu.memory_space<hbm>>
        tpu.enqueue_dma source(%arg15 : memref<49x256xf32, #tpu.memory_space<vmem>>) target(%dma_start3A_95 : memref<49x256xf32, #tpu.memory_space<hbm>>) target_semaphore(%arg20 : memref<!tpu.dma_semaphore, #tpu.memory_space<semaphore_mem>>)
      } else {
      }
      %mul3A_57 = arith.constant 2 : i32
      %mul3A_58 = arith.muli %mul3A_57, %while3A_45 : i32
      %add3A_59 = arith.constant 1 : i32
      %add3A_60 = arith.addi %mul3A_58, %add3A_59 : i32
      %add3A_61 = arith.constant 1 : i32
      %add3A_62 = arith.addi %add3A_60, %add3A_61 : i32
      %lt3A_63 = arith.cmpi slt, %add3A_62, %min3A_4 : i32
      %convert_element_type3A_64 = arith.extui %lt3A_63 : i1 to i32
      %cond3A_65 = arith.constant 0 : i32
      %cond3A_66 = arith.cmpi ne, %convert_element_type3A_64, %cond3A_65 : i32
      scf.if %cond3A_66 {
        %add3A_71 = arith.constant 1 : i32
        %add3A_72 = arith.addi %add3A_60, %add3A_71 : i32
        %get3A_73 = arith.index_cast %add3A_72 : i32 to index
        %get3A_74 = tpu.vector_load %arg12[%get3A_73] {strides = array<i32>} : memref<48xi32, #tpu.memory_space<vmem>>, vector<16xi32>,
        %get3A_75 = vector.shape_cast %get3A_74 : vector<16xi32> to vector<16xi32>
        %slice3A_76 = vector.extract_strided_slice %get3A_75 {offsets = [0], sizes = [1], strides = [1]} : vector<16xi32> to vector<1xi32>
        %squeeze3A_77 = vector.extract %slice3A_76[0] : i32 from vector<1xi32>
        %le3A_78 = arith.constant 3 : i32
        %le3A_79 = arith.cmpi sle, %squeeze3A_77, %le3A_78 : i32
        %convert_element_type3A_80 = arith.extui %le3A_79 : i1 to i32
        %cond3A_81 = arith.constant 0 : i32
        %cond3A_82 = arith.cmpi ne, %convert_element_type3A_80, %cond3A_81 : i32
        scf.if %cond3A_82 {
          %eq3A = arith.constant 2 : i32
          %eq3A_83 = arith.cmpi eq, %squeeze3A_77, %eq3A : i32
          %convert_element_type3A_84 = arith.extui %eq3A_83 : i1 to i32
          %cond3A_85 = arith.constant 0 : i32
          %cond3A_86 = arith.cmpi ne, %convert_element_type3A_84, %cond3A_85 : i32
          scf.if %cond3A_86 {
            %dma_start3A = arith.constant 0 : i32
            %dma_start3A_87 = arith.constant 0 : i32
            %dma_start3A_88 = arith.constant 0 : i32
            %dma_start3A_89 = tpu.memref_slice %arg13[%dma_start3A_87, %dma_start3A_88] : memref<196x256xf32, #tpu.memory_space<vmem>> -> memref<98x256xf32, #tpu.memory_space<vmem>>
            %dma_start3A_90 = arith.constant 0 : i32
            %dma_start3A_91 = tpu.memref_slice %arg10[%add3A_72, %dma_start3A, %dma_start3A_90] : memref<32x2x98xi32, #tpu.memory_space<vmem>> -> memref<1x1x98xi32, #tpu.memory_space<vmem>>
            %dma_start3A_92 = tpu.memref_squeeze %dma_start3A_91 : memref<1x1x98xi32, #tpu.memory_space<vmem>> -> memref<98xi32, #tpu.memory_space<vmem>>
            %dma_start3A_93 = arith.constant 0 : i32
            %dma_start3A_94 = arith.constant 0 : i32
            %dma_start3A_95 = tpu.memref_slice %arg2[%dma_start3A_93, %dma_start3A_94] : memref<65536x256xf32, #tpu.memory_space<hbm>> -> memref<65536x256xf32, #tpu.memory_space<hbm>>
            tpu.enqueue_indirect_dma source(%dma_start3A_95 : memref<65536x256xf32, #tpu.memory_space<hbm>>) target(%dma_start3A_89 : memref<98x256xf32, #tpu.memory_space<vmem>>) offsets(%dma_start3A_92 : memref<98xi32, #tpu.memory_space<vmem>>) semaphore(%arg16 : memref<!tpu.dma_semaphore, #tpu.memory_space<semaphore_mem>>)
            %dma_start3A_96 = arith.constant 1 : i32
            %dma_start3A_97 = arith.constant 98 : i32
            %dma_start3A_98 = arith.constant 0 : i32
            %dma_start3A_99 = tpu.memref_slice %arg13[%dma_start3A_97, %dma_start3A_98] : memref<196x256xf32, #tpu.memory_space<vmem>> -> memref<98x256xf32, #tpu.memory_space<vmem>>
            %dma_start3A_100 = arith.constant 0 : i32
            %dma_start3A_101 = tpu.memref_slice %arg10[%add3A_72, %dma_start3A_96, %dma_start3A_100] : memref<32x2x98xi32, #tpu.memory_space<vmem>> -> memref<1x1x98xi32, #tpu.memory_space<vmem>>
            %dma_start3A_102 = tpu.memref_squeeze %dma_start3A_101 : memref<1x1x98xi32, #tpu.memory_space<vmem>> -> memref<98xi32, #tpu.memory_space<vmem>>
            %dma_start3A_103 = arith.constant 0 : i32
            %dma_start3A_104 = arith.constant 0 : i32
            %dma_start3A_105 = tpu.memref_slice %arg2[%dma_start3A_103, %dma_start3A_104] : memref<65536x256xf32, #tpu.memory_space<hbm>> -> memref<65536x256xf32, #tpu.memory_space<hbm>>
            tpu.enqueue_indirect_dma source(%dma_start3A_105 : memref<65536x256xf32, #tpu.memory_space<hbm>>) target(%dma_start3A_99 : memref<98x256xf32, #tpu.memory_space<vmem>>) offsets(%dma_start3A_102 : memref<98xi32, #tpu.memory_space<vmem>>) semaphore(%arg17 : memref<!tpu.dma_semaphore, #tpu.memory_space<semaphore_mem>>)
          } else {
            %dma_start3A = arith.constant 0 : i32
            %dma_start3A_87 = arith.constant 0 : i32
            %dma_start3A_88 = arith.constant 0 : i32
            %dma_start3A_89 = tpu.memref_slice %arg13[%dma_start3A_87, %dma_start3A_88] : memref<196x256xf32, #tpu.memory_space<vmem>> -> memref<98x256xf32, #tpu.memory_space<vmem>>
            %dma_start3A_90 = arith.constant 0 : i32
            %dma_start3A_91 = tpu.memref_slice %arg10[%add3A_72, %dma_start3A, %dma_start3A_90] : memref<32x2x98xi32, #tpu.memory_space<vmem>> -> memref<1x1x98xi32, #tpu.memory_space<vmem>>
            %dma_start3A_92 = tpu.memref_squeeze %dma_start3A_91 : memref<1x1x98xi32, #tpu.memory_space<vmem>> -> memref<98xi32, #tpu.memory_space<vmem>>
            %dma_start3A_93 = arith.constant 0 : i32
            %dma_start3A_94 = arith.constant 0 : i32
            %dma_start3A_95 = tpu.memref_slice %arg3[%dma_start3A_93, %dma_start3A_94] : memref<16384x256xf32, #tpu.memory_space<hbm>> -> memref<16384x256xf32, #tpu.memory_space<hbm>>
            tpu.enqueue_indirect_dma source(%dma_start3A_95 : memref<16384x256xf32, #tpu.memory_space<hbm>>) target(%dma_start3A_89 : memref<98x256xf32, #tpu.memory_space<vmem>>) offsets(%dma_start3A_92 : memref<98xi32, #tpu.memory_space<vmem>>) semaphore(%arg16 : memref<!tpu.dma_semaphore, #tpu.memory_space<semaphore_mem>>)
            %dma_start3A_96 = arith.constant 1 : i32
            %dma_start3A_97 = arith.constant 98 : i32
            %dma_start3A_98 = arith.constant 0 : i32
            %dma_start3A_99 = tpu.memref_slice %arg13[%dma_start3A_97, %dma_start3A_98] : memref<196x256xf32, #tpu.memory_space<vmem>> -> memref<98x256xf32, #tpu.memory_space<vmem>>
            %dma_start3A_100 = arith.constant 0 : i32
            %dma_start3A_101 = tpu.memref_slice %arg10[%add3A_72, %dma_start3A_96, %dma_start3A_100] : memref<32x2x98xi32, #tpu.memory_space<vmem>> -> memref<1x1x98xi32, #tpu.memory_space<vmem>>
            %dma_start3A_102 = tpu.memref_squeeze %dma_start3A_101 : memref<1x1x98xi32, #tpu.memory_space<vmem>> -> memref<98xi32, #tpu.memory_space<vmem>>
            %dma_start3A_103 = arith.constant 0 : i32
            %dma_start3A_104 = arith.constant 0 : i32
            %dma_start3A_105 = tpu.memref_slice %arg3[%dma_start3A_103, %dma_start3A_104] : memref<16384x256xf32, #tpu.memory_space<hbm>> -> memref<16384x256xf32, #tpu.memory_space<hbm>>
            tpu.enqueue_indirect_dma source(%dma_start3A_105 : memref<16384x256xf32, #tpu.memory_space<hbm>>) target(%dma_start3A_99 : memref<98x256xf32, #tpu.memory_space<vmem>>) offsets(%dma_start3A_102 : memref<98xi32, #tpu.memory_space<vmem>>) semaphore(%arg17 : memref<!tpu.dma_semaphore, #tpu.memory_space<semaphore_mem>>)
          }
        } else {
          %eq3A = arith.constant 4 : i32
          %eq3A_83 = arith.cmpi eq, %squeeze3A_77, %eq3A : i32
          %convert_element_type3A_84 = arith.extui %eq3A_83 : i1 to i32
          %cond3A_85 = arith.constant 0 : i32
          %cond3A_86 = arith.cmpi ne, %convert_element_type3A_84, %cond3A_85 : i32
          scf.if %cond3A_86 {
            %dma_start3A = arith.constant 0 : i32
            %dma_start3A_87 = arith.constant 0 : i32
            %dma_start3A_88 = arith.constant 0 : i32
            %dma_start3A_89 = tpu.memref_slice %arg13[%dma_start3A_87, %dma_start3A_88] : memref<196x256xf32, #tpu.memory_space<vmem>> -> memref<98x256xf32, #tpu.memory_space<vmem>>
            %dma_start3A_90 = arith.constant 0 : i32
            %dma_start3A_91 = tpu.memref_slice %arg10[%add3A_72, %dma_start3A, %dma_start3A_90] : memref<32x2x98xi32, #tpu.memory_space<vmem>> -> memref<1x1x98xi32, #tpu.memory_space<vmem>>
            %dma_start3A_92 = tpu.memref_squeeze %dma_start3A_91 : memref<1x1x98xi32, #tpu.memory_space<vmem>> -> memref<98xi32, #tpu.memory_space<vmem>>
            %dma_start3A_93 = arith.constant 0 : i32
            %dma_start3A_94 = arith.constant 0 : i32
            %dma_start3A_95 = tpu.memref_slice %arg4[%dma_start3A_93, %dma_start3A_94] : memref<4096x256xf32, #tpu.memory_space<hbm>> -> memref<4096x256xf32, #tpu.memory_space<hbm>>
            tpu.enqueue_indirect_dma source(%dma_start3A_95 : memref<4096x256xf32, #tpu.memory_space<hbm>>) target(%dma_start3A_89 : memref<98x256xf32, #tpu.memory_space<vmem>>) offsets(%dma_start3A_92 : memref<98xi32, #tpu.memory_space<vmem>>) semaphore(%arg16 : memref<!tpu.dma_semaphore, #tpu.memory_space<semaphore_mem>>)
            %dma_start3A_96 = arith.constant 1 : i32
            %dma_start3A_97 = arith.constant 98 : i32
            %dma_start3A_98 = arith.constant 0 : i32
            %dma_start3A_99 = tpu.memref_slice %arg13[%dma_start3A_97, %dma_start3A_98] : memref<196x256xf32, #tpu.memory_space<vmem>> -> memref<98x256xf32, #tpu.memory_space<vmem>>
            %dma_start3A_100 = arith.constant 0 : i32
            %dma_start3A_101 = tpu.memref_slice %arg10[%add3A_72, %dma_start3A_96, %dma_start3A_100] : memref<32x2x98xi32, #tpu.memory_space<vmem>> -> memref<1x1x98xi32, #tpu.memory_space<vmem>>
            %dma_start3A_102 = tpu.memref_squeeze %dma_start3A_101 : memref<1x1x98xi32, #tpu.memory_space<vmem>> -> memref<98xi32, #tpu.memory_space<vmem>>
            %dma_start3A_103 = arith.constant 0 : i32
            %dma_start3A_104 = arith.constant 0 : i32
            %dma_start3A_105 = tpu.memref_slice %arg4[%dma_start3A_103, %dma_start3A_104] : memref<4096x256xf32, #tpu.memory_space<hbm>> -> memref<4096x256xf32, #tpu.memory_space<hbm>>
            tpu.enqueue_indirect_dma source(%dma_start3A_105 : memref<4096x256xf32, #tpu.memory_space<hbm>>) target(%dma_start3A_99 : memref<98x256xf32, #tpu.memory_space<vmem>>) offsets(%dma_start3A_102 : memref<98xi32, #tpu.memory_space<vmem>>) semaphore(%arg17 : memref<!tpu.dma_semaphore, #tpu.memory_space<semaphore_mem>>)
          } else {
            %dma_start3A = arith.constant 0 : i32
            %dma_start3A_87 = arith.constant 0 : i32
            %dma_start3A_88 = arith.constant 0 : i32
            %dma_start3A_89 = tpu.memref_slice %arg13[%dma_start3A_87, %dma_start3A_88] : memref<196x256xf32, #tpu.memory_space<vmem>> -> memref<98x256xf32, #tpu.memory_space<vmem>>
            %dma_start3A_90 = arith.constant 0 : i32
            %dma_start3A_91 = tpu.memref_slice %arg10[%add3A_72, %dma_start3A, %dma_start3A_90] : memref<32x2x98xi32, #tpu.memory_space<vmem>> -> memref<1x1x98xi32, #tpu.memory_space<vmem>>
            %dma_start3A_92 = tpu.memref_squeeze %dma_start3A_91 : memref<1x1x98xi32, #tpu.memory_space<vmem>> -> memref<98xi32, #tpu.memory_space<vmem>>
            %dma_start3A_93 = arith.constant 0 : i32
            %dma_start3A_94 = arith.constant 0 : i32
            %dma_start3A_95 = tpu.memref_slice %arg5[%dma_start3A_93, %dma_start3A_94] : memref<1024x256xf32, #tpu.memory_space<hbm>> -> memref<1024x256xf32, #tpu.memory_space<hbm>>
            tpu.enqueue_indirect_dma source(%dma_start3A_95 : memref<1024x256xf32, #tpu.memory_space<hbm>>) target(%dma_start3A_89 : memref<98x256xf32, #tpu.memory_space<vmem>>) offsets(%dma_start3A_92 : memref<98xi32, #tpu.memory_space<vmem>>) semaphore(%arg16 : memref<!tpu.dma_semaphore, #tpu.memory_space<semaphore_mem>>)
            %dma_start3A_96 = arith.constant 1 : i32
            %dma_start3A_97 = arith.constant 98 : i32
            %dma_start3A_98 = arith.constant 0 : i32
            %dma_start3A_99 = tpu.memref_slice %arg13[%dma_start3A_97, %dma_start3A_98] : memref<196x256xf32, #tpu.memory_space<vmem>> -> memref<98x256xf32, #tpu.memory_space<vmem>>
            %dma_start3A_100 = arith.constant 0 : i32
            %dma_start3A_101 = tpu.memref_slice %arg10[%add3A_72, %dma_start3A_96, %dma_start3A_100] : memref<32x2x98xi32, #tpu.memory_space<vmem>> -> memref<1x1x98xi32, #tpu.memory_space<vmem>>
            %dma_start3A_102 = tpu.memref_squeeze %dma_start3A_101 : memref<1x1x98xi32, #tpu.memory_space<vmem>> -> memref<98xi32, #tpu.memory_space<vmem>>
            %dma_start3A_103 = arith.constant 0 : i32
            %dma_start3A_104 = arith.constant 0 : i32
            %dma_start3A_105 = tpu.memref_slice %arg5[%dma_start3A_103, %dma_start3A_104] : memref<1024x256xf32, #tpu.memory_space<hbm>> -> memref<1024x256xf32, #tpu.memory_space<hbm>>
            tpu.enqueue_indirect_dma source(%dma_start3A_105 : memref<1024x256xf32, #tpu.memory_space<hbm>>) target(%dma_start3A_99 : memref<98x256xf32, #tpu.memory_space<vmem>>) offsets(%dma_start3A_102 : memref<98xi32, #tpu.memory_space<vmem>>) semaphore(%arg17 : memref<!tpu.dma_semaphore, #tpu.memory_space<semaphore_mem>>)
          }
        }
      } else {
      }
      %lt3A_67 = arith.cmpi slt, %add3A_60, %min3A_4 : i32
      %convert_element_type3A_68 = arith.extui %lt3A_67 : i1 to i32
      %cond3A_69 = arith.constant 0 : i32
      %cond3A_70 = arith.cmpi ne, %convert_element_type3A_68, %cond3A_69 : i32
      scf.if %cond3A_70 {
        %get3A_71 = arith.index_cast %add3A_60 : i32 to index
        %get3A_72 = tpu.vector_load %arg12[%get3A_71] {strides = array<i32>} : memref<48xi32, #tpu.memory_space<vmem>>, vector<16xi32>,
        %get3A_73 = vector.shape_cast %get3A_72 : vector<16xi32> to vector<16xi32>
        %slice3A_74 = vector.extract_strided_slice %get3A_73 {offsets = [0], sizes = [1], strides = [1]} : vector<16xi32> to vector<1xi32>
        %squeeze3A_75 = vector.extract %slice3A_74[0] : i32 from vector<1xi32>
        %le3A_76 = arith.constant 3 : i32
        %le3A_77 = arith.cmpi sle, %squeeze3A_75, %le3A_76 : i32
        %convert_element_type3A_78 = arith.extui %le3A_77 : i1 to i32
        %cond3A_79 = arith.constant 0 : i32
        %cond3A_80 = arith.cmpi ne, %convert_element_type3A_78, %cond3A_79 : i32
        scf.if %cond3A_80 {
          %eq3A = arith.constant 2 : i32
          %eq3A_96 = arith.cmpi eq, %squeeze3A_75, %eq3A : i32
          %convert_element_type3A_97 = arith.extui %eq3A_96 : i1 to i32
          %cond3A_98 = arith.constant 0 : i32
          %cond3A_99 = arith.cmpi ne, %convert_element_type3A_97, %cond3A_98 : i32
          scf.if %cond3A_99 {
            %dma_wait3A_100 = arith.constant 0 : i32
            %dma_wait3A_101 = arith.constant 0 : i32
            %dma_wait3A_102 = arith.constant 0 : i32
            %dma_wait3A_103 = tpu.memref_slice %arg14[%dma_wait3A_101, %dma_wait3A_102] : memref<196x256xf32, #tpu.memory_space<vmem>> -> memref<98x256xf32, #tpu.memory_space<vmem>>
            %dma_wait3A_104 = arith.constant 0 : i32
            %dma_wait3A_105 = tpu.memref_slice %arg10[%add3A_60, %dma_wait3A_100, %dma_wait3A_104] : memref<32x2x98xi32, #tpu.memory_space<vmem>> -> memref<1x1x98xi32, #tpu.memory_space<vmem>>
            %dma_wait3A_106 = tpu.memref_squeeze %dma_wait3A_105 : memref<1x1x98xi32, #tpu.memory_space<vmem>> -> memref<98xi32, #tpu.memory_space<vmem>>
            %dma_wait3A_107 = arith.constant 0 : i32
            %dma_wait3A_108 = arith.constant 0 : i32
            %dma_wait3A_109 = tpu.memref_slice %arg2[%dma_wait3A_107, %dma_wait3A_108] : memref<65536x256xf32, #tpu.memory_space<hbm>> -> memref<65536x256xf32, #tpu.memory_space<hbm>>
            tpu.wait_indirect_dma semaphore(%arg18 : memref<!tpu.dma_semaphore, #tpu.memory_space<semaphore_mem>>) src(%dma_wait3A_109 : memref<65536x256xf32, #tpu.memory_space<hbm>>) dst(%dma_wait3A_103 : memref<98x256xf32, #tpu.memory_space<vmem>>)
            %dma_wait3A_110 = arith.constant 1 : i32
            %dma_wait3A_111 = arith.constant 98 : i32
            %dma_wait3A_112 = arith.constant 0 : i32
            %dma_wait3A_113 = tpu.memref_slice %arg14[%dma_wait3A_111, %dma_wait3A_112] : memref<196x256xf32, #tpu.memory_space<vmem>> -> memref<98x256xf32, #tpu.memory_space<vmem>>
            %dma_wait3A_114 = arith.constant 0 : i32
            %dma_wait3A_115 = tpu.memref_slice %arg10[%add3A_60, %dma_wait3A_110, %dma_wait3A_114] : memref<32x2x98xi32, #tpu.memory_space<vmem>> -> memref<1x1x98xi32, #tpu.memory_space<vmem>>
            %dma_wait3A_116 = tpu.memref_squeeze %dma_wait3A_115 : memref<1x1x98xi32, #tpu.memory_space<vmem>> -> memref<98xi32, #tpu.memory_space<vmem>>
            %dma_wait3A_117 = arith.constant 0 : i32
            %dma_wait3A_118 = arith.constant 0 : i32
            %dma_wait3A_119 = tpu.memref_slice %arg2[%dma_wait3A_117, %dma_wait3A_118] : memref<65536x256xf32, #tpu.memory_space<hbm>> -> memref<65536x256xf32, #tpu.memory_space<hbm>>
            tpu.wait_indirect_dma semaphore(%arg19 : memref<!tpu.dma_semaphore, #tpu.memory_space<semaphore_mem>>) src(%dma_wait3A_119 : memref<65536x256xf32, #tpu.memory_space<hbm>>) dst(%dma_wait3A_113 : memref<98x256xf32, #tpu.memory_space<vmem>>)
          } else {
            %dma_wait3A_100 = arith.constant 0 : i32
            %dma_wait3A_101 = arith.constant 0 : i32
            %dma_wait3A_102 = arith.constant 0 : i32
            %dma_wait3A_103 = tpu.memref_slice %arg14[%dma_wait3A_101, %dma_wait3A_102] : memref<196x256xf32, #tpu.memory_space<vmem>> -> memref<98x256xf32, #tpu.memory_space<vmem>>
            %dma_wait3A_104 = arith.constant 0 : i32
            %dma_wait3A_105 = tpu.memref_slice %arg10[%add3A_60, %dma_wait3A_100, %dma_wait3A_104] : memref<32x2x98xi32, #tpu.memory_space<vmem>> -> memref<1x1x98xi32, #tpu.memory_space<vmem>>
            %dma_wait3A_106 = tpu.memref_squeeze %dma_wait3A_105 : memref<1x1x98xi32, #tpu.memory_space<vmem>> -> memref<98xi32, #tpu.memory_space<vmem>>
            %dma_wait3A_107 = arith.constant 0 : i32
            %dma_wait3A_108 = arith.constant 0 : i32
            %dma_wait3A_109 = tpu.memref_slice %arg3[%dma_wait3A_107, %dma_wait3A_108] : memref<16384x256xf32, #tpu.memory_space<hbm>> -> memref<16384x256xf32, #tpu.memory_space<hbm>>
            tpu.wait_indirect_dma semaphore(%arg18 : memref<!tpu.dma_semaphore, #tpu.memory_space<semaphore_mem>>) src(%dma_wait3A_109 : memref<16384x256xf32, #tpu.memory_space<hbm>>) dst(%dma_wait3A_103 : memref<98x256xf32, #tpu.memory_space<vmem>>)
            %dma_wait3A_110 = arith.constant 1 : i32
            %dma_wait3A_111 = arith.constant 98 : i32
            %dma_wait3A_112 = arith.constant 0 : i32
            %dma_wait3A_113 = tpu.memref_slice %arg14[%dma_wait3A_111, %dma_wait3A_112] : memref<196x256xf32, #tpu.memory_space<vmem>> -> memref<98x256xf32, #tpu.memory_space<vmem>>
            %dma_wait3A_114 = arith.constant 0 : i32
            %dma_wait3A_115 = tpu.memref_slice %arg10[%add3A_60, %dma_wait3A_110, %dma_wait3A_114] : memref<32x2x98xi32, #tpu.memory_space<vmem>> -> memref<1x1x98xi32, #tpu.memory_space<vmem>>
            %dma_wait3A_116 = tpu.memref_squeeze %dma_wait3A_115 : memref<1x1x98xi32, #tpu.memory_space<vmem>> -> memref<98xi32, #tpu.memory_space<vmem>>
            %dma_wait3A_117 = arith.constant 0 : i32
            %dma_wait3A_118 = arith.constant 0 : i32
            %dma_wait3A_119 = tpu.memref_slice %arg3[%dma_wait3A_117, %dma_wait3A_118] : memref<16384x256xf32, #tpu.memory_space<hbm>> -> memref<16384x256xf32, #tpu.memory_space<hbm>>
            tpu.wait_indirect_dma semaphore(%arg19 : memref<!tpu.dma_semaphore, #tpu.memory_space<semaphore_mem>>) src(%dma_wait3A_119 : memref<16384x256xf32, #tpu.memory_space<hbm>>) dst(%dma_wait3A_113 : memref<98x256xf32, #tpu.memory_space<vmem>>)
          }
        } else {
          %eq3A = arith.constant 4 : i32
          %eq3A_96 = arith.cmpi eq, %squeeze3A_75, %eq3A : i32
          %convert_element_type3A_97 = arith.extui %eq3A_96 : i1 to i32
          %cond3A_98 = arith.constant 0 : i32
          %cond3A_99 = arith.cmpi ne, %convert_element_type3A_97, %cond3A_98 : i32
          scf.if %cond3A_99 {
            %dma_wait3A_100 = arith.constant 0 : i32
            %dma_wait3A_101 = arith.constant 0 : i32
            %dma_wait3A_102 = arith.constant 0 : i32
            %dma_wait3A_103 = tpu.memref_slice %arg14[%dma_wait3A_101, %dma_wait3A_102] : memref<196x256xf32, #tpu.memory_space<vmem>> -> memref<98x256xf32, #tpu.memory_space<vmem>>
            %dma_wait3A_104 = arith.constant 0 : i32
            %dma_wait3A_105 = tpu.memref_slice %arg10[%add3A_60, %dma_wait3A_100, %dma_wait3A_104] : memref<32x2x98xi32, #tpu.memory_space<vmem>> -> memref<1x1x98xi32, #tpu.memory_space<vmem>>
            %dma_wait3A_106 = tpu.memref_squeeze %dma_wait3A_105 : memref<1x1x98xi32, #tpu.memory_space<vmem>> -> memref<98xi32, #tpu.memory_space<vmem>>
            %dma_wait3A_107 = arith.constant 0 : i32
            %dma_wait3A_108 = arith.constant 0 : i32
            %dma_wait3A_109 = tpu.memref_slice %arg4[%dma_wait3A_107, %dma_wait3A_108] : memref<4096x256xf32, #tpu.memory_space<hbm>> -> memref<4096x256xf32, #tpu.memory_space<hbm>>
            tpu.wait_indirect_dma semaphore(%arg18 : memref<!tpu.dma_semaphore, #tpu.memory_space<semaphore_mem>>) src(%dma_wait3A_109 : memref<4096x256xf32, #tpu.memory_space<hbm>>) dst(%dma_wait3A_103 : memref<98x256xf32, #tpu.memory_space<vmem>>)
            %dma_wait3A_110 = arith.constant 1 : i32
            %dma_wait3A_111 = arith.constant 98 : i32
            %dma_wait3A_112 = arith.constant 0 : i32
            %dma_wait3A_113 = tpu.memref_slice %arg14[%dma_wait3A_111, %dma_wait3A_112] : memref<196x256xf32, #tpu.memory_space<vmem>> -> memref<98x256xf32, #tpu.memory_space<vmem>>
            %dma_wait3A_114 = arith.constant 0 : i32
            %dma_wait3A_115 = tpu.memref_slice %arg10[%add3A_60, %dma_wait3A_110, %dma_wait3A_114] : memref<32x2x98xi32, #tpu.memory_space<vmem>> -> memref<1x1x98xi32, #tpu.memory_space<vmem>>
            %dma_wait3A_116 = tpu.memref_squeeze %dma_wait3A_115 : memref<1x1x98xi32, #tpu.memory_space<vmem>> -> memref<98xi32, #tpu.memory_space<vmem>>
            %dma_wait3A_117 = arith.constant 0 : i32
            %dma_wait3A_118 = arith.constant 0 : i32
            %dma_wait3A_119 = tpu.memref_slice %arg4[%dma_wait3A_117, %dma_wait3A_118] : memref<4096x256xf32, #tpu.memory_space<hbm>> -> memref<4096x256xf32, #tpu.memory_space<hbm>>
            tpu.wait_indirect_dma semaphore(%arg19 : memref<!tpu.dma_semaphore, #tpu.memory_space<semaphore_mem>>) src(%dma_wait3A_119 : memref<4096x256xf32, #tpu.memory_space<hbm>>) dst(%dma_wait3A_113 : memref<98x256xf32, #tpu.memory_space<vmem>>)
          } else {
            %dma_wait3A_100 = arith.constant 0 : i32
            %dma_wait3A_101 = arith.constant 0 : i32
            %dma_wait3A_102 = arith.constant 0 : i32
            %dma_wait3A_103 = tpu.memref_slice %arg14[%dma_wait3A_101, %dma_wait3A_102] : memref<196x256xf32, #tpu.memory_space<vmem>> -> memref<98x256xf32, #tpu.memory_space<vmem>>
            %dma_wait3A_104 = arith.constant 0 : i32
            %dma_wait3A_105 = tpu.memref_slice %arg10[%add3A_60, %dma_wait3A_100, %dma_wait3A_104] : memref<32x2x98xi32, #tpu.memory_space<vmem>> -> memref<1x1x98xi32, #tpu.memory_space<vmem>>
            %dma_wait3A_106 = tpu.memref_squeeze %dma_wait3A_105 : memref<1x1x98xi32, #tpu.memory_space<vmem>> -> memref<98xi32, #tpu.memory_space<vmem>>
            %dma_wait3A_107 = arith.constant 0 : i32
            %dma_wait3A_108 = arith.constant 0 : i32
            %dma_wait3A_109 = tpu.memref_slice %arg5[%dma_wait3A_107, %dma_wait3A_108] : memref<1024x256xf32, #tpu.memory_space<hbm>> -> memref<1024x256xf32, #tpu.memory_space<hbm>>
            tpu.wait_indirect_dma semaphore(%arg18 : memref<!tpu.dma_semaphore, #tpu.memory_space<semaphore_mem>>) src(%dma_wait3A_109 : memref<1024x256xf32, #tpu.memory_space<hbm>>) dst(%dma_wait3A_103 : memref<98x256xf32, #tpu.memory_space<vmem>>)
            %dma_wait3A_110 = arith.constant 1 : i32
            %dma_wait3A_111 = arith.constant 98 : i32
            %dma_wait3A_112 = arith.constant 0 : i32
            %dma_wait3A_113 = tpu.memref_slice %arg14[%dma_wait3A_111, %dma_wait3A_112] : memref<196x256xf32, #tpu.memory_space<vmem>> -> memref<98x256xf32, #tpu.memory_space<vmem>>
            %dma_wait3A_114 = arith.constant 0 : i32
            %dma_wait3A_115 = tpu.memref_slice %arg10[%add3A_60, %dma_wait3A_110, %dma_wait3A_114] : memref<32x2x98xi32, #tpu.memory_space<vmem>> -> memref<1x1x98xi32, #tpu.memory_space<vmem>>
            %dma_wait3A_116 = tpu.memref_squeeze %dma_wait3A_115 : memref<1x1x98xi32, #tpu.memory_space<vmem>> -> memref<98xi32, #tpu.memory_space<vmem>>
            %dma_wait3A_117 = arith.constant 0 : i32
            %dma_wait3A_118 = arith.constant 0 : i32
            %dma_wait3A_119 = tpu.memref_slice %arg5[%dma_wait3A_117, %dma_wait3A_118] : memref<1024x256xf32, #tpu.memory_space<hbm>> -> memref<1024x256xf32, #tpu.memory_space<hbm>>
            tpu.wait_indirect_dma semaphore(%arg19 : memref<!tpu.dma_semaphore, #tpu.memory_space<semaphore_mem>>) src(%dma_wait3A_119 : memref<1024x256xf32, #tpu.memory_space<hbm>>) dst(%dma_wait3A_113 : memref<98x256xf32, #tpu.memory_space<vmem>>)
          }
        }
        %ge3A = arith.constant 1 : i32
        %ge3A_81 = arith.cmpi sge, %add3A_60, %ge3A : i32
        %convert_element_type3A_82 = arith.extui %ge3A_81 : i1 to i32
        %cond3A_83 = arith.constant 0 : i32
        %cond3A_84 = arith.cmpi ne, %convert_element_type3A_82, %cond3A_83 : i32
        scf.if %cond3A_84 {
          %sub3A_96 = arith.constant 1 : i32
          %sub3A_97 = arith.subi %add3A_60, %sub3A_96 : i32
          %add3A_98 = arith.addi %mul3A_2, %sub3A_97 : i32
          %mul3A_99 = arith.constant 49 : i32
          %mul3A_100 = arith.muli %add3A_98, %mul3A_99 : i32
          %dma_wait3A_101 = arith.constant 0 : i32
          %dma_wait3A_102 = tpu.memref_slice %arg9[%mul3A_100, %dma_wait3A_101] : memref<49000x256xf32, #tpu.memory_space<hbm>> -> memref<49x256xf32, #tpu.memory_space<hbm>>
          %dma_wait3A_103 = arith.constant 0 : i32
          %dma_wait3A_104 = tpu.memref_slice %arg9[%mul3A_100, %dma_wait3A_103] : memref<49000x256xf32, #tpu.memory_space<hbm>> -> memref<49x256xf32, #tpu.memory_space<hbm>>
          tpu.wait_dma2 semaphore(%arg20 : memref<!tpu.dma_semaphore, #tpu.memory_space<semaphore_mem>>) src(%arg15 : memref<49x256xf32, #tpu.memory_space<vmem>>) dst(%dma_wait3A_104 : memref<49x256xf32, #tpu.memory_space<hbm>>)
        } else {
        }
        %scan3A = arith.constant 0 : i32
        %scan3A_85 = arith.constant 0 : i32
        %scan3A_86 = arith.constant 49 : i32
        %scan3A_87 = arith.addi %scan3A_85, %scan3A_86 : i32
        %scan3A_88 = arith.constant 1 : i32
        scf.for %scan3A_96 = %scan3A_85 to %scan3A_87 step %scan3A_88  : i32 {
          %get3A_97 = arith.index_cast %add3A_60 : i32 to index
          %get3A_98 = arith.index_cast %scan3A_96 : i32 to index
          %get3A_99 = tpu.vector_load %arg11[%get3A_97, %get3A_98] {strides = array<i32>} : memref<32x216xf32, #tpu.memory_space<vmem>>, vector<1x16xf32>,
          %get3A_100 = vector.shape_cast %get3A_99 : vector<1x16xf32> to vector<16xf32>
          %slice3A_101 = vector.extract_strided_slice %get3A_100 {offsets = [0], sizes = [1], strides = [1]} : vector<16xf32> to vector<1xf32>
          %squeeze3A_102 = vector.extract %slice3A_101[0] : f32 from vector<1xf32>
          %add3A_103 = arith.constant 49 : i32
          %add3A_104 = arith.addi %add3A_103, %scan3A_96 : i32
          %get3A_105 = arith.index_cast %add3A_60 : i32 to index
          %get3A_106 = arith.index_cast %add3A_104 : i32 to index
          %get3A_107 = tpu.vector_load %arg11[%get3A_105, %get3A_106] {strides = array<i32>} : memref<32x216xf32, #tpu.memory_space<vmem>>, vector<1x16xf32>,
          %get3A_108 = vector.shape_cast %get3A_107 : vector<1x16xf32> to vector<16xf32>
          %slice3A_109 = vector.extract_strided_slice %get3A_108 {offsets = [0], sizes = [1], strides = [1]} : vector<16xf32> to vector<1xf32>
          %squeeze3A_110 = vector.extract %slice3A_109[0] : f32 from vector<1xf32>
          %add3A_111 = arith.constant 98 : i32
          %add3A_112 = arith.addi %add3A_111, %scan3A_96 : i32
          %get3A_113 = arith.index_cast %add3A_60 : i32 to index
          %get3A_114 = arith.index_cast %add3A_112 : i32 to index
          %get3A_115 = tpu.vector_load %arg11[%get3A_113, %get3A_114] {strides = array<i32>} : memref<32x216xf32, #tpu.memory_space<vmem>>, vector<1x16xf32>,
          %get3A_116 = vector.shape_cast %get3A_115 : vector<1x16xf32> to vector<16xf32>
          %slice3A_117 = vector.extract_strided_slice %get3A_116 {offsets = [0], sizes = [1], strides = [1]} : vector<16xf32> to vector<1xf32>
          %squeeze3A_118 = vector.extract %slice3A_117[0] : f32 from vector<1xf32>
          %add3A_119 = arith.constant 147 : i32
          %add3A_120 = arith.addi %add3A_119, %scan3A_96 : i32
          %get3A_121 = arith.index_cast %add3A_60 : i32 to index
          %get3A_122 = arith.index_cast %add3A_120 : i32 to index
          %get3A_123 = tpu.vector_load %arg11[%get3A_121, %get3A_122] {strides = array<i32>} : memref<32x216xf32, #tpu.memory_space<vmem>>, vector<1x16xf32>,
          %get3A_124 = vector.shape_cast %get3A_123 : vector<1x16xf32> to vector<16xf32>
          %slice3A_125 = vector.extract_strided_slice %get3A_124 {offsets = [0], sizes = [1], strides = [1]} : vector<16xf32> to vector<1xf32>
          %squeeze3A_126 = vector.extract %slice3A_125[0] : f32 from vector<1xf32>
          %get3A_127 = arith.index_cast %scan3A_96 : i32 to index
          %get3A_128 = arith.constant 0 : index
          %get3A_129 = tpu.vector_load %arg14[%get3A_127, %get3A_128] {strides = array<i32>} : memref<196x256xf32, #tpu.memory_space<vmem>>, vector<1x16xf32>,
          %get3A_130 = vector.shape_cast %get3A_129 : vector<1x16xf32> to vector<16xf32>
          %mul3A_131 = vector.broadcast %squeeze3A_102 : f32 to vector<16xf32>
          %mul3A_132 = arith.mulf %mul3A_131, %get3A_130 : vector<16xf32>
          %add3A_133 = arith.constant 49 : i32
          %add3A_134 = arith.addi %add3A_133, %scan3A_96 : i32
          %get3A_135 = arith.index_cast %add3A_134 : i32 to index
          %get3A_136 = arith.constant 0 : index
          %get3A_137 = tpu.vector_load %arg14[%get3A_135, %get3A_136] {strides = array<i32>} : memref<196x256xf32, #tpu.memory_space<vmem>>, vector<1x16xf32>,
          %get3A_138 = vector.shape_cast %get3A_137 : vector<1x16xf32> to vector<16xf32>
          %mul3A_139 = vector.broadcast %squeeze3A_110 : f32 to vector<16xf32>
          %mul3A_140 = arith.mulf %mul3A_139, %get3A_138 : vector<16xf32>
          %add3A_141 = arith.addf %mul3A_132, %mul3A_140 : vector<16xf32>
          %add3A_142 = arith.constant 98 : i32
          %add3A_143 = arith.addi %add3A_142, %scan3A_96 : i32
          %get3A_144 = arith.index_cast %add3A_143 : i32 to index
          %get3A_145 = arith.constant 0 : index
          %get3A_146 = tpu.vector_load %arg14[%get3A_144, %get3A_145] {strides = array<i32>} : memref<196x256xf32, #tpu.memory_space<vmem>>, vector<1x16xf32>,
          %get3A_147 = vector.shape_cast %get3A_146 : vector<1x16xf32> to vector<16xf32>
          %mul3A_148 = vector.broadcast %squeeze3A_118 : f32 to vector<16xf32>
          %mul3A_149 = arith.mulf %mul3A_148, %get3A_147 : vector<16xf32>
          %add3A_150 = arith.addf %add3A_141, %mul3A_149 : vector<16xf32>
          %add3A_151 = arith.constant 147 : i32
          %add3A_152 = arith.addi %add3A_151, %scan3A_96 : i32
          %get3A_153 = arith.index_cast %add3A_152 : i32 to index
          %get3A_154 = arith.constant 0 : index
          %get3A_155 = tpu.vector_load %arg14[%get3A_153, %get3A_154] {strides = array<i32>} : memref<196x256xf32, #tpu.memory_space<vmem>>, vector<1x16xf32>,
          %get3A_156 = vector.shape_cast %get3A_155 : vector<1x16xf32> to vector<16xf32>
          %mul3A_157 = vector.broadcast %squeeze3A_126 : f32 to vector<16xf32>
          %mul3A_158 = arith.mulf %mul3A_157, %get3A_156 : vector<16xf32>
          %add3A_159 = arith.addf %add3A_150, %mul3A_158 : vector<16xf32>
          %swap3A = arith.index_cast %scan3A_96 : i32 to index
          %swap3A_160 = arith.constant 0 : index
          %swap3A_161 = tpu.vector_load %arg15[%swap3A, %swap3A_160] {strides = array<i32>} : memref<49x256xf32, #tpu.memory_space<vmem>>, vector<1x16xf32>,
          %swap3A_162 = vector.shape_cast %swap3A_161 : vector<1x16xf32> to vector<16xf32>
          %swap3A_163 = vector.shape_cast %add3A_159 : vector<16xf32> to vector<1x16xf32>
          tpu.vector_store %arg15[%swap3A, %swap3A_160], %swap3A_163 {strides = array<i32>} : memref<49x256xf32, #tpu.memory_space<vmem>>, vector<1x16xf32>,
          %get3A_164 = arith.index_cast %scan3A_96 : i32 to index
          %get3A_165 = arith.constant 16 : index
          %get3A_166 = tpu.vector_load %arg14[%get3A_164, %get3A_165] {strides = array<i32>} : memref<196x256xf32, #tpu.memory_space<vmem>>, vector<1x16xf32>,
          %get3A_167 = vector.shape_cast %get3A_166 : vector<1x16xf32> to vector<16xf32>
          %mul3A_168 = vector.broadcast %squeeze3A_102 : f32 to vector<16xf32>
          %mul3A_169 = arith.mulf %mul3A_168, %get3A_167 : vector<16xf32>
          %add3A_170 = arith.constant 49 : i32
          %add3A_171 = arith.addi %add3A_170, %scan3A_96 : i32
          %get3A_172 = arith.index_cast %add3A_171 : i32 to index
          %get3A_173 = arith.constant 16 : index
          %get3A_174 = tpu.vector_load %arg14[%get3A_172, %get3A_173] {strides = array<i32>} : memref<196x256xf32, #tpu.memory_space<vmem>>, vector<1x16xf32>,
          %get3A_175 = vector.shape_cast %get3A_174 : vector<1x16xf32> to vector<16xf32>
          %mul3A_176 = vector.broadcast %squeeze3A_110 : f32 to vector<16xf32>
          %mul3A_177 = arith.mulf %mul3A_176, %get3A_175 : vector<16xf32>
          %add3A_178 = arith.addf %mul3A_169, %mul3A_177 : vector<16xf32>
          %add3A_179 = arith.constant 98 : i32
          %add3A_180 = arith.addi %add3A_179, %scan3A_96 : i32
          %get3A_181 = arith.index_cast %add3A_180 : i32 to index
          %get3A_182 = arith.constant 16 : index
          %get3A_183 = tpu.vector_load %arg14[%get3A_181, %get3A_182] {strides = array<i32>} : memref<196x256xf32, #tpu.memory_space<vmem>>, vector<1x16xf32>,
          %get3A_184 = vector.shape_cast %get3A_183 : vector<1x16xf32> to vector<16xf32>
          %mul3A_185 = vector.broadcast %squeeze3A_118 : f32 to vector<16xf32>
          %mul3A_186 = arith.mulf %mul3A_185, %get3A_184 : vector<16xf32>
          %add3A_187 = arith.addf %add3A_178, %mul3A_186 : vector<16xf32>
          %add3A_188 = arith.constant 147 : i32
          %add3A_189 = arith.addi %add3A_188, %scan3A_96 : i32
          %get3A_190 = arith.index_cast %add3A_189 : i32 to index
          %get3A_191 = arith.constant 16 : index
          %get3A_192 = tpu.vector_load %arg14[%get3A_190, %get3A_191] {strides = array<i32>} : memref<196x256xf32, #tpu.memory_space<vmem>>, vector<1x16xf32>,
          %get3A_193 = vector.shape_cast %get3A_192 : vector<1x16xf32> to vector<16xf32>
          %mul3A_194 = vector.broadcast %squeeze3A_126 : f32 to vector<16xf32>
          %mul3A_195 = arith.mulf %mul3A_194, %get3A_193 : vector<16xf32>
          %add3A_196 = arith.addf %add3A_187, %mul3A_195 : vector<16xf32>
          %swap3A_197 = arith.index_cast %scan3A_96 : i32 to index
          %swap3A_198 = arith.constant 16 : index
          %swap3A_199 = tpu.vector_load %arg15[%swap3A_197, %swap3A_198] {strides = array<i32>} : memref<49x256xf32, #tpu.memory_space<vmem>>, vector<1x16xf32>,
          %swap3A_200 = vector.shape_cast %swap3A_199 : vector<1x16xf32> to vector<16xf32>
          %swap3A_201 = vector.shape_cast %add3A_196 : vector<16xf32> to vector<1x16xf32>
          tpu.vector_store %arg15[%swap3A_197, %swap3A_198], %swap3A_201 {strides = array<i32>} : memref<49x256xf32, #tpu.memory_space<vmem>>, vector<1x16xf32>,
          %get3A_202 = arith.index_cast %scan3A_96 : i32 to index
          %get3A_203 = arith.constant 32 : index
          %get3A_204 = tpu.vector_load %arg14[%get3A_202, %get3A_203] {strides = array<i32>} : memref<196x256xf32, #tpu.memory_space<vmem>>, vector<1x16xf32>,
          %get3A_205 = vector.shape_cast %get3A_204 : vector<1x16xf32> to vector<16xf32>
          %mul3A_206 = vector.broadcast %squeeze3A_102 : f32 to vector<16xf32>
          %mul3A_207 = arith.mulf %mul3A_206, %get3A_205 : vector<16xf32>
          %add3A_208 = arith.constant 49 : i32
          %add3A_209 = arith.addi %add3A_208, %scan3A_96 : i32
          %get3A_210 = arith.index_cast %add3A_209 : i32 to index
          %get3A_211 = arith.constant 32 : index
          %get3A_212 = tpu.vector_load %arg14[%get3A_210, %get3A_211] {strides = array<i32>} : memref<196x256xf32, #tpu.memory_space<vmem>>, vector<1x16xf32>,
          %get3A_213 = vector.shape_cast %get3A_212 : vector<1x16xf32> to vector<16xf32>
          %mul3A_214 = vector.broadcast %squeeze3A_110 : f32 to vector<16xf32>
          %mul3A_215 = arith.mulf %mul3A_214, %get3A_213 : vector<16xf32>
          %add3A_216 = arith.addf %mul3A_207, %mul3A_215 : vector<16xf32>
          %add3A_217 = arith.constant 98 : i32
          %add3A_218 = arith.addi %add3A_217, %scan3A_96 : i32
          %get3A_219 = arith.index_cast %add3A_218 : i32 to index
          %get3A_220 = arith.constant 32 : index
          %get3A_221 = tpu.vector_load %arg14[%get3A_219, %get3A_220] {strides = array<i32>} : memref<196x256xf32, #tpu.memory_space<vmem>>, vector<1x16xf32>,
          %get3A_222 = vector.shape_cast %get3A_221 : vector<1x16xf32> to vector<16xf32>
          %mul3A_223 = vector.broadcast %squeeze3A_118 : f32 to vector<16xf32>
          %mul3A_224 = arith.mulf %mul3A_223, %get3A_222 : vector<16xf32>
          %add3A_225 = arith.addf %add3A_216, %mul3A_224 : vector<16xf32>
          %add3A_226 = arith.constant 147 : i32
          %add3A_227 = arith.addi %add3A_226, %scan3A_96 : i32
          %get3A_228 = arith.index_cast %add3A_227 : i32 to index
          %get3A_229 = arith.constant 32 : index
          %get3A_230 = tpu.vector_load %arg14[%get3A_228, %get3A_229] {strides = array<i32>} : memref<196x256xf32, #tpu.memory_space<vmem>>, vector<1x16xf32>,
          %get3A_231 = vector.shape_cast %get3A_230 : vector<1x16xf32> to vector<16xf32>
          %mul3A_232 = vector.broadcast %squeeze3A_126 : f32 to vector<16xf32>
          %mul3A_233 = arith.mulf %mul3A_232, %get3A_231 : vector<16xf32>
          %add3A_234 = arith.addf %add3A_225, %mul3A_233 : vector<16xf32>
          %swap3A_235 = arith.index_cast %scan3A_96 : i32 to index
          %swap3A_236 = arith.constant 32 : index
          %swap3A_237 = tpu.vector_load %arg15[%swap3A_235, %swap3A_236] {strides = array<i32>} : memref<49x256xf32, #tpu.memory_space<vmem>>, vector<1x16xf32>,
          %swap3A_238 = vector.shape_cast %swap3A_237 : vector<1x16xf32> to vector<16xf32>
          %swap3A_239 = vector.shape_cast %add3A_234 : vector<16xf32> to vector<1x16xf32>
          tpu.vector_store %arg15[%swap3A_235, %swap3A_236], %swap3A_239 {strides = array<i32>} : memref<49x256xf32, #tpu.memory_space<vmem>>, vector<1x16xf32>,
          %get3A_240 = arith.index_cast %scan3A_96 : i32 to index
          %get3A_241 = arith.constant 48 : index
          %get3A_242 = tpu.vector_load %arg14[%get3A_240, %get3A_241] {strides = array<i32>} : memref<196x256xf32, #tpu.memory_space<vmem>>, vector<1x16xf32>,
          %get3A_243 = vector.shape_cast %get3A_242 : vector<1x16xf32> to vector<16xf32>
          %mul3A_244 = vector.broadcast %squeeze3A_102 : f32 to vector<16xf32>
          %mul3A_245 = arith.mulf %mul3A_244, %get3A_243 : vector<16xf32>
          %add3A_246 = arith.constant 49 : i32
          %add3A_247 = arith.addi %add3A_246, %scan3A_96 : i32
          %get3A_248 = arith.index_cast %add3A_247 : i32 to index
          %get3A_249 = arith.constant 48 : index
          %get3A_250 = tpu.vector_load %arg14[%get3A_248, %get3A_249] {strides = array<i32>} : memref<196x256xf32, #tpu.memory_space<vmem>>, vector<1x16xf32>,
          %get3A_251 = vector.shape_cast %get3A_250 : vector<1x16xf32> to vector<16xf32>
          %mul3A_252 = vector.broadcast %squeeze3A_110 : f32 to vector<16xf32>
          %mul3A_253 = arith.mulf %mul3A_252, %get3A_251 : vector<16xf32>
          %add3A_254 = arith.addf %mul3A_245, %mul3A_253 : vector<16xf32>
          %add3A_255 = arith.constant 98 : i32
          %add3A_256 = arith.addi %add3A_255, %scan3A_96 : i32
          %get3A_257 = arith.index_cast %add3A_256 : i32 to index
          %get3A_258 = arith.constant 48 : index
          %get3A_259 = tpu.vector_load %arg14[%get3A_257, %get3A_258] {strides = array<i32>} : memref<196x256xf32, #tpu.memory_space<vmem>>, vector<1x16xf32>,
          %get3A_260 = vector.shape_cast %get3A_259 : vector<1x16xf32> to vector<16xf32>
          %mul3A_261 = vector.broadcast %squeeze3A_118 : f32 to vector<16xf32>
          %mul3A_262 = arith.mulf %mul3A_261, %get3A_260 : vector<16xf32>
          %add3A_263 = arith.addf %add3A_254, %mul3A_262 : vector<16xf32>
          %add3A_264 = arith.constant 147 : i32
          %add3A_265 = arith.addi %add3A_264, %scan3A_96 : i32
          %get3A_266 = arith.index_cast %add3A_265 : i32 to index
          %get3A_267 = arith.constant 48 : index
          %get3A_268 = tpu.vector_load %arg14[%get3A_266, %get3A_267] {strides = array<i32>} : memref<196x256xf32, #tpu.memory_space<vmem>>, vector<1x16xf32>,
          %get3A_269 = vector.shape_cast %get3A_268 : vector<1x16xf32> to vector<16xf32>
          %mul3A_270 = vector.broadcast %squeeze3A_126 : f32 to vector<16xf32>
          %mul3A_271 = arith.mulf %mul3A_270, %get3A_269 : vector<16xf32>
          %add3A_272 = arith.addf %add3A_263, %mul3A_271 : vector<16xf32>
          %swap3A_273 = arith.index_cast %scan3A_96 : i32 to index
          %swap3A_274 = arith.constant 48 : index
          %swap3A_275 = tpu.vector_load %arg15[%swap3A_273, %swap3A_274] {strides = array<i32>} : memref<49x256xf32, #tpu.memory_space<vmem>>, vector<1x16xf32>,
          %swap3A_276 = vector.shape_cast %swap3A_275 : vector<1x16xf32> to vector<16xf32>
          %swap3A_277 = vector.shape_cast %add3A_272 : vector<16xf32> to vector<1x16xf32>
          tpu.vector_store %arg15[%swap3A_273, %swap3A_274], %swap3A_277 {strides = array<i32>} : memref<49x256xf32, #tpu.memory_space<vmem>>, vector<1x16xf32>,
          %get3A_278 = arith.index_cast %scan3A_96 : i32 to index
          %get3A_279 = arith.constant 64 : index
          %get3A_280 = tpu.vector_load %arg14[%get3A_278, %get3A_279] {strides = array<i32>} : memref<196x256xf32, #tpu.memory_space<vmem>>, vector<1x16xf32>,
          %get3A_281 = vector.shape_cast %get3A_280 : vector<1x16xf32> to vector<16xf32>
          %mul3A_282 = vector.broadcast %squeeze3A_102 : f32 to vector<16xf32>
          %mul3A_283 = arith.mulf %mul3A_282, %get3A_281 : vector<16xf32>
          %add3A_284 = arith.constant 49 : i32
          %add3A_285 = arith.addi %add3A_284, %scan3A_96 : i32
          %get3A_286 = arith.index_cast %add3A_285 : i32 to index
          %get3A_287 = arith.constant 64 : index
          %get3A_288 = tpu.vector_load %arg14[%get3A_286, %get3A_287] {strides = array<i32>} : memref<196x256xf32, #tpu.memory_space<vmem>>, vector<1x16xf32>,
          %get3A_289 = vector.shape_cast %get3A_288 : vector<1x16xf32> to vector<16xf32>
          %mul3A_290 = vector.broadcast %squeeze3A_110 : f32 to vector<16xf32>
          %mul3A_291 = arith.mulf %mul3A_290, %get3A_289 : vector<16xf32>
          %add3A_292 = arith.addf %mul3A_283, %mul3A_291 : vector<16xf32>
          %add3A_293 = arith.constant 98 : i32
          %add3A_294 = arith.addi %add3A_293, %scan3A_96 : i32
          %get3A_295 = arith.index_cast %add3A_294 : i32 to index
          %get3A_296 = arith.constant 64 : index
          %get3A_297 = tpu.vector_load %arg14[%get3A_295, %get3A_296] {strides = array<i32>} : memref<196x256xf32, #tpu.memory_space<vmem>>, vector<1x16xf32>,
          %get3A_298 = vector.shape_cast %get3A_297 : vector<1x16xf32> to vector<16xf32>
          %mul3A_299 = vector.broadcast %squeeze3A_118 : f32 to vector<16xf32>
          %mul3A_300 = arith.mulf %mul3A_299, %get3A_298 : vector<16xf32>
          %add3A_301 = arith.addf %add3A_292, %mul3A_300 : vector<16xf32>
          %add3A_302 = arith.constant 147 : i32
          %add3A_303 = arith.addi %add3A_302, %scan3A_96 : i32
          %get3A_304 = arith.index_cast %add3A_303 : i32 to index
          %get3A_305 = arith.constant 64 : index
          %get3A_306 = tpu.vector_load %arg14[%get3A_304, %get3A_305] {strides = array<i32>} : memref<196x256xf32, #tpu.memory_space<vmem>>, vector<1x16xf32>,
          %get3A_307 = vector.shape_cast %get3A_306 : vector<1x16xf32> to vector<16xf32>
          %mul3A_308 = vector.broadcast %squeeze3A_126 : f32 to vector<16xf32>
          %mul3A_309 = arith.mulf %mul3A_308, %get3A_307 : vector<16xf32>
          %add3A_310 = arith.addf %add3A_301, %mul3A_309 : vector<16xf32>
          %swap3A_311 = arith.index_cast %scan3A_96 : i32 to index
          %swap3A_312 = arith.constant 64 : index
          %swap3A_313 = tpu.vector_load %arg15[%swap3A_311, %swap3A_312] {strides = array<i32>} : memref<49x256xf32, #tpu.memory_space<vmem>>, vector<1x16xf32>,
          %swap3A_314 = vector.shape_cast %swap3A_313 : vector<1x16xf32> to vector<16xf32>
          %swap3A_315 = vector.shape_cast %add3A_310 : vector<16xf32> to vector<1x16xf32>
          tpu.vector_store %arg15[%swap3A_311, %swap3A_312], %swap3A_315 {strides = array<i32>} : memref<49x256xf32, #tpu.memory_space<vmem>>, vector<1x16xf32>,
          %get3A_316 = arith.index_cast %scan3A_96 : i32 to index
          %get3A_317 = arith.constant 80 : index
          %get3A_318 = tpu.vector_load %arg14[%get3A_316, %get3A_317] {strides = array<i32>} : memref<196x256xf32, #tpu.memory_space<vmem>>, vector<1x16xf32>,
          %get3A_319 = vector.shape_cast %get3A_318 : vector<1x16xf32> to vector<16xf32>
          %mul3A_320 = vector.broadcast %squeeze3A_102 : f32 to vector<16xf32>
          %mul3A_321 = arith.mulf %mul3A_320, %get3A_319 : vector<16xf32>
          %add3A_322 = arith.constant 49 : i32
          %add3A_323 = arith.addi %add3A_322, %scan3A_96 : i32
          %get3A_324 = arith.index_cast %add3A_323 : i32 to index
          %get3A_325 = arith.constant 80 : index
          %get3A_326 = tpu.vector_load %arg14[%get3A_324, %get3A_325] {strides = array<i32>} : memref<196x256xf32, #tpu.memory_space<vmem>>, vector<1x16xf32>,
          %get3A_327 = vector.shape_cast %get3A_326 : vector<1x16xf32> to vector<16xf32>
          %mul3A_328 = vector.broadcast %squeeze3A_110 : f32 to vector<16xf32>
          %mul3A_329 = arith.mulf %mul3A_328, %get3A_327 : vector<16xf32>
          %add3A_330 = arith.addf %mul3A_321, %mul3A_329 : vector<16xf32>
          %add3A_331 = arith.constant 98 : i32
          %add3A_332 = arith.addi %add3A_331, %scan3A_96 : i32
          %get3A_333 = arith.index_cast %add3A_332 : i32 to index
          %get3A_334 = arith.constant 80 : index
          %get3A_335 = tpu.vector_load %arg14[%get3A_333, %get3A_334] {strides = array<i32>} : memref<196x256xf32, #tpu.memory_space<vmem>>, vector<1x16xf32>,
          %get3A_336 = vector.shape_cast %get3A_335 : vector<1x16xf32> to vector<16xf32>
          %mul3A_337 = vector.broadcast %squeeze3A_118 : f32 to vector<16xf32>
          %mul3A_338 = arith.mulf %mul3A_337, %get3A_336 : vector<16xf32>
          %add3A_339 = arith.addf %add3A_330, %mul3A_338 : vector<16xf32>
          %add3A_340 = arith.constant 147 : i32
          %add3A_341 = arith.addi %add3A_340, %scan3A_96 : i32
          %get3A_342 = arith.index_cast %add3A_341 : i32 to index
          %get3A_343 = arith.constant 80 : index
          %get3A_344 = tpu.vector_load %arg14[%get3A_342, %get3A_343] {strides = array<i32>} : memref<196x256xf32, #tpu.memory_space<vmem>>, vector<1x16xf32>,
          %get3A_345 = vector.shape_cast %get3A_344 : vector<1x16xf32> to vector<16xf32>
          %mul3A_346 = vector.broadcast %squeeze3A_126 : f32 to vector<16xf32>
          %mul3A_347 = arith.mulf %mul3A_346, %get3A_345 : vector<16xf32>
          %add3A_348 = arith.addf %add3A_339, %mul3A_347 : vector<16xf32>
          %swap3A_349 = arith.index_cast %scan3A_96 : i32 to index
          %swap3A_350 = arith.constant 80 : index
          %swap3A_351 = tpu.vector_load %arg15[%swap3A_349, %swap3A_350] {strides = array<i32>} : memref<49x256xf32, #tpu.memory_space<vmem>>, vector<1x16xf32>,
          %swap3A_352 = vector.shape_cast %swap3A_351 : vector<1x16xf32> to vector<16xf32>
          %swap3A_353 = vector.shape_cast %add3A_348 : vector<16xf32> to vector<1x16xf32>
          tpu.vector_store %arg15[%swap3A_349, %swap3A_350], %swap3A_353 {strides = array<i32>} : memref<49x256xf32, #tpu.memory_space<vmem>>, vector<1x16xf32>,
          %get3A_354 = arith.index_cast %scan3A_96 : i32 to index
          %get3A_355 = arith.constant 96 : index
          %get3A_356 = tpu.vector_load %arg14[%get3A_354, %get3A_355] {strides = array<i32>} : memref<196x256xf32, #tpu.memory_space<vmem>>, vector<1x16xf32>,
          %get3A_357 = vector.shape_cast %get3A_356 : vector<1x16xf32> to vector<16xf32>
          %mul3A_358 = vector.broadcast %squeeze3A_102 : f32 to vector<16xf32>
          %mul3A_359 = arith.mulf %mul3A_358, %get3A_357 : vector<16xf32>
          %add3A_360 = arith.constant 49 : i32
          %add3A_361 = arith.addi %add3A_360, %scan3A_96 : i32
          %get3A_362 = arith.index_cast %add3A_361 : i32 to index
          %get3A_363 = arith.constant 96 : index
          %get3A_364 = tpu.vector_load %arg14[%get3A_362, %get3A_363] {strides = array<i32>} : memref<196x256xf32, #tpu.memory_space<vmem>>, vector<1x16xf32>,
          %get3A_365 = vector.shape_cast %get3A_364 : vector<1x16xf32> to vector<16xf32>
          %mul3A_366 = vector.broadcast %squeeze3A_110 : f32 to vector<16xf32>
          %mul3A_367 = arith.mulf %mul3A_366, %get3A_365 : vector<16xf32>
          %add3A_368 = arith.addf %mul3A_359, %mul3A_367 : vector<16xf32>
          %add3A_369 = arith.constant 98 : i32
          %add3A_370 = arith.addi %add3A_369, %scan3A_96 : i32
          %get3A_371 = arith.index_cast %add3A_370 : i32 to index
          %get3A_372 = arith.constant 96 : index
          %get3A_373 = tpu.vector_load %arg14[%get3A_371, %get3A_372] {strides = array<i32>} : memref<196x256xf32, #tpu.memory_space<vmem>>, vector<1x16xf32>,
          %get3A_374 = vector.shape_cast %get3A_373 : vector<1x16xf32> to vector<16xf32>
          %mul3A_375 = vector.broadcast %squeeze3A_118 : f32 to vector<16xf32>
          %mul3A_376 = arith.mulf %mul3A_375, %get3A_374 : vector<16xf32>
          %add3A_377 = arith.addf %add3A_368, %mul3A_376 : vector<16xf32>
          %add3A_378 = arith.constant 147 : i32
          %add3A_379 = arith.addi %add3A_378, %scan3A_96 : i32
          %get3A_380 = arith.index_cast %add3A_379 : i32 to index
          %get3A_381 = arith.constant 96 : index
          %get3A_382 = tpu.vector_load %arg14[%get3A_380, %get3A_381] {strides = array<i32>} : memref<196x256xf32, #tpu.memory_space<vmem>>, vector<1x16xf32>,
          %get3A_383 = vector.shape_cast %get3A_382 : vector<1x16xf32> to vector<16xf32>
          %mul3A_384 = vector.broadcast %squeeze3A_126 : f32 to vector<16xf32>
          %mul3A_385 = arith.mulf %mul3A_384, %get3A_383 : vector<16xf32>
          %add3A_386 = arith.addf %add3A_377, %mul3A_385 : vector<16xf32>
          %swap3A_387 = arith.index_cast %scan3A_96 : i32 to index
          %swap3A_388 = arith.constant 96 : index
          %swap3A_389 = tpu.vector_load %arg15[%swap3A_387, %swap3A_388] {strides = array<i32>} : memref<49x256xf32, #tpu.memory_space<vmem>>, vector<1x16xf32>,
          %swap3A_390 = vector.shape_cast %swap3A_389 : vector<1x16xf32> to vector<16xf32>
          %swap3A_391 = vector.shape_cast %add3A_386 : vector<16xf32> to vector<1x16xf32>
          tpu.vector_store %arg15[%swap3A_387, %swap3A_388], %swap3A_391 {strides = array<i32>} : memref<49x256xf32, #tpu.memory_space<vmem>>, vector<1x16xf32>,
          %get3A_392 = arith.index_cast %scan3A_96 : i32 to index
          %get3A_393 = arith.constant 112 : index
          %get3A_394 = tpu.vector_load %arg14[%get3A_392, %get3A_393] {strides = array<i32>} : memref<196x256xf32, #tpu.memory_space<vmem>>, vector<1x16xf32>,
          %get3A_395 = vector.shape_cast %get3A_394 : vector<1x16xf32> to vector<16xf32>
          %mul3A_396 = vector.broadcast %squeeze3A_102 : f32 to vector<16xf32>
          %mul3A_397 = arith.mulf %mul3A_396, %get3A_395 : vector<16xf32>
          %add3A_398 = arith.constant 49 : i32
          %add3A_399 = arith.addi %add3A_398, %scan3A_96 : i32
          %get3A_400 = arith.index_cast %add3A_399 : i32 to index
          %get3A_401 = arith.constant 112 : index
          %get3A_402 = tpu.vector_load %arg14[%get3A_400, %get3A_401] {strides = array<i32>} : memref<196x256xf32, #tpu.memory_space<vmem>>, vector<1x16xf32>,
          %get3A_403 = vector.shape_cast %get3A_402 : vector<1x16xf32> to vector<16xf32>
          %mul3A_404 = vector.broadcast %squeeze3A_110 : f32 to vector<16xf32>
          %mul3A_405 = arith.mulf %mul3A_404, %get3A_403 : vector<16xf32>
          %add3A_406 = arith.addf %mul3A_397, %mul3A_405 : vector<16xf32>
          %add3A_407 = arith.constant 98 : i32
          %add3A_408 = arith.addi %add3A_407, %scan3A_96 : i32
          %get3A_409 = arith.index_cast %add3A_408 : i32 to index
          %get3A_410 = arith.constant 112 : index
          %get3A_411 = tpu.vector_load %arg14[%get3A_409, %get3A_410] {strides = array<i32>} : memref<196x256xf32, #tpu.memory_space<vmem>>, vector<1x16xf32>,
          %get3A_412 = vector.shape_cast %get3A_411 : vector<1x16xf32> to vector<16xf32>
          %mul3A_413 = vector.broadcast %squeeze3A_118 : f32 to vector<16xf32>
          %mul3A_414 = arith.mulf %mul3A_413, %get3A_412 : vector<16xf32>
          %add3A_415 = arith.addf %add3A_406, %mul3A_414 : vector<16xf32>
          %add3A_416 = arith.constant 147 : i32
          %add3A_417 = arith.addi %add3A_416, %scan3A_96 : i32
          %get3A_418 = arith.index_cast %add3A_417 : i32 to index
          %get3A_419 = arith.constant 112 : index
          %get3A_420 = tpu.vector_load %arg14[%get3A_418, %get3A_419] {strides = array<i32>} : memref<196x256xf32, #tpu.memory_space<vmem>>, vector<1x16xf32>,
          %get3A_421 = vector.shape_cast %get3A_420 : vector<1x16xf32> to vector<16xf32>
          %mul3A_422 = vector.broadcast %squeeze3A_126 : f32 to vector<16xf32>
          %mul3A_423 = arith.mulf %mul3A_422, %get3A_421 : vector<16xf32>
          %add3A_424 = arith.addf %add3A_415, %mul3A_423 : vector<16xf32>
          %swap3A_425 = arith.index_cast %scan3A_96 : i32 to index
          %swap3A_426 = arith.constant 112 : index
          %swap3A_427 = tpu.vector_load %arg15[%swap3A_425, %swap3A_426] {strides = array<i32>} : memref<49x256xf32, #tpu.memory_space<vmem>>, vector<1x16xf32>,
          %swap3A_428 = vector.shape_cast %swap3A_427 : vector<1x16xf32> to vector<16xf32>
          %swap3A_429 = vector.shape_cast %add3A_424 : vector<16xf32> to vector<1x16xf32>
          tpu.vector_store %arg15[%swap3A_425, %swap3A_426], %swap3A_429 {strides = array<i32>} : memref<49x256xf32, #tpu.memory_space<vmem>>, vector<1x16xf32>,
          %get3A_430 = arith.index_cast %scan3A_96 : i32 to index
          %get3A_431 = arith.constant 128 : index
          %get3A_432 = tpu.vector_load %arg14[%get3A_430, %get3A_431] {strides = array<i32>} : memref<196x256xf32, #tpu.memory_space<vmem>>, vector<1x16xf32>,
          %get3A_433 = vector.shape_cast %get3A_432 : vector<1x16xf32> to vector<16xf32>
          %mul3A_434 = vector.broadcast %squeeze3A_102 : f32 to vector<16xf32>
          %mul3A_435 = arith.mulf %mul3A_434, %get3A_433 : vector<16xf32>
          %add3A_436 = arith.constant 49 : i32
          %add3A_437 = arith.addi %add3A_436, %scan3A_96 : i32
          %get3A_438 = arith.index_cast %add3A_437 : i32 to index
          %get3A_439 = arith.constant 128 : index
          %get3A_440 = tpu.vector_load %arg14[%get3A_438, %get3A_439] {strides = array<i32>} : memref<196x256xf32, #tpu.memory_space<vmem>>, vector<1x16xf32>,
          %get3A_441 = vector.shape_cast %get3A_440 : vector<1x16xf32> to vector<16xf32>
          %mul3A_442 = vector.broadcast %squeeze3A_110 : f32 to vector<16xf32>
          %mul3A_443 = arith.mulf %mul3A_442, %get3A_441 : vector<16xf32>
          %add3A_444 = arith.addf %mul3A_435, %mul3A_443 : vector<16xf32>
          %add3A_445 = arith.constant 98 : i32
          %add3A_446 = arith.addi %add3A_445, %scan3A_96 : i32
          %get3A_447 = arith.index_cast %add3A_446 : i32 to index
          %get3A_448 = arith.constant 128 : index
          %get3A_449 = tpu.vector_load %arg14[%get3A_447, %get3A_448] {strides = array<i32>} : memref<196x256xf32, #tpu.memory_space<vmem>>, vector<1x16xf32>,
          %get3A_450 = vector.shape_cast %get3A_449 : vector<1x16xf32> to vector<16xf32>
          %mul3A_451 = vector.broadcast %squeeze3A_118 : f32 to vector<16xf32>
          %mul3A_452 = arith.mulf %mul3A_451, %get3A_450 : vector<16xf32>
          %add3A_453 = arith.addf %add3A_444, %mul3A_452 : vector<16xf32>
          %add3A_454 = arith.constant 147 : i32
          %add3A_455 = arith.addi %add3A_454, %scan3A_96 : i32
          %get3A_456 = arith.index_cast %add3A_455 : i32 to index
          %get3A_457 = arith.constant 128 : index
          %get3A_458 = tpu.vector_load %arg14[%get3A_456, %get3A_457] {strides = array<i32>} : memref<196x256xf32, #tpu.memory_space<vmem>>, vector<1x16xf32>,
          %get3A_459 = vector.shape_cast %get3A_458 : vector<1x16xf32> to vector<16xf32>
          %mul3A_460 = vector.broadcast %squeeze3A_126 : f32 to vector<16xf32>
          %mul3A_461 = arith.mulf %mul3A_460, %get3A_459 : vector<16xf32>
          %add3A_462 = arith.addf %add3A_453, %mul3A_461 : vector<16xf32>
          %swap3A_463 = arith.index_cast %scan3A_96 : i32 to index
          %swap3A_464 = arith.constant 128 : index
          %swap3A_465 = tpu.vector_load %arg15[%swap3A_463, %swap3A_464] {strides = array<i32>} : memref<49x256xf32, #tpu.memory_space<vmem>>, vector<1x16xf32>,
          %swap3A_466 = vector.shape_cast %swap3A_465 : vector<1x16xf32> to vector<16xf32>
          %swap3A_467 = vector.shape_cast %add3A_462 : vector<16xf32> to vector<1x16xf32>
          tpu.vector_store %arg15[%swap3A_463, %swap3A_464], %swap3A_467 {strides = array<i32>} : memref<49x256xf32, #tpu.memory_space<vmem>>, vector<1x16xf32>,
          %get3A_468 = arith.index_cast %scan3A_96 : i32 to index
          %get3A_469 = arith.constant 144 : index
          %get3A_470 = tpu.vector_load %arg14[%get3A_468, %get3A_469] {strides = array<i32>} : memref<196x256xf32, #tpu.memory_space<vmem>>, vector<1x16xf32>,
          %get3A_471 = vector.shape_cast %get3A_470 : vector<1x16xf32> to vector<16xf32>
          %mul3A_472 = vector.broadcast %squeeze3A_102 : f32 to vector<16xf32>
          %mul3A_473 = arith.mulf %mul3A_472, %get3A_471 : vector<16xf32>
          %add3A_474 = arith.constant 49 : i32
          %add3A_475 = arith.addi %add3A_474, %scan3A_96 : i32
          %get3A_476 = arith.index_cast %add3A_475 : i32 to index
          %get3A_477 = arith.constant 144 : index
          %get3A_478 = tpu.vector_load %arg14[%get3A_476, %get3A_477] {strides = array<i32>} : memref<196x256xf32, #tpu.memory_space<vmem>>, vector<1x16xf32>,
          %get3A_479 = vector.shape_cast %get3A_478 : vector<1x16xf32> to vector<16xf32>
          %mul3A_480 = vector.broadcast %squeeze3A_110 : f32 to vector<16xf32>
          %mul3A_481 = arith.mulf %mul3A_480, %get3A_479 : vector<16xf32>
          %add3A_482 = arith.addf %mul3A_473, %mul3A_481 : vector<16xf32>
          %add3A_483 = arith.constant 98 : i32
          %add3A_484 = arith.addi %add3A_483, %scan3A_96 : i32
          %get3A_485 = arith.index_cast %add3A_484 : i32 to index
          %get3A_486 = arith.constant 144 : index
          %get3A_487 = tpu.vector_load %arg14[%get3A_485, %get3A_486] {strides = array<i32>} : memref<196x256xf32, #tpu.memory_space<vmem>>, vector<1x16xf32>,
          %get3A_488 = vector.shape_cast %get3A_487 : vector<1x16xf32> to vector<16xf32>
          %mul3A_489 = vector.broadcast %squeeze3A_118 : f32 to vector<16xf32>
          %mul3A_490 = arith.mulf %mul3A_489, %get3A_488 : vector<16xf32>
          %add3A_491 = arith.addf %add3A_482, %mul3A_490 : vector<16xf32>
          %add3A_492 = arith.constant 147 : i32
          %add3A_493 = arith.addi %add3A_492, %scan3A_96 : i32
          %get3A_494 = arith.index_cast %add3A_493 : i32 to index
          %get3A_495 = arith.constant 144 : index
          %get3A_496 = tpu.vector_load %arg14[%get3A_494, %get3A_495] {strides = array<i32>} : memref<196x256xf32, #tpu.memory_space<vmem>>, vector<1x16xf32>,
          %get3A_497 = vector.shape_cast %get3A_496 : vector<1x16xf32> to vector<16xf32>
          %mul3A_498 = vector.broadcast %squeeze3A_126 : f32 to vector<16xf32>
          %mul3A_499 = arith.mulf %mul3A_498, %get3A_497 : vector<16xf32>
          %add3A_500 = arith.addf %add3A_491, %mul3A_499 : vector<16xf32>
          %swap3A_501 = arith.index_cast %scan3A_96 : i32 to index
          %swap3A_502 = arith.constant 144 : index
          %swap3A_503 = tpu.vector_load %arg15[%swap3A_501, %swap3A_502] {strides = array<i32>} : memref<49x256xf32, #tpu.memory_space<vmem>>, vector<1x16xf32>,
          %swap3A_504 = vector.shape_cast %swap3A_503 : vector<1x16xf32> to vector<16xf32>
          %swap3A_505 = vector.shape_cast %add3A_500 : vector<16xf32> to vector<1x16xf32>
          tpu.vector_store %arg15[%swap3A_501, %swap3A_502], %swap3A_505 {strides = array<i32>} : memref<49x256xf32, #tpu.memory_space<vmem>>, vector<1x16xf32>,
          %get3A_506 = arith.index_cast %scan3A_96 : i32 to index
          %get3A_507 = arith.constant 160 : index
          %get3A_508 = tpu.vector_load %arg14[%get3A_506, %get3A_507] {strides = array<i32>} : memref<196x256xf32, #tpu.memory_space<vmem>>, vector<1x16xf32>,
          %get3A_509 = vector.shape_cast %get3A_508 : vector<1x16xf32> to vector<16xf32>
          %mul3A_510 = vector.broadcast %squeeze3A_102 : f32 to vector<16xf32>
          %mul3A_511 = arith.mulf %mul3A_510, %get3A_509 : vector<16xf32>
          %add3A_512 = arith.constant 49 : i32
          %add3A_513 = arith.addi %add3A_512, %scan3A_96 : i32
          %get3A_514 = arith.index_cast %add3A_513 : i32 to index
          %get3A_515 = arith.constant 160 : index
          %get3A_516 = tpu.vector_load %arg14[%get3A_514, %get3A_515] {strides = array<i32>} : memref<196x256xf32, #tpu.memory_space<vmem>>, vector<1x16xf32>,
          %get3A_517 = vector.shape_cast %get3A_516 : vector<1x16xf32> to vector<16xf32>
          %mul3A_518 = vector.broadcast %squeeze3A_110 : f32 to vector<16xf32>
          %mul3A_519 = arith.mulf %mul3A_518, %get3A_517 : vector<16xf32>
          %add3A_520 = arith.addf %mul3A_511, %mul3A_519 : vector<16xf32>
          %add3A_521 = arith.constant 98 : i32
          %add3A_522 = arith.addi %add3A_521, %scan3A_96 : i32
          %get3A_523 = arith.index_cast %add3A_522 : i32 to index
          %get3A_524 = arith.constant 160 : index
          %get3A_525 = tpu.vector_load %arg14[%get3A_523, %get3A_524] {strides = array<i32>} : memref<196x256xf32, #tpu.memory_space<vmem>>, vector<1x16xf32>,
          %get3A_526 = vector.shape_cast %get3A_525 : vector<1x16xf32> to vector<16xf32>
          %mul3A_527 = vector.broadcast %squeeze3A_118 : f32 to vector<16xf32>
          %mul3A_528 = arith.mulf %mul3A_527, %get3A_526 : vector<16xf32>
          %add3A_529 = arith.addf %add3A_520, %mul3A_528 : vector<16xf32>
          %add3A_530 = arith.constant 147 : i32
          %add3A_531 = arith.addi %add3A_530, %scan3A_96 : i32
          %get3A_532 = arith.index_cast %add3A_531 : i32 to index
          %get3A_533 = arith.constant 160 : index
          %get3A_534 = tpu.vector_load %arg14[%get3A_532, %get3A_533] {strides = array<i32>} : memref<196x256xf32, #tpu.memory_space<vmem>>, vector<1x16xf32>,
          %get3A_535 = vector.shape_cast %get3A_534 : vector<1x16xf32> to vector<16xf32>
          %mul3A_536 = vector.broadcast %squeeze3A_126 : f32 to vector<16xf32>
          %mul3A_537 = arith.mulf %mul3A_536, %get3A_535 : vector<16xf32>
          %add3A_538 = arith.addf %add3A_529, %mul3A_537 : vector<16xf32>
          %swap3A_539 = arith.index_cast %scan3A_96 : i32 to index
          %swap3A_540 = arith.constant 160 : index
          %swap3A_541 = tpu.vector_load %arg15[%swap3A_539, %swap3A_540] {strides = array<i32>} : memref<49x256xf32, #tpu.memory_space<vmem>>, vector<1x16xf32>,
          %swap3A_542 = vector.shape_cast %swap3A_541 : vector<1x16xf32> to vector<16xf32>
          %swap3A_543 = vector.shape_cast %add3A_538 : vector<16xf32> to vector<1x16xf32>
          tpu.vector_store %arg15[%swap3A_539, %swap3A_540], %swap3A_543 {strides = array<i32>} : memref<49x256xf32, #tpu.memory_space<vmem>>, vector<1x16xf32>,
          %get3A_544 = arith.index_cast %scan3A_96 : i32 to index
          %get3A_545 = arith.constant 176 : index
          %get3A_546 = tpu.vector_load %arg14[%get3A_544, %get3A_545] {strides = array<i32>} : memref<196x256xf32, #tpu.memory_space<vmem>>, vector<1x16xf32>,
          %get3A_547 = vector.shape_cast %get3A_546 : vector<1x16xf32> to vector<16xf32>
          %mul3A_548 = vector.broadcast %squeeze3A_102 : f32 to vector<16xf32>
          %mul3A_549 = arith.mulf %mul3A_548, %get3A_547 : vector<16xf32>
          %add3A_550 = arith.constant 49 : i32
          %add3A_551 = arith.addi %add3A_550, %scan3A_96 : i32
          %get3A_552 = arith.index_cast %add3A_551 : i32 to index
          %get3A_553 = arith.constant 176 : index
          %get3A_554 = tpu.vector_load %arg14[%get3A_552, %get3A_553] {strides = array<i32>} : memref<196x256xf32, #tpu.memory_space<vmem>>, vector<1x16xf32>,
          %get3A_555 = vector.shape_cast %get3A_554 : vector<1x16xf32> to vector<16xf32>
          %mul3A_556 = vector.broadcast %squeeze3A_110 : f32 to vector<16xf32>
          %mul3A_557 = arith.mulf %mul3A_556, %get3A_555 : vector<16xf32>
          %add3A_558 = arith.addf %mul3A_549, %mul3A_557 : vector<16xf32>
          %add3A_559 = arith.constant 98 : i32
          %add3A_560 = arith.addi %add3A_559, %scan3A_96 : i32
          %get3A_561 = arith.index_cast %add3A_560 : i32 to index
          %get3A_562 = arith.constant 176 : index
          %get3A_563 = tpu.vector_load %arg14[%get3A_561, %get3A_562] {strides = array<i32>} : memref<196x256xf32, #tpu.memory_space<vmem>>, vector<1x16xf32>,
          %get3A_564 = vector.shape_cast %get3A_563 : vector<1x16xf32> to vector<16xf32>
          %mul3A_565 = vector.broadcast %squeeze3A_118 : f32 to vector<16xf32>
          %mul3A_566 = arith.mulf %mul3A_565, %get3A_564 : vector<16xf32>
          %add3A_567 = arith.addf %add3A_558, %mul3A_566 : vector<16xf32>
          %add3A_568 = arith.constant 147 : i32
          %add3A_569 = arith.addi %add3A_568, %scan3A_96 : i32
          %get3A_570 = arith.index_cast %add3A_569 : i32 to index
          %get3A_571 = arith.constant 176 : index
          %get3A_572 = tpu.vector_load %arg14[%get3A_570, %get3A_571] {strides = array<i32>} : memref<196x256xf32, #tpu.memory_space<vmem>>, vector<1x16xf32>,
          %get3A_573 = vector.shape_cast %get3A_572 : vector<1x16xf32> to vector<16xf32>
          %mul3A_574 = vector.broadcast %squeeze3A_126 : f32 to vector<16xf32>
          %mul3A_575 = arith.mulf %mul3A_574, %get3A_573 : vector<16xf32>
          %add3A_576 = arith.addf %add3A_567, %mul3A_575 : vector<16xf32>
          %swap3A_577 = arith.index_cast %scan3A_96 : i32 to index
          %swap3A_578 = arith.constant 176 : index
          %swap3A_579 = tpu.vector_load %arg15[%swap3A_577, %swap3A_578] {strides = array<i32>} : memref<49x256xf32, #tpu.memory_space<vmem>>, vector<1x16xf32>,
          %swap3A_580 = vector.shape_cast %swap3A_579 : vector<1x16xf32> to vector<16xf32>
          %swap3A_581 = vector.shape_cast %add3A_576 : vector<16xf32> to vector<1x16xf32>
          tpu.vector_store %arg15[%swap3A_577, %swap3A_578], %swap3A_581 {strides = array<i32>} : memref<49x256xf32, #tpu.memory_space<vmem>>, vector<1x16xf32>,
          %get3A_582 = arith.index_cast %scan3A_96 : i32 to index
          %get3A_583 = arith.constant 192 : index
          %get3A_584 = tpu.vector_load %arg14[%get3A_582, %get3A_583] {strides = array<i32>} : memref<196x256xf32, #tpu.memory_space<vmem>>, vector<1x16xf32>,
          %get3A_585 = vector.shape_cast %get3A_584 : vector<1x16xf32> to vector<16xf32>
          %mul3A_586 = vector.broadcast %squeeze3A_102 : f32 to vector<16xf32>
          %mul3A_587 = arith.mulf %mul3A_586, %get3A_585 : vector<16xf32>
          %add3A_588 = arith.constant 49 : i32
          %add3A_589 = arith.addi %add3A_588, %scan3A_96 : i32
          %get3A_590 = arith.index_cast %add3A_589 : i32 to index
          %get3A_591 = arith.constant 192 : index
          %get3A_592 = tpu.vector_load %arg14[%get3A_590, %get3A_591] {strides = array<i32>} : memref<196x256xf32, #tpu.memory_space<vmem>>, vector<1x16xf32>,
          %get3A_593 = vector.shape_cast %get3A_592 : vector<1x16xf32> to vector<16xf32>
          %mul3A_594 = vector.broadcast %squeeze3A_110 : f32 to vector<16xf32>
          %mul3A_595 = arith.mulf %mul3A_594, %get3A_593 : vector<16xf32>
          %add3A_596 = arith.addf %mul3A_587, %mul3A_595 : vector<16xf32>
          %add3A_597 = arith.constant 98 : i32
          %add3A_598 = arith.addi %add3A_597, %scan3A_96 : i32
          %get3A_599 = arith.index_cast %add3A_598 : i32 to index
          %get3A_600 = arith.constant 192 : index
          %get3A_601 = tpu.vector_load %arg14[%get3A_599, %get3A_600] {strides = array<i32>} : memref<196x256xf32, #tpu.memory_space<vmem>>, vector<1x16xf32>,
          %get3A_602 = vector.shape_cast %get3A_601 : vector<1x16xf32> to vector<16xf32>
          %mul3A_603 = vector.broadcast %squeeze3A_118 : f32 to vector<16xf32>
          %mul3A_604 = arith.mulf %mul3A_603, %get3A_602 : vector<16xf32>
          %add3A_605 = arith.addf %add3A_596, %mul3A_604 : vector<16xf32>
          %add3A_606 = arith.constant 147 : i32
          %add3A_607 = arith.addi %add3A_606, %scan3A_96 : i32
          %get3A_608 = arith.index_cast %add3A_607 : i32 to index
          %get3A_609 = arith.constant 192 : index
          %get3A_610 = tpu.vector_load %arg14[%get3A_608, %get3A_609] {strides = array<i32>} : memref<196x256xf32, #tpu.memory_space<vmem>>, vector<1x16xf32>,
          %get3A_611 = vector.shape_cast %get3A_610 : vector<1x16xf32> to vector<16xf32>
          %mul3A_612 = vector.broadcast %squeeze3A_126 : f32 to vector<16xf32>
          %mul3A_613 = arith.mulf %mul3A_612, %get3A_611 : vector<16xf32>
          %add3A_614 = arith.addf %add3A_605, %mul3A_613 : vector<16xf32>
          %swap3A_615 = arith.index_cast %scan3A_96 : i32 to index
          %swap3A_616 = arith.constant 192 : index
          %swap3A_617 = tpu.vector_load %arg15[%swap3A_615, %swap3A_616] {strides = array<i32>} : memref<49x256xf32, #tpu.memory_space<vmem>>, vector<1x16xf32>,
          %swap3A_618 = vector.shape_cast %swap3A_617 : vector<1x16xf32> to vector<16xf32>
          %swap3A_619 = vector.shape_cast %add3A_614 : vector<16xf32> to vector<1x16xf32>
          tpu.vector_store %arg15[%swap3A_615, %swap3A_616], %swap3A_619 {strides = array<i32>} : memref<49x256xf32, #tpu.memory_space<vmem>>, vector<1x16xf32>,
          %get3A_620 = arith.index_cast %scan3A_96 : i32 to index
          %get3A_621 = arith.constant 208 : index
          %get3A_622 = tpu.vector_load %arg14[%get3A_620, %get3A_621] {strides = array<i32>} : memref<196x256xf32, #tpu.memory_space<vmem>>, vector<1x16xf32>,
          %get3A_623 = vector.shape_cast %get3A_622 : vector<1x16xf32> to vector<16xf32>
          %mul3A_624 = vector.broadcast %squeeze3A_102 : f32 to vector<16xf32>
          %mul3A_625 = arith.mulf %mul3A_624, %get3A_623 : vector<16xf32>
          %add3A_626 = arith.constant 49 : i32
          %add3A_627 = arith.addi %add3A_626, %scan3A_96 : i32
          %get3A_628 = arith.index_cast %add3A_627 : i32 to index
          %get3A_629 = arith.constant 208 : index
          %get3A_630 = tpu.vector_load %arg14[%get3A_628, %get3A_629] {strides = array<i32>} : memref<196x256xf32, #tpu.memory_space<vmem>>, vector<1x16xf32>,
          %get3A_631 = vector.shape_cast %get3A_630 : vector<1x16xf32> to vector<16xf32>
          %mul3A_632 = vector.broadcast %squeeze3A_110 : f32 to vector<16xf32>
          %mul3A_633 = arith.mulf %mul3A_632, %get3A_631 : vector<16xf32>
          %add3A_634 = arith.addf %mul3A_625, %mul3A_633 : vector<16xf32>
          %add3A_635 = arith.constant 98 : i32
          %add3A_636 = arith.addi %add3A_635, %scan3A_96 : i32
          %get3A_637 = arith.index_cast %add3A_636 : i32 to index
          %get3A_638 = arith.constant 208 : index
          %get3A_639 = tpu.vector_load %arg14[%get3A_637, %get3A_638] {strides = array<i32>} : memref<196x256xf32, #tpu.memory_space<vmem>>, vector<1x16xf32>,
          %get3A_640 = vector.shape_cast %get3A_639 : vector<1x16xf32> to vector<16xf32>
          %mul3A_641 = vector.broadcast %squeeze3A_118 : f32 to vector<16xf32>
          %mul3A_642 = arith.mulf %mul3A_641, %get3A_640 : vector<16xf32>
          %add3A_643 = arith.addf %add3A_634, %mul3A_642 : vector<16xf32>
          %add3A_644 = arith.constant 147 : i32
          %add3A_645 = arith.addi %add3A_644, %scan3A_96 : i32
          %get3A_646 = arith.index_cast %add3A_645 : i32 to index
          %get3A_647 = arith.constant 208 : index
          %get3A_648 = tpu.vector_load %arg14[%get3A_646, %get3A_647] {strides = array<i32>} : memref<196x256xf32, #tpu.memory_space<vmem>>, vector<1x16xf32>,
          %get3A_649 = vector.shape_cast %get3A_648 : vector<1x16xf32> to vector<16xf32>
          %mul3A_650 = vector.broadcast %squeeze3A_126 : f32 to vector<16xf32>
          %mul3A_651 = arith.mulf %mul3A_650, %get3A_649 : vector<16xf32>
          %add3A_652 = arith.addf %add3A_643, %mul3A_651 : vector<16xf32>
          %swap3A_653 = arith.index_cast %scan3A_96 : i32 to index
          %swap3A_654 = arith.constant 208 : index
          %swap3A_655 = tpu.vector_load %arg15[%swap3A_653, %swap3A_654] {strides = array<i32>} : memref<49x256xf32, #tpu.memory_space<vmem>>, vector<1x16xf32>,
          %swap3A_656 = vector.shape_cast %swap3A_655 : vector<1x16xf32> to vector<16xf32>
          %swap3A_657 = vector.shape_cast %add3A_652 : vector<16xf32> to vector<1x16xf32>
          tpu.vector_store %arg15[%swap3A_653, %swap3A_654], %swap3A_657 {strides = array<i32>} : memref<49x256xf32, #tpu.memory_space<vmem>>, vector<1x16xf32>,
          %get3A_658 = arith.index_cast %scan3A_96 : i32 to index
          %get3A_659 = arith.constant 224 : index
          %get3A_660 = tpu.vector_load %arg14[%get3A_658, %get3A_659] {strides = array<i32>} : memref<196x256xf32, #tpu.memory_space<vmem>>, vector<1x16xf32>,
          %get3A_661 = vector.shape_cast %get3A_660 : vector<1x16xf32> to vector<16xf32>
          %mul3A_662 = vector.broadcast %squeeze3A_102 : f32 to vector<16xf32>
          %mul3A_663 = arith.mulf %mul3A_662, %get3A_661 : vector<16xf32>
          %add3A_664 = arith.constant 49 : i32
          %add3A_665 = arith.addi %add3A_664, %scan3A_96 : i32
          %get3A_666 = arith.index_cast %add3A_665 : i32 to index
          %get3A_667 = arith.constant 224 : index
          %get3A_668 = tpu.vector_load %arg14[%get3A_666, %get3A_667] {strides = array<i32>} : memref<196x256xf32, #tpu.memory_space<vmem>>, vector<1x16xf32>,
          %get3A_669 = vector.shape_cast %get3A_668 : vector<1x16xf32> to vector<16xf32>
          %mul3A_670 = vector.broadcast %squeeze3A_110 : f32 to vector<16xf32>
          %mul3A_671 = arith.mulf %mul3A_670, %get3A_669 : vector<16xf32>
          %add3A_672 = arith.addf %mul3A_663, %mul3A_671 : vector<16xf32>
          %add3A_673 = arith.constant 98 : i32
          %add3A_674 = arith.addi %add3A_673, %scan3A_96 : i32
          %get3A_675 = arith.index_cast %add3A_674 : i32 to index
          %get3A_676 = arith.constant 224 : index
          %get3A_677 = tpu.vector_load %arg14[%get3A_675, %get3A_676] {strides = array<i32>} : memref<196x256xf32, #tpu.memory_space<vmem>>, vector<1x16xf32>,
          %get3A_678 = vector.shape_cast %get3A_677 : vector<1x16xf32> to vector<16xf32>
          %mul3A_679 = vector.broadcast %squeeze3A_118 : f32 to vector<16xf32>
          %mul3A_680 = arith.mulf %mul3A_679, %get3A_678 : vector<16xf32>
          %add3A_681 = arith.addf %add3A_672, %mul3A_680 : vector<16xf32>
          %add3A_682 = arith.constant 147 : i32
          %add3A_683 = arith.addi %add3A_682, %scan3A_96 : i32
          %get3A_684 = arith.index_cast %add3A_683 : i32 to index
          %get3A_685 = arith.constant 224 : index
          %get3A_686 = tpu.vector_load %arg14[%get3A_684, %get3A_685] {strides = array<i32>} : memref<196x256xf32, #tpu.memory_space<vmem>>, vector<1x16xf32>,
          %get3A_687 = vector.shape_cast %get3A_686 : vector<1x16xf32> to vector<16xf32>
          %mul3A_688 = vector.broadcast %squeeze3A_126 : f32 to vector<16xf32>
          %mul3A_689 = arith.mulf %mul3A_688, %get3A_687 : vector<16xf32>
          %add3A_690 = arith.addf %add3A_681, %mul3A_689 : vector<16xf32>
          %swap3A_691 = arith.index_cast %scan3A_96 : i32 to index
          %swap3A_692 = arith.constant 224 : index
          %swap3A_693 = tpu.vector_load %arg15[%swap3A_691, %swap3A_692] {strides = array<i32>} : memref<49x256xf32, #tpu.memory_space<vmem>>, vector<1x16xf32>,
          %swap3A_694 = vector.shape_cast %swap3A_693 : vector<1x16xf32> to vector<16xf32>
          %swap3A_695 = vector.shape_cast %add3A_690 : vector<16xf32> to vector<1x16xf32>
          tpu.vector_store %arg15[%swap3A_691, %swap3A_692], %swap3A_695 {strides = array<i32>} : memref<49x256xf32, #tpu.memory_space<vmem>>, vector<1x16xf32>,
          %get3A_696 = arith.index_cast %scan3A_96 : i32 to index
          %get3A_697 = arith.constant 240 : index
          %get3A_698 = tpu.vector_load %arg14[%get3A_696, %get3A_697] {strides = array<i32>} : memref<196x256xf32, #tpu.memory_space<vmem>>, vector<1x16xf32>,
          %get3A_699 = vector.shape_cast %get3A_698 : vector<1x16xf32> to vector<16xf32>
          %mul3A_700 = vector.broadcast %squeeze3A_102 : f32 to vector<16xf32>
          %mul3A_701 = arith.mulf %mul3A_700, %get3A_699 : vector<16xf32>
          %add3A_702 = arith.constant 49 : i32
          %add3A_703 = arith.addi %add3A_702, %scan3A_96 : i32
          %get3A_704 = arith.index_cast %add3A_703 : i32 to index
          %get3A_705 = arith.constant 240 : index
          %get3A_706 = tpu.vector_load %arg14[%get3A_704, %get3A_705] {strides = array<i32>} : memref<196x256xf32, #tpu.memory_space<vmem>>, vector<1x16xf32>,
          %get3A_707 = vector.shape_cast %get3A_706 : vector<1x16xf32> to vector<16xf32>
          %mul3A_708 = vector.broadcast %squeeze3A_110 : f32 to vector<16xf32>
          %mul3A_709 = arith.mulf %mul3A_708, %get3A_707 : vector<16xf32>
          %add3A_710 = arith.addf %mul3A_701, %mul3A_709 : vector<16xf32>
          %add3A_711 = arith.constant 98 : i32
          %add3A_712 = arith.addi %add3A_711, %scan3A_96 : i32
          %get3A_713 = arith.index_cast %add3A_712 : i32 to index
          %get3A_714 = arith.constant 240 : index
          %get3A_715 = tpu.vector_load %arg14[%get3A_713, %get3A_714] {strides = array<i32>} : memref<196x256xf32, #tpu.memory_space<vmem>>, vector<1x16xf32>,
          %get3A_716 = vector.shape_cast %get3A_715 : vector<1x16xf32> to vector<16xf32>
          %mul3A_717 = vector.broadcast %squeeze3A_118 : f32 to vector<16xf32>
          %mul3A_718 = arith.mulf %mul3A_717, %get3A_716 : vector<16xf32>
          %add3A_719 = arith.addf %add3A_710, %mul3A_718 : vector<16xf32>
          %add3A_720 = arith.constant 147 : i32
          %add3A_721 = arith.addi %add3A_720, %scan3A_96 : i32
          %get3A_722 = arith.index_cast %add3A_721 : i32 to index
          %get3A_723 = arith.constant 240 : index
          %get3A_724 = tpu.vector_load %arg14[%get3A_722, %get3A_723] {strides = array<i32>} : memref<196x256xf32, #tpu.memory_space<vmem>>, vector<1x16xf32>,
          %get3A_725 = vector.shape_cast %get3A_724 : vector<1x16xf32> to vector<16xf32>
          %mul3A_726 = vector.broadcast %squeeze3A_126 : f32 to vector<16xf32>
          %mul3A_727 = arith.mulf %mul3A_726, %get3A_725 : vector<16xf32>
          %add3A_728 = arith.addf %add3A_719, %mul3A_727 : vector<16xf32>
          %swap3A_729 = arith.index_cast %scan3A_96 : i32 to index
          %swap3A_730 = arith.constant 240 : index
          %swap3A_731 = tpu.vector_load %arg15[%swap3A_729, %swap3A_730] {strides = array<i32>} : memref<49x256xf32, #tpu.memory_space<vmem>>, vector<1x16xf32>,
          %swap3A_732 = vector.shape_cast %swap3A_731 : vector<1x16xf32> to vector<16xf32>
          %swap3A_733 = vector.shape_cast %add3A_728 : vector<16xf32> to vector<1x16xf32>
          tpu.vector_store %arg15[%swap3A_729, %swap3A_730], %swap3A_733 {strides = array<i32>} : memref<49x256xf32, #tpu.memory_space<vmem>>, vector<1x16xf32>,
        }
        %scan3A_89 = arith.constant 49 : i32
        %add3A_90 = arith.addi %mul3A_2, %add3A_60 : i32
        %mul3A_91 = arith.constant 49 : i32
        %mul3A_92 = arith.muli %add3A_90, %mul3A_91 : i32
        %dma_start3A = arith.constant 0 : i32
        %dma_start3A_93 = tpu.memref_slice %arg9[%mul3A_92, %dma_start3A] : memref<49000x256xf32, #tpu.memory_space<hbm>> -> memref<49x256xf32, #tpu.memory_space<hbm>>
        %dma_start3A_94 = arith.constant 0 : i32
        %dma_start3A_95 = tpu.memref_slice %arg9[%mul3A_92, %dma_start3A_94] : memref<49000x256xf32, #tpu.memory_space<hbm>> -> memref<49x256xf32, #tpu.memory_space<hbm>>
        tpu.enqueue_dma source(%arg15 : memref<49x256xf32, #tpu.memory_space<vmem>>) target(%dma_start3A_95 : memref<49x256xf32, #tpu.memory_space<hbm>>) target_semaphore(%arg20 : memref<!tpu.dma_semaphore, #tpu.memory_space<semaphore_mem>>)
      } else {
      }
    }
    %sub3A_37 = arith.constant 1 : i32
    %sub3A_38 = arith.subi %min3A_4, %sub3A_37 : i32
    %add3A_39 = arith.addi %mul3A_2, %sub3A_38 : i32
    %mul3A_40 = arith.constant 49 : i32
    %mul3A_41 = arith.muli %add3A_39, %mul3A_40 : i32
    %dma_wait3A = arith.constant 0 : i32
    %dma_wait3A_42 = tpu.memref_slice %arg9[%mul3A_41, %dma_wait3A] : memref<49000x256xf32, #tpu.memory_space<hbm>> -> memref<49x256xf32, #tpu.memory_space<hbm>>
    %dma_wait3A_43 = arith.constant 0 : i32
    %dma_wait3A_44 = tpu.memref_slice %arg9[%mul3A_41, %dma_wait3A_43] : memref<49000x256xf32, #tpu.memory_space<hbm>> -> memref<49x256xf32, #tpu.memory_space<hbm>>
    tpu.wait_dma2 semaphore(%arg20 : memref<!tpu.dma_semaphore, #tpu.memory_space<semaphore_mem>>) src(%arg15 : memref<49x256xf32, #tpu.memory_space<vmem>>) dst(%dma_wait3A_44 : memref<49x256xf32, #tpu.memory_space<hbm>>)
    return
  }
}

</mosaic_0001>

<sc_bundles>
// kernel: kernel.3.cloned.1.call-start
scs
__scs_entry_jumppad:
0x0: {  	(pc) =	sbr.rel $0x88, $3  }
0x1: {  	(tag) =	ssettag $0x0;
	lr =	simm.s32 $0x1  }
0x2: {  	[smem:$0x3F9B] =	sst lr;
	_ =	strace $0xD0000000  }
0x3: {  	_ = 	snop  }
0x4: {  	_ = 	snop  }
0x5: {  	_ = 	snop  }
0x6: {  	_ = 	snop  }
0x7: {  	_ = 	snop  }
__scs_overlays_trampoline_lowered:
0x8: {  	[smem:$0x3FAA] =	sst s0  }
0x9: {  	[smem:$0x3FAB] =	sst s1  }
0xa: {  	[smem:$0x3FAC] =	sst s2  }
0xb: {  	[smem:$0x3FAD] =	sst s3  }
0xc: {  	[smem:$0x3FAE] =	sst s4  }
0xd: {  	[smem:$0x3FAF] =	sst s5  }
0xe: {  	[smem:$0x3FB0] =	sst s6  }
0xf: {  	[smem:$0x3FB1] =	sst s7  }
0x10: {  	[smem:$0x3FB2] =	sst s8  }
0x11: {  	[smem:$0x3FB3] =	sst s9;
	s0 =	simm.s32 @!p0 $0x0  }
0x12: {  	s1 =	sld [smem:$0x3F99];
	s0 =	simm.s32 @p0 $0x1  }
0x13: {  	[smem:$0x3FB4] =	sst s0;
	s0 =	simm.s32 @!p1 $0x0  }
0x14: {  	s2 =	sld [smem:$0x3F98];
	s0 =	simm.s32 @p1 $0x1  }
0x15: {  	[smem:$0x3FB5] =	sst s0;
	s0 =	simm.s32 @!p2 $0x0  }
0x16: {  	s3 =	sld [smem:$0x3FDB];
	s0 =	simm.s32 @p2 $0x1  }
0x17: {  	s4 =	simm.s32 $0x1BF5;
	[smem:$0x3FB7] =	sst s0  }
0x18: {  	s0 =	sld [smem:$0x3F9A];
	_ =	swait.ge [sflag:s4], $0x0  }
0x19: {  	s7 =	sld [smem:$0x3F9B]  }
0x1a: {  	s8 =	sadd.s32 $0xFFFFE003, lr  }
0x1b: {  	s9 =	sadd.s32 $0xFFFFFEF7, lr;
	s5 =	simm.s32 $0xFFFFFFFF;
	p2 =	slt.u32 s8, $0xFFFFF086  }
0x1c: {  	p1 =	slt.u32 s9, $0xF7A;
	s5 =	simm.s32 @!p2 $0x0  }
0x1d: {  	s5 =	simm.s32 @p1 $0x1;
	p0 =	seq.s32 s7, s2  }
0x1e: {  	s7 =	smul.u32 @!p0 $0xF7A, s2;
	p2 =	seq.s32 @!p0 s5, $0x0  }
0x1f: {  	s9 =	smul.u32 $0xF7A, s1;
	s8 =	simm.s32 @!p0 $0x1BF5;
	p2 =	por !p2, p0  }
0x20: {  	[sflag:s8] =	ssyncset.s32 @!p0 $0xFFFFF086;
	s6 =	sadd.s32 @!p0 s3, s7;
	s7 =	simm.s32 @!p0 $0x108  }
0x21: {  	s3 =	sadd.s32 s3, s9;
	s6 =	sadd.s32 @!p0 $0x88, s6;
	s7 =	simm.s32 @p2 $0x1082  }
0x22: {  	[simem:s7], [sflag:s8] =	dma.local @!p0 [hbm:s6], $0xF7A  }
0x23: {  	s9 =	sor.u32 $0xD0000000, s2;
	s6 =	simm.s32 $0x108;
	_ =	swait.ge @!p0 [sflag:s8], $0x0  }
0x24: {  	s3 =	sadd.s32 $0x88, s3;
	s6 =	simm.s32 @!p1 $0x1082;
	[sflag:s4] =	ssyncset.s32 $0xFFFFF086  }
0x25: {  	[simem:s6], [sflag:s4] =	dma.local [hbm:s3], $0xF7A  }
0x26: {  	[smem:$0x3F9B] =	sst s1;
	(tag) =	ssettag s2;
	_ =	strace s9  }
0x27: {  	s1 =	sld [smem:$0x3FAB]  }
0x28: {  	s2 =	sld [smem:$0x3FAC]  }
0x29: {  	s4 =	sld [smem:$0x3FAE]  }
0x2a: {  	p0 =	seq.s32 s5, $0x0;
	s5 =	sld [smem:$0x3FAF]  }
0x2b: {  	s6 =	sld [smem:$0x3FB0]  }
0x2c: {  	s7 =	sld [smem:$0x3FB1]  }
0x2d: {  	s3 =	simm.s32 $0x108;
	s8 =	sld [smem:$0x3FB2]  }
0x2e: {  	s3 =	simm.s32 @!p0 $0x1082;
	s9 =	sld [smem:$0x3FB3]  }
0x2f: {  	lr =	sadd.s32 s0, s3;
	s0 =	sld [smem:$0x3FAA]  }
0x30: {  	s3 =	sld [smem:$0x3FAD]  }
0x31: {  	[smem:$0x3FB6] =	sst s10  }
0x32: {  	s10 =	sld [smem:$0x3FB4];
	_ =	sdelay $0x3  }
0x33: {  	p0 =	seq.s32 s10, $0x1;
	s10 =	sld [smem:$0x3FB6];
	_ =	sdelay $0x3  }
0x34: {  	[smem:$0x3FB6] =	sst s10  }
0x35: {  	s10 =	sld [smem:$0x3FB5];
	_ =	sdelay $0x3  }
0x36: {  	p1 =	seq.s32 s10, $0x1;
	s10 =	sld [smem:$0x3FB6];
	_ =	sdelay $0x3  }
0x37: {  	[smem:$0x3FB6] =	sst s10  }
0x38: {  	s10 =	sld [smem:$0x3FB7]  }
0x39: {  	_ = 	snop;
	(pc) =	sbr.ind lr, $3  }
0x3a: {  	_ = 	snop  }
0x3b: {  	_ = 	snop  }
0x3c: {  	p2 =	seq.s32 s10, $0x1;
	s10 =	sld [smem:$0x3FB6]  }
0x3d: {  	_ =	shalt  }
0x3e: {  	_ =	shalt  }
0x3f: {  	_ =	shalt  }
0x40: {  	_ =	shalt  }
0x41: {  	_ =	shalt  }
0x42: {  	_ =	shalt  }
0x43: {  	_ =	shalt  }
0x44: {  	_ =	shalt  }
0x45: {  	_ =	shalt  }
0x46: {  	_ =	shalt  }
0x47: {  	_ =	shalt  }
0x48: {  	_ =	shalt  }
0x49: {  	_ =	shalt  }
0x4a: {  	_ =	shalt  }
0x4b: {  	_ =	shalt  }
0x4c: {  	_ =	shalt  }
0x4d: {  	_ =	shalt  }
0x4e: {  	_ =	shalt  }
0x4f: {  	_ =	shalt  }
0x50: {  	_ =	shalt  }
0x51: {  	_ =	shalt  }
0x52: {  	_ =	shalt  }
0x53: {  	_ =	shalt  }
0x54: {  	_ =	shalt  }
0x55: {  	_ =	shalt  }
0x56: {  	_ =	shalt  }
0x57: {  	_ =	shalt  }
0x58: {  	_ =	shalt  }
0x59: {  	_ =	shalt  }
0x5a: {  	_ =	shalt  }
0x5b: {  	_ =	shalt  }
0x5c: {  	_ =	shalt  }
0x5d: {  	_ =	shalt  }
0x5e: {  	_ =	shalt  }
0x5f: {  	_ =	shalt  }
0x60: {  	_ =	shalt  }
0x61: {  	_ =	shalt  }
0x62: {  	_ =	shalt  }
0x63: {  	_ =	shalt  }
0x64: {  	_ =	shalt  }
0x65: {  	_ =	shalt  }
0x66: {  	_ =	shalt  }
0x67: {  	_ =	shalt  }
0x68: {  	_ =	shalt  }
0x69: {  	_ =	shalt  }
0x6a: {  	_ =	shalt  }
0x6b: {  	_ =	shalt  }
0x6c: {  	_ =	shalt  }
0x6d: {  	_ =	shalt  }
0x6e: {  	_ =	shalt  }
0x6f: {  	_ =	shalt  }
0x70: {  	_ =	shalt  }
0x71: {  	_ =	shalt  }
0x72: {  	_ =	shalt  }
0x73: {  	_ =	shalt  }
0x74: {  	_ =	shalt  }
0x75: {  	_ =	shalt  }
0x76: {  	_ =	shalt  }
0x77: {  	_ =	shalt  }
0x78: {  	_ =	shalt  }
0x79: {  	_ =	shalt  }
0x7a: {  	_ =	shalt  }
0x7b: {  	_ =	shalt  }
0x7c: {  	_ =	shalt  }
0x7d: {  	_ =	shalt  }
0x7e: {  	_ =	shalt  }
0x7f: {  	_ =	shalt  }
0x80: {  	_ =	shalt  }
0x81: {  	_ =	shalt  }
0x82: {  	_ =	shalt  }
0x83: {  	_ =	shalt  }
0x84: {  	_ =	shalt  }
0x85: {  	_ =	shalt  }
0x86: {  	_ =	shalt  }
0x87: {  	_ =	shalt  }
.Lfunc_end0:
.L_simem_size_0:
called_computation.2_lowered:
.L_overlay_start_0:
0x88: {  	s2 =	sld [smem:$0x3FD9]  }
0x89: {  	s3 =	sld [smem:$0x3FFE];
	_ =	sdelay $0x1  }
0x8a: {  	s1 =	srdreg.scid  }
0x8b: {  	s0 =	sand.u32 $0x1, s1  }
0x8c: {  	s17 =	sshll.u32 s0, $0xA;
	s2 =	sadd.s32 s3, s2  }
0x8d: {  	s2 =	sadd.s32 s2, s17  }
0x8e: {  	[smem:$0x3FC2] =	sst s2  }
0x8f: {  	_ = 	snop  }
0x90: {  	s2 =	sld [smem:$0x3FD0];
	(tm) =	ssettm $0x1  }
0x91: {  	s18 =	sld [smem:$0x3FFB];
	_ =	sdelay $0x3  }
0x92: {  	_ =	strace s18  }
0x93: {  	s3 =	sld [smem:$0x3FFC];
	_ =	sdelay $0x3  }
0x94: {  	_ =	strace s3  }
0x95: {  	s3 =	sld [smem:$0x3FFD];
	_ =	sdelay $0x3  }
0x96: {  	_ =	strace s3  }
0x97: {  	_ =	strace $0x8FFFFFFF  }
0x98: {  	s19 =	sld [smem:$0x3FDB];
	_ =	sdelay $0x1  }
0x99: {  	s4 =	simm.s32 $_scs_section_size  }
0x9a: {  	s5 =	simm.s32 $_size__tile_overlayer_lowered;
	s6 =	simm.s32 $_tile_overlayer_lowered  }
0x9b: {  	s22 =	simm.s32 $0x1BFF;
	s21 =	sshll.u32 s6, $0x1;
	s3 =	sadd.s32 s4, s19  }
0x9c: {  	s7 =	simm.s32 $0x0;
	s20 =	sshll.u32 s5, $0x1;
	s5 =	sadd.s32 s21, s3  }
0x9d: {  	[timem:s7], [sflag:s22] =	dma.local [hbm:s5], s20  }
0x9e: {  	_ =	swait.ge [sflag:s22], s20  }
0x9f: {  	s4 =	ssub.s32 $0x0, s20;
	[sflag:s22] =	ssyncset.done $0x0  }
0xa0: {  	[sflag:s22] =	ssyncadd.s32 s4;
	_ =	sdelay $0x1  }
0xa1: {  	s23 =	simm.s32 $0x1B8B  }
0xa2: {  	_ =	swait.ge [sflag:s23], $0x1  }
0xa3: {  	[sflag:s23] =	ssyncset.done $0x0  }
0xa4: {  	s25 =	simm.s32 $0x1B8E;
	s24 =	sld [smem:$0x3FFE];
	[sflag:s23] =	ssyncadd.s32 $0xFFFFFFFF  }
0xa5: {  	s26 =	simm.s32 $execute0_lowered;
	[smem:$0x3FD2] =	sst s25  }
0xa6: {  	s5 =	sshll.u32 s26, $0x1;
	_ =	strace $0x80000049;
	[dreg:$0x1] =	wrdreg $0xFFFFFFFF  }
0xa7: {  	s28 =	simm.s32 $_size_execute0_lowered;
	s3 =	sadd.s32 s3, s5;
	[dreg:$0x0] =	wrdreg $0x0  }
0xa8: {  	s5 =	sshll.u32 s28, $0x1;
	[dreg:$0x2] =	wrdreg s3  }
0xa9: {  	[dreg:$0x3] =	wrdreg s5  }
0xaa: {  	[dreg:$0x4] =	wrdreg $0xC0  }
0xab: {  	_ =	task [dreg:s7], $0x5FFFF  }
0xac: {  	[dreg:$0x1] =	wrdreg $0xFFFFFFFF  }
0xad: {  	[dreg:$0x0] =	wrdreg $0x60  }
0xae: {  	[dreg:$0x2] =	wrdreg s24  }
0xaf: {  	[dreg:$0x3] =	wrdreg s2  }
0xb0: {  	[dreg:$0x4] =	wrdreg $0x9  }
0xb1: {  	_ =	task.clear_ibuf [dreg:s7], $0x5FFFF;
	_ =	strace $0x90000049  }
0xb2: {  	s29 =	simm.s32 $0x9;
	_ =	strace $0x8000004B  }
0xb3: {  	_ =	swait.ge [sflag:s29], $0x1  }
0xb4: {  	[sflag:s29] =	ssyncadd.s32 $0xFFFFFFFF  }
0xb5: {  	_ =	strace $0x9000004B  }
0xb6: {  	_ =	sfence  }
0xb7: {  	s30 =	sld [smem:$0x0];
	_ =	sdelay $0x2  }
0xb8: {  	s31 =	sshll.u32 s1, $0xD;
	s1 =	sshrl.u32 s1, $0x2  }
0xb9: {  	s3 =	sand.u32 $0x4000, s31;
	s1 =	sadd.s32 s1, s30  }
0xba: {  	s0 =	sor.u32 s3, s0;
	s1 =	sshll.u32 s1, $0x11  }
0xbb: {  	s0 =	sor.u32 s1, s0  }
0xbc: {  	s0 =	sadd.s32 $0x8F2B, s0  }
0xbd: {  	[sflag:s0] =	ssyncadd.remote.s32 $0x1  }
0xbe: {  	_ =	sfence.sel $0xFFFF  }
0xbf: {  	[dreg:$0x0] =	wrdreg $0xFFFFFFFF;
	(pc) =	sbr.abs _section_cstart, $3  }
0xc0: {  	[dreg:$0x1] =	wrdreg $0xFFFFFFFF  }
0xc1: {  	_ =	task.clear_ibuf [dreg:s7], $0x2FFFF;
	_ =	strace $0x9FFFFFFF  }
0xc2: {  	(tm) =	ssettm $0x7FFFFFFF  }
0xc3: {  	_ =	shalt  }
tec
execute0_lowered:
.L_overlay_start_1:
0x0: {  	(tag) =	ssettag $0x1  }
0x1: {  	s0 =	rddreg [dreg:$0x0]  }
0x2: {  	s2 =	rddreg [dreg:$0x1]  }
0x3: {  	s1 =	srdreg.scid;
	s14 =	stileid.u32  }
0x4: {  	s3 =	simm.s32 $0x0;
	s15 =	simm.s32 $0x6;
	s22 =	simm.s32 $0x1  }
0x5: {  	s28 =	simm.s32 $0x5;
	s29 =	simm.s32 $0x0;
	s1 =	sand.u32 $0x1, s1  }
0x6: {  	s4 =	sshll.u32 s14, $0x1;
	[smem:$0x7FF] =	sst s3;
	s5 =	sadd.s32 $0x238400, s0  }
0x7: {  	s6 =	sadd.s32 $0x218400, s0;
	s7 =	sadd.s32 $0x210400, s0;
	s24 =	sshll.u32 s14, $0x6  }
0x8: {  	s8 =	sor.u32 s1, s4;
	_ =	strace $0x8000004A;
	s4 =	sadd.s32 $0x2E00, s0  }
0x9: {  	s23 =	ssub.s32 $0x2, s1;
	s1 =	sshll.u32 s1, $0x5;
	s9 =	smul.u32 $0x340, s8  }
0xa: {  	s10 =	smul.u32 $0x360, s8;
	s11 =	sshll.u32 s8, $0x2;
	s25 =	sshrl.u32 s23, $0x1  }
0xb: {  	s8 =	sshll.u32 s8, $0x5;
	s1 =	sor.u32 s24, s1;
	s24 =	simm.s32 $0x1BD30  }
0xc: {  	s26 =	ssub.s32 s23, s25;
	s30 =	sxor.u32 $0x3E8, s8;
	s1 =	sxor.u32 $0x3E8, s1  }
.Ltmp0:
0xd: {  	s23 =	simm.s32 $0x2;
	s25 =	simm.s32 $0x3;
	(pc) =	sbr.rel .LBB2_1-.Ltmp0, $4  }
0xe: {  	s12 =	sadd.s32 s9, s0;
	s13 =	sadd.s32 s10, s0;
	s0 =	sadd.s32 s11, s0  }
0xf: {  	s9 =	smin.u32 s30, $0x20;
	s1 =	smin.u32 s1, $0x20;
	s14 =	smax.u32 s26, $0x1  }
0x10: {  	s26 =	simm.s32 $0x4;
	s31 =	sadd.s32 $0x209C00, s12;
	s11 =	sadd.s32 $0x203000, s13  }
0x11: {  	s12 =	sadd.s32 $0x202E00, s0;
	s13 =	sshrl.u32 s1, $0x1;
	[dreg:$0x3] =	wrdreg s31  }
.LBB2_11:
0x12: {  	s29 =	sadd.s32 $0x1, s29  }
0x13: {  	p0 =	sne.s32 s29, s14  }
.Ltmp1:
0x14: {  	_ = 	snop;
	(pc) =	sbr.rel @!p0 .LBB2_12-.Ltmp1, $4  }
0x15: {  	_ = 	snop  }
0x16: {  	_ =	swait.ge [sflag:s28], $0x3100  }
0x17: {  	[sflag:s28] =	ssyncset.done $0x0  }
0x18: {  	[sflag:s28] =	ssyncadd.s32 $0xFFFFCF00  }
.LBB2_1:
0x19: {  	s0 =	rddreg [dreg:$0x3]  }
0x1a: {  	[tilespmem:s3], [sflag:$0x6] =	stream.linear.gather [hbm4b:s0+s3], $0x1A00, $0x38;
	[tilespmem:$0x1EE30] =	vst v63  }
0x1b: {  	_ =	swait.ge [sflag:s15], $0x1A00  }
0x1c: {  	[sflag:s15] =	ssyncset.done $0x0  }
0x1d: {  	s17 =	simm.s32 $0x1A00;
	[sflag:s15] =	ssyncadd.s32 $0xFFFFE600  }
0x1e: {  	[tilespmem:s17], [sflag:$0x6] =	stream.linear.gather [hbm4b:s11+s3], $0x1B00, $0x38;
	[tilespmem:$0x1EE30] =	vst v63  }
0x1f: {  	_ =	swait.ge [sflag:s15], $0x1B00  }
0x20: {  	[sflag:s15] =	ssyncset.done $0x0  }
0x21: {  	s18 =	simm.s32 $0x3500;
	[sflag:s15] =	ssyncadd.s32 $0xFFFFE500  }
0x22: {  	[tilespmem:s18], [sflag:$0x6] =	stream.linear.gather [hbm4b:s12+s3], $0x30, $0x38;
	[tilespmem:$0x1EE30] =	vst v63  }
0x23: {  	_ =	swait.ge [sflag:s15], $0x30  }
0x24: {  	[sflag:s15] =	ssyncset.done $0x0  }
0x25: {  	[sflag:s15] =	ssyncadd.s32 $0xFFFFFFD0  }
0x26: {  	v0 =	vld [tilespmem:$0x3500];
	_ =	sdelay $0x4  }
0x27: {  	(v2sf) =	vpush v0, $0x0;
	_ =	sdelay $0xe  }
0x28: {  	s1 =	smov.u32 s5;
	s16 =	smov.u32 s7;
	s19 =	spop (v2sf)  }
0x29: {  	p0 =	seq.s32 s19, $0x2;
	p1 =	seq.s32 s19, $0x4;
	p2 =	slt.s32 s19, $0x4  }
.Ltmp2:
0x2a: {  	s1 =	smov.u32 @p0 s4;
	s16 =	smov.u32 @p1 s6;
	(pc) =	sbr.rel .LBB2_2-.Ltmp2, $4  }
0x2b: {  	s20 =	simm.s32 $0x62;
	s21 =	simm.s32 $0x3530;
	s16 =	smov.u32 @p2 s1  }
0x2c: {  	[tilespmem:s21], [sflag:$0x1] =	stream.indirect.gather [hbm4b:s16+s20], $0x100, s3, s20, $0xb8;
	[tilespmem:$0x1EE30] =	vst v63  }
0x2d: {  	s31 =	simm.s32 $0x68;
	s10 =	simm.s32 $0x9730;
	s30 =	simm.s32 $0x0  }
0x2e: {  	[tilespmem:s10], [sflag:$0x2] =	stream.indirect.gather [hbm4b:s16+s20], $0x100, s31, s20, $0xb8;
	[tilespmem:$0x1EE30] =	vst v63  }
.LBB2_10:
0x2f: {  	s30 =	sadd.s32 $0x1, s30  }
0x30: {  	p0 =	sne.s32 s30, s13  }
.Ltmp3:
0x31: {  	_ = 	snop;
	(pc) =	sbr.rel @!p0 .LBB2_11-.Ltmp3, $1  }
0x32: {  	_ =	sdelay $0x3  }
.LBB2_2:
0x33: {  	s31 =	sshllo.u32 s30, $0x1  }
0x34: {  	s0 =	sshll.u32 s30, $0x1;
	p0 =	sge.u32 s31, s9  }
0x35: {  	v0 =	vld @!p0 [tilespmem:s0+$0x3501];
	_ =	sdelay $0x4  }
0x36: {  	(v2sf) =	vpush @!p0 v0, $0x0;
	_ =	sdelay $0xe  }
0x37: {  	s1 =	spop @!p0 (v2sf)  }
0x38: {  	p1 =	seq.s32 @!p0 s1, $0x2;
	p2 =	seq.s32 @!p0 s1, $0x4  }
0x39: {  	s17 =	smov.u32 s4;
	p1 =	por !p1, p0;
	p2 =	por !p2, p0  }
0x3a: {  	s17 =	smov.u32 @p1 s5;
	p1 =	slt.s32 @!p0 s1, $0x4;
	s1 =	smov.u32 s6  }
0x3b: {  	s1 =	smov.u32 @p2 s7;
	p1 =	por !p1, p0  }
0x3c: {  	s16 =	smul.u32 @!p0 $0x340, s31;
	s17 =	smov.u32 @p1 s1;
	p1 =	sge.u32 s0, s9  }
.Ltmp4:
0x3d: {  	_ = 	snop;
	(pc) =	sbr.rel @p1 .LBB2_6-.Ltmp4, $4  }
0x3e: {  	s19 =	simm.s32 @!p0 $0xF930;
	s16 =	sshra.s32 @!p0 s16, $0x2;
	s1 =	simm.s32 @!p0 $0x62  }
0x3f: {  	[tilespmem:s19], [sflag:$0x3] =	stream.indirect.gather @!p0 [hbm4b:s17+s1], $0x100, s16, s1, $0xb8;
	[tilespmem:$0x1EE30] =	vst v63  }
0x40: {  	s16 =	sadd.s32 @!p0 $0x68, s16;
	s19 =	simm.s32 @!p0 $0x15B30  }
0x41: {  	[tilespmem:s19], [sflag:$0x4] =	stream.indirect.gather @!p0 [hbm4b:s17+s1], $0x100, s16, s1, $0xb8;
	[tilespmem:$0x1EE30] =	vst v63  }
0x42: {  	_ =	swait.ge [sflag:s22], $0x6200  }
0x43: {  	[sflag:s22] =	ssyncset.done $0x0  }
0x44: {  	[sflag:s22] =	ssyncadd.s32 $0xFFFF9E00  }
0x45: {  	_ =	swait.ge [sflag:s23], $0x6200  }
0x46: {  	p1 =	seq.s32 s30, $0x0;
	[sflag:s23] =	ssyncset.done $0x0  }
0x47: {  	s16 =	smul.u32 $0x6C0, s30;
	s1 =	simm.s32 @!p1 $0x5;
	[sflag:s23] =	ssyncadd.s32 $0xFFFF9E00  }
0x48: {  	_ =	swait.ge @!p1 [sflag:s1], $0x3100  }
0x49: {  	s17 =	simm.s32 $0x0;
	s21 =	sshra.s32 s16, $0x2;
	[sflag:s1] =	ssyncset.done @!p1 $0x0  }
0x4a: {  	s16 =	simm.s32 $0x0;
	[sflag:s1] =	ssyncadd.s32 @!p1 $0xFFFFCF00;
	s1 =	sadd.s32 $0x1A00, s21  }
.LBB2_4:
0x4b: {  	s19 =	sand.u32 $0x38, s17  }
0x4c: {  	s21 =	sadd.s32 s19, s1;
	s19 =	sshra.s32 s16, $0x2  }
0x4d: {  	v4 =	vld [tilespmem:s19+$0x3530]  }
0x4e: {  	v5 =	vld [tilespmem:s19+$0x6630]  }
0x4f: {  	v6 =	vld [tilespmem:s19+$0x9730]  }
0x50: {  	v7 =	vld [tilespmem:s19+$0xC830]  }
0x51: {  	v8 =	vld [tilespmem:s19+$0x3540]  }
0x52: {  	v9 =	vld [tilespmem:s19+$0x6640]  }
0x53: {  	v10 =	vld [tilespmem:s19+$0x9740]  }
0x54: {  	v11 =	vld [tilespmem:s19+$0xC840]  }
0x55: {  	v12 =	vld [tilespmem:s19+$0x3550]  }
0x56: {  	v13 =	vld [tilespmem:s19+$0x6650]  }
0x57: {  	v14 =	vld [tilespmem:s19+$0x9750]  }
0x58: {  	v15 =	vld [tilespmem:s19+$0xC850]  }
0x59: {  	v16 =	vld [tilespmem:s19+$0x3560]  }
0x5a: {  	v17 =	vld [tilespmem:s19+$0x6660]  }
0x5b: {  	v18 =	vld [tilespmem:s19+$0x9760]  }
0x5c: {  	v19 =	vld [tilespmem:s19+$0xC860]  }
0x5d: {  	v20 =	vld [tilespmem:s19+$0x3570]  }
0x5e: {  	v21 =	vld [tilespmem:s19+$0x6670]  }
0x5f: {  	v22 =	vld [tilespmem:s19+$0x9770]  }
0x60: {  	v23 =	vld [tilespmem:s19+$0xC870]  }
0x61: {  	v24 =	vld [tilespmem:s19+$0x3580]  }
0x62: {  	v25 =	vld [tilespmem:s19+$0x6680]  }
0x63: {  	v26 =	vld [tilespmem:s19+$0x9780]  }
0x64: {  	v27 =	vld [tilespmem:s19+$0xC880]  }
0x65: {  	v28 =	vld [tilespmem:s19+$0x3590]  }
0x66: {  	v29 =	vld [tilespmem:s19+$0x6690]  }
0x67: {  	s20 =	sand.u32 $0x7, s17;
	v30 =	vld [tilespmem:s19+$0x9790]  }
0x68: {  	s20 =	sadd.s32 s20, s21;
	v31 =	vld [tilespmem:s19+$0xC890]  }
0x69: {  	s18 =	sadd.s32 $0x31, s17;
	v1 =	vld.msk [tilespmem:s20+$0x0 ss:$0x0], $0xffff  }
0x6a: {  	s10 =	sand.u32 $0x78, s18;
	v32 =	vld [tilespmem:s19+$0x35A0]  }
0x6b: {  	s18 =	sand.u32 $0x7, s18;
	s21 =	sadd.s32 s10, s1;
	v33 =	vld [tilespmem:s19+$0x66A0]  }
0x6c: {  	v34 =	vld [tilespmem:s19+$0x97A0];
	s18 =	sadd.s32 s18, s21  }
0x6d: {  	v3 =	vld.msk [tilespmem:s18+$0x0 ss:$0x0], $0xffff  }
0x6e: {  	s10 =	sadd.s32 $0x62, s17;
	v35 =	vld [tilespmem:s19+$0xC8A0];
	v4 =	vmul.f32 v4, v1  }
0x6f: {  	v36 =	vld [tilespmem:s19+$0x35B0];
	s21 =	sand.u32 $0xF8, s10;
	v8 =	vmul.f32 v8, v1;
	v52 =	vmul.f32 v12, v1  }
0x70: {  	v57 =	vld [tilespmem:s19+$0x66C0];
	s10 =	sand.u32 $0x7, s10;
	s20 =	sadd.s32 s21, s1;
	v54 =	vmul.f32 v16, v1;
	v62 =	vmul.f32 v20, v1  }
0x71: {  	v43 =	vld [tilespmem:s19+$0x35E0];
	s10 =	sadd.s32 s10, s20;
	v24 =	vmul.f32 v24, v1;
	v44 =	vmul.f32 v28, v1  }
0x72: {  	v2 =	vld.msk [tilespmem:s10+$0x0 ss:$0x0], $0xffff;
	v47 =	vmul.f32 v32, v1;
	v5 =	vmul.f32 v5, v3  }
0x73: {  	v59 =	vld [tilespmem:s19+$0x97C0];
	v9 =	vmul.f32 v9, v3;
	v53 =	vmul.f32 v13, v3  }
0x74: {  	v37 =	vld [tilespmem:s19+$0x97D0];
	s21 =	sadd.s32 $0x93, s17;
	v55 =	vmul.f32 v17, v3;
	v63 =	vmul.f32 v21, v3  }
0x75: {  	v40 =	vld [tilespmem:s19+$0xC8D0];
	s20 =	sand.u32 $0xF8, s21;
	v25 =	vmul.f32 v25, v3;
	v45 =	vmul.f32 v29, v3  }
0x76: {  	v46 =	vld [tilespmem:s19+$0x66E0];
	s21 =	sand.u32 $0x7, s21;
	s18 =	sadd.s32 s20, s1;
	v48 =	vmul.f32 v33, v3;
	v33 =	vmul.f32 v43, v1  }
0x77: {  	v49 =	vld [tilespmem:s19+$0x97E0];
	s21 =	sadd.s32 s21, s18;
	v4 =	vadd.f32 v5, v4;
	v50 =	vmul.f32 v6, v2;
	v8 =	vadd.f32 v9, v8  }
0x78: {  	v0 =	vld.msk [tilespmem:s21+$0x0 ss:$0x0], $0xffff;
	v51 =	vmul.f32 v10, v2;
	v5 =	vadd.f32 v53, v52;
	v56 =	vmul.f32 v14, v2  }
0x79: {  	v12 =	vld [tilespmem:s19+$0xC8C0];
	v9 =	vadd.f32 v55, v54;
	v58 =	vmul.f32 v18, v2;
	v38 =	vmul.f32 v22, v2  }
0x7a: {  	v13 =	vld [tilespmem:s19+$0xC8B0];
	v41 =	vmul.f32 v26, v2;
	v16 =	vadd.f32 v45, v44;
	v52 =	vmul.f32 v34, v2  }
0x7b: {  	v17 =	vld [tilespmem:s19+$0x35C0];
	v20 =	vadd.f32 v48, v47;
	v54 =	vmul.f32 v36, v1;
	v14 =	vmul.f32 v57, v3  }
0x7c: {  	v43 =	vld [tilespmem:s19+$0x3620];
	v34 =	vmul.f32 v46, v3;
	v37 =	vmul.f32 v37, v2;
	v4 =	vadd.f32 v50, v4  }
0x7d: {  	v6 =	vld [tilespmem:s19+$0x66B0];
	v8 =	vadd.f32 v51, v8;
	v7 =	vmul.f32 v7, v0;
	v11 =	vmul.f32 v11, v0  }
0x7e: {  	v10 =	vld [tilespmem:s19+$0x97B0];
	v5 =	vadd.f32 v56, v5;
	v60 =	vmul.f32 v15, v0;
	v61 =	vmul.f32 v19, v0  }
0x7f: {  	v53 =	vld [tilespmem:s19+$0x35F0];
	v9 =	vadd.f32 v58, v9;
	v39 =	vmul.f32 v23, v0;
	v42 =	vmul.f32 v27, v0  }
0x80: {  	v55 =	vld [tilespmem:s19+$0x66F0];
	v50 =	vmul.f32 v30, v2;
	v20 =	vadd.f32 v52, v20;
	v31 =	vmul.f32 v31, v0  }
0x81: {  	v22 =	vld [tilespmem:s19+$0xC8F0];
	v57 =	vmul.f32 v35, v0;
	v58 =	vmul.f32 v59, v2;
	v4 =	vadd.f32 v7, v4  }
0x82: {  	v48 =	vld [tilespmem:s19+$0x9810];
	v12 =	vmul.f32 v12, v0;
	v8 =	vadd.f32 v11, v8;
	v5 =	vadd.f32 v60, v5  }
0x83: {  	v15 =	vld [tilespmem:s19+$0x35D0];
	v17 =	vmul.f32 v17, v1;
	v9 =	vadd.f32 v61, v9;
	v7 =	vadd.f32 v63, v62  }
0x84: {  	v19 =	vld [tilespmem:s19+$0x66D0];
	v11 =	vadd.f32 v25, v24;
	v16 =	vadd.f32 v50, v16;
	v60 =	vmul.f32 v13, v0  }
0x85: {  	v59 =	vld [tilespmem:s19+$0x3600];
	v20 =	vadd.f32 v57, v20;
	v6 =	vmul.f32 v6, v3;
	v10 =	vmul.f32 v10, v2  }
0x86: {  	v56 =	vld [tilespmem:s19+$0x97F0];
	v14 =	vadd.f32 v14, v17;
	v44 =	vmul.f32 v53, v1;
	v45 =	vmul.f32 v55, v3  }
0x87: {  	v35 =	vld [tilespmem:s19+$0x3610];
	v57 =	vmul.f32 v22, v0;
	v7 =	vadd.f32 v38, v7;
	v11 =	vadd.f32 v41, v11  }
0x88: {  	v51 =	vld [tilespmem:s19+$0xC8E0];
	v16 =	vadd.f32 v31, v16;
	v38 =	vmul.f32 v40, v0;
	v40 =	vadd.f32 v34, v33  }
0x89: {  	v61 =	vld [tilespmem:s19+$0x6700];
	v41 =	vmul.f32 v49, v2;
	v6 =	vadd.f32 v6, v54;
	v63 =	vmul.f32 v15, v1  }
0x8a: {  	v62 =	vld [tilespmem:s19+$0x9800];
	[tilespmem:s19+$0x1BD30] =	vst v4;
	v14 =	vadd.f32 v58, v14;
	v31 =	vmul.f32 v19, v3;
	v47 =	vmul.f32 v59, v1  }
0x8b: {  	[tilespmem:s19+$0x1BD50] =	vst v5;
	v5 =	vadd.f32 v45, v44;
	v49 =	vmul.f32 v56, v2;
	v7 =	vadd.f32 v39, v7;
	v39 =	vld [tilespmem:s19+$0x6710]  }
0x8c: {  	v46 =	vld [tilespmem:s19+$0x6720];
	[tilespmem:s19+$0x1BD40] =	vst v8;
	v53 =	vmul.f32 v35, v1;
	v1 =	vmul.f32 v43, v1;
	v11 =	vadd.f32 v42, v11  }
0x8d: {  	v32 =	vld [tilespmem:s19+$0xC900];
	[tilespmem:s19+$0x1BD60] =	vst v9;
	v58 =	vmul.f32 v48, v2;
	v8 =	vadd.f32 v41, v40;
	v6 =	vadd.f32 v10, v6  }
0x8e: {  	v50 =	vld [tilespmem:s19+$0x9820];
	[tilespmem:s19+$0x1BDA0] =	vst v20;
	v42 =	vmul.f32 v51, v0;
	v12 =	vadd.f32 v12, v14;
	v36 =	vadd.f32 v31, v63  }
0x8f: {  	v52 =	vld [tilespmem:s19+$0xC910];
	[tilespmem:s19+$0x1BD90] =	vst v16;
	v13 =	vmul.f32 v61, v3;
	v51 =	vmul.f32 v62, v2;
	v5 =	vadd.f32 v49, v5  }
0x90: {  	v55 =	vld [tilespmem:s19+$0xC920];
	[tilespmem:s19+$0x1BD70] =	vst v7;
	v8 =	vadd.f32 v42, v8;
	v6 =	vadd.f32 v60, v6;
	v54 =	vmul.f32 v39, v3  }
0x91: {  	[tilespmem:s19+$0x1BD80] =	vst v11;
	v4 =	vadd.f32 v37, v36;
	v9 =	vadd.f32 v13, v47;
	v3 =	vmul.f32 v46, v3  }
0x92: {  	v59 =	vmul.f32 v32, v0;
	[tilespmem:s19+$0x1BDC0] =	vst v12;
	v60 =	vadd.f32 v57, v5;
	v56 =	vadd.f32 v54, v53  }
0x93: {  	v2 =	vmul.f32 v50, v2;
	[tilespmem:s19+$0x1BDE0] =	vst v8;
	v9 =	vadd.f32 v51, v9;
	v1 =	vadd.f32 v3, v1  }
0x94: {  	p1 =	sne.s32 s16, $0xC000;
	v62 =	vmul.f32 v52, v0;
	v4 =	vadd.f32 v38, v4;
	[tilespmem:s19+$0x1BDB0] =	vst v6;
	v61 =	vadd.f32 v58, v56  }
.Ltmp5:
0x95: {  	v0 =	vmul.f32 v55, v0;
	[tilespmem:s19+$0x1BDF0] =	vst v60;
	v3 =	vadd.f32 v59, v9;
	v1 =	vadd.f32 v2, v1;
	(pc) =	sbr.rel @p1 .LBB2_4-.Ltmp5, $4  }
0x96: {  	[tilespmem:s19+$0x1BDD0] =	vst v4;
	v63 =	vadd.f32 v62, v61  }
0x97: {  	[tilespmem:s19+$0x1BE00] =	vst v3;
	v0 =	vadd.f32 v0, v1  }
0x98: {  	[tilespmem:s19+$0x1BE10] =	vst v63  }
0x99: {  	s16 =	sadd.s32 $0x400, s16;
	s17 =	sadd.s32 $0x1, s17;
	[tilespmem:s19+$0x1BE20] =	vst v0  }
0x9a: {  	s1 =	sadd.s32 s8, s0  }
0x9b: {  	s1 =	smul.u32 $0x620, s1;
	_ =	sdelay $0x1  }
0x9c: {  	s1 =	sadd.s32 s2, s1  }
0x9d: {  	[hbm4b:s1+s3] =	stream.linear.scatter [tilespmem:s24], [sflag:$0x5], $0x3100, $0x38;
	[tilespmem:$0x1EE30] =	vst v63  }
.LBB2_6:
0x9e: {  	s0 =	sadd.s32 $0x2, s0  }
0x9f: {  	p1 =	sge.u32 s0, s9  }
0xa0: {  	v0 =	vld @!p1 [tilespmem:s0+$0x3500];
	_ =	sdelay $0x4  }
0xa1: {  	(v2sf) =	vpush @!p1 v0, $0x0;
	_ =	sdelay $0xe  }
0xa2: {  	s10 =	smov.u32 s4;
	s1 =	spop @!p1 (v2sf)  }
0xa3: {  	s0 =	smul.u32 @!p1 $0x340, s0;
	p2 =	seq.s32 @!p1 s1, $0x2;
	p3 =	seq.s32 @!p1 s1, $0x4  }
0xa4: {  	s16 =	simm.s32 @!p1 $0x3530;
	p2 =	por !p2, p1;
	p3 =	por !p3, p1  }
0xa5: {  	s10 =	smov.u32 @p2 s5;
	p2 =	slt.s32 @!p1 s1, $0x4;
	s1 =	smov.u32 s6  }
.Ltmp6:
0xa6: {  	s1 =	smov.u32 @p3 s7;
	p2 =	por !p2, p1;
	(pc) =	sbr.rel @p0 .LBB2_10-.Ltmp6, $4  }
0xa7: {  	s0 =	sshra.s32 @!p1 s0, $0x2;
	s10 =	smov.u32 @p2 s1;
	s1 =	simm.s32 @!p1 $0x62  }
0xa8: {  	[tilespmem:s16], [sflag:$0x1] =	stream.indirect.gather @!p1 [hbm4b:s10+s1], $0x100, s0, s1, $0xb8;
	[tilespmem:$0x1EE30] =	vst v63  }
0xa9: {  	s0 =	sadd.s32 @!p1 $0x68, s0;
	s16 =	simm.s32 @!p1 $0x9730  }
0xaa: {  	[tilespmem:s16], [sflag:$0x2] =	stream.indirect.gather @!p1 [hbm4b:s10+s1], $0x100, s0, s1, $0xb8;
	[tilespmem:$0x1EE30] =	vst v63  }
0xab: {  	_ =	swait.ge [sflag:s25], $0x6200  }
0xac: {  	[sflag:s25] =	ssyncset.done $0x0  }
0xad: {  	[sflag:s25] =	ssyncadd.s32 $0xFFFF9E00  }
0xae: {  	_ =	swait.ge [sflag:s26], $0x6200  }
0xaf: {  	[sflag:s26] =	ssyncset.done $0x0  }
0xb0: {  	s0 =	smul.u32 $0x360, s31;
	[sflag:s26] =	ssyncadd.s32 $0xFFFF9E00  }
0xb1: {  	_ =	swait.ge [sflag:s28], $0x3100  }
0xb2: {  	s1 =	simm.s32 $0x0;
	s0 =	sshra.s32 s0, $0x2;
	[sflag:s28] =	ssyncset.done $0x0  }
0xb3: {  	s16 =	simm.s32 $0x0;
	s0 =	sadd.s32 $0x1A00, s0;
	[sflag:s28] =	ssyncadd.s32 $0xFFFFCF00  }
.LBB2_8:
0xb4: {  	s17 =	sshra.s32 s1, $0x2  }
0xb5: {  	v4 =	vld [tilespmem:s17+$0xF930]  }
0xb6: {  	v5 =	vld [tilespmem:s17+$0x12A30]  }
0xb7: {  	v6 =	vld [tilespmem:s17+$0x15B30]  }
0xb8: {  	v7 =	vld [tilespmem:s17+$0x18C30]  }
0xb9: {  	v8 =	vld [tilespmem:s17+$0xF940]  }
0xba: {  	v9 =	vld [tilespmem:s17+$0x12A40]  }
0xbb: {  	v10 =	vld [tilespmem:s17+$0x15B40]  }
0xbc: {  	v11 =	vld [tilespmem:s17+$0x18C40]  }
0xbd: {  	v12 =	vld [tilespmem:s17+$0xF950]  }
0xbe: {  	v13 =	vld [tilespmem:s17+$0x12A50]  }
0xbf: {  	v14 =	vld [tilespmem:s17+$0x15B50]  }
0xc0: {  	v15 =	vld [tilespmem:s17+$0x18C50]  }
0xc1: {  	v16 =	vld [tilespmem:s17+$0xF960]  }
0xc2: {  	v17 =	vld [tilespmem:s17+$0x12A60]  }
0xc3: {  	v18 =	vld [tilespmem:s17+$0x15B60]  }
0xc4: {  	v19 =	vld [tilespmem:s17+$0x18C60]  }
0xc5: {  	v20 =	vld [tilespmem:s17+$0xF970]  }
0xc6: {  	v21 =	vld [tilespmem:s17+$0x12A70]  }
0xc7: {  	v22 =	vld [tilespmem:s17+$0x15B70]  }
0xc8: {  	v23 =	vld [tilespmem:s17+$0x18C70]  }
0xc9: {  	v24 =	vld [tilespmem:s17+$0xF980]  }
0xca: {  	v25 =	vld [tilespmem:s17+$0x12A80]  }
0xcb: {  	v26 =	vld [tilespmem:s17+$0x15B80]  }
0xcc: {  	v27 =	vld [tilespmem:s17+$0x18C80]  }
0xcd: {  	s10 =	sand.u32 $0x38, s16;
	v28 =	vld [tilespmem:s17+$0xF990]  }
0xce: {  	s18 =	sand.u32 $0x7, s16;
	s10 =	sadd.s32 s10, s0;
	v29 =	vld [tilespmem:s17+$0x12A90]  }
0xcf: {  	v30 =	vld [tilespmem:s17+$0x15B90];
	s10 =	sadd.s32 s18, s10  }
0xd0: {  	s19 =	sadd.s32 $0x31, s16;
	v1 =	vld.msk [tilespmem:s10+$0x0 ss:$0x0], $0xffff  }
0xd1: {  	s21 =	sand.u32 $0x78, s19;
	v31 =	vld [tilespmem:s17+$0x18C90]  }
0xd2: {  	s19 =	sand.u32 $0x7, s19;
	v32 =	vld [tilespmem:s17+$0xF9A0];
	s18 =	sadd.s32 s21, s0  }
0xd3: {  	v33 =	vld [tilespmem:s17+$0x12AA0];
	s10 =	sadd.s32 s19, s18  }
0xd4: {  	v3 =	vld.msk [tilespmem:s10+$0x0 ss:$0x0], $0xffff  }
0xd5: {  	s20 =	sadd.s32 $0x62, s16;
	v34 =	vld [tilespmem:s17+$0x15BA0];
	v4 =	vmul.f32 v4, v1  }
0xd6: {  	v35 =	vld [tilespmem:s17+$0x18CA0];
	s19 =	sand.u32 $0xF8, s20;
	v8 =	vmul.f32 v8, v1;
	v52 =	vmul.f32 v12, v1  }
0xd7: {  	v36 =	vld [tilespmem:s17+$0xF9B0];
	s21 =	sand.u32 $0x7, s20;
	s18 =	sadd.s32 s19, s0;
	v54 =	vmul.f32 v16, v1;
	v62 =	vmul.f32 v20, v1  }
0xd8: {  	v43 =	vld [tilespmem:s17+$0xF9E0];
	s21 =	sadd.s32 s21, s18;
	v24 =	vmul.f32 v24, v1;
	v44 =	vmul.f32 v28, v1  }
0xd9: {  	v2 =	vld.msk [tilespmem:s21+$0x0 ss:$0x0], $0xffff;
	v47 =	vmul.f32 v32, v1;
	v5 =	vmul.f32 v5, v3  }
0xda: {  	v57 =	vld [tilespmem:s17+$0x12AC0];
	s20 =	sadd.s32 $0x93, s16;
	v9 =	vmul.f32 v9, v3;
	v53 =	vmul.f32 v13, v3  }
0xdb: {  	v59 =	vld [tilespmem:s17+$0x15BC0];
	s19 =	sand.u32 $0xF8, s20;
	v55 =	vmul.f32 v17, v3;
	v63 =	vmul.f32 v21, v3  }
0xdc: {  	v37 =	vld [tilespmem:s17+$0x15BD0];
	s20 =	sand.u32 $0x7, s20;
	s18 =	sadd.s32 s19, s0;
	v25 =	vmul.f32 v25, v3;
	v45 =	vmul.f32 v29, v3  }
0xdd: {  	v46 =	vld [tilespmem:s17+$0x12AE0];
	s21 =	sadd.s32 s20, s18;
	v48 =	vmul.f32 v33, v3;
	v33 =	vmul.f32 v43, v1  }
0xde: {  	v0 =	vld.msk [tilespmem:s21+$0x0 ss:$0x0], $0xffff;
	v4 =	vadd.f32 v5, v4;
	v50 =	vmul.f32 v6, v2;
	v51 =	vmul.f32 v10, v2  }
0xdf: {  	v40 =	vld [tilespmem:s17+$0x18CD0];
	v8 =	vadd.f32 v9, v8;
	v56 =	vmul.f32 v14, v2;
	v58 =	vmul.f32 v18, v2  }
0xe0: {  	v49 =	vld [tilespmem:s17+$0x15BE0];
	v5 =	vadd.f32 v53, v52;
	v38 =	vmul.f32 v22, v2;
	v41 =	vmul.f32 v26, v2  }
0xe1: {  	v12 =	vld [tilespmem:s17+$0x18CC0];
	v9 =	vadd.f32 v55, v54;
	v52 =	vmul.f32 v34, v2;
	v54 =	vmul.f32 v36, v1  }
0xe2: {  	v13 =	vld [tilespmem:s17+$0x18CB0];
	v14 =	vmul.f32 v57, v3;
	v34 =	vmul.f32 v46, v3  }
0xe3: {  	v17 =	vld [tilespmem:s17+$0xF9C0];
	v37 =	vmul.f32 v37, v2;
	v7 =	vmul.f32 v7, v0  }
0xe4: {  	v43 =	vld [tilespmem:s17+$0xFA20];
	v11 =	vmul.f32 v11, v0;
	v60 =	vmul.f32 v15, v0  }
0xe5: {  	v6 =	vld [tilespmem:s17+$0x12AB0];
	v16 =	vadd.f32 v45, v44;
	v61 =	vmul.f32 v19, v0;
	v39 =	vmul.f32 v23, v0  }
0xe6: {  	v10 =	vld [tilespmem:s17+$0x15BB0];
	v20 =	vadd.f32 v48, v47;
	v42 =	vmul.f32 v27, v0;
	v31 =	vmul.f32 v31, v0  }
0xe7: {  	v53 =	vld [tilespmem:s17+$0xF9F0];
	v57 =	vmul.f32 v35, v0;
	v4 =	vadd.f32 v50, v4;
	v8 =	vadd.f32 v51, v8  }
0xe8: {  	v55 =	vld [tilespmem:s17+$0x12AF0];
	v5 =	vadd.f32 v56, v5;
	v9 =	vadd.f32 v58, v9;
	v50 =	vmul.f32 v30, v2  }
0xe9: {  	v22 =	vld [tilespmem:s17+$0x18CF0];
	v20 =	vadd.f32 v52, v20;
	v58 =	vmul.f32 v59, v2;
	v4 =	vadd.f32 v7, v4  }
0xea: {  	v15 =	vld [tilespmem:s17+$0xF9D0];
	v12 =	vmul.f32 v12, v0;
	v8 =	vadd.f32 v11, v8;
	v5 =	vadd.f32 v60, v5  }
0xeb: {  	v19 =	vld [tilespmem:s17+$0x12AD0];
	v17 =	vmul.f32 v17, v1;
	v9 =	vadd.f32 v61, v9;
	v7 =	vadd.f32 v63, v62  }
0xec: {  	v48 =	vld [tilespmem:s17+$0x15C10];
	v11 =	vadd.f32 v25, v24;
	v16 =	vadd.f32 v50, v16;
	v60 =	vmul.f32 v13, v0  }
0xed: {  	v35 =	vld [tilespmem:s17+$0xFA10];
	v20 =	vadd.f32 v57, v20;
	v6 =	vmul.f32 v6, v3;
	v10 =	vmul.f32 v10, v2  }
0xee: {  	v59 =	vld [tilespmem:s17+$0xFA00];
	v14 =	vadd.f32 v14, v17;
	v44 =	vmul.f32 v53, v1;
	v45 =	vmul.f32 v55, v3  }
0xef: {  	v56 =	vld [tilespmem:s17+$0x15BF0];
	v57 =	vmul.f32 v22, v0;
	v7 =	vadd.f32 v38, v7;
	v11 =	vadd.f32 v41, v11  }
0xf0: {  	v51 =	vld [tilespmem:s17+$0x18CE0];
	v16 =	vadd.f32 v31, v16;
	v63 =	vmul.f32 v15, v1;
	v31 =	vmul.f32 v19, v3  }
0xf1: {  	v61 =	vld [tilespmem:s17+$0x12B00];
	v38 =	vmul.f32 v40, v0;
	v40 =	vadd.f32 v34, v33;
	v41 =	vmul.f32 v49, v2  }
0xf2: {  	v62 =	vld [tilespmem:s17+$0x15C00];
	[tilespmem:s17+$0x1BD30] =	vst v4;
	v53 =	vmul.f32 v35, v1;
	v6 =	vadd.f32 v6, v54;
	v14 =	vadd.f32 v58, v14  }
0xf3: {  	[tilespmem:s17+$0x1BD50] =	vst v5;
	v47 =	vmul.f32 v59, v1;
	v5 =	vadd.f32 v45, v44;
	v7 =	vadd.f32 v39, v7;
	v39 =	vld [tilespmem:s17+$0x12B10]  }
0xf4: {  	v46 =	vld [tilespmem:s17+$0x12B20];
	[tilespmem:s17+$0x1BD40] =	vst v8;
	v49 =	vmul.f32 v56, v2;
	v1 =	vmul.f32 v43, v1;
	v11 =	vadd.f32 v42, v11  }
0xf5: {  	v32 =	vld [tilespmem:s17+$0x18D00];
	[tilespmem:s17+$0x1BD60] =	vst v9;
	v58 =	vmul.f32 v48, v2;
	v36 =	vadd.f32 v31, v63;
	v8 =	vadd.f32 v41, v40  }
0xf6: {  	v50 =	vld [tilespmem:s17+$0x15C20];
	[tilespmem:s17+$0x1BDA0] =	vst v20;
	v42 =	vmul.f32 v51, v0;
	v6 =	vadd.f32 v10, v6;
	v12 =	vadd.f32 v12, v14  }
0xf7: {  	v52 =	vld [tilespmem:s17+$0x18D10];
	[tilespmem:s17+$0x1BD90] =	vst v16;
	v13 =	vmul.f32 v61, v3;
	v51 =	vmul.f32 v62, v2;
	v5 =	vadd.f32 v49, v5  }
0xf8: {  	v55 =	vld [tilespmem:s17+$0x18D20];
	v4 =	vadd.f32 v37, v36;
	[tilespmem:s17+$0x1BD70] =	vst v7;
	v8 =	vadd.f32 v42, v8;
	v54 =	vmul.f32 v39, v3  }
0xf9: {  	[tilespmem:s17+$0x1BD80] =	vst v11;
	v6 =	vadd.f32 v60, v6;
	v9 =	vadd.f32 v13, v47;
	v3 =	vmul.f32 v46, v3  }
0xfa: {  	v59 =	vmul.f32 v32, v0;
	[tilespmem:s17+$0x1BDC0] =	vst v12;
	v60 =	vadd.f32 v57, v5;
	v56 =	vadd.f32 v54, v53  }
0xfb: {  	v2 =	vmul.f32 v50, v2;
	[tilespmem:s17+$0x1BDE0] =	vst v8;
	v9 =	vadd.f32 v51, v9;
	v1 =	vadd.f32 v3, v1  }
0xfc: {  	p0 =	sne.s32 s1, $0xC000;
	v62 =	vmul.f32 v52, v0;
	v4 =	vadd.f32 v38, v4;
	[tilespmem:s17+$0x1BDB0] =	vst v6;
	v61 =	vadd.f32 v58, v56  }
.Ltmp7:
0xfd: {  	v0 =	vmul.f32 v55, v0;
	[tilespmem:s17+$0x1BDF0] =	vst v60;
	v3 =	vadd.f32 v59, v9;
	v1 =	vadd.f32 v2, v1;
	(pc) =	sbr.rel @p0 .LBB2_8-.Ltmp7, $4  }
0xfe: {  	[tilespmem:s17+$0x1BDD0] =	vst v4;
	v63 =	vadd.f32 v62, v61  }
0xff: {  	[tilespmem:s17+$0x1BE00] =	vst v3;
	v0 =	vadd.f32 v0, v1  }
0x100: {  	[tilespmem:s17+$0x1BE10] =	vst v63  }
0x101: {  	s1 =	sadd.s32 $0x400, s1;
	s16 =	sadd.s32 $0x1, s16;
	[tilespmem:s17+$0x1BE20] =	vst v0  }
.Ltmp8:
0x102: {  	s0 =	sadd.s32 s8, s31;
	(pc) =	sbr.rel .LBB2_10-.Ltmp8, $3  }
0x103: {  	s0 =	smul.u32 $0x620, s0;
	_ =	sdelay $0x1  }
0x104: {  	s0 =	sadd.s32 s2, s0  }
0x105: {  	[hbm4b:s0+s3] =	stream.linear.scatter [tilespmem:s24], [sflag:$0x5], $0x3100, $0x38;
	[tilespmem:$0x1EE30] =	vst v63  }
.LBB2_12:
0x106: {  	_ =	sfence.sel $0x180000  }
0x107: {  	[bflag:$0x0] =	sbarrier.arrive $0xFFFF  }
0x108: {  	_ =	strace $0x9000004A  }
0x109: {  	s0 =	stileid.u32;
	[bflag:$0x2] =	sbarrier.arrive $0xFFFF  }
0x10a: {  	p0 =	sne.s32 s0, $0x0;
	s0 =	rddreg [dreg:$0x2]  }
0x10b: {  	s0 =	sadd.s32 @!p0 $0x100000, s0  }
0x10c: {  	[sflag:s0] =	ssyncadd.tile.s32 @!p0 $0x1;
	_ =	shalt  }
.Lfunc_end2:
_tile_overlayer_lowered:
.L_overlay_start_2:
0x10d: {  	(tag) =	ssettag $0x2  }
0x10e: {  	s0 =	rddreg [dreg:$0x0];
	s2 =	stileid.u32  }
0x10f: {  	s1 =	rddreg [dreg:$0x1];
	p0 =	sne.s32 s2, $0x0  }
0x110: {  	s3 =	rddreg [dreg:$0x2];
	[bflag:$0x3] =	sbarrier.arrive $0xFFFF;
	s2 =	simm.s32 @!p0 $0x1C06  }
0x111: {  	[timem:s3], [sflag:s2] =	dma.local @!p0 [hbm:s0], s1  }
0x112: {  	s0 =	simm.s32 @!p0 $0x6  }
0x113: {  	_ =	swait.ge @!p0 [sflag:s0], s1  }
0x114: {  	s1 =	ssub.s32 @!p0 $0x0, s1;
	[sflag:s0] =	ssyncset.done @!p0 $0x0  }
0x115: {  	[sflag:s0] =	ssyncadd.s32 @!p0 s1  }
0x116: {  	[bflag:$0x3] =	sbarrier.arrive $0xFFFF  }
0x117: {  	_ =	shalt  }

// kernel: sparse-core-data-format-call.1.cloned.1.call-start
scs
called_computation.1_lowered:
.L_overlay_start_0:
0x0: {  	s2 =	sld [smem:$0x3FD9]  }
0x1: {  	s3 =	sld [smem:$0x3FFE];
	_ =	sdelay $0x1  }
0x2: {  	s1 =	srdreg.scid  }
0x3: {  	s0 =	sand.u32 $0x1, s1  }
0x4: {  	s18 =	sshll.u32 s0, $0xA;
	s2 =	sadd.s32 s3, s2  }
0x5: {  	s2 =	sadd.s32 s2, s18  }
0x6: {  	[smem:$0x3FC2] =	sst s2  }
0x7: {  	_ = 	snop  }
0x8: {  	s2 =	sld [smem:$0x3FC7];
	(tm) =	ssettm $0x1  }
0x9: {  	s19 =	sld [smem:$0x3FFB];
	_ =	sdelay $0x3  }
0xa: {  	_ =	strace s19  }
0xb: {  	s3 =	sld [smem:$0x3FFC];
	_ =	sdelay $0x3  }
0xc: {  	_ =	strace s3  }
0xd: {  	s3 =	sld [smem:$0x3FFD];
	_ =	sdelay $0x3  }
0xe: {  	_ =	strace s3  }
0xf: {  	_ =	strace $0x8FFFFFFF  }
0x10: {  	s20 =	sld [smem:$0x3FDB];
	_ =	sdelay $0x1  }
0x11: {  	s4 =	simm.s32 $_scs_section_size  }
0x12: {  	s5 =	simm.s32 $_size__tile_overlayer_lowered;
	s6 =	simm.s32 $_tile_overlayer_lowered  }
0x13: {  	s23 =	simm.s32 $0x1BFF;
	s22 =	sshll.u32 s6, $0x1;
	s3 =	sadd.s32 s4, s20  }
0x14: {  	s7 =	simm.s32 $0x0;
	s21 =	sshll.u32 s5, $0x1;
	s5 =	sadd.s32 s22, s3  }
0x15: {  	[timem:s7], [sflag:s23] =	dma.local [hbm:s5], s21  }
0x16: {  	_ =	swait.ge [sflag:s23], s21  }
0x17: {  	s4 =	ssub.s32 $0x0, s21;
	[sflag:s23] =	ssyncset.done $0x0  }
0x18: {  	[sflag:s23] =	ssyncadd.s32 s4;
	_ =	sdelay $0x1  }
0x19: {  	s24 =	simm.s32 $0x1B8B  }
0x1a: {  	_ =	swait.ge [sflag:s24], $0x1  }
0x1b: {  	[sflag:s24] =	ssyncset.done $0x0  }
0x1c: {  	s26 =	simm.s32 $0x1B8E;
	s25 =	sld [smem:$0x3FFE];
	[sflag:s24] =	ssyncadd.s32 $0xFFFFFFFF  }
0x1d: {  	s27 =	simm.s32 $execute0_lowered;
	[smem:$0x3FD2] =	sst s26  }
0x1e: {  	s5 =	sshll.u32 s27, $0x1;
	_ =	strace $0x80000046;
	[dreg:$0x1] =	wrdreg $0xFFFFFFFF  }
0x1f: {  	s28 =	simm.s32 $_size_execute0_lowered;
	s3 =	sadd.s32 s3, s5;
	[dreg:$0x0] =	wrdreg $0x0  }
0x20: {  	s5 =	sshll.u32 s28, $0x1;
	[dreg:$0x2] =	wrdreg s3  }
0x21: {  	[dreg:$0x3] =	wrdreg s5  }
0x22: {  	[dreg:$0x4] =	wrdreg $0xC0  }
0x23: {  	_ =	task [dreg:s7], $0x5FFFF  }
0x24: {  	[dreg:$0x1] =	wrdreg $0xFFFFFFFF  }
0x25: {  	[dreg:$0x0] =	wrdreg $0x60  }
0x26: {  	[dreg:$0x2] =	wrdreg s2  }
0x27: {  	[dreg:$0x3] =	wrdreg s25  }
0x28: {  	[dreg:$0x4] =	wrdreg $0x9  }
0x29: {  	_ =	task.clear_ibuf [dreg:s7], $0x5FFFF;
	_ =	strace $0x90000046  }
0x2a: {  	s29 =	simm.s32 $0x9;
	_ =	strace $0x80000048  }
0x2b: {  	_ =	swait.ge [sflag:s29], $0x1  }
0x2c: {  	[sflag:s29] =	ssyncadd.s32 $0xFFFFFFFF  }
0x2d: {  	_ =	strace $0x90000048  }
0x2e: {  	_ =	sfence  }
0x2f: {  	s30 =	sld [smem:$0x0];
	_ =	sdelay $0x2  }
0x30: {  	s31 =	sshll.u32 s1, $0xD;
	s1 =	sshrl.u32 s1, $0x2  }
0x31: {  	s3 =	sand.u32 $0x4000, s31;
	s1 =	sadd.s32 s1, s30  }
0x32: {  	s0 =	sor.u32 s3, s0;
	s1 =	sshll.u32 s1, $0x11  }
0x33: {  	s0 =	sor.u32 s1, s0  }
0x34: {  	s0 =	sadd.s32 $0x8F2B, s0  }
0x35: {  	[sflag:s0] =	ssyncadd.remote.s32 $0x1  }
0x36: {  	_ =	sfence.sel $0xFFFF  }
0x37: {  	[dreg:$0x0] =	wrdreg $0xFFFFFFFF;
	(pc) =	sbr.abs _section_cstart, $3  }
0x38: {  	[dreg:$0x1] =	wrdreg $0xFFFFFFFF  }
0x39: {  	_ =	task.clear_ibuf [dreg:s7], $0x2FFFF;
	_ =	strace $0x9FFFFFFF  }
0x3a: {  	(tm) =	ssettm $0x7FFFFFFF  }
0x3b: {  	_ =	shalt  }
tec
execute0_lowered:
.L_overlay_start_1:
0x0: {  	(tag) =	ssettag $0x1  }
0x1: {  	s0 =	srdreg.scid  }
0x2: {  	s1 =	sshll.u32 s0, $0x4  }
0x3: {  	s2 =	rddreg [dreg:$0x0];
	s0 =	stileid.u32;
	s1 =	sand.u32 $0x10, s1  }
0x4: {  	s4 =	rddreg [dreg:$0x1];
	s7 =	simm.s32 $0x1;
	s1 =	sor.u32 s0, s1  }
0x5: {  	s8 =	simm.s32 $0x2;
	s9 =	simm.s32 $0x0;
	s3 =	sshll.u32 s1, $0x3  }
0x6: {  	s12 =	simm.s32 $0x0;
	s11 =	simm.s32 $0x0;
	s6 =	ssub.s32 $0x2000, s3  }
.Ltmp0:
0x7: {  	s4 =	sadd.s32 $0x2E00, s4;
	s5 =	sand.u32 $0xF8, s6;
	(pc) =	sbr.rel .LBB1_1-.Ltmp0, $4  }
0x8: {  	s1 =	rddreg [dreg:$0x2];
	_ =	strace $0x80000047;
	p0 =	sne.s32 s5, $0x0  }
0x9: {  	s6 =	sshrl.u32 s6, $0x8;
	s5 =	simm.s32 $0x1;
	s7 =	simm.s32 @!p0 $0x0  }
0xa: {  	s10 =	smov.u32 s3;
	[sflag:s5] =	ssyncpa.u1 $0x0;
	s6 =	sadd.s32 s7, s6  }
0xb: {  	[sflag:s8] =	ssyncpa.u1 $0x0;
	s8 =	simm.s32 $0x0;
	s7 =	sadd.s32 $0x1, s6  }
.LBB1_9:
0xc: {  	s14 =	sadd.s32 $0x100, s10  }
0xd: {  	p1 =	sgt.s32 s14, $0x1FFF  }
0xe: {  	s14 =	smov.u32 @p1 s3;
	p1 =	sne.s32 s11, s7  }
.Ltmp1:
0xf: {  	p0 =	slt.u32 s11, $0x2;
	(pc) =	sbr.rel @!p1 .LBB1_10-.Ltmp1, $4  }
0x10: {  	s13 =	simm.s32 @!p0 $0x2  }
0x11: {  	s15 =	sadd.s32 $0x1, s11;
	_ =	swait.ge @!p0 [sflag:s13], $0x4000  }
0x12: {  	s12 =	smov.u32 s10;
	s9 =	sadd.s32 $0x4000, s9;
	[sflag:s13] =	ssyncset.done @!p0 $0x0  }
0x13: {  	s11 =	smov.u32 s15;
	s10 =	smov.u32 s14;
	[sflag:s13] =	ssyncadd.s32 @!p0 $0xFFFFC000  }
.LBB1_1:
0x14: {  	p0 =	sge.u32 s11, s6  }
0x15: {  	s13 =	sxor.u32 @!p0 $0xFFFFFFFF, s11  }
0x16: {  	s31 =	sadd.s32 $0xFFFFFFFF, s11;
	s14 =	sshll.u32 @!p0 s10, $0x8;
	s13 =	sshll.u32 @!p0 s13, $0xE  }
0x17: {  	s15 =	simm.s32 @!p0 $0x0;
	s14 =	sadd.s32 @!p0 s2, s14;
	s13 =	sand.u32 @!p0 $0x4000, s13  }
0x18: {  	[tilespmem:s13], [sflag:$0x1] =	stream.linear.gather @!p0 [hbm4b:s14+s15], $0x4000, $0x38;
	[tilespmem:$0x10000] =	vst v63  }
0x19: {  	p0 =	sge.u32 s31, s6  }
.Ltmp2:
0x1a: {  	_ = 	snop;
	(pc) =	sbr.rel @p0 .LBB1_9-.Ltmp2, $1  }
0x1b: {  	_ =	sdelay $0x3  }
0x1c: {  	s13 =	sshll.u32 s9, $0x2;
	_ =	swait.ge [sflag:s5], $0x4000;
	s14 =	sshll.u32 s11, $0xE  }
0x1d: {  	s16 =	simm.s32 $0x0;
	s17 =	simm.s32 $0x0;
	s15 =	sand.u32 $0x10000, s13  }
0x1e: {  	[sflag:s5] =	ssyncset.done $0x0;
	s31 =	sand.u32 $0x4000, s14;
	s14 =	sshrl.u32 s15, $0x2  }
0x1f: {  	[sflag:s5] =	ssyncadd.s32 $0xFFFFC000;
	s13 =	sor.u32 $0x8000, s31;
	s15 =	sor.u32 $0x8000, s14  }
.LBB1_3:
0x20: {  	s18 =	sshra.s32 s16, $0x2  }
0x21: {  	v0 =	vmov s18;
	_ =	sdelay $0x3  }
0x22: {  	p1 =	por $0x1, $0x1;
	s18 =	simm.s32 $0x0  }
.LBB1_4:
0x23: {  	_ = 	snop  }
0x24: {  	s19 =	sshll.u32 s18, $0xA  }
0x25: {  	s19 =	sand.u32 $0x3FFFFC00, s19  }
0x26: {  	s19 =	sadd.s32 s19, s14  }
0x27: {  	v5 =	vld.idx.msk [tilespmem:v0+s19+$0x70 ss:$0x1], $0xffff  }
0x28: {  	v6 =	vld.idx.msk [tilespmem:v0+s19+$0x10 ss:$0x1], $0xffff  }
0x29: {  	v7 =	vld.idx.msk [tilespmem:v0+s19+$0x20 ss:$0x1], $0xffff  }
0x2a: {  	s31 =	sshll.u32 s18, $0x7;
	v1 =	vld.idx.msk [tilespmem:v0+s19+$0x30 ss:$0x1], $0xffff  }
0x2b: {  	s18 =	sand.u32 $0x3FFFFF80, s31;
	v2 =	vld.idx.msk [tilespmem:v0+s19+$0x40 ss:$0x1], $0xffff  }
0x2c: {  	s18 =	sadd.s32 s18, s15;
	v3 =	vld.idx.msk [tilespmem:v0+s19+$0x50 ss:$0x1], $0xffff  }
0x2d: {  	v4 =	vld.idx.msk [tilespmem:v0+s19+$0x60 ss:$0x1], $0xffff;
	[tilespmem:v0+s18+$0x70 ss:$0x1] =	vst.idx.msk $0xffff, v5  }
0x2e: {  	v5 =	vld.idx.msk [tilespmem:v0+s19+$0x0 ss:$0x1], $0xffff;
	[tilespmem:v0+s18+$0x10 ss:$0x1] =	vst.idx.msk $0xffff, v6;
	s19 =	sadd.s32 $0x80, s19  }
0x2f: {  	p0 =	por p1, p1;
	s20 =	simm.s32 $0x6;
	[tilespmem:v0+s18+$0x20 ss:$0x1] =	vst.idx.msk $0xffff, v7;
	v6 =	vld.idx.msk [tilespmem:v0+s19+$0x70 ss:$0x1], $0xffff  }
.LBB1_5:
0x30: {  	p1 =	sne.s32 s20, $0x1;
	v7 =	vld.idx.msk [tilespmem:v0+s19+$0x10 ss:$0x1], $0xffff;
	[tilespmem:v0+s18+$0x30 ss:$0x1] =	vst.idx.msk $0xffff, v1  }
0x31: {  	v8 =	vld.idx.msk [tilespmem:v0+s19+$0x20 ss:$0x1], $0xffff;
	[tilespmem:v0+s18+$0x40 ss:$0x1] =	vst.idx.msk $0xffff, v2  }
0x32: {  	v1 =	vld.idx.msk [tilespmem:v0+s19+$0x30 ss:$0x1], $0xffff;
	[tilespmem:v0+s18+$0x50 ss:$0x1] =	vst.idx.msk $0xffff, v3  }
.Ltmp3:
0x33: {  	v2 =	vld.idx.msk [tilespmem:v0+s19+$0x40 ss:$0x1], $0xffff;
	[tilespmem:v0+s18+$0x60 ss:$0x1] =	vst.idx.msk $0xffff, v4;
	(pc) =	sbr.rel @p1 .LBB1_5-.Ltmp3, $4  }
0x34: {  	v3 =	vld.idx.msk [tilespmem:v0+s19+$0x50 ss:$0x1], $0xffff;
	[tilespmem:v0+s18+$0x0 ss:$0x1] =	vst.idx.msk $0xffff, v5;
	s18 =	sadd.s32 $0x100, s18  }
0x35: {  	v4 =	vld.idx.msk [tilespmem:v0+s19+$0x60 ss:$0x1], $0xffff;
	[tilespmem:v0+s18+$0x70 ss:$0x1] =	vst.idx.msk $0xffff, v6  }
0x36: {  	v5 =	vld.idx.msk [tilespmem:v0+s19+$0x0 ss:$0x1], $0xffff;
	[tilespmem:v0+s18+$0x10 ss:$0x1] =	vst.idx.msk $0xffff, v7;
	s19 =	sadd.s32 $0x80, s19  }
0x37: {  	s20 =	sadd.s32 $0xFFFFFFFF, s20;
	v6 =	vld.idx.msk [tilespmem:v0+s19+$0x70 ss:$0x1], $0xffff;
	[tilespmem:v0+s18+$0x20 ss:$0x1] =	vst.idx.msk $0xffff, v8  }
0x38: {  	_ =	sdelay $0x3  }
0x39: {  	[tilespmem:v0+s18+$0x30 ss:$0x1] =	vst.idx.msk $0xffff, v1  }
0x3a: {  	v1 =	vld.idx.msk [tilespmem:v0+s19+$0x10 ss:$0x1], $0xffff;
	[tilespmem:v0+s18+$0x40 ss:$0x1] =	vst.idx.msk $0xffff, v2  }
0x3b: {  	v2 =	vld.idx.msk [tilespmem:v0+s19+$0x20 ss:$0x1], $0xffff;
	[tilespmem:v0+s18+$0x50 ss:$0x1] =	vst.idx.msk $0xffff, v3  }
0x3c: {  	v61 =	vld.idx.msk [tilespmem:v0+s19+$0x40 ss:$0x1], $0xffff;
	[tilespmem:v0+s18+$0x60 ss:$0x1] =	vst.idx.msk $0xffff, v4  }
0x3d: {  	s31 =	sadd.s32 $0x100, s18;
	v62 =	vld.idx.msk [tilespmem:v0+s19+$0x50 ss:$0x1], $0xffff;
	[tilespmem:v0+s18+$0x0 ss:$0x1] =	vst.idx.msk $0xffff, v5  }
0x3e: {  	v63 =	vld.idx.msk [tilespmem:v0+s19+$0x60 ss:$0x1], $0xffff;
	[tilespmem:v0+s31+$0x70 ss:$0x1] =	vst.idx.msk $0xffff, v6  }
0x3f: {  	v3 =	vld.idx.msk [tilespmem:v0+s19+$0x30 ss:$0x1], $0xffff;
	[tilespmem:v0+s31+$0x10 ss:$0x1] =	vst.idx.msk $0xffff, v1  }
0x40: {  	v1 =	vld.idx.msk [tilespmem:v0+s19+$0x0 ss:$0x1], $0xffff;
	[tilespmem:v0+s31+$0x20 ss:$0x1] =	vst.idx.msk $0xffff, v2  }
.Ltmp4:
0x41: {  	[tilespmem:v0+s31+$0x40 ss:$0x1] =	vst.idx.msk $0xffff, v61;
	(pc) =	sbr.rel @p0 .LBB1_4-.Ltmp4, $4  }
0x42: {  	[tilespmem:v0+s31+$0x50 ss:$0x1] =	vst.idx.msk $0xffff, v62  }
0x43: {  	[tilespmem:v0+s31+$0x60 ss:$0x1] =	vst.idx.msk $0xffff, v63  }
0x44: {  	[tilespmem:v0+s31+$0x30 ss:$0x1] =	vst.idx.msk $0xffff, v3  }
0x45: {  	p1 =	por $0x0, $0x0;
	s18 =	simm.s32 $0x1;
	[tilespmem:v0+s31+$0x0 ss:$0x1] =	vst.idx.msk $0xffff, v1  }
0x46: {  	s17 =	sadd.s32 $0x1, s17  }
0x47: {  	p0 =	sne.s32 s17, $0x8  }
.Ltmp5:
0x48: {  	_ = 	snop;
	(pc) =	sbr.rel @p0 .LBB1_3-.Ltmp5, $2  }
0x49: {  	_ =	sdelay $0x2  }
0x4a: {  	s16 =	sadd.s32 $0x2000, s16  }
.Ltmp6:
0x4b: {  	(pc) =	sbr.rel .LBB1_9-.Ltmp6, $4  }
0x4c: {  	_ = 	snop  }
0x4d: {  	s12 =	sshll.u32 s12, $0x8  }
0x4e: {  	s12 =	sadd.s32 s4, s12  }
0x4f: {  	[hbm4b:s12+s8] =	stream.linear.scatter [tilespmem:s13], [sflag:$0x2], $0x4000, $0x38;
	[tilespmem:$0x10000] =	vst v63  }
.LBB1_10:
0x50: {  	_ =	sfence.sel $0x180000  }
0x51: {  	s2 =	simm.s32 $0x1;
	[bflag:$0x0] =	sbarrier.arrive $0xFFFF  }
0x52: {  	s31 =	simm.s32 $0x2;
	[sflag:s2] =	ssyncpa.u1 $0x1  }
0x53: {  	[sflag:s31] =	ssyncpa.u1 $0x1  }
0x54: {  	p0 =	sne.s32 s0, $0x0;
	_ =	strace $0x90000047  }
0x55: {  	s0 =	sadd.s32 @!p0 $0x100000, s1;
	[bflag:$0x2] =	sbarrier.arrive $0xFFFF  }
0x56: {  	[sflag:s0] =	ssyncadd.tile.s32 @!p0 $0x1;
	_ =	shalt  }
.Lfunc_end1:
_tile_overlayer_lowered:
.L_overlay_start_2:
0x57: {  	(tag) =	ssettag $0x2  }
0x58: {  	s0 =	rddreg [dreg:$0x0];
	s2 =	stileid.u32  }
0x59: {  	s1 =	rddreg [dreg:$0x1];
	p0 =	sne.s32 s2, $0x0  }
0x5a: {  	s3 =	rddreg [dreg:$0x2];
	[bflag:$0x3] =	sbarrier.arrive $0xFFFF;
	s2 =	simm.s32 @!p0 $0x1C01  }
0x5b: {  	[timem:s3], [sflag:s2] =	dma.local @!p0 [hbm:s0], s1  }
0x5c: {  	s0 =	simm.s32 @!p0 $0x1  }
0x5d: {  	_ =	swait.ge @!p0 [sflag:s0], s1  }
0x5e: {  	s1 =	ssub.s32 @!p0 $0x0, s1;
	[sflag:s0] =	ssyncset.done @!p0 $0x0  }
0x5f: {  	[sflag:s0] =	ssyncadd.s32 @!p0 s1  }
0x60: {  	[bflag:$0x3] =	sbarrier.arrive $0xFFFF  }
0x61: {  	_ =	shalt  }

// kernel: sparse-core-data-format-call.cloned.1.call-start
scs
called_computation_lowered:
.L_overlay_start_0:
0x0: {  	s2 =	sld [smem:$0x3FD9]  }
0x1: {  	s3 =	sld [smem:$0x3FFE];
	_ =	sdelay $0x1  }
0x2: {  	s1 =	srdreg.scid  }
0x3: {  	s0 =	sand.u32 $0x1, s1  }
0x4: {  	s18 =	sshll.u32 s0, $0xA;
	s2 =	sadd.s32 s3, s2  }
0x5: {  	s2 =	sadd.s32 s2, s18  }
0x6: {  	[smem:$0x3FC2] =	sst s2  }
0x7: {  	_ = 	snop  }
0x8: {  	s2 =	sld [smem:$0x3FD0];
	(tm) =	ssettm $0x1  }
0x9: {  	s19 =	sld [smem:$0x3FFB];
	_ =	sdelay $0x3  }
0xa: {  	_ =	strace s19  }
0xb: {  	s3 =	sld [smem:$0x3FFC];
	_ =	sdelay $0x3  }
0xc: {  	_ =	strace s3  }
0xd: {  	s3 =	sld [smem:$0x3FFD];
	_ =	sdelay $0x3  }
0xe: {  	_ =	strace s3  }
0xf: {  	_ =	strace $0x8FFFFFFF  }
0x10: {  	s20 =	sld [smem:$0x3FDB];
	_ =	sdelay $0x1  }
0x11: {  	s4 =	simm.s32 $_scs_section_size  }
0x12: {  	s5 =	simm.s32 $_size__tile_overlayer_lowered;
	s6 =	simm.s32 $_tile_overlayer_lowered  }
0x13: {  	s23 =	simm.s32 $0x1BFF;
	s22 =	sshll.u32 s6, $0x1;
	s3 =	sadd.s32 s4, s20  }
0x14: {  	s7 =	simm.s32 $0x0;
	s21 =	sshll.u32 s5, $0x1;
	s5 =	sadd.s32 s22, s3  }
0x15: {  	[timem:s7], [sflag:s23] =	dma.local [hbm:s5], s21  }
0x16: {  	_ =	swait.ge [sflag:s23], s21  }
0x17: {  	s4 =	ssub.s32 $0x0, s21;
	[sflag:s23] =	ssyncset.done $0x0  }
0x18: {  	[sflag:s23] =	ssyncadd.s32 s4;
	_ =	sdelay $0x1  }
0x19: {  	s24 =	simm.s32 $0x1B8B  }
0x1a: {  	_ =	swait.ge [sflag:s24], $0x1  }
0x1b: {  	[sflag:s24] =	ssyncset.done $0x0  }
0x1c: {  	s26 =	simm.s32 $0x1B8E;
	s25 =	sld [smem:$0x3FFE];
	[sflag:s24] =	ssyncadd.s32 $0xFFFFFFFF  }
0x1d: {  	s27 =	simm.s32 $execute0_lowered;
	[smem:$0x3FD2] =	sst s26  }
0x1e: {  	s5 =	sshll.u32 s27, $0x1;
	_ =	strace $0x8000004C;
	[dreg:$0x1] =	wrdreg $0xFFFFFFFF  }
0x1f: {  	s28 =	simm.s32 $_size_execute0_lowered;
	s3 =	sadd.s32 s3, s5;
	[dreg:$0x0] =	wrdreg $0x0  }
0x20: {  	s5 =	sshll.u32 s28, $0x1;
	[dreg:$0x2] =	wrdreg s3  }
0x21: {  	[dreg:$0x3] =	wrdreg s5  }
0x22: {  	[dreg:$0x4] =	wrdreg $0xC0  }
0x23: {  	_ =	task [dreg:s7], $0x5FFFF  }
0x24: {  	[dreg:$0x1] =	wrdreg $0xFFFFFFFF  }
0x25: {  	[dreg:$0x0] =	wrdreg $0x60  }
0x26: {  	[dreg:$0x2] =	wrdreg s25  }
0x27: {  	[dreg:$0x3] =	wrdreg s2  }
0x28: {  	[dreg:$0x4] =	wrdreg $0x9  }
0x29: {  	_ =	task.clear_ibuf [dreg:s7], $0x5FFFF;
	_ =	strace $0x9000004C  }
0x2a: {  	s29 =	simm.s32 $0x9;
	_ =	strace $0x8000004E  }
0x2b: {  	_ =	swait.ge [sflag:s29], $0x1  }
0x2c: {  	[sflag:s29] =	ssyncadd.s32 $0xFFFFFFFF  }
0x2d: {  	_ =	strace $0x9000004E  }
0x2e: {  	_ =	sfence  }
0x2f: {  	s30 =	sld [smem:$0x0];
	_ =	sdelay $0x2  }
0x30: {  	s31 =	sshll.u32 s1, $0xD;
	s1 =	sshrl.u32 s1, $0x2  }
0x31: {  	s3 =	sand.u32 $0x4000, s31;
	s1 =	sadd.s32 s1, s30  }
0x32: {  	s0 =	sor.u32 s3, s0;
	s1 =	sshll.u32 s1, $0x11  }
0x33: {  	s0 =	sor.u32 s1, s0  }
0x34: {  	s0 =	sadd.s32 $0x8F2B, s0  }
0x35: {  	[sflag:s0] =	ssyncadd.remote.s32 $0x1  }
0x36: {  	_ =	sfence.sel $0xFFFF  }
0x37: {  	[dreg:$0x0] =	wrdreg $0xFFFFFFFF;
	(pc) =	sbr.abs _section_cstart, $3  }
0x38: {  	[dreg:$0x1] =	wrdreg $0xFFFFFFFF  }
0x39: {  	_ =	task.clear_ibuf [dreg:s7], $0x2FFFF;
	_ =	strace $0x9FFFFFFF  }
0x3a: {  	(tm) =	ssettm $0x7FFFFFFF  }
0x3b: {  	_ =	shalt  }
tec
execute0_lowered:
.L_overlay_start_1:
0x0: {  	(tag) =	ssettag $0x1  }
0x1: {  	s0 =	srdreg.scid  }
0x2: {  	s1 =	rddreg [dreg:$0x0];
	s4 =	stileid.u32  }
0x3: {  	_ =	strace $0x8000004D;
	s3 =	simm.s32 $0x1C;
	s30 =	simm.s32 $0x1  }
0x4: {  	s31 =	simm.s32 $0x2;
	s20 =	simm.s32 $0x0;
	s12 =	simm.s32 $0x0  }
0x5: {  	s22 =	simm.s32 $0x0;
	s21 =	simm.s32 $0x0;
	s23 =	simm.s32 $0x0  }
0x6: {  	s13 =	simm.s32 $0x0;
	s14 =	simm.s32 $0x0;
	s0 =	sshll.u32 s0, $0x7  }
0x7: {  	s15 =	simm.s32 $0x0;
	s16 =	simm.s32 $0x0;
	s5 =	sand.u32 $0x80, s0  }
0x8: {  	s19 =	simm.s32 $0x0;
	s7 =	sshrl.u32 s4, $0x3;
	s0 =	ssub.s32 $0x100, s5  }
0x9: {  	s29 =	sshll.u32 s4, $0x7;
	p0 =	seq.s32 s7, $0x0;
	s2 =	sshrl.u32 s0, $0x7  }
0xa: {  	s8 =	sand.u32 $0x380, s29;
	s0 =	sshrl.u32 s0, $0x8;
	s2 =	sand.u32 $0x1, s2  }
.Ltmp0:
0xb: {  	s3 =	simm.s32 @!p0 $0x15;
	s0 =	sadd.s32 s0, s2;
	(pc) =	sbr.rel .LBB1_1-.Ltmp0, $4  }
0xc: {  	[dreg:$0x3] =	wrdreg s7;
	s1 =	sadd.s32 s5, s1;
	s6 =	smul.u32 s3, s0  }
0xd: {  	[sflag:s30] =	ssyncpa.u1 $0x0;
	[dreg:$0x4] =	wrdreg s8;
	s9 =	sadd.s32 $0x2E00, s1  }
0xe: {  	[sflag:s31] =	ssyncpa.u1 $0x0;
	[dreg:$0x5] =	wrdreg s9;
	s10 =	sadd.s32 $0x1, s6  }
0xf: {  	s17 =	smov.u32 s7;
	s18 =	smov.u32 s8;
	[dreg:$0x6] =	wrdreg s10  }
.LBB1_11:
0x10: {  	s0 =	sshll.u32 s15, $0x8;
	s1 =	sshll.u32 s23, $0x3;
	s26 =	smul.u32 $0x36B00, s14  }
0x11: {  	s2 =	sshll.u32 s15, $0x7;
	p0 =	sgt.s32 s13, $0x6;
	s27 =	smul.u32 $0x7D00, s13  }
0x12: {  	s4 =	sshll.u32 s15, $0x4;
	s5 =	rddreg [dreg:$0x1];
	s0 =	sand.u32 $0xFFFFF800, s0  }
0x13: {  	s28 =	sshll.u32 s19, $0xE;
	s11 =	sand.u32 $0x300, s2;
	s0 =	sor.u32 s0, s1  }
0x14: {  	s30 =	simm.s32 $0x400;
	s31 =	simm.s32 $0x800;
	s0 =	sor.u32 s11, s0  }
0x15: {  	s8 =	rddreg [dreg:$0x4];
	s2 =	smov.u32 s13;
	s0 =	sshrl.u32 s0, $0x8  }
0x16: {  	s9 =	rddreg [dreg:$0x5];
	s2 =	simm.s32 @!p0 $0x6;
	s23 =	smulhi.u32 $0x83126F, s0  }
0x17: {  	s10 =	rddreg [dreg:$0x6];
	s4 =	sand.u32 $0x10, s4;
	s2 =	sadd.s32 s24, s2  }
0x18: {  	s29 =	sand.u32 $0x4000, s28;
	s3 =	sadd.s32 $0xFFFFFFFA, s2;
	s1 =	sshrl.u32 s23, $0x1  }
0x19: {  	s2 =	ssub.s32 $0x7, s2;
	p0 =	sgt.s32 s3, $0x0;
	s1 =	smul.u32 $0x3E8, s1  }
0x1a: {  	s3 =	sadd.s32 s5, s26;
	s5 =	smov.u32 s7;
	s2 =	simm.s32 @p0 $0x0  }
0x1b: {  	s2 =	smul.u32 s2, s25;
	s0 =	ssub.s32 s0, s1;
	s1 =	sadd.s32 s27, s3  }
0x1c: {  	s7 =	rddreg [dreg:$0x3];
	s0 =	sshll.u32 s0, $0x5;
	s1 =	sadd.s32 s4, s1  }
0x1d: {  	s2 =	sand.u32 $0x3FFFFF80, s2;
	s3 =	sor.u32 $0x8000, s29;
	s0 =	sadd.s32 s0, s1  }
0x1e: {  	[hbm4b:s0+s30] =	stream.strided.scatter [tilespmem:s3], [sflag:$0x2], s2, s31, s30, $0x38;
	[tilespmem:$0x10000] =	vst v63  }
.LBB1_12:
0x1f: {  	p0 =	slt.u32 s19, $0x2  }
0x20: {  	p1 =	sgt.s32 @!p0 s22, $0x6  }
0x21: {  	s0 =	smov.u32 s22;
	s1 =	sshra.s32 @!p0 s22, $0x1F;
	p1 =	por !p1, p0  }
0x22: {  	s1 =	sand.u32 @!p0 s1, s22;
	s0 =	simm.s32 @p1 $0x6  }
0x23: {  	s0 =	ssub.s32 @!p0 s0, s1  }
0x24: {  	s3 =	smov.u32 s20;
	s1 =	sadd.s32 @!p0 $0xFFFFFFFA, s0  }
0x25: {  	s4 =	smov.u32 s17;
	p2 =	sgt.s32 @!p0 s21, $0x368;
	p1 =	sgt.s32 @!p0 s1, $0x0  }
0x26: {  	s2 =	sshra.s32 @!p0 s21, $0x1F;
	s0 =	ssub.s32 @!p0 $0x7, s0;
	p1 =	por !p1, p0  }
0x27: {  	s1 =	smov.u32 s21;
	s0 =	simm.s32 @!p1 $0x0;
	p1 =	por !p2, p0  }
0x28: {  	s2 =	sand.u32 @!p0 s2, s21;
	p2 =	sgt.s32 @!p0 s20, $0x6;
	s1 =	simm.s32 @p1 $0x368  }
0x29: {  	p1 =	por !p2, p0;
	s1 =	ssub.s32 @!p0 s1, s2;
	s2 =	sshra.s32 @!p0 s20, $0x1F  }
0x2a: {  	s3 =	simm.s32 @p1 $0x6;
	s2 =	sand.u32 @!p0 s2, s20;
	s1 =	sadd.s32 @!p0 $0xFFFFFC98, s1  }
0x2b: {  	s2 =	ssub.s32 @!p0 s3, s2;
	p1 =	sgt.s32 @!p0 s1, $0x7F;
	s1 =	sshll.u32 @!p0 s1, $0x7  }
0x2c: {  	s3 =	sadd.s32 @!p0 $0xFFFFFFFA, s2;
	s1 =	ssub.s32 @!p0 $0x4000, s1;
	p1 =	por !p1, p0  }
0x2d: {  	s2 =	ssub.s32 @!p0 $0x7, s2;
	p2 =	sgt.s32 @!p0 s3, $0x0;
	s1 =	simm.s32 @!p1 $0x0  }
0x2e: {  	p1 =	por !p2, p0;
	s0 =	smul.u32 @!p0 s0, s1;
	s1 =	sadd.s32 $0x1, s16  }
0x2f: {  	s3 =	sadd.s32 $0x2, s17;
	s2 =	simm.s32 @!p1 $0x0;
	p1 =	sgt.s32 s1, $0x6  }
0x30: {  	s12 =	sadd.s32 $0x4000, s12;
	s0 =	smul.u32 @!p0 s2, s0;
	s4 =	smov.u32 @p1 s3  }
0x31: {  	s2 =	sadd.s32 $0x400, s18;
	s3 =	smov.u32 s18;
	p2 =	sgt.s32 s4, $0x6  }
0x32: {  	s23 =	smov.u32 s5;
	s22 =	smov.u32 s14;
	s3 =	smov.u32 @p2 s2  }
0x33: {  	s14 =	smov.u32 s17;
	s1 =	simm.s32 @p1 $0x0;
	p1 =	sgt.s32 s3, $0x3E7  }
0x34: {  	s21 =	smov.u32 s15;
	s3 =	smov.u32 @p1 s8;
	p1 =	sne.s32 s19, s10  }
.Ltmp1:
0x35: {  	s15 =	smov.u32 s18;
	s20 =	smov.u32 s13;
	(pc) =	sbr.rel @!p1 .LBB1_13-.Ltmp1, $4  }
0x36: {  	s13 =	smov.u32 s16;
	s0 =	sand.u32 @!p0 $0x3FFFFF80, s0;
	s2 =	simm.s32 @!p0 $0x2  }
0x37: {  	s16 =	smov.u32 s1;
	s4 =	smov.u32 @p2 s7;
	_ =	swait.ge @!p0 [sflag:s2], s0  }
0x38: {  	s0 =	ssub.s32 @!p0 $0x0, s0;
	s17 =	smov.u32 s4;
	[sflag:s2] =	ssyncset.done @!p0 $0x0  }
0x39: {  	s19 =	sadd.s32 $0x1, s19;
	[sflag:s2] =	ssyncadd.s32 @!p0 s0;
	s18 =	smov.u32 s3  }
.LBB1_1:
0x3a: {  	p0 =	sge.u32 s19, s6;
	s0 =	smov.u32 s18;
	s3 =	smov.u32 s17  }
0x3b: {  	s31 =	sadd.s32 $0xFFFFFFFF, s19;
	p1 =	sgt.s32 @!p0 s18, $0x368;
	s1 =	sxor.u32 @!p0 $0xFFFFFFFF, s19  }
0x3c: {  	s2 =	sshra.s32 @!p0 s18, $0x1F;
	s4 =	sshra.s32 @!p0 s17, $0x1F;
	p1 =	por !p1, p0  }
0x3d: {  	s2 =	sand.u32 @!p0 s2, s18;
	s0 =	simm.s32 @p1 $0x368;
	p1 =	sgt.s32 @!p0 s17, $0x6  }
0x3e: {  	s4 =	sand.u32 @!p0 s4, s17;
	p1 =	por !p1, p0;
	s0 =	ssub.s32 @!p0 s0, s2  }
0x3f: {  	s3 =	simm.s32 @p1 $0x6;
	p1 =	sgt.s32 @!p0 s16, $0x7;
	s0 =	sadd.s32 @!p0 $0xFFFFFC98, s0  }
0x40: {  	s2 =	ssub.s32 @!p0 s3, s4;
	p1 =	por !p1, p0;
	s4 =	smov.u32 s16  }
0x41: {  	s3 =	sadd.s32 @!p0 $0xFFFFFFFA, s2;
	s4 =	simm.s32 @p1 $0x7;
	p1 =	sgt.s32 @!p0 s0, $0x7F  }
0x42: {  	s0 =	sshll.u32 @!p0 s0, $0x7;
	p2 =	sgt.s32 @!p0 s3, $0x0;
	s3 =	sshra.s32 @!p0 s16, $0x1F  }
0x43: {  	s2 =	ssub.s32 @!p0 $0x7, s2;
	s0 =	ssub.s32 @!p0 $0x4000, s0;
	s3 =	sand.u32 @!p0 s3, s16  }
0x44: {  	p1 =	por !p1, p0;
	p2 =	por !p2, p0;
	s3 =	ssub.s32 @!p0 s4, s3  }
0x45: {  	s0 =	simm.s32 @!p1 $0x0;
	s2 =	simm.s32 @!p2 $0x0;
	s4 =	sadd.s32 @!p0 $0xFFFFFFF9, s3  }
0x46: {  	s1 =	sshll.u32 @!p0 s1, $0xE;
	s0 =	smul.u32 @!p0 s2, s0;
	p2 =	sgt.s32 @!p0 s4, $0x0  }
0x47: {  	s3 =	ssub.s32 @!p0 $0x8, s3;
	s2 =	smul.u32 @!p0 $0x700, s18;
	p1 =	por !p2, p0  }
0x48: {  	s1 =	sand.u32 @!p0 $0x4000, s1;
	s4 =	sshll.u32 @!p0 s16, $0x4;
	s3 =	simm.s32 @!p1 $0x0  }
0x49: {  	s2 =	sadd.s32 @!p0 s2, s9;
	s0 =	smul.u32 @!p0 s3, s0;
	s3 =	sshll.u32 @!p0 s17, $0x8  }
0x4a: {  	s4 =	sand.u32 @!p0 $0x70, s4;
	s2 =	sadd.s32 @!p0 s3, s2;
	s3 =	simm.s32 @!p0 $0x80  }
0x4b: {  	s0 =	sand.u32 @!p0 $0x3FFFFF80, s0;
	s2 =	sadd.s32 @!p0 s4, s2;
	s4 =	simm.s32 @!p0 $0x3800  }
0x4c: {  	[tilespmem:s1], [sflag:$0x1] =	stream.strided.gather @!p0 [hbm4b:s2+s3], s0, s4, s3, $0x38;
	[tilespmem:$0x10000] =	vst v63  }
0x4d: {  	p0 =	sge.u32 s31, s6  }
.Ltmp2:
0x4e: {  	_ = 	snop;
	(pc) =	sbr.rel @p0 .LBB1_12-.Ltmp2, $1  }
0x4f: {  	_ =	sdelay $0x3  }
0x50: {  	p0 =	sgt.s32 s15, $0x368  }
0x51: {  	s0 =	smov.u32 s15;
	s1 =	sshra.s32 s15, $0x1F;
	s2 =	sshra.s32 s14, $0x1F  }
0x52: {  	s24 =	ssub.s32 $0x0, s13;
	s25 =	sshra.s32 s13, $0x1F;
	p1 =	sgt.s32 s13, $0x7  }
0x53: {  	s4 =	smov.u32 s13;
	s0 =	simm.s32 @!p0 $0x368;
	s1 =	sand.u32 s1, s15  }
0x54: {  	p0 =	sgt.s32 s14, $0x6;
	s0 =	ssub.s32 s0, s1;
	s1 =	smov.u32 s14  }
0x55: {  	s2 =	sand.u32 s2, s14;
	s24 =	sand.u32 s24, s25;
	s1 =	simm.s32 @!p0 $0x6  }
0x56: {  	s4 =	simm.s32 @!p1 $0x7;
	s3 =	sadd.s32 $0xFFFFFC98, s0;
	s1 =	ssub.s32 s1, s2  }
0x57: {  	s0 =	ssub.s32 $0x3E8, s0;
	p0 =	sgt.s32 s3, $0x7F;
	s26 =	sadd.s32 $0xFFFFFFFA, s1  }
0x58: {  	s2 =	sadd.s32 s24, s4;
	s1 =	ssub.s32 $0x7, s1;
	p1 =	sgt.s32 s26, $0x0  }
0x59: {  	s0 =	simm.s32 @p0 $0x0;
	s29 =	sadd.s32 $0xFFFFFFF9, s2;
	s1 =	simm.s32 @p1 $0x0  }
0x5a: {  	p0 =	sgt.s32 s29, $0x0;
	s0 =	smul.u32 s0, s1;
	s1 =	ssub.s32 $0x8, s2  }
0x5b: {  	s2 =	sadd.s32 $0x80, s15;
	s1 =	simm.s32 @p0 $0x0  }
0x5c: {  	p0 =	slt.s32 s2, $0x3E8;
	s25 =	sshll.u32 s0, $0x7;
	s0 =	sadd.s32 $0x1, s14  }
0x5d: {  	s2 =	simm.s32 @!p0 $0x3E8;
	p0 =	slt.s32 s0, $0x7  }
0x5e: {  	s26 =	ssub.s32 s2, s15;
	s2 =	sadd.s32 $0x1, s13;
	s0 =	simm.s32 @!p0 $0x7  }
0x5f: {  	p0 =	slt.s32 s2, $0x7;
	p1 =	slt.s32 s26, $0x1;
	s27 =	ssub.s32 s0, s14  }
0x60: {  	s2 =	simm.s32 @!p0 $0x7;
	p0 =	slt.s32 @!p1 s27, $0x1  }
0x61: {  	s28 =	ssub.s32 s2, s13;
	p0 =	por p1, p0  }
0x62: {  	p1 =	slt.s32 @!p0 s28, $0x1  }
0x63: {  	s1 =	smul.u32 s1, s25;
	p0 =	por p0, p1  }
.Ltmp3:
0x64: {  	_ = 	snop;
	(pc) =	sbr.rel @p0 .LBB1_11-.Ltmp3, $4  }
0x65: {  	s31 =	simm.s32 $0x1;
	s30 =	sand.u32 $0x3FFFFF80, s1  }
0x66: {  	_ =	swait.ge [sflag:s31], s30  }
0x67: {  	s0 =	ssub.s32 $0x0, s30;
	[sflag:s31] =	ssyncset.done $0x0  }
0x68: {  	s7 =	smov.u32 s5;
	[sflag:s31] =	ssyncadd.s32 s0  }
0x69: {  	s0 =	sshll.u32 s12, $0x2  }
0x6a: {  	s0 =	sand.u32 $0x10000, s0  }
0x6b: {  	s2 =	sshrl.u32 s0, $0x2;
	s0 =	sshrl.u32 s0, $0x2  }
0x6c: {  	s31 =	simm.s32 $0x0;
	s30 =	sor.u32 $0x8000, s0;
	s0 =	simm.s32 $0x0  }
.LBB1_4:
0x6d: {  	s1 =	sand.u32 $0x3F80, s31  }
0x6e: {  	s29 =	smov.u32 s2;
	s10 =	simm.s32 $0x0;
	s4 =	sadd.s32 s1, s30  }
.LBB1_5:
0x6f: {  	s11 =	simm.s32 $0x0;
	s5 =	smov.u32 s4;
	s8 =	simm.s32 $0x0  }
.LBB1_6:
0x70: {  	s1 =	sand.u32 $0x380, s11  }
0x71: {  	s3 =	simm.s32 $0xFFFFFFF0;
	s9 =	sadd.s32 s1, s29;
	s1 =	smov.u32 s5  }
.LBB1_7:
0x72: {  	s3 =	sadd.s32 $0x10, s3  }
0x73: {  	v0 =	vld [tilespmem:s9+$0x0];
	p0 =	slt.u32 s3, $0x70  }
.Ltmp4:
0x74: {  	_ = 	snop;
	(pc) =	sbr.rel @p0 .LBB1_7-.Ltmp4, $2  }
0x75: {  	_ =	sdelay $0x2  }
0x76: {  	s9 =	sadd.s32 $0x10, s9;
	[tilespmem:s1+$0x0] =	vst v0;
	s1 =	sadd.s32 $0x10, s1  }
0x77: {  	s8 =	sadd.s32 $0x1, s8  }
0x78: {  	p0 =	sne.s32 s8, s28  }
.Ltmp5:
0x79: {  	_ = 	snop;
	(pc) =	sbr.rel @p0 .LBB1_6-.Ltmp5, $2  }
0x7a: {  	_ =	sdelay $0x2  }
0x7b: {  	s5 =	sadd.s32 $0x4000, s5;
	s11 =	sadd.s32 $0x80, s11  }
0x7c: {  	s10 =	sadd.s32 $0x1, s10  }
0x7d: {  	p0 =	sne.s32 s10, s27  }
.Ltmp6:
0x7e: {  	_ = 	snop;
	(pc) =	sbr.rel @p0 .LBB1_5-.Ltmp6, $2  }
0x7f: {  	_ =	sdelay $0x2  }
0x80: {  	s4 =	sadd.s32 $0x4000, s4;
	s29 =	sadd.s32 $0x80, s29  }
0x81: {  	s0 =	sadd.s32 $0x1, s0  }
0x82: {  	p0 =	sne.s32 s0, s26  }
.Ltmp7:
0x83: {  	_ = 	snop;
	(pc) =	sbr.rel @p0 .LBB1_4-.Ltmp7, $4  }
.Ltmp8:
0x84: {  	_ = 	snop;
	(pc) =	sbr.rel @!p0 .LBB1_11-.Ltmp8, $4  }
0x85: {  	_ = 	snop  }
0x86: {  	_ = 	snop  }
0x87: {  	s31 =	sadd.s32 $0x80, s31;
	s2 =	sadd.s32 $0x80, s2  }
0x88: {  	_ = 	snop  }
.LBB1_13:
0x89: {  	_ =	sfence.sel $0x180000  }
0x8a: {  	s0 =	simm.s32 $0x1;
	[bflag:$0x0] =	sbarrier.arrive $0xFFFF  }
0x8b: {  	s30 =	simm.s32 $0x2;
	[sflag:s0] =	ssyncpa.u1 $0x1  }
0x8c: {  	[sflag:s30] =	ssyncpa.u1 $0x1  }
0x8d: {  	_ =	strace $0x9000004D  }
0x8e: {  	s31 =	stileid.u32;
	[bflag:$0x2] =	sbarrier.arrive $0xFFFF  }
0x8f: {  	p0 =	sne.s32 s31, $0x0;
	s0 =	rddreg [dreg:$0x2]  }
0x90: {  	s0 =	sadd.s32 @!p0 $0x100000, s0  }
0x91: {  	[sflag:s0] =	ssyncadd.tile.s32 @!p0 $0x1;
	_ =	shalt  }
.Lfunc_end1:
_tile_overlayer_lowered:
.L_overlay_start_2:
0x92: {  	(tag) =	ssettag $0x2  }
0x93: {  	s0 =	rddreg [dreg:$0x0];
	s2 =	stileid.u32  }
0x94: {  	s1 =	rddreg [dreg:$0x1];
	p0 =	sne.s32 s2, $0x0  }
0x95: {  	s3 =	rddreg [dreg:$0x2];
	[bflag:$0x3] =	sbarrier.arrive $0xFFFF;
	s2 =	simm.s32 @!p0 $0x1C01  }
0x96: {  	[timem:s3], [sflag:s2] =	dma.local @!p0 [hbm:s0], s1  }
0x97: {  	s0 =	simm.s32 @!p0 $0x1  }
0x98: {  	_ =	swait.ge @!p0 [sflag:s0], s1  }
0x99: {  	s1 =	ssub.s32 @!p0 $0x0, s1;
	[sflag:s0] =	ssyncset.done @!p0 $0x0  }
0x9a: {  	[sflag:s0] =	ssyncadd.s32 @!p0 s1  }
0x9b: {  	[bflag:$0x3] =	sbarrier.arrive $0xFFFF  }
0x9c: {  	_ =	shalt  }

</sc_bundles>
